<compile_context>
chip_gen: v7x
topology: tpu7x:2x2x1
jax: 0.10.2.dev20260603
libtpu: 0.0.44.dev20260713+nightly
codegen_flags: <defaults>
</compile_context>

<pallas_src>
import functools

import jax
import jax.numpy as jnp
from jax import lax
from jax.experimental import pallas as pl
from jax.experimental.pallas import tpu as pltpu
from jax.experimental.pallas import tpu_sc as plsc

K = 32
B = 4
M = 2048
N = 8192
C_XYZ = 6
C_FEAT = 64
BM = 256

NW = 32
RPW = (B * M) // NW
ROWS_W = RPW * K
FCHUNK = 1024
NV = N // 16
NBLK = 32
CAP = 2048
REGN = 8
INF = float("inf")


def _dist_body(low_ref, high_ref, dist_ref):
    low = low_ref[0]
    high = high_ref[0]
    dx = low[:, 0:1] - high[:, 0][None, :]
    dy = low[:, 1:2] - high[:, 1][None, :]
    dz = low[:, 2:3] - high[:, 2][None, :]
    dist_ref[0] = jnp.sqrt((dx * dx + dy * dy) + dz * dz)


def _dist_map(new_xyz, xyz):
    return pl.pallas_call(
        _dist_body,
        grid=(B, M // BM),
        in_specs=[
            pl.BlockSpec((1, BM, C_XYZ), lambda b, m: (b, m, 0)),
            pl.BlockSpec((1, N, C_XYZ), lambda b, m: (b, 0, 0)),
        ],
        out_specs=pl.BlockSpec((1, BM, N), lambda b, m: (b, m, 0)),
        out_shape=jax.ShapeDtypeStruct((B, M, N), jnp.float32),
    )(new_xyz, xyz)


def _make_select():
    mesh = plsc.VectorSubcoreMesh(core_axis_name="c", subcore_axis_name="s")

    @functools.partial(
        pl.kernel,
        mesh=mesh,
        compiler_params=pltpu.CompilerParams(needs_layout_passes=False),
        out_type=[
            jax.ShapeDtypeStruct((B * M * K,), jnp.float32),
            jax.ShapeDtypeStruct((B * M * K,), jnp.int32),
            jax.ShapeDtypeStruct((B * M * K,), jnp.int32),
        ],
        scratch_types=[
            pltpu.VMEM((N,), jnp.float32),
            pltpu.VMEM((N,), jnp.float32),
            pltpu.VMEM((NBLK * 16,), jnp.float32),
            pltpu.VMEM((NBLK * 16 + 16,), jnp.int32),
            pltpu.VMEM((CAP + 16,), jnp.float32),
            pltpu.VMEM((CAP + 16,), jnp.int32),
            pltpu.VMEM((RPW * K,), jnp.float32),
            pltpu.VMEM((RPW * K,), jnp.int32),
            pltpu.VMEM((RPW * K,), jnp.int32),
            pltpu.SemaphoreType.DMA,
            pltpu.SemaphoreType.DMA,
        ],
    )
    def select(dist_hbm, vals_hbm, idx_hbm, idxabs_hbm,
               row0_v, row1_v, minb_v, pair_v, cval_v, cidx_v,
               ov_v, oi_v, oa_v, sem0, sem1):
        wid = lax.axis_index("s") * 2 + lax.axis_index("c")
        base = wid * RPW
        lane = lax.broadcasted_iota(jnp.int32, (16,), 0)
        lane16 = lane * 16
        rows = (row0_v, row1_v)
        sems = (sem0, sem1)

        pltpu.async_copy(dist_hbm.at[pl.ds(base * N, N)], row0_v, sem0)

        inf_spl = jnp.full((16,), INF)
        n_spl = jnp.full((16,), N, jnp.int32)

        def process(r, row_v):
            def blockstep(j, carry):
                mn, m2 = carry
                acc = row_v[pl.ds(j * 256, 16)]
                for t in range(1, 16):
                    acc = jnp.minimum(acc, row_v[pl.ds(j * 256 + t * 16, 16)])
                minb_v[pl.ds(j * 16, 16)] = acc
                m2 = jnp.minimum(m2, jnp.maximum(mn, acc))
                mn = jnp.minimum(mn, acc)
                return mn, m2

            _, m2 = lax.fori_loop(0, NBLK, blockstep, (inf_spl, inf_spl))
            u = jnp.max(m2)
            u_spl = jnp.full((16,), u, jnp.float32)

            for j in range(REGN):
                cval_v[pl.ds(j * 16, 16)] = inf_spl

            def pstep(j, pb):
                mj = minb_v[pl.ds(j * 16, 16)]
                msk = mj <= u_spl
                mi = msk.astype(jnp.int32)
                excl = plsc.cumsum(mi) - mi
                plsc.store_scatter(pair_v, [pb + excl], j * 256 + lane,
                                   mask=msk)
                return pb + plsc.all_reduce_population_count(msk)

            pb = lax.fori_loop(0, NBLK, pstep, jnp.zeros((16,), jnp.int32))
            npairs = jnp.max(pb)

            def cstep(i, basev):
                bb = plsc.load_gather(pair_v, [jnp.full((16,), i, jnp.int32)])
                idxv = bb + lane16
                v = plsc.load_gather(row_v, [idxv])
                msk = v <= u_spl
                mi = msk.astype(jnp.int32)
                excl = plsc.cumsum(mi) - mi
                dest = jnp.minimum(basev + excl, CAP)
                plsc.store_scatter(cval_v, [dest], v, mask=msk)
                plsc.store_scatter(cidx_v, [dest], idxv, mask=msk)
                return basev + plsc.all_reduce_population_count(msk)

            basev = lax.fori_loop(0, npairs, cstep,
                                  jnp.zeros((16,), jnp.int32))
            off = jnp.minimum(jnp.max(basev), CAP)
            cval_v[pl.ds(off, 16)] = inf_spl
            nv = (off + 15) // 16

            boff = ((base + r) // M) * N
            z_f = jnp.zeros((16,), jnp.float32)
            z_i = jnp.zeros((16,), jnp.int32)

            def fast_path(_):
                cv = [cval_v[pl.ds(j * 16, 16)] for j in range(REGN)]
                ci = [cidx_v[pl.ds(j * 16, 16)] for j in range(REGN)]

                def kstep(k, carry):
                    av0, av1, ai0, ai1 = tuple(carry[:4])
                    cvs = list(carry[4:4 + REGN])
                    cis = list(carry[4 + REGN:])
                    mv, miv = cvs[0], cis[0]
                    for j in range(1, REGN):
                        sel = (cvs[j] < mv) | ((cvs[j] == mv) & (cis[j] < miv))
                        mv = jnp.where(sel, cvs[j], mv)
                        miv = jnp.where(sel, cis[j], miv)
                    m = jnp.min(mv)
                    m_spl = jnp.full((16,), m, jnp.float32)
                    i = jnp.min(jnp.where(mv == m_spl, miv, n_spl))
                    i_spl = jnp.full((16,), i, jnp.int32)
                    for j in range(REGN):
                        cvs[j] = jnp.where(cis[j] == i_spl, INF, cvs[j])
                    sel_lo = lane == (k % 16)
                    hi = k // 16
                    av0 = jnp.where(sel_lo & (hi == 0), m, av0)
                    av1 = jnp.where(sel_lo & (hi == 1), m, av1)
                    ai0 = jnp.where(sel_lo & (hi == 0), i, ai0)
                    ai1 = jnp.where(sel_lo & (hi == 1), i, ai1)
                    return tuple([av0, av1, ai0, ai1] + cvs + cis)

                out = lax.fori_loop(0, K, kstep,
                                    tuple([z_f, z_f, z_i, z_i] + cv + ci))
                return tuple(out[:4])

            def slow_path(_):
                def kstep(k, carry):
                    av0, av1, ai0, ai1 = carry

                    def mstep(g, a):
                        mv, miv = a
                        v = cval_v[pl.ds(g * 16, 16)]
                        iv = cidx_v[pl.ds(g * 16, 16)]
                        sel = (v < mv) | ((v == mv) & (iv < miv))
                        return jnp.where(sel, v, mv), jnp.where(sel, iv, miv)

                    mv, miv = lax.fori_loop(0, nv, mstep, (inf_spl, n_spl))
                    m = jnp.min(mv)
                    m_spl = jnp.full((16,), m, jnp.float32)
                    i = jnp.min(jnp.where(mv == m_spl, miv, n_spl))
                    i_spl = jnp.full((16,), i, jnp.int32)

                    def wstep(g, a):
                        v = cval_v[pl.ds(g * 16, 16)]
                        iv = cidx_v[pl.ds(g * 16, 16)]
                        cval_v[pl.ds(g * 16, 16)] = jnp.where(iv == i_spl,
                                                              INF, v)
                        return a

                    lax.fori_loop(0, nv, wstep, 0)
                    sel_lo = lane == (k % 16)
                    hi = k // 16
                    av0 = jnp.where(sel_lo & (hi == 0), m, av0)
                    av1 = jnp.where(sel_lo & (hi == 1), m, av1)
                    ai0 = jnp.where(sel_lo & (hi == 0), i, ai0)
                    ai1 = jnp.where(sel_lo & (hi == 1), i, ai1)
                    return av0, av1, ai0, ai1

                return lax.fori_loop(0, K, kstep, (z_f, z_f, z_i, z_i))

            av0, av1, ai0, ai1 = lax.cond(off <= REGN * 16,
                                          fast_path, slow_path, 0)
            ov_v[pl.ds(r * K, 16)] = av0
            ov_v[pl.ds(r * K + 16, 16)] = av1
            oi_v[pl.ds(r * K, 16)] = ai0
            oi_v[pl.ds(r * K + 16, 16)] = ai1
            oa_v[pl.ds(r * K, 16)] = ai0 + boff
            oa_v[pl.ds(r * K + 16, 16)] = ai1 + boff

        def pair(g2, carry):
            for bsel in range(2):
                r = g2 * 2 + bsel
                pltpu.make_async_copy(
                    dist_hbm.at[pl.ds((base + r) * N, N)],
                    rows[bsel], sems[bsel]).wait()

                @pl.when(r + 1 < RPW)
                def _():
                    pltpu.async_copy(
                        dist_hbm.at[pl.ds((base + r + 1) * N, N)],
                        rows[1 - bsel], sems[1 - bsel])

                process(r, rows[bsel])
            return carry

        lax.fori_loop(0, RPW // 2, pair, 0)
        pltpu.sync_copy(ov_v, vals_hbm.at[pl.ds(base * K, RPW * K)])
        pltpu.sync_copy(oi_v, idx_hbm.at[pl.ds(base * K, RPW * K)])
        pltpu.sync_copy(oa_v, idxabs_hbm.at[pl.ds(base * K, RPW * K)])

    return select


def _make_xyz_gather():
    mesh = plsc.VectorSubcoreMesh(core_axis_name="c", subcore_axis_name="s")

    @functools.partial(
        pl.kernel,
        mesh=mesh,
        compiler_params=pltpu.CompilerParams(needs_layout_passes=False),
        out_type=jax.ShapeDtypeStruct((NW * ROWS_W * C_XYZ,), jnp.float32),
        scratch_types=[
            pltpu.VMEM((N * C_XYZ,), jnp.float32),
            pltpu.VMEM((ROWS_W,), jnp.int32),
            pltpu.VMEM((ROWS_W * C_XYZ,), jnp.float32),
        ],
    )
    def xyz_gather(xyz_hbm, idx_hbm, out_hbm, table_v, idx_v, rows_v):
        wid = lax.axis_index("s") * 2 + lax.axis_index("c")
        batch = wid // (NW // B)
        base = wid * ROWS_W
        pltpu.sync_copy(xyz_hbm.at[batch], table_v)
        pltpu.sync_copy(idx_hbm.at[pl.ds(base, ROWS_W)], idx_v)
        lane = lax.broadcasted_iota(jnp.int32, (16,), 0)

        def body(g, carry):
            iv = idx_v[pl.ds(g * 16, 16)] * C_XYZ
            dst16 = (g * 16 + lane) * C_XYZ
            for c in range(C_XYZ):
                vals = plsc.load_gather(table_v, [iv + c])
                plsc.store_scatter(rows_v, [dst16 + c], vals)
            return carry

        lax.fori_loop(0, ROWS_W // 16, body, 0)
        pltpu.sync_copy(rows_v, out_hbm.at[pl.ds(base * C_XYZ, ROWS_W * C_XYZ)])

    return xyz_gather


def _make_feat_gather():
    mesh = plsc.VectorSubcoreMesh(core_axis_name="c", subcore_axis_name="s")

    @functools.partial(
        pl.kernel,
        mesh=mesh,
        compiler_params=pltpu.CompilerParams(
            needs_layout_passes=False, use_tc_tiling_on_sc=False),
        out_type=jax.ShapeDtypeStruct((NW * ROWS_W, C_FEAT), jnp.float32),
        scratch_types=[
            pltpu.VMEM((FCHUNK,), jnp.int32),
            pltpu.VMEM((FCHUNK, C_FEAT), jnp.float32),
            pltpu.SemaphoreType.DMA,
        ],
    )
    def feat_gather(feat_hbm, idxabs_hbm, out_hbm, idx_v, rows_v, sem):
        wid = lax.axis_index("s") * 2 + lax.axis_index("c")
        base = wid * ROWS_W
        for ch in range(ROWS_W // FCHUNK):
            off = base + ch * FCHUNK
            pltpu.sync_copy(idxabs_hbm.at[pl.ds(off, FCHUNK)], idx_v)
            pltpu.async_copy(feat_hbm.at[idx_v], rows_v, sem).wait()
            pltpu.sync_copy(rows_v, out_hbm.at[pl.ds(off, FCHUNK)])

    return feat_gather


def kernel(xyz, new_xyz, features):
    dist = _dist_map(new_xyz, xyz)
    vals_f, idx_f, idxabs_f = _make_select()(dist.reshape(B * M * N))
    feat_flat = features.reshape(B * N, C_FEAT)

    neighbor_xyz = _make_xyz_gather()(xyz.reshape(B, N * C_XYZ), idx_f)
    neighbor_feature = _make_feat_gather()(feat_flat, idxabs_f)

    return (
        neighbor_xyz.reshape(B, M, K, C_XYZ),
        idx_f.reshape(B, M, K),
        neighbor_feature.reshape(B, M, K, C_FEAT),
        vals_f.reshape(B, M, K),
    )

# --- scband reference (transcript-rebuilt; emitter-appended) ---
"""Pipeline reference for scband-stanet-samodule-45964740001823 (READ-ONLY COPY).

The authoritative reference and input builder live on the scoring server;
editing this copy changes nothing except your own understanding.
"""

import jax, jax.numpy as jnp
import numpy as np

N_NEIGHBOR = 32


def setup_inputs(seed: int = 0) -> dict:
    key = jax.random.key(seed)
    k1, k2, k3 = jax.random.split(key, 3)
    xyz = jax.random.normal(k1, (4, 8192, 6), dtype=jnp.float32)
    new_xyz = jax.random.normal(k2, (4, 2048, 6), dtype=jnp.float32)
    features = jax.random.normal(k3, (4, 8192, 64), dtype=jnp.float32)
    return {"xyz": xyz, "new_xyz": new_xyz, "features": features}


def _index_points(points, idx):
    # points: [B, N, C]; idx: [B, M, k] -> [B, M, k, C]
    return jax.vmap(lambda pts, ix: pts[ix])(points, idx)


def reference(xyz, new_xyz, features):
    # NeighborGroup.forward with dist='l2' (core of STANetSAModule grouping)
    high_xyz = xyz[:, :, :3]
    low_xyz = new_xyz[:, :, :3]
    # dist_map: [B, M, N]
    dist_map = jnp.sqrt(jnp.sum((low_xyz[:, :, None, :] - high_xyz[:, None, :, :]) ** 2, axis=-1))
    order = jnp.argsort(dist_map, axis=-1)
    sorted_vals = jnp.take_along_axis(dist_map, order, axis=-1)
    similar_value = sorted_vals[..., :N_NEIGHBOR]
    similar_idxs = order[..., :N_NEIGHBOR]
    # N >= n_neighbor so no padding branch is taken
    neighbor_xyz = _index_points(xyz, similar_idxs)
    neighbor_feature = _index_points(features, similar_idxs)
    return neighbor_xyz, similar_idxs, neighbor_feature, similar_value

if __name__ == "__main__":
    import jax
    _d = setup_inputs()
    print(jax.jit(kernel)(*tuple(_d.values())))

</pallas_src>

<mosaic_0001>
#map = affine_map<(d0, d1) -> (0, 0)>
#map1 = affine_map<(d0, d1) -> (0)>
module attributes {stable_mosaic.version = 14 : i64} {
  func.func @feat_gather(%arg0: i32, %arg1: i32, %arg2: memref<32768x64xf32, #tpu.memory_space<hbm>>, %arg3: memref<262144xi32, #tpu.memory_space<hbm>>, %arg4: memref<262144x64xf32, #tpu.memory_space<hbm>>, %arg5: memref<1024xi32, #tpu.memory_space<vmem>>, %arg6: memref<1024x64xf32, #tpu.memory_space<vmem>>, %arg7: memref<!tpu.dma_semaphore, #tpu.memory_space<semaphore_mem>>) attributes {dimension_semantics = [#tpu.dimension_semantics<core_parallel>, #tpu.dimension_semantics<subcore_parallel>], iteration_bounds = array<i64: 2, 16>, scalar_prefetch = 0 : i64, scratch_operands = 3 : i64, tpu.core_type = #tpu.core_type<sc_vector_subcore>, window_params = [{transform_indices = #map}, {transform_indices = #map1}, {transform_indices = #map}]} {
    %mul3A = arith.constant 2 : i32
    %mul3A_0 = arith.muli %arg1, %mul3A : i32
    %add3A = arith.addi %mul3A_0, %arg0 : i32
    %mul3A_1 = arith.constant 8192 : i32
    %mul3A_2 = arith.muli %add3A, %mul3A_1 : i32
    %add3A_3 = arith.constant 0 : i32
    %add3A_4 = arith.addi %mul3A_2, %add3A_3 : i32
    "tpu.region"() ({
      %run_scoped3A = tpu.sem_alloc : memref<!tpu.dma_semaphore, #tpu.memory_space<semaphore_mem>>
      %dma_start3A_65 = tpu.memref_slice %arg3[%add3A_4] : memref<262144xi32, #tpu.memory_space<hbm>> -> memref<1024xi32, #tpu.memory_space<hbm>>
      %dma_start3A_66 = tpu.memref_slice %arg3[%add3A_4] : memref<262144xi32, #tpu.memory_space<hbm>> -> memref<1024xi32, #tpu.memory_space<hbm>>
      tpu.enqueue_dma source(%dma_start3A_66 : memref<1024xi32, #tpu.memory_space<hbm>>) target(%arg5 : memref<1024xi32, #tpu.memory_space<vmem>>) target_semaphore(%run_scoped3A : memref<!tpu.dma_semaphore, #tpu.memory_space<semaphore_mem>>)
      %dma_wait3A_67 = tpu.memref_slice %arg3[%add3A_4] : memref<262144xi32, #tpu.memory_space<hbm>> -> memref<1024xi32, #tpu.memory_space<hbm>>
      %dma_wait3A_68 = tpu.memref_slice %arg3[%add3A_4] : memref<262144xi32, #tpu.memory_space<hbm>> -> memref<1024xi32, #tpu.memory_space<hbm>>
      tpu.wait_dma2 semaphore(%run_scoped3A : memref<!tpu.dma_semaphore, #tpu.memory_space<semaphore_mem>>) src(%dma_wait3A_68 : memref<1024xi32, #tpu.memory_space<hbm>>) dst(%arg5 : memref<1024xi32, #tpu.memory_space<vmem>>)
      tpu.yield
    }) : () -> ()
    %dma_start3A = arith.constant 0 : i32
    %dma_start3A_5 = arith.constant 0 : i32
    %dma_start3A_6 = tpu.memref_slice %arg2[%dma_start3A, %dma_start3A_5] : memref<32768x64xf32, #tpu.memory_space<hbm>> -> memref<32768x64xf32, #tpu.memory_space<hbm>>
    tpu.enqueue_indirect_dma source(%dma_start3A_6 : memref<32768x64xf32, #tpu.memory_space<hbm>>) target(%arg6 : memref<1024x64xf32, #tpu.memory_space<vmem>>) offsets(%arg5 : memref<1024xi32, #tpu.memory_space<vmem>>) semaphore(%arg7 : memref<!tpu.dma_semaphore, #tpu.memory_space<semaphore_mem>>)
    %dma_wait3A = arith.constant 0 : i32
    %dma_wait3A_7 = arith.constant 0 : i32
    %dma_wait3A_8 = tpu.memref_slice %arg2[%dma_wait3A, %dma_wait3A_7] : memref<32768x64xf32, #tpu.memory_space<hbm>> -> memref<32768x64xf32, #tpu.memory_space<hbm>>
    tpu.wait_indirect_dma semaphore(%arg7 : memref<!tpu.dma_semaphore, #tpu.memory_space<semaphore_mem>>) src(%dma_wait3A_8 : memref<32768x64xf32, #tpu.memory_space<hbm>>) dst(%arg6 : memref<1024x64xf32, #tpu.memory_space<vmem>>)
    "tpu.region"() ({
      %run_scoped3A = tpu.sem_alloc : memref<!tpu.dma_semaphore, #tpu.memory_space<semaphore_mem>>
      %dma_start3A_65 = arith.constant 0 : i32
      %dma_start3A_66 = tpu.memref_slice %arg4[%add3A_4, %dma_start3A_65] : memref<262144x64xf32, #tpu.memory_space<hbm>> -> memref<1024x64xf32, #tpu.memory_space<hbm>>
      %dma_start3A_67 = arith.constant 0 : i32
      %dma_start3A_68 = tpu.memref_slice %arg4[%add3A_4, %dma_start3A_67] : memref<262144x64xf32, #tpu.memory_space<hbm>> -> memref<1024x64xf32, #tpu.memory_space<hbm>>
      tpu.enqueue_dma source(%arg6 : memref<1024x64xf32, #tpu.memory_space<vmem>>) target(%dma_start3A_68 : memref<1024x64xf32, #tpu.memory_space<hbm>>) target_semaphore(%run_scoped3A : memref<!tpu.dma_semaphore, #tpu.memory_space<semaphore_mem>>)
      %dma_wait3A_69 = arith.constant 0 : i32
      %dma_wait3A_70 = tpu.memref_slice %arg4[%add3A_4, %dma_wait3A_69] : memref<262144x64xf32, #tpu.memory_space<hbm>> -> memref<1024x64xf32, #tpu.memory_space<hbm>>
      %dma_wait3A_71 = arith.constant 0 : i32
      %dma_wait3A_72 = tpu.memref_slice %arg4[%add3A_4, %dma_wait3A_71] : memref<262144x64xf32, #tpu.memory_space<hbm>> -> memref<1024x64xf32, #tpu.memory_space<hbm>>
      tpu.wait_dma2 semaphore(%run_scoped3A : memref<!tpu.dma_semaphore, #tpu.memory_space<semaphore_mem>>) src(%arg6 : memref<1024x64xf32, #tpu.memory_space<vmem>>) dst(%dma_wait3A_72 : memref<1024x64xf32, #tpu.memory_space<hbm>>)
      tpu.yield
    }) : () -> ()
    %add3A_9 = arith.constant 1024 : i32
    %add3A_10 = arith.addi %mul3A_2, %add3A_9 : i32
    "tpu.region"() ({
      %run_scoped3A = tpu.sem_alloc : memref<!tpu.dma_semaphore, #tpu.memory_space<semaphore_mem>>
      %dma_start3A_65 = tpu.memref_slice %arg3[%add3A_10] : memref<262144xi32, #tpu.memory_space<hbm>> -> memref<1024xi32, #tpu.memory_space<hbm>>
      %dma_start3A_66 = tpu.memref_slice %arg3[%add3A_10] : memref<262144xi32, #tpu.memory_space<hbm>> -> memref<1024xi32, #tpu.memory_space<hbm>>
      tpu.enqueue_dma source(%dma_start3A_66 : memref<1024xi32, #tpu.memory_space<hbm>>) target(%arg5 : memref<1024xi32, #tpu.memory_space<vmem>>) target_semaphore(%run_scoped3A : memref<!tpu.dma_semaphore, #tpu.memory_space<semaphore_mem>>)
      %dma_wait3A_67 = tpu.memref_slice %arg3[%add3A_10] : memref<262144xi32, #tpu.memory_space<hbm>> -> memref<1024xi32, #tpu.memory_space<hbm>>
      %dma_wait3A_68 = tpu.memref_slice %arg3[%add3A_10] : memref<262144xi32, #tpu.memory_space<hbm>> -> memref<1024xi32, #tpu.memory_space<hbm>>
      tpu.wait_dma2 semaphore(%run_scoped3A : memref<!tpu.dma_semaphore, #tpu.memory_space<semaphore_mem>>) src(%dma_wait3A_68 : memref<1024xi32, #tpu.memory_space<hbm>>) dst(%arg5 : memref<1024xi32, #tpu.memory_space<vmem>>)
      tpu.yield
    }) : () -> ()
    %dma_start3A_11 = arith.constant 0 : i32
    %dma_start3A_12 = arith.constant 0 : i32
    %dma_start3A_13 = tpu.memref_slice %arg2[%dma_start3A_11, %dma_start3A_12] : memref<32768x64xf32, #tpu.memory_space<hbm>> -> memref<32768x64xf32, #tpu.memory_space<hbm>>
    tpu.enqueue_indirect_dma source(%dma_start3A_13 : memref<32768x64xf32, #tpu.memory_space<hbm>>) target(%arg6 : memref<1024x64xf32, #tpu.memory_space<vmem>>) offsets(%arg5 : memref<1024xi32, #tpu.memory_space<vmem>>) semaphore(%arg7 : memref<!tpu.dma_semaphore, #tpu.memory_space<semaphore_mem>>)
    %dma_wait3A_14 = arith.constant 0 : i32
    %dma_wait3A_15 = arith.constant 0 : i32
    %dma_wait3A_16 = tpu.memref_slice %arg2[%dma_wait3A_14, %dma_wait3A_15] : memref<32768x64xf32, #tpu.memory_space<hbm>> -> memref<32768x64xf32, #tpu.memory_space<hbm>>
    tpu.wait_indirect_dma semaphore(%arg7 : memref<!tpu.dma_semaphore, #tpu.memory_space<semaphore_mem>>) src(%dma_wait3A_16 : memref<32768x64xf32, #tpu.memory_space<hbm>>) dst(%arg6 : memref<1024x64xf32, #tpu.memory_space<vmem>>)
    "tpu.region"() ({
      %run_scoped3A = tpu.sem_alloc : memref<!tpu.dma_semaphore, #tpu.memory_space<semaphore_mem>>
      %dma_start3A_65 = arith.constant 0 : i32
      %dma_start3A_66 = tpu.memref_slice %arg4[%add3A_10, %dma_start3A_65] : memref<262144x64xf32, #tpu.memory_space<hbm>> -> memref<1024x64xf32, #tpu.memory_space<hbm>>
      %dma_start3A_67 = arith.constant 0 : i32
      %dma_start3A_68 = tpu.memref_slice %arg4[%add3A_10, %dma_start3A_67] : memref<262144x64xf32, #tpu.memory_space<hbm>> -> memref<1024x64xf32, #tpu.memory_space<hbm>>
      tpu.enqueue_dma source(%arg6 : memref<1024x64xf32, #tpu.memory_space<vmem>>) target(%dma_start3A_68 : memref<1024x64xf32, #tpu.memory_space<hbm>>) target_semaphore(%run_scoped3A : memref<!tpu.dma_semaphore, #tpu.memory_space<semaphore_mem>>)
      %dma_wait3A_69 = arith.constant 0 : i32
      %dma_wait3A_70 = tpu.memref_slice %arg4[%add3A_10, %dma_wait3A_69] : memref<262144x64xf32, #tpu.memory_space<hbm>> -> memref<1024x64xf32, #tpu.memory_space<hbm>>
      %dma_wait3A_71 = arith.constant 0 : i32
      %dma_wait3A_72 = tpu.memref_slice %arg4[%add3A_10, %dma_wait3A_71] : memref<262144x64xf32, #tpu.memory_space<hbm>> -> memref<1024x64xf32, #tpu.memory_space<hbm>>
      tpu.wait_dma2 semaphore(%run_scoped3A : memref<!tpu.dma_semaphore, #tpu.memory_space<semaphore_mem>>) src(%arg6 : memref<1024x64xf32, #tpu.memory_space<vmem>>) dst(%dma_wait3A_72 : memref<1024x64xf32, #tpu.memory_space<hbm>>)
      tpu.yield
    }) : () -> ()
    %add3A_17 = arith.constant 2048 : i32
    %add3A_18 = arith.addi %mul3A_2, %add3A_17 : i32
    "tpu.region"() ({
      %run_scoped3A = tpu.sem_alloc : memref<!tpu.dma_semaphore, #tpu.memory_space<semaphore_mem>>
      %dma_start3A_65 = tpu.memref_slice %arg3[%add3A_18] : memref<262144xi32, #tpu.memory_space<hbm>> -> memref<1024xi32, #tpu.memory_space<hbm>>
      %dma_start3A_66 = tpu.memref_slice %arg3[%add3A_18] : memref<262144xi32, #tpu.memory_space<hbm>> -> memref<1024xi32, #tpu.memory_space<hbm>>
      tpu.enqueue_dma source(%dma_start3A_66 : memref<1024xi32, #tpu.memory_space<hbm>>) target(%arg5 : memref<1024xi32, #tpu.memory_space<vmem>>) target_semaphore(%run_scoped3A : memref<!tpu.dma_semaphore, #tpu.memory_space<semaphore_mem>>)
      %dma_wait3A_67 = tpu.memref_slice %arg3[%add3A_18] : memref<262144xi32, #tpu.memory_space<hbm>> -> memref<1024xi32, #tpu.memory_space<hbm>>
      %dma_wait3A_68 = tpu.memref_slice %arg3[%add3A_18] : memref<262144xi32, #tpu.memory_space<hbm>> -> memref<1024xi32, #tpu.memory_space<hbm>>
      tpu.wait_dma2 semaphore(%run_scoped3A : memref<!tpu.dma_semaphore, #tpu.memory_space<semaphore_mem>>) src(%dma_wait3A_68 : memref<1024xi32, #tpu.memory_space<hbm>>) dst(%arg5 : memref<1024xi32, #tpu.memory_space<vmem>>)
      tpu.yield
    }) : () -> ()
    %dma_start3A_19 = arith.constant 0 : i32
    %dma_start3A_20 = arith.constant 0 : i32
    %dma_start3A_21 = tpu.memref_slice %arg2[%dma_start3A_19, %dma_start3A_20] : memref<32768x64xf32, #tpu.memory_space<hbm>> -> memref<32768x64xf32, #tpu.memory_space<hbm>>
    tpu.enqueue_indirect_dma source(%dma_start3A_21 : memref<32768x64xf32, #tpu.memory_space<hbm>>) target(%arg6 : memref<1024x64xf32, #tpu.memory_space<vmem>>) offsets(%arg5 : memref<1024xi32, #tpu.memory_space<vmem>>) semaphore(%arg7 : memref<!tpu.dma_semaphore, #tpu.memory_space<semaphore_mem>>)
    %dma_wait3A_22 = arith.constant 0 : i32
    %dma_wait3A_23 = arith.constant 0 : i32
    %dma_wait3A_24 = tpu.memref_slice %arg2[%dma_wait3A_22, %dma_wait3A_23] : memref<32768x64xf32, #tpu.memory_space<hbm>> -> memref<32768x64xf32, #tpu.memory_space<hbm>>
    tpu.wait_indirect_dma semaphore(%arg7 : memref<!tpu.dma_semaphore, #tpu.memory_space<semaphore_mem>>) src(%dma_wait3A_24 : memref<32768x64xf32, #tpu.memory_space<hbm>>) dst(%arg6 : memref<1024x64xf32, #tpu.memory_space<vmem>>)
    "tpu.region"() ({
      %run_scoped3A = tpu.sem_alloc : memref<!tpu.dma_semaphore, #tpu.memory_space<semaphore_mem>>
      %dma_start3A_65 = arith.constant 0 : i32
      %dma_start3A_66 = tpu.memref_slice %arg4[%add3A_18, %dma_start3A_65] : memref<262144x64xf32, #tpu.memory_space<hbm>> -> memref<1024x64xf32, #tpu.memory_space<hbm>>
      %dma_start3A_67 = arith.constant 0 : i32
      %dma_start3A_68 = tpu.memref_slice %arg4[%add3A_18, %dma_start3A_67] : memref<262144x64xf32, #tpu.memory_space<hbm>> -> memref<1024x64xf32, #tpu.memory_space<hbm>>
      tpu.enqueue_dma source(%arg6 : memref<1024x64xf32, #tpu.memory_space<vmem>>) target(%dma_start3A_68 : memref<1024x64xf32, #tpu.memory_space<hbm>>) target_semaphore(%run_scoped3A : memref<!tpu.dma_semaphore, #tpu.memory_space<semaphore_mem>>)
      %dma_wait3A_69 = arith.constant 0 : i32
      %dma_wait3A_70 = tpu.memref_slice %arg4[%add3A_18, %dma_wait3A_69] : memref<262144x64xf32, #tpu.memory_space<hbm>> -> memref<1024x64xf32, #tpu.memory_space<hbm>>
      %dma_wait3A_71 = arith.constant 0 : i32
      %dma_wait3A_72 = tpu.memref_slice %arg4[%add3A_18, %dma_wait3A_71] : memref<262144x64xf32, #tpu.memory_space<hbm>> -> memref<1024x64xf32, #tpu.memory_space<hbm>>
      tpu.wait_dma2 semaphore(%run_scoped3A : memref<!tpu.dma_semaphore, #tpu.memory_space<semaphore_mem>>) src(%arg6 : memref<1024x64xf32, #tpu.memory_space<vmem>>) dst(%dma_wait3A_72 : memref<1024x64xf32, #tpu.memory_space<hbm>>)
      tpu.yield
    }) : () -> ()
    %add3A_25 = arith.constant 3072 : i32
    %add3A_26 = arith.addi %mul3A_2, %add3A_25 : i32
    "tpu.region"() ({
      %run_scoped3A = tpu.sem_alloc : memref<!tpu.dma_semaphore, #tpu.memory_space<semaphore_mem>>
      %dma_start3A_65 = tpu.memref_slice %arg3[%add3A_26] : memref<262144xi32, #tpu.memory_space<hbm>> -> memref<1024xi32, #tpu.memory_space<hbm>>
      %dma_start3A_66 = tpu.memref_slice %arg3[%add3A_26] : memref<262144xi32, #tpu.memory_space<hbm>> -> memref<1024xi32, #tpu.memory_space<hbm>>
      tpu.enqueue_dma source(%dma_start3A_66 : memref<1024xi32, #tpu.memory_space<hbm>>) target(%arg5 : memref<1024xi32, #tpu.memory_space<vmem>>) target_semaphore(%run_scoped3A : memref<!tpu.dma_semaphore, #tpu.memory_space<semaphore_mem>>)
      %dma_wait3A_67 = tpu.memref_slice %arg3[%add3A_26] : memref<262144xi32, #tpu.memory_space<hbm>> -> memref<1024xi32, #tpu.memory_space<hbm>>
      %dma_wait3A_68 = tpu.memref_slice %arg3[%add3A_26] : memref<262144xi32, #tpu.memory_space<hbm>> -> memref<1024xi32, #tpu.memory_space<hbm>>
      tpu.wait_dma2 semaphore(%run_scoped3A : memref<!tpu.dma_semaphore, #tpu.memory_space<semaphore_mem>>) src(%dma_wait3A_68 : memref<1024xi32, #tpu.memory_space<hbm>>) dst(%arg5 : memref<1024xi32, #tpu.memory_space<vmem>>)
      tpu.yield
    }) : () -> ()
    %dma_start3A_27 = arith.constant 0 : i32
    %dma_start3A_28 = arith.constant 0 : i32
    %dma_start3A_29 = tpu.memref_slice %arg2[%dma_start3A_27, %dma_start3A_28] : memref<32768x64xf32, #tpu.memory_space<hbm>> -> memref<32768x64xf32, #tpu.memory_space<hbm>>
    tpu.enqueue_indirect_dma source(%dma_start3A_29 : memref<32768x64xf32, #tpu.memory_space<hbm>>) target(%arg6 : memref<1024x64xf32, #tpu.memory_space<vmem>>) offsets(%arg5 : memref<1024xi32, #tpu.memory_space<vmem>>) semaphore(%arg7 : memref<!tpu.dma_semaphore, #tpu.memory_space<semaphore_mem>>)
    %dma_wait3A_30 = arith.constant 0 : i32
    %dma_wait3A_31 = arith.constant 0 : i32
    %dma_wait3A_32 = tpu.memref_slice %arg2[%dma_wait3A_30, %dma_wait3A_31] : memref<32768x64xf32, #tpu.memory_space<hbm>> -> memref<32768x64xf32, #tpu.memory_space<hbm>>
    tpu.wait_indirect_dma semaphore(%arg7 : memref<!tpu.dma_semaphore, #tpu.memory_space<semaphore_mem>>) src(%dma_wait3A_32 : memref<32768x64xf32, #tpu.memory_space<hbm>>) dst(%arg6 : memref<1024x64xf32, #tpu.memory_space<vmem>>)
    "tpu.region"() ({
      %run_scoped3A = tpu.sem_alloc : memref<!tpu.dma_semaphore, #tpu.memory_space<semaphore_mem>>
      %dma_start3A_65 = arith.constant 0 : i32
      %dma_start3A_66 = tpu.memref_slice %arg4[%add3A_26, %dma_start3A_65] : memref<262144x64xf32, #tpu.memory_space<hbm>> -> memref<1024x64xf32, #tpu.memory_space<hbm>>
      %dma_start3A_67 = arith.constant 0 : i32
      %dma_start3A_68 = tpu.memref_slice %arg4[%add3A_26, %dma_start3A_67] : memref<262144x64xf32, #tpu.memory_space<hbm>> -> memref<1024x64xf32, #tpu.memory_space<hbm>>
      tpu.enqueue_dma source(%arg6 : memref<1024x64xf32, #tpu.memory_space<vmem>>) target(%dma_start3A_68 : memref<1024x64xf32, #tpu.memory_space<hbm>>) target_semaphore(%run_scoped3A : memref<!tpu.dma_semaphore, #tpu.memory_space<semaphore_mem>>)
      %dma_wait3A_69 = arith.constant 0 : i32
      %dma_wait3A_70 = tpu.memref_slice %arg4[%add3A_26, %dma_wait3A_69] : memref<262144x64xf32, #tpu.memory_space<hbm>> -> memref<1024x64xf32, #tpu.memory_space<hbm>>
      %dma_wait3A_71 = arith.constant 0 : i32
      %dma_wait3A_72 = tpu.memref_slice %arg4[%add3A_26, %dma_wait3A_71] : memref<262144x64xf32, #tpu.memory_space<hbm>> -> memref<1024x64xf32, #tpu.memory_space<hbm>>
      tpu.wait_dma2 semaphore(%run_scoped3A : memref<!tpu.dma_semaphore, #tpu.memory_space<semaphore_mem>>) src(%arg6 : memref<1024x64xf32, #tpu.memory_space<vmem>>) dst(%dma_wait3A_72 : memref<1024x64xf32, #tpu.memory_space<hbm>>)
      tpu.yield
    }) : () -> ()
    %add3A_33 = arith.constant 4096 : i32
    %add3A_34 = arith.addi %mul3A_2, %add3A_33 : i32
    "tpu.region"() ({
      %run_scoped3A = tpu.sem_alloc : memref<!tpu.dma_semaphore, #tpu.memory_space<semaphore_mem>>
      %dma_start3A_65 = tpu.memref_slice %arg3[%add3A_34] : memref<262144xi32, #tpu.memory_space<hbm>> -> memref<1024xi32, #tpu.memory_space<hbm>>
      %dma_start3A_66 = tpu.memref_slice %arg3[%add3A_34] : memref<262144xi32, #tpu.memory_space<hbm>> -> memref<1024xi32, #tpu.memory_space<hbm>>
      tpu.enqueue_dma source(%dma_start3A_66 : memref<1024xi32, #tpu.memory_space<hbm>>) target(%arg5 : memref<1024xi32, #tpu.memory_space<vmem>>) target_semaphore(%run_scoped3A : memref<!tpu.dma_semaphore, #tpu.memory_space<semaphore_mem>>)
      %dma_wait3A_67 = tpu.memref_slice %arg3[%add3A_34] : memref<262144xi32, #tpu.memory_space<hbm>> -> memref<1024xi32, #tpu.memory_space<hbm>>
      %dma_wait3A_68 = tpu.memref_slice %arg3[%add3A_34] : memref<262144xi32, #tpu.memory_space<hbm>> -> memref<1024xi32, #tpu.memory_space<hbm>>
      tpu.wait_dma2 semaphore(%run_scoped3A : memref<!tpu.dma_semaphore, #tpu.memory_space<semaphore_mem>>) src(%dma_wait3A_68 : memref<1024xi32, #tpu.memory_space<hbm>>) dst(%arg5 : memref<1024xi32, #tpu.memory_space<vmem>>)
      tpu.yield
    }) : () -> ()
    %dma_start3A_35 = arith.constant 0 : i32
    %dma_start3A_36 = arith.constant 0 : i32
    %dma_start3A_37 = tpu.memref_slice %arg2[%dma_start3A_35, %dma_start3A_36] : memref<32768x64xf32, #tpu.memory_space<hbm>> -> memref<32768x64xf32, #tpu.memory_space<hbm>>
    tpu.enqueue_indirect_dma source(%dma_start3A_37 : memref<32768x64xf32, #tpu.memory_space<hbm>>) target(%arg6 : memref<1024x64xf32, #tpu.memory_space<vmem>>) offsets(%arg5 : memref<1024xi32, #tpu.memory_space<vmem>>) semaphore(%arg7 : memref<!tpu.dma_semaphore, #tpu.memory_space<semaphore_mem>>)
    %dma_wait3A_38 = arith.constant 0 : i32
    %dma_wait3A_39 = arith.constant 0 : i32
    %dma_wait3A_40 = tpu.memref_slice %arg2[%dma_wait3A_38, %dma_wait3A_39] : memref<32768x64xf32, #tpu.memory_space<hbm>> -> memref<32768x64xf32, #tpu.memory_space<hbm>>
    tpu.wait_indirect_dma semaphore(%arg7 : memref<!tpu.dma_semaphore, #tpu.memory_space<semaphore_mem>>) src(%dma_wait3A_40 : memref<32768x64xf32, #tpu.memory_space<hbm>>) dst(%arg6 : memref<1024x64xf32, #tpu.memory_space<vmem>>)
    "tpu.region"() ({
      %run_scoped3A = tpu.sem_alloc : memref<!tpu.dma_semaphore, #tpu.memory_space<semaphore_mem>>
      %dma_start3A_65 = arith.constant 0 : i32
      %dma_start3A_66 = tpu.memref_slice %arg4[%add3A_34, %dma_start3A_65] : memref<262144x64xf32, #tpu.memory_space<hbm>> -> memref<1024x64xf32, #tpu.memory_space<hbm>>
      %dma_start3A_67 = arith.constant 0 : i32
      %dma_start3A_68 = tpu.memref_slice %arg4[%add3A_34, %dma_start3A_67] : memref<262144x64xf32, #tpu.memory_space<hbm>> -> memref<1024x64xf32, #tpu.memory_space<hbm>>
      tpu.enqueue_dma source(%arg6 : memref<1024x64xf32, #tpu.memory_space<vmem>>) target(%dma_start3A_68 : memref<1024x64xf32, #tpu.memory_space<hbm>>) target_semaphore(%run_scoped3A : memref<!tpu.dma_semaphore, #tpu.memory_space<semaphore_mem>>)
      %dma_wait3A_69 = arith.constant 0 : i32
      %dma_wait3A_70 = tpu.memref_slice %arg4[%add3A_34, %dma_wait3A_69] : memref<262144x64xf32, #tpu.memory_space<hbm>> -> memref<1024x64xf32, #tpu.memory_space<hbm>>
      %dma_wait3A_71 = arith.constant 0 : i32
      %dma_wait3A_72 = tpu.memref_slice %arg4[%add3A_34, %dma_wait3A_71] : memref<262144x64xf32, #tpu.memory_space<hbm>> -> memref<1024x64xf32, #tpu.memory_space<hbm>>
      tpu.wait_dma2 semaphore(%run_scoped3A : memref<!tpu.dma_semaphore, #tpu.memory_space<semaphore_mem>>) src(%arg6 : memref<1024x64xf32, #tpu.memory_space<vmem>>) dst(%dma_wait3A_72 : memref<1024x64xf32, #tpu.memory_space<hbm>>)
      tpu.yield
    }) : () -> ()
    %add3A_41 = arith.constant 5120 : i32
    %add3A_42 = arith.addi %mul3A_2, %add3A_41 : i32
    "tpu.region"() ({
      %run_scoped3A = tpu.sem_alloc : memref<!tpu.dma_semaphore, #tpu.memory_space<semaphore_mem>>
      %dma_start3A_65 = tpu.memref_slice %arg3[%add3A_42] : memref<262144xi32, #tpu.memory_space<hbm>> -> memref<1024xi32, #tpu.memory_space<hbm>>
      %dma_start3A_66 = tpu.memref_slice %arg3[%add3A_42] : memref<262144xi32, #tpu.memory_space<hbm>> -> memref<1024xi32, #tpu.memory_space<hbm>>
      tpu.enqueue_dma source(%dma_start3A_66 : memref<1024xi32, #tpu.memory_space<hbm>>) target(%arg5 : memref<1024xi32, #tpu.memory_space<vmem>>) target_semaphore(%run_scoped3A : memref<!tpu.dma_semaphore, #tpu.memory_space<semaphore_mem>>)
      %dma_wait3A_67 = tpu.memref_slice %arg3[%add3A_42] : memref<262144xi32, #tpu.memory_space<hbm>> -> memref<1024xi32, #tpu.memory_space<hbm>>
      %dma_wait3A_68 = tpu.memref_slice %arg3[%add3A_42] : memref<262144xi32, #tpu.memory_space<hbm>> -> memref<1024xi32, #tpu.memory_space<hbm>>
      tpu.wait_dma2 semaphore(%run_scoped3A : memref<!tpu.dma_semaphore, #tpu.memory_space<semaphore_mem>>) src(%dma_wait3A_68 : memref<1024xi32, #tpu.memory_space<hbm>>) dst(%arg5 : memref<1024xi32, #tpu.memory_space<vmem>>)
      tpu.yield
    }) : () -> ()
    %dma_start3A_43 = arith.constant 0 : i32
    %dma_start3A_44 = arith.constant 0 : i32
    %dma_start3A_45 = tpu.memref_slice %arg2[%dma_start3A_43, %dma_start3A_44] : memref<32768x64xf32, #tpu.memory_space<hbm>> -> memref<32768x64xf32, #tpu.memory_space<hbm>>
    tpu.enqueue_indirect_dma source(%dma_start3A_45 : memref<32768x64xf32, #tpu.memory_space<hbm>>) target(%arg6 : memref<1024x64xf32, #tpu.memory_space<vmem>>) offsets(%arg5 : memref<1024xi32, #tpu.memory_space<vmem>>) semaphore(%arg7 : memref<!tpu.dma_semaphore, #tpu.memory_space<semaphore_mem>>)
    %dma_wait3A_46 = arith.constant 0 : i32
    %dma_wait3A_47 = arith.constant 0 : i32
    %dma_wait3A_48 = tpu.memref_slice %arg2[%dma_wait3A_46, %dma_wait3A_47] : memref<32768x64xf32, #tpu.memory_space<hbm>> -> memref<32768x64xf32, #tpu.memory_space<hbm>>
    tpu.wait_indirect_dma semaphore(%arg7 : memref<!tpu.dma_semaphore, #tpu.memory_space<semaphore_mem>>) src(%dma_wait3A_48 : memref<32768x64xf32, #tpu.memory_space<hbm>>) dst(%arg6 : memref<1024x64xf32, #tpu.memory_space<vmem>>)
    "tpu.region"() ({
      %run_scoped3A = tpu.sem_alloc : memref<!tpu.dma_semaphore, #tpu.memory_space<semaphore_mem>>
      %dma_start3A_65 = arith.constant 0 : i32
      %dma_start3A_66 = tpu.memref_slice %arg4[%add3A_42, %dma_start3A_65] : memref<262144x64xf32, #tpu.memory_space<hbm>> -> memref<1024x64xf32, #tpu.memory_space<hbm>>
      %dma_start3A_67 = arith.constant 0 : i32
      %dma_start3A_68 = tpu.memref_slice %arg4[%add3A_42, %dma_start3A_67] : memref<262144x64xf32, #tpu.memory_space<hbm>> -> memref<1024x64xf32, #tpu.memory_space<hbm>>
      tpu.enqueue_dma source(%arg6 : memref<1024x64xf32, #tpu.memory_space<vmem>>) target(%dma_start3A_68 : memref<1024x64xf32, #tpu.memory_space<hbm>>) target_semaphore(%run_scoped3A : memref<!tpu.dma_semaphore, #tpu.memory_space<semaphore_mem>>)
      %dma_wait3A_69 = arith.constant 0 : i32
      %dma_wait3A_70 = tpu.memref_slice %arg4[%add3A_42, %dma_wait3A_69] : memref<262144x64xf32, #tpu.memory_space<hbm>> -> memref<1024x64xf32, #tpu.memory_space<hbm>>
      %dma_wait3A_71 = arith.constant 0 : i32
      %dma_wait3A_72 = tpu.memref_slice %arg4[%add3A_42, %dma_wait3A_71] : memref<262144x64xf32, #tpu.memory_space<hbm>> -> memref<1024x64xf32, #tpu.memory_space<hbm>>
      tpu.wait_dma2 semaphore(%run_scoped3A : memref<!tpu.dma_semaphore, #tpu.memory_space<semaphore_mem>>) src(%arg6 : memref<1024x64xf32, #tpu.memory_space<vmem>>) dst(%dma_wait3A_72 : memref<1024x64xf32, #tpu.memory_space<hbm>>)
      tpu.yield
    }) : () -> ()
    %add3A_49 = arith.constant 6144 : i32
    %add3A_50 = arith.addi %mul3A_2, %add3A_49 : i32
    "tpu.region"() ({
      %run_scoped3A = tpu.sem_alloc : memref<!tpu.dma_semaphore, #tpu.memory_space<semaphore_mem>>
      %dma_start3A_65 = tpu.memref_slice %arg3[%add3A_50] : memref<262144xi32, #tpu.memory_space<hbm>> -> memref<1024xi32, #tpu.memory_space<hbm>>
      %dma_start3A_66 = tpu.memref_slice %arg3[%add3A_50] : memref<262144xi32, #tpu.memory_space<hbm>> -> memref<1024xi32, #tpu.memory_space<hbm>>
      tpu.enqueue_dma source(%dma_start3A_66 : memref<1024xi32, #tpu.memory_space<hbm>>) target(%arg5 : memref<1024xi32, #tpu.memory_space<vmem>>) target_semaphore(%run_scoped3A : memref<!tpu.dma_semaphore, #tpu.memory_space<semaphore_mem>>)
      %dma_wait3A_67 = tpu.memref_slice %arg3[%add3A_50] : memref<262144xi32, #tpu.memory_space<hbm>> -> memref<1024xi32, #tpu.memory_space<hbm>>
      %dma_wait3A_68 = tpu.memref_slice %arg3[%add3A_50] : memref<262144xi32, #tpu.memory_space<hbm>> -> memref<1024xi32, #tpu.memory_space<hbm>>
      tpu.wait_dma2 semaphore(%run_scoped3A : memref<!tpu.dma_semaphore, #tpu.memory_space<semaphore_mem>>) src(%dma_wait3A_68 : memref<1024xi32, #tpu.memory_space<hbm>>) dst(%arg5 : memref<1024xi32, #tpu.memory_space<vmem>>)
      tpu.yield
    }) : () -> ()
    %dma_start3A_51 = arith.constant 0 : i32
    %dma_start3A_52 = arith.constant 0 : i32
    %dma_start3A_53 = tpu.memref_slice %arg2[%dma_start3A_51, %dma_start3A_52] : memref<32768x64xf32, #tpu.memory_space<hbm>> -> memref<32768x64xf32, #tpu.memory_space<hbm>>
    tpu.enqueue_indirect_dma source(%dma_start3A_53 : memref<32768x64xf32, #tpu.memory_space<hbm>>) target(%arg6 : memref<1024x64xf32, #tpu.memory_space<vmem>>) offsets(%arg5 : memref<1024xi32, #tpu.memory_space<vmem>>) semaphore(%arg7 : memref<!tpu.dma_semaphore, #tpu.memory_space<semaphore_mem>>)
    %dma_wait3A_54 = arith.constant 0 : i32
    %dma_wait3A_55 = arith.constant 0 : i32
    %dma_wait3A_56 = tpu.memref_slice %arg2[%dma_wait3A_54, %dma_wait3A_55] : memref<32768x64xf32, #tpu.memory_space<hbm>> -> memref<32768x64xf32, #tpu.memory_space<hbm>>
    tpu.wait_indirect_dma semaphore(%arg7 : memref<!tpu.dma_semaphore, #tpu.memory_space<semaphore_mem>>) src(%dma_wait3A_56 : memref<32768x64xf32, #tpu.memory_space<hbm>>) dst(%arg6 : memref<1024x64xf32, #tpu.memory_space<vmem>>)
    "tpu.region"() ({
      %run_scoped3A = tpu.sem_alloc : memref<!tpu.dma_semaphore, #tpu.memory_space<semaphore_mem>>
      %dma_start3A_65 = arith.constant 0 : i32
      %dma_start3A_66 = tpu.memref_slice %arg4[%add3A_50, %dma_start3A_65] : memref<262144x64xf32, #tpu.memory_space<hbm>> -> memref<1024x64xf32, #tpu.memory_space<hbm>>
      %dma_start3A_67 = arith.constant 0 : i32
      %dma_start3A_68 = tpu.memref_slice %arg4[%add3A_50, %dma_start3A_67] : memref<262144x64xf32, #tpu.memory_space<hbm>> -> memref<1024x64xf32, #tpu.memory_space<hbm>>
      tpu.enqueue_dma source(%arg6 : memref<1024x64xf32, #tpu.memory_space<vmem>>) target(%dma_start3A_68 : memref<1024x64xf32, #tpu.memory_space<hbm>>) target_semaphore(%run_scoped3A : memref<!tpu.dma_semaphore, #tpu.memory_space<semaphore_mem>>)
      %dma_wait3A_69 = arith.constant 0 : i32
      %dma_wait3A_70 = tpu.memref_slice %arg4[%add3A_50, %dma_wait3A_69] : memref<262144x64xf32, #tpu.memory_space<hbm>> -> memref<1024x64xf32, #tpu.memory_space<hbm>>
      %dma_wait3A_71 = arith.constant 0 : i32
      %dma_wait3A_72 = tpu.memref_slice %arg4[%add3A_50, %dma_wait3A_71] : memref<262144x64xf32, #tpu.memory_space<hbm>> -> memref<1024x64xf32, #tpu.memory_space<hbm>>
      tpu.wait_dma2 semaphore(%run_scoped3A : memref<!tpu.dma_semaphore, #tpu.memory_space<semaphore_mem>>) src(%arg6 : memref<1024x64xf32, #tpu.memory_space<vmem>>) dst(%dma_wait3A_72 : memref<1024x64xf32, #tpu.memory_space<hbm>>)
      tpu.yield
    }) : () -> ()
    %add3A_57 = arith.constant 7168 : i32
    %add3A_58 = arith.addi %mul3A_2, %add3A_57 : i32
    "tpu.region"() ({
      %run_scoped3A = tpu.sem_alloc : memref<!tpu.dma_semaphore, #tpu.memory_space<semaphore_mem>>
      %dma_start3A_65 = tpu.memref_slice %arg3[%add3A_58] : memref<262144xi32, #tpu.memory_space<hbm>> -> memref<1024xi32, #tpu.memory_space<hbm>>
      %dma_start3A_66 = tpu.memref_slice %arg3[%add3A_58] : memref<262144xi32, #tpu.memory_space<hbm>> -> memref<1024xi32, #tpu.memory_space<hbm>>
      tpu.enqueue_dma source(%dma_start3A_66 : memref<1024xi32, #tpu.memory_space<hbm>>) target(%arg5 : memref<1024xi32, #tpu.memory_space<vmem>>) target_semaphore(%run_scoped3A : memref<!tpu.dma_semaphore, #tpu.memory_space<semaphore_mem>>)
      %dma_wait3A_67 = tpu.memref_slice %arg3[%add3A_58] : memref<262144xi32, #tpu.memory_space<hbm>> -> memref<1024xi32, #tpu.memory_space<hbm>>
      %dma_wait3A_68 = tpu.memref_slice %arg3[%add3A_58] : memref<262144xi32, #tpu.memory_space<hbm>> -> memref<1024xi32, #tpu.memory_space<hbm>>
      tpu.wait_dma2 semaphore(%run_scoped3A : memref<!tpu.dma_semaphore, #tpu.memory_space<semaphore_mem>>) src(%dma_wait3A_68 : memref<1024xi32, #tpu.memory_space<hbm>>) dst(%arg5 : memref<1024xi32, #tpu.memory_space<vmem>>)
      tpu.yield
    }) : () -> ()
    %dma_start3A_59 = arith.constant 0 : i32
    %dma_start3A_60 = arith.constant 0 : i32
    %dma_start3A_61 = tpu.memref_slice %arg2[%dma_start3A_59, %dma_start3A_60] : memref<32768x64xf32, #tpu.memory_space<hbm>> -> memref<32768x64xf32, #tpu.memory_space<hbm>>
    tpu.enqueue_indirect_dma source(%dma_start3A_61 : memref<32768x64xf32, #tpu.memory_space<hbm>>) target(%arg6 : memref<1024x64xf32, #tpu.memory_space<vmem>>) offsets(%arg5 : memref<1024xi32, #tpu.memory_space<vmem>>) semaphore(%arg7 : memref<!tpu.dma_semaphore, #tpu.memory_space<semaphore_mem>>)
    %dma_wait3A_62 = arith.constant 0 : i32
    %dma_wait3A_63 = arith.constant 0 : i32
    %dma_wait3A_64 = tpu.memref_slice %arg2[%dma_wait3A_62, %dma_wait3A_63] : memref<32768x64xf32, #tpu.memory_space<hbm>> -> memref<32768x64xf32, #tpu.memory_space<hbm>>
    tpu.wait_indirect_dma semaphore(%arg7 : memref<!tpu.dma_semaphore, #tpu.memory_space<semaphore_mem>>) src(%dma_wait3A_64 : memref<32768x64xf32, #tpu.memory_space<hbm>>) dst(%arg6 : memref<1024x64xf32, #tpu.memory_space<vmem>>)
    "tpu.region"() ({
      %run_scoped3A = tpu.sem_alloc : memref<!tpu.dma_semaphore, #tpu.memory_space<semaphore_mem>>
      %dma_start3A_65 = arith.constant 0 : i32
      %dma_start3A_66 = tpu.memref_slice %arg4[%add3A_58, %dma_start3A_65] : memref<262144x64xf32, #tpu.memory_space<hbm>> -> memref<1024x64xf32, #tpu.memory_space<hbm>>
      %dma_start3A_67 = arith.constant 0 : i32
      %dma_start3A_68 = tpu.memref_slice %arg4[%add3A_58, %dma_start3A_67] : memref<262144x64xf32, #tpu.memory_space<hbm>> -> memref<1024x64xf32, #tpu.memory_space<hbm>>
      tpu.enqueue_dma source(%arg6 : memref<1024x64xf32, #tpu.memory_space<vmem>>) target(%dma_start3A_68 : memref<1024x64xf32, #tpu.memory_space<hbm>>) target_semaphore(%run_scoped3A : memref<!tpu.dma_semaphore, #tpu.memory_space<semaphore_mem>>)
      %dma_wait3A_69 = arith.constant 0 : i32
      %dma_wait3A_70 = tpu.memref_slice %arg4[%add3A_58, %dma_wait3A_69] : memref<262144x64xf32, #tpu.memory_space<hbm>> -> memref<1024x64xf32, #tpu.memory_space<hbm>>
      %dma_wait3A_71 = arith.constant 0 : i32
      %dma_wait3A_72 = tpu.memref_slice %arg4[%add3A_58, %dma_wait3A_71] : memref<262144x64xf32, #tpu.memory_space<hbm>> -> memref<1024x64xf32, #tpu.memory_space<hbm>>
      tpu.wait_dma2 semaphore(%run_scoped3A : memref<!tpu.dma_semaphore, #tpu.memory_space<semaphore_mem>>) src(%arg6 : memref<1024x64xf32, #tpu.memory_space<vmem>>) dst(%dma_wait3A_72 : memref<1024x64xf32, #tpu.memory_space<hbm>>)
      tpu.yield
    }) : () -> ()
    return
  }
}

#map = affine_map<(d0, d1) -> (0, 0)>
#map1 = affine_map<(d0, d1) -> (0)>
module attributes {stable_mosaic.version = 14 : i64} {
  func.func @xyz_gather(%arg0: i32, %arg1: i32, %arg2: memref<4x49152xf32, #tpu.memory_space<hbm>>, %arg3: memref<262144xi32, #tpu.memory_space<hbm>>, %arg4: memref<1572864xf32, #tpu.memory_space<hbm>>, %arg5: memref<49152xf32, #tpu.memory_space<vmem>>, %arg6: memref<8192xi32, #tpu.memory_space<vmem>>, %arg7: memref<49152xf32, #tpu.memory_space<vmem>>) attributes {dimension_semantics = [#tpu.dimension_semantics<core_parallel>, #tpu.dimension_semantics<subcore_parallel>], iteration_bounds = array<i64: 2, 16>, scalar_prefetch = 0 : i64, scratch_operands = 3 : i64, tpu.core_type = #tpu.core_type<sc_vector_subcore>, window_params = [{transform_indices = #map}, {transform_indices = #map1}, {transform_indices = #map1}]} {
    %mul3A = arith.constant 2 : i32
    %mul3A_0 = arith.muli %arg1, %mul3A : i32
    %add3A = arith.addi %mul3A_0, %arg0 : i32
    %jit3A = arith.constant 8 : i32
    %div3A = arith.divsi %add3A, %jit3A : i32
    %sign3A = arith.constant 0 : i32
    %sign3A_1 = arith.cmpi sgt, %add3A, %sign3A : i32
    %sign3A_2 = arith.extui %sign3A_1 : i1 to i32
    %sign3A_3 = arith.constant 0 : i32
    %sign3A_4 = arith.cmpi slt, %add3A, %sign3A_3 : i32
    %sign3A_5 = arith.extui %sign3A_4 : i1 to i32
    %sign3A_6 = arith.subi %sign3A_2, %sign3A_5 : i32
    %sign3A_7 = arith.constant 0 : i32
    %sign3A_8 = arith.cmpi sgt, %jit3A, %sign3A_7 : i32
    %sign3A_9 = arith.extui %sign3A_8 : i1 to i32
    %sign3A_10 = arith.constant 0 : i32
    %sign3A_11 = arith.cmpi slt, %jit3A, %sign3A_10 : i32
    %sign3A_12 = arith.extui %sign3A_11 : i1 to i32
    %sign3A_13 = arith.subi %sign3A_9, %sign3A_12 : i32
    %ne3A = arith.cmpi ne, %sign3A_6, %sign3A_13 : i32
    %rem3A = arith.remsi %add3A, %jit3A : i32
    %ne3A_14 = arith.constant 0 : i32
    %ne3A_15 = arith.cmpi ne, %rem3A, %ne3A_14 : i32
    %and3A = arith.andi %ne3A, %ne3A_15 : i1
    %sub3A = arith.constant 1 : i32
    %sub3A_16 = arith.subi %div3A, %sub3A : i32
    %select_n3A = arith.select %and3A, %sub3A_16, %div3A : i32
    %mul3A_17 = arith.constant 8192 : i32
    %mul3A_18 = arith.muli %add3A, %mul3A_17 : i32
    "tpu.region"() ({
      %run_scoped3A = tpu.sem_alloc : memref<!tpu.dma_semaphore, #tpu.memory_space<semaphore_mem>>
      %dma_start3A = arith.constant 0 : i32
      %dma_start3A_26 = tpu.memref_slice %arg2[%select_n3A, %dma_start3A] : memref<4x49152xf32, #tpu.memory_space<hbm>> -> memref<1x49152xf32, #tpu.memory_space<hbm>>
      %dma_start3A_27 = tpu.memref_squeeze %dma_start3A_26 : memref<1x49152xf32, #tpu.memory_space<hbm>> -> memref<49152xf32, #tpu.memory_space<hbm>>
      %dma_start3A_28 = arith.constant 0 : i32
      %dma_start3A_29 = tpu.memref_slice %arg2[%select_n3A, %dma_start3A_28] : memref<4x49152xf32, #tpu.memory_space<hbm>> -> memref<1x49152xf32, #tpu.memory_space<hbm>>
      %dma_start3A_30 = tpu.memref_squeeze %dma_start3A_29 : memref<1x49152xf32, #tpu.memory_space<hbm>> -> memref<49152xf32, #tpu.memory_space<hbm>>
      tpu.enqueue_dma source(%dma_start3A_30 : memref<49152xf32, #tpu.memory_space<hbm>>) target(%arg5 : memref<49152xf32, #tpu.memory_space<vmem>>) target_semaphore(%run_scoped3A : memref<!tpu.dma_semaphore, #tpu.memory_space<semaphore_mem>>)
      %dma_wait3A = arith.constant 0 : i32
      %dma_wait3A_31 = tpu.memref_slice %arg2[%select_n3A, %dma_wait3A] : memref<4x49152xf32, #tpu.memory_space<hbm>> -> memref<1x49152xf32, #tpu.memory_space<hbm>>
      %dma_wait3A_32 = tpu.memref_squeeze %dma_wait3A_31 : memref<1x49152xf32, #tpu.memory_space<hbm>> -> memref<49152xf32, #tpu.memory_space<hbm>>
      %dma_wait3A_33 = arith.constant 0 : i32
      %dma_wait3A_34 = tpu.memref_slice %arg2[%select_n3A, %dma_wait3A_33] : memref<4x49152xf32, #tpu.memory_space<hbm>> -> memref<1x49152xf32, #tpu.memory_space<hbm>>
      %dma_wait3A_35 = tpu.memref_squeeze %dma_wait3A_34 : memref<1x49152xf32, #tpu.memory_space<hbm>> -> memref<49152xf32, #tpu.memory_space<hbm>>
      tpu.wait_dma2 semaphore(%run_scoped3A : memref<!tpu.dma_semaphore, #tpu.memory_space<semaphore_mem>>) src(%dma_wait3A_35 : memref<49152xf32, #tpu.memory_space<hbm>>) dst(%arg5 : memref<49152xf32, #tpu.memory_space<vmem>>)
      tpu.yield
    }) : () -> ()
    "tpu.region"() ({
      %run_scoped3A = tpu.sem_alloc : memref<!tpu.dma_semaphore, #tpu.memory_space<semaphore_mem>>
      %dma_start3A = tpu.memref_slice %arg3[%mul3A_18] : memref<262144xi32, #tpu.memory_space<hbm>> -> memref<8192xi32, #tpu.memory_space<hbm>>
      %dma_start3A_26 = tpu.memref_slice %arg3[%mul3A_18] : memref<262144xi32, #tpu.memory_space<hbm>> -> memref<8192xi32, #tpu.memory_space<hbm>>
      tpu.enqueue_dma source(%dma_start3A_26 : memref<8192xi32, #tpu.memory_space<hbm>>) target(%arg6 : memref<8192xi32, #tpu.memory_space<vmem>>) target_semaphore(%run_scoped3A : memref<!tpu.dma_semaphore, #tpu.memory_space<semaphore_mem>>)
      %dma_wait3A = tpu.memref_slice %arg3[%mul3A_18] : memref<262144xi32, #tpu.memory_space<hbm>> -> memref<8192xi32, #tpu.memory_space<hbm>>
      %dma_wait3A_27 = tpu.memref_slice %arg3[%mul3A_18] : memref<262144xi32, #tpu.memory_space<hbm>> -> memref<8192xi32, #tpu.memory_space<hbm>>
      tpu.wait_dma2 semaphore(%run_scoped3A : memref<!tpu.dma_semaphore, #tpu.memory_space<semaphore_mem>>) src(%dma_wait3A_27 : memref<8192xi32, #tpu.memory_space<hbm>>) dst(%arg6 : memref<8192xi32, #tpu.memory_space<vmem>>)
      tpu.yield
    }) : () -> ()
    %iota3A = tpu.iota {dimensions = array<i32: 0>} : vector<16xi32>
    %scan3A = arith.constant 0 : i32
    %scan3A_19 = arith.constant 0 : i32
    %scan3A_20 = arith.constant 512 : i32
    %scan3A_21 = arith.addi %scan3A_19, %scan3A_20 : i32
    %scan3A_22 = arith.constant 1 : i32
    scf.for %scan3A_26 = %scan3A_19 to %scan3A_21 step %scan3A_22  : i32 {
      %mul3A_27 = arith.constant 16 : i32
      %mul3A_28 = arith.muli %scan3A_26, %mul3A_27 : i32
      %get3A = arith.index_cast %mul3A_28 : i32 to index
      %get3A_29 = tpu.vector_load %arg6[%get3A] {strides = array<i32>} : memref<8192xi32, #tpu.memory_space<vmem>>, vector<16xi32>,
      %mul3A_30 = arith.constant 6 : i32
      %mul3A_31 = vector.broadcast %mul3A_30 : i32 to vector<16xi32>
      %mul3A_32 = arith.muli %get3A_29, %mul3A_31 : vector<16xi32>
      %mul3A_33 = arith.constant 16 : i32
      %mul3A_34 = arith.muli %scan3A_26, %mul3A_33 : i32
      %add3A_35 = vector.broadcast %mul3A_34 : i32 to vector<16xi32>
      %add3A_36 = arith.addi %add3A_35, %iota3A : vector<16xi32>
      %mul3A_37 = arith.constant 6 : i32
      %mul3A_38 = vector.broadcast %mul3A_37 : i32 to vector<16xi32>
      %mul3A_39 = arith.muli %add3A_36, %mul3A_38 : vector<16xi32>
      %add3A_40 = arith.constant 0 : i32
      %add3A_41 = vector.broadcast %add3A_40 : i32 to vector<16xi32>
      %add3A_42 = arith.addi %mul3A_32, %add3A_41 : vector<16xi32>
      %gather3A = tpu.vector_load_idx %arg5[%add3A_42] : memref<49152xf32, #tpu.memory_space<vmem>>[vector<16xi32>], vector<16xf32>,
      %add3A_43 = arith.constant 0 : i32
      %add3A_44 = vector.broadcast %add3A_43 : i32 to vector<16xi32>
      %add3A_45 = arith.addi %mul3A_39, %add3A_44 : vector<16xi32>
      tpu.vector_store_idx %arg7[%add3A_45], %gather3A : memref<49152xf32, #tpu.memory_space<vmem>>[vector<16xi32>], vector<16xf32>,
      %add3A_46 = arith.constant 1 : i32
      %add3A_47 = vector.broadcast %add3A_46 : i32 to vector<16xi32>
      %add3A_48 = arith.addi %mul3A_32, %add3A_47 : vector<16xi32>
      %gather3A_49 = tpu.vector_load_idx %arg5[%add3A_48] : memref<49152xf32, #tpu.memory_space<vmem>>[vector<16xi32>], vector<16xf32>,
      %add3A_50 = arith.constant 1 : i32
      %add3A_51 = vector.broadcast %add3A_50 : i32 to vector<16xi32>
      %add3A_52 = arith.addi %mul3A_39, %add3A_51 : vector<16xi32>
      tpu.vector_store_idx %arg7[%add3A_52], %gather3A_49 : memref<49152xf32, #tpu.memory_space<vmem>>[vector<16xi32>], vector<16xf32>,
      %add3A_53 = arith.constant 2 : i32
      %add3A_54 = vector.broadcast %add3A_53 : i32 to vector<16xi32>
      %add3A_55 = arith.addi %mul3A_32, %add3A_54 : vector<16xi32>
      %gather3A_56 = tpu.vector_load_idx %arg5[%add3A_55] : memref<49152xf32, #tpu.memory_space<vmem>>[vector<16xi32>], vector<16xf32>,
      %add3A_57 = arith.constant 2 : i32
      %add3A_58 = vector.broadcast %add3A_57 : i32 to vector<16xi32>
      %add3A_59 = arith.addi %mul3A_39, %add3A_58 : vector<16xi32>
      tpu.vector_store_idx %arg7[%add3A_59], %gather3A_56 : memref<49152xf32, #tpu.memory_space<vmem>>[vector<16xi32>], vector<16xf32>,
      %add3A_60 = arith.constant 3 : i32
      %add3A_61 = vector.broadcast %add3A_60 : i32 to vector<16xi32>
      %add3A_62 = arith.addi %mul3A_32, %add3A_61 : vector<16xi32>
      %gather3A_63 = tpu.vector_load_idx %arg5[%add3A_62] : memref<49152xf32, #tpu.memory_space<vmem>>[vector<16xi32>], vector<16xf32>,
      %add3A_64 = arith.constant 3 : i32
      %add3A_65 = vector.broadcast %add3A_64 : i32 to vector<16xi32>
      %add3A_66 = arith.addi %mul3A_39, %add3A_65 : vector<16xi32>
      tpu.vector_store_idx %arg7[%add3A_66], %gather3A_63 : memref<49152xf32, #tpu.memory_space<vmem>>[vector<16xi32>], vector<16xf32>,
      %add3A_67 = arith.constant 4 : i32
      %add3A_68 = vector.broadcast %add3A_67 : i32 to vector<16xi32>
      %add3A_69 = arith.addi %mul3A_32, %add3A_68 : vector<16xi32>
      %gather3A_70 = tpu.vector_load_idx %arg5[%add3A_69] : memref<49152xf32, #tpu.memory_space<vmem>>[vector<16xi32>], vector<16xf32>,
      %add3A_71 = arith.constant 4 : i32
      %add3A_72 = vector.broadcast %add3A_71 : i32 to vector<16xi32>
      %add3A_73 = arith.addi %mul3A_39, %add3A_72 : vector<16xi32>
      tpu.vector_store_idx %arg7[%add3A_73], %gather3A_70 : memref<49152xf32, #tpu.memory_space<vmem>>[vector<16xi32>], vector<16xf32>,
      %add3A_74 = arith.constant 5 : i32
      %add3A_75 = vector.broadcast %add3A_74 : i32 to vector<16xi32>
      %add3A_76 = arith.addi %mul3A_32, %add3A_75 : vector<16xi32>
      %gather3A_77 = tpu.vector_load_idx %arg5[%add3A_76] : memref<49152xf32, #tpu.memory_space<vmem>>[vector<16xi32>], vector<16xf32>,
      %add3A_78 = arith.constant 5 : i32
      %add3A_79 = vector.broadcast %add3A_78 : i32 to vector<16xi32>
      %add3A_80 = arith.addi %mul3A_39, %add3A_79 : vector<16xi32>
      tpu.vector_store_idx %arg7[%add3A_80], %gather3A_77 : memref<49152xf32, #tpu.memory_space<vmem>>[vector<16xi32>], vector<16xf32>,
    }
    %scan3A_23 = arith.constant 512 : i32
    %mul3A_24 = arith.constant 6 : i32
    %mul3A_25 = arith.muli %mul3A_18, %mul3A_24 : i32
    "tpu.region"() ({
      %run_scoped3A = tpu.sem_alloc : memref<!tpu.dma_semaphore, #tpu.memory_space<semaphore_mem>>
      %dma_start3A = tpu.memref_slice %arg4[%mul3A_25] : memref<1572864xf32, #tpu.memory_space<hbm>> -> memref<49152xf32, #tpu.memory_space<hbm>>
      %dma_start3A_26 = tpu.memref_slice %arg4[%mul3A_25] : memref<1572864xf32, #tpu.memory_space<hbm>> -> memref<49152xf32, #tpu.memory_space<hbm>>
      tpu.enqueue_dma source(%arg7 : memref<49152xf32, #tpu.memory_space<vmem>>) target(%dma_start3A_26 : memref<49152xf32, #tpu.memory_space<hbm>>) target_semaphore(%run_scoped3A : memref<!tpu.dma_semaphore, #tpu.memory_space<semaphore_mem>>)
      %dma_wait3A = tpu.memref_slice %arg4[%mul3A_25] : memref<1572864xf32, #tpu.memory_space<hbm>> -> memref<49152xf32, #tpu.memory_space<hbm>>
      %dma_wait3A_27 = tpu.memref_slice %arg4[%mul3A_25] : memref<1572864xf32, #tpu.memory_space<hbm>> -> memref<49152xf32, #tpu.memory_space<hbm>>
      tpu.wait_dma2 semaphore(%run_scoped3A : memref<!tpu.dma_semaphore, #tpu.memory_space<semaphore_mem>>) src(%arg7 : memref<49152xf32, #tpu.memory_space<vmem>>) dst(%dma_wait3A_27 : memref<49152xf32, #tpu.memory_space<hbm>>)
      tpu.yield
    }) : () -> ()
    return
  }
}

#map = affine_map<(d0, d1) -> (0)>
module attributes {stable_mosaic.version = 14 : i64} {
  func.func @select(%arg0: i32, %arg1: i32, %arg2: memref<67108864xf32, #tpu.memory_space<hbm>>, %arg3: memref<262144xf32, #tpu.memory_space<hbm>>, %arg4: memref<262144xi32, #tpu.memory_space<hbm>>, %arg5: memref<262144xi32, #tpu.memory_space<hbm>>, %arg6: memref<8192xf32, #tpu.memory_space<vmem>>, %arg7: memref<8192xf32, #tpu.memory_space<vmem>>, %arg8: memref<512xf32, #tpu.memory_space<vmem>>, %arg9: memref<528xi32, #tpu.memory_space<vmem>>, %arg10: memref<2064xf32, #tpu.memory_space<vmem>>, %arg11: memref<2064xi32, #tpu.memory_space<vmem>>, %arg12: memref<8192xf32, #tpu.memory_space<vmem>>, %arg13: memref<8192xi32, #tpu.memory_space<vmem>>, %arg14: memref<8192xi32, #tpu.memory_space<vmem>>, %arg15: memref<!tpu.dma_semaphore, #tpu.memory_space<semaphore_mem>>, %arg16: memref<!tpu.dma_semaphore, #tpu.memory_space<semaphore_mem>>) attributes {dimension_semantics = [#tpu.dimension_semantics<core_parallel>, #tpu.dimension_semantics<subcore_parallel>], iteration_bounds = array<i64: 2, 16>, scalar_prefetch = 0 : i64, scratch_operands = 11 : i64, tpu.core_type = #tpu.core_type<sc_vector_subcore>, window_params = [{transform_indices = #map}, {transform_indices = #map}, {transform_indices = #map}, {transform_indices = #map}]} {
    %mul3A = arith.constant 2 : i32
    %mul3A_0 = arith.muli %arg1, %mul3A : i32
    %add3A = arith.addi %mul3A_0, %arg0 : i32
    %mul3A_1 = arith.constant 256 : i32
    %mul3A_2 = arith.muli %add3A, %mul3A_1 : i32
    %iota3A = tpu.iota {dimensions = array<i32: 0>} : vector<16xi32>
    %mul3A_3 = arith.constant 16 : i32
    %mul3A_4 = vector.broadcast %mul3A_3 : i32 to vector<16xi32>
    %mul3A_5 = arith.muli %iota3A, %mul3A_4 : vector<16xi32>
    %mul3A_6 = arith.constant 8192 : i32
    %mul3A_7 = arith.muli %mul3A_2, %mul3A_6 : i32
    %dma_start3A = tpu.memref_slice %arg2[%mul3A_7] : memref<67108864xf32, #tpu.memory_space<hbm>> -> memref<8192xf32, #tpu.memory_space<hbm>>
    %dma_start3A_8 = tpu.memref_slice %arg2[%mul3A_7] : memref<67108864xf32, #tpu.memory_space<hbm>> -> memref<8192xf32, #tpu.memory_space<hbm>>
    tpu.enqueue_dma source(%dma_start3A_8 : memref<8192xf32, #tpu.memory_space<hbm>>) target(%arg6 : memref<8192xf32, #tpu.memory_space<vmem>>) target_semaphore(%arg15 : memref<!tpu.dma_semaphore, #tpu.memory_space<semaphore_mem>>)
    %broadcast_in_dim3A = arith.constant 0x7F800000 : f32
    %broadcast_in_dim3A_9 = vector.broadcast %broadcast_in_dim3A : f32 to vector<16xf32>
    %broadcast_in_dim3A_10 = arith.constant 8192 : i32
    %broadcast_in_dim3A_11 = vector.broadcast %broadcast_in_dim3A_10 : i32 to vector<16xi32>
    %scan3A = arith.constant 0 : i32
    %scan3A_12 = arith.constant 0 : i32
    %scan3A_13 = arith.constant 128 : i32
    %scan3A_14 = arith.addi %scan3A_12, %scan3A_13 : i32
    %scan3A_15 = arith.constant 1 : i32
    scf.for %scan3A_23 = %scan3A_12 to %scan3A_14 step %scan3A_15  : i32 {
      %mul3A_24 = arith.constant 2 : i32
      %mul3A_25 = arith.muli %scan3A_23, %mul3A_24 : i32
      %add3A_26 = arith.constant 0 : i32
      %add3A_27 = arith.addi %mul3A_25, %add3A_26 : i32
      %add3A_28 = arith.addi %mul3A_2, %add3A_27 : i32
      %mul3A_29 = arith.constant 8192 : i32
      %mul3A_30 = arith.muli %add3A_28, %mul3A_29 : i32
      %dma_wait3A = tpu.memref_slice %arg2[%mul3A_30] : memref<67108864xf32, #tpu.memory_space<hbm>> -> memref<8192xf32, #tpu.memory_space<hbm>>
      %dma_wait3A_31 = tpu.memref_slice %arg2[%mul3A_30] : memref<67108864xf32, #tpu.memory_space<hbm>> -> memref<8192xf32, #tpu.memory_space<hbm>>
      tpu.wait_dma2 semaphore(%arg15 : memref<!tpu.dma_semaphore, #tpu.memory_space<semaphore_mem>>) src(%dma_wait3A_31 : memref<8192xf32, #tpu.memory_space<hbm>>) dst(%arg6 : memref<8192xf32, #tpu.memory_space<vmem>>)
      %add3A_32 = arith.constant 1 : i32
      %add3A_33 = arith.addi %add3A_27, %add3A_32 : i32
      %lt3A = arith.constant 256 : i32
      %lt3A_34 = arith.cmpi slt, %add3A_33, %lt3A : i32
      %convert_element_type3A = arith.extui %lt3A_34 : i1 to i32
      %cond3A = arith.constant 0 : i32
      %cond3A_35 = arith.cmpi ne, %convert_element_type3A, %cond3A : i32
      scf.if %cond3A_35 {
        %add3A_371 = arith.addi %mul3A_2, %add3A_27 : i32
        %add3A_372 = arith.constant 1 : i32
        %add3A_373 = arith.addi %add3A_371, %add3A_372 : i32
        %mul3A_374 = arith.constant 8192 : i32
        %mul3A_375 = arith.muli %add3A_373, %mul3A_374 : i32
        %dma_start3A_376 = tpu.memref_slice %arg2[%mul3A_375] : memref<67108864xf32, #tpu.memory_space<hbm>> -> memref<8192xf32, #tpu.memory_space<hbm>>
        %dma_start3A_377 = tpu.memref_slice %arg2[%mul3A_375] : memref<67108864xf32, #tpu.memory_space<hbm>> -> memref<8192xf32, #tpu.memory_space<hbm>>
        tpu.enqueue_dma source(%dma_start3A_377 : memref<8192xf32, #tpu.memory_space<hbm>>) target(%arg7 : memref<8192xf32, #tpu.memory_space<vmem>>) target_semaphore(%arg16 : memref<!tpu.dma_semaphore, #tpu.memory_space<semaphore_mem>>)
      } else {
      }
      %scan3A_36 = arith.constant 0 : i32
      %scan3A_37 = arith.constant 32 : i32
      %scan3A_38 = arith.addi %scan3A_36, %scan3A_37 : i32
      %scan3A_39 = arith.constant 1 : i32
      %scan3A_40:2 = scf.for %scan3A_371 = %scan3A_36 to %scan3A_38 step %scan3A_39 iter_args(%scan3A_372 = %broadcast_in_dim3A_9, %scan3A_373 = %broadcast_in_dim3A_9) -> (vector<16xf32>, vector<16xf32>)  : i32 {
        %mul3A_374 = arith.constant 256 : i32
        %mul3A_375 = arith.muli %scan3A_371, %mul3A_374 : i32
        %get3A = arith.index_cast %mul3A_375 : i32 to index
        %get3A_376 = tpu.vector_load %arg6[%get3A] {strides = array<i32>} : memref<8192xf32, #tpu.memory_space<vmem>>, vector<16xf32>,
        %mul3A_377 = arith.constant 256 : i32
        %mul3A_378 = arith.muli %scan3A_371, %mul3A_377 : i32
        %add3A_379 = arith.constant 16 : i32
        %add3A_380 = arith.addi %mul3A_378, %add3A_379 : i32
        %get3A_381 = arith.index_cast %add3A_380 : i32 to index
        %get3A_382 = tpu.vector_load %arg6[%get3A_381] {strides = array<i32>} : memref<8192xf32, #tpu.memory_space<vmem>>, vector<16xf32>,
        %min3A_383 = arith.minimumf %get3A_376, %get3A_382 : vector<16xf32>
        %mul3A_384 = arith.constant 256 : i32
        %mul3A_385 = arith.muli %scan3A_371, %mul3A_384 : i32
        %add3A_386 = arith.constant 32 : i32
        %add3A_387 = arith.addi %mul3A_385, %add3A_386 : i32
        %get3A_388 = arith.index_cast %add3A_387 : i32 to index
        %get3A_389 = tpu.vector_load %arg6[%get3A_388] {strides = array<i32>} : memref<8192xf32, #tpu.memory_space<vmem>>, vector<16xf32>,
        %min3A_390 = arith.minimumf %min3A_383, %get3A_389 : vector<16xf32>
        %mul3A_391 = arith.constant 256 : i32
        %mul3A_392 = arith.muli %scan3A_371, %mul3A_391 : i32
        %add3A_393 = arith.constant 48 : i32
        %add3A_394 = arith.addi %mul3A_392, %add3A_393 : i32
        %get3A_395 = arith.index_cast %add3A_394 : i32 to index
        %get3A_396 = tpu.vector_load %arg6[%get3A_395] {strides = array<i32>} : memref<8192xf32, #tpu.memory_space<vmem>>, vector<16xf32>,
        %min3A_397 = arith.minimumf %min3A_390, %get3A_396 : vector<16xf32>
        %mul3A_398 = arith.constant 256 : i32
        %mul3A_399 = arith.muli %scan3A_371, %mul3A_398 : i32
        %add3A_400 = arith.constant 64 : i32
        %add3A_401 = arith.addi %mul3A_399, %add3A_400 : i32
        %get3A_402 = arith.index_cast %add3A_401 : i32 to index
        %get3A_403 = tpu.vector_load %arg6[%get3A_402] {strides = array<i32>} : memref<8192xf32, #tpu.memory_space<vmem>>, vector<16xf32>,
        %min3A_404 = arith.minimumf %min3A_397, %get3A_403 : vector<16xf32>
        %mul3A_405 = arith.constant 256 : i32
        %mul3A_406 = arith.muli %scan3A_371, %mul3A_405 : i32
        %add3A_407 = arith.constant 80 : i32
        %add3A_408 = arith.addi %mul3A_406, %add3A_407 : i32
        %get3A_409 = arith.index_cast %add3A_408 : i32 to index
        %get3A_410 = tpu.vector_load %arg6[%get3A_409] {strides = array<i32>} : memref<8192xf32, #tpu.memory_space<vmem>>, vector<16xf32>,
        %min3A_411 = arith.minimumf %min3A_404, %get3A_410 : vector<16xf32>
        %mul3A_412 = arith.constant 256 : i32
        %mul3A_413 = arith.muli %scan3A_371, %mul3A_412 : i32
        %add3A_414 = arith.constant 96 : i32
        %add3A_415 = arith.addi %mul3A_413, %add3A_414 : i32
        %get3A_416 = arith.index_cast %add3A_415 : i32 to index
        %get3A_417 = tpu.vector_load %arg6[%get3A_416] {strides = array<i32>} : memref<8192xf32, #tpu.memory_space<vmem>>, vector<16xf32>,
        %min3A_418 = arith.minimumf %min3A_411, %get3A_417 : vector<16xf32>
        %mul3A_419 = arith.constant 256 : i32
        %mul3A_420 = arith.muli %scan3A_371, %mul3A_419 : i32
        %add3A_421 = arith.constant 112 : i32
        %add3A_422 = arith.addi %mul3A_420, %add3A_421 : i32
        %get3A_423 = arith.index_cast %add3A_422 : i32 to index
        %get3A_424 = tpu.vector_load %arg6[%get3A_423] {strides = array<i32>} : memref<8192xf32, #tpu.memory_space<vmem>>, vector<16xf32>,
        %min3A_425 = arith.minimumf %min3A_418, %get3A_424 : vector<16xf32>
        %mul3A_426 = arith.constant 256 : i32
        %mul3A_427 = arith.muli %scan3A_371, %mul3A_426 : i32
        %add3A_428 = arith.constant 128 : i32
        %add3A_429 = arith.addi %mul3A_427, %add3A_428 : i32
        %get3A_430 = arith.index_cast %add3A_429 : i32 to index
        %get3A_431 = tpu.vector_load %arg6[%get3A_430] {strides = array<i32>} : memref<8192xf32, #tpu.memory_space<vmem>>, vector<16xf32>,
        %min3A_432 = arith.minimumf %min3A_425, %get3A_431 : vector<16xf32>
        %mul3A_433 = arith.constant 256 : i32
        %mul3A_434 = arith.muli %scan3A_371, %mul3A_433 : i32
        %add3A_435 = arith.constant 144 : i32
        %add3A_436 = arith.addi %mul3A_434, %add3A_435 : i32
        %get3A_437 = arith.index_cast %add3A_436 : i32 to index
        %get3A_438 = tpu.vector_load %arg6[%get3A_437] {strides = array<i32>} : memref<8192xf32, #tpu.memory_space<vmem>>, vector<16xf32>,
        %min3A_439 = arith.minimumf %min3A_432, %get3A_438 : vector<16xf32>
        %mul3A_440 = arith.constant 256 : i32
        %mul3A_441 = arith.muli %scan3A_371, %mul3A_440 : i32
        %add3A_442 = arith.constant 160 : i32
        %add3A_443 = arith.addi %mul3A_441, %add3A_442 : i32
        %get3A_444 = arith.index_cast %add3A_443 : i32 to index
        %get3A_445 = tpu.vector_load %arg6[%get3A_444] {strides = array<i32>} : memref<8192xf32, #tpu.memory_space<vmem>>, vector<16xf32>,
        %min3A_446 = arith.minimumf %min3A_439, %get3A_445 : vector<16xf32>
        %mul3A_447 = arith.constant 256 : i32
        %mul3A_448 = arith.muli %scan3A_371, %mul3A_447 : i32
        %add3A_449 = arith.constant 176 : i32
        %add3A_450 = arith.addi %mul3A_448, %add3A_449 : i32
        %get3A_451 = arith.index_cast %add3A_450 : i32 to index
        %get3A_452 = tpu.vector_load %arg6[%get3A_451] {strides = array<i32>} : memref<8192xf32, #tpu.memory_space<vmem>>, vector<16xf32>,
        %min3A_453 = arith.minimumf %min3A_446, %get3A_452 : vector<16xf32>
        %mul3A_454 = arith.constant 256 : i32
        %mul3A_455 = arith.muli %scan3A_371, %mul3A_454 : i32
        %add3A_456 = arith.constant 192 : i32
        %add3A_457 = arith.addi %mul3A_455, %add3A_456 : i32
        %get3A_458 = arith.index_cast %add3A_457 : i32 to index
        %get3A_459 = tpu.vector_load %arg6[%get3A_458] {strides = array<i32>} : memref<8192xf32, #tpu.memory_space<vmem>>, vector<16xf32>,
        %min3A_460 = arith.minimumf %min3A_453, %get3A_459 : vector<16xf32>
        %mul3A_461 = arith.constant 256 : i32
        %mul3A_462 = arith.muli %scan3A_371, %mul3A_461 : i32
        %add3A_463 = arith.constant 208 : i32
        %add3A_464 = arith.addi %mul3A_462, %add3A_463 : i32
        %get3A_465 = arith.index_cast %add3A_464 : i32 to index
        %get3A_466 = tpu.vector_load %arg6[%get3A_465] {strides = array<i32>} : memref<8192xf32, #tpu.memory_space<vmem>>, vector<16xf32>,
        %min3A_467 = arith.minimumf %min3A_460, %get3A_466 : vector<16xf32>
        %mul3A_468 = arith.constant 256 : i32
        %mul3A_469 = arith.muli %scan3A_371, %mul3A_468 : i32
        %add3A_470 = arith.constant 224 : i32
        %add3A_471 = arith.addi %mul3A_469, %add3A_470 : i32
        %get3A_472 = arith.index_cast %add3A_471 : i32 to index
        %get3A_473 = tpu.vector_load %arg6[%get3A_472] {strides = array<i32>} : memref<8192xf32, #tpu.memory_space<vmem>>, vector<16xf32>,
        %min3A_474 = arith.minimumf %min3A_467, %get3A_473 : vector<16xf32>
        %mul3A_475 = arith.constant 256 : i32
        %mul3A_476 = arith.muli %scan3A_371, %mul3A_475 : i32
        %add3A_477 = arith.constant 240 : i32
        %add3A_478 = arith.addi %mul3A_476, %add3A_477 : i32
        %get3A_479 = arith.index_cast %add3A_478 : i32 to index
        %get3A_480 = tpu.vector_load %arg6[%get3A_479] {strides = array<i32>} : memref<8192xf32, #tpu.memory_space<vmem>>, vector<16xf32>,
        %min3A_481 = arith.minimumf %min3A_474, %get3A_480 : vector<16xf32>
        %mul3A_482 = arith.constant 16 : i32
        %mul3A_483 = arith.muli %scan3A_371, %mul3A_482 : i32
        %swap3A_484 = arith.index_cast %mul3A_483 : i32 to index
        %swap3A_485 = tpu.vector_load %arg8[%swap3A_484] {strides = array<i32>} : memref<512xf32, #tpu.memory_space<vmem>>, vector<16xf32>,
        tpu.vector_store %arg8[%swap3A_484], %min3A_481 {strides = array<i32>} : memref<512xf32, #tpu.memory_space<vmem>>, vector<16xf32>,
        %max3A = arith.maximumf %scan3A_372, %min3A_481 : vector<16xf32>
        %min3A_486 = arith.minimumf %scan3A_373, %max3A : vector<16xf32>
        %min3A_487 = arith.minimumf %scan3A_372, %min3A_481 : vector<16xf32>
        scf.yield %min3A_487, %min3A_486 : vector<16xf32>, vector<16xf32>
      }
      %scan3A_41 = arith.constant 32 : i32
      %reduce_max3A = arith.constant true
      %reduce_max3A_42 = vector.broadcast %reduce_max3A : i1 to vector<16xi1>
      %reduce_max3A_43 = tpu.scan <max>, %scan3A_40#1 masked %reduce_max3A_42 : vector<16xf32>, vector<16xi1> -> vector<16xf32>
      %reduce_max3A_44 = vector.extract %reduce_max3A_43[15] : f32 from vector<16xf32>
      %broadcast_in_dim3A_45 = vector.broadcast %reduce_max3A_44 : f32 to vector<16xf32>
      %swap3A = arith.constant 0 : index
      %swap3A_46 = tpu.vector_load %arg10[%swap3A] {strides = array<i32>} : memref<2064xf32, #tpu.memory_space<vmem>>, vector<16xf32>,
      tpu.vector_store %arg10[%swap3A], %broadcast_in_dim3A_9 {strides = array<i32>} : memref<2064xf32, #tpu.memory_space<vmem>>, vector<16xf32>,
      %swap3A_47 = arith.constant 16 : index
      %swap3A_48 = tpu.vector_load %arg10[%swap3A_47] {strides = array<i32>} : memref<2064xf32, #tpu.memory_space<vmem>>, vector<16xf32>,
      tpu.vector_store %arg10[%swap3A_47], %broadcast_in_dim3A_9 {strides = array<i32>} : memref<2064xf32, #tpu.memory_space<vmem>>, vector<16xf32>,
      %swap3A_49 = arith.constant 32 : index
      %swap3A_50 = tpu.vector_load %arg10[%swap3A_49] {strides = array<i32>} : memref<2064xf32, #tpu.memory_space<vmem>>, vector<16xf32>,
      tpu.vector_store %arg10[%swap3A_49], %broadcast_in_dim3A_9 {strides = array<i32>} : memref<2064xf32, #tpu.memory_space<vmem>>, vector<16xf32>,
      %swap3A_51 = arith.constant 48 : index
      %swap3A_52 = tpu.vector_load %arg10[%swap3A_51] {strides = array<i32>} : memref<2064xf32, #tpu.memory_space<vmem>>, vector<16xf32>,
      tpu.vector_store %arg10[%swap3A_51], %broadcast_in_dim3A_9 {strides = array<i32>} : memref<2064xf32, #tpu.memory_space<vmem>>, vector<16xf32>,
      %swap3A_53 = arith.constant 64 : index
      %swap3A_54 = tpu.vector_load %arg10[%swap3A_53] {strides = array<i32>} : memref<2064xf32, #tpu.memory_space<vmem>>, vector<16xf32>,
      tpu.vector_store %arg10[%swap3A_53], %broadcast_in_dim3A_9 {strides = array<i32>} : memref<2064xf32, #tpu.memory_space<vmem>>, vector<16xf32>,
      %swap3A_55 = arith.constant 80 : index
      %swap3A_56 = tpu.vector_load %arg10[%swap3A_55] {strides = array<i32>} : memref<2064xf32, #tpu.memory_space<vmem>>, vector<16xf32>,
      tpu.vector_store %arg10[%swap3A_55], %broadcast_in_dim3A_9 {strides = array<i32>} : memref<2064xf32, #tpu.memory_space<vmem>>, vector<16xf32>,
      %swap3A_57 = arith.constant 96 : index
      %swap3A_58 = tpu.vector_load %arg10[%swap3A_57] {strides = array<i32>} : memref<2064xf32, #tpu.memory_space<vmem>>, vector<16xf32>,
      tpu.vector_store %arg10[%swap3A_57], %broadcast_in_dim3A_9 {strides = array<i32>} : memref<2064xf32, #tpu.memory_space<vmem>>, vector<16xf32>,
      %swap3A_59 = arith.constant 112 : index
      %swap3A_60 = tpu.vector_load %arg10[%swap3A_59] {strides = array<i32>} : memref<2064xf32, #tpu.memory_space<vmem>>, vector<16xf32>,
      tpu.vector_store %arg10[%swap3A_59], %broadcast_in_dim3A_9 {strides = array<i32>} : memref<2064xf32, #tpu.memory_space<vmem>>, vector<16xf32>,
      %broadcast_in_dim3A_61 = arith.constant 0 : i32
      %broadcast_in_dim3A_62 = vector.broadcast %broadcast_in_dim3A_61 : i32 to vector<16xi32>
      %scan3A_63 = arith.constant 0 : i32
      %scan3A_64 = arith.constant 32 : i32
      %scan3A_65 = arith.addi %scan3A_63, %scan3A_64 : i32
      %scan3A_66 = arith.constant 1 : i32
      %scan3A_67 = scf.for %scan3A_371 = %scan3A_63 to %scan3A_65 step %scan3A_66 iter_args(%scan3A_372 = %broadcast_in_dim3A_62) -> (vector<16xi32>)  : i32 {
        %mul3A_373 = arith.constant 16 : i32
        %mul3A_374 = arith.muli %scan3A_371, %mul3A_373 : i32
        %get3A = arith.index_cast %mul3A_374 : i32 to index
        %get3A_375 = tpu.vector_load %arg8[%get3A] {strides = array<i32>} : memref<512xf32, #tpu.memory_space<vmem>>, vector<16xf32>,
        %le3A_376 = arith.cmpf ole, %get3A_375, %broadcast_in_dim3A_45 : vector<16xf32>
        %convert_element_type3A_377 = arith.extui %le3A_376 : vector<16xi1> to vector<16xi32>
        %broadcast_in_dim3A_378 = arith.constant true
        %broadcast_in_dim3A_379 = vector.broadcast %broadcast_in_dim3A_378 : i1 to vector<16xi1>
        %masked_cumsum3A = tpu.scan <sum>, %convert_element_type3A_377 masked %broadcast_in_dim3A_379 : vector<16xi32>, vector<16xi1> -> vector<16xi32>
        %sub3A_380 = arith.subi %masked_cumsum3A, %convert_element_type3A_377 : vector<16xi32>
        %add3A_381 = arith.addi %scan3A_372, %sub3A_380 : vector<16xi32>
        %mul3A_382 = arith.constant 256 : i32
        %mul3A_383 = arith.muli %scan3A_371, %mul3A_382 : i32
        %add3A_384 = vector.broadcast %mul3A_383 : i32 to vector<16xi32>
        %add3A_385 = arith.addi %add3A_384, %iota3A : vector<16xi32>
        tpu.vector_store_idx %arg9[%add3A_381], %add3A_385 masked %le3A_376 : memref<528xi32, #tpu.memory_space<vmem>>[vector<16xi32>], vector<16xi32>, vector<16xi1>
        %all_reduce_population_count3A = tpu.all_reduce %le3A_376 {dim = 0 : i64, kind = #tpu.reduction_kind<sum>} : vector<16xi1> -> vector<16xi32>
        %add3A_386 = arith.addi %scan3A_372, %all_reduce_population_count3A : vector<16xi32>
        scf.yield %add3A_386 : vector<16xi32>
      }
      %scan3A_68 = arith.constant 32 : i32
      %reduce_max3A_69 = arith.constant true
      %reduce_max3A_70 = vector.broadcast %reduce_max3A_69 : i1 to vector<16xi1>
      %reduce_max3A_71 = arith.constant -2147483648 : i32
      %reduce_max3A_72 = vector.broadcast %reduce_max3A_71 : i32 to vector<16xi32>
      %reduce_max3A_73 = arith.xori %scan3A_67, %reduce_max3A_72 : vector<16xi32>
      %reduce_max3A_74 = tpu.scan <max>, %reduce_max3A_73 masked %reduce_max3A_70 : vector<16xi32>, vector<16xi1> -> vector<16xi32>
      %reduce_max3A_75 = arith.xori %reduce_max3A_74, %reduce_max3A_72 : vector<16xi32>
      %reduce_max3A_76 = vector.extract %reduce_max3A_75[15] : i32 from vector<16xi32>
      %broadcast_in_dim3A_77 = arith.constant 0 : i32
      %broadcast_in_dim3A_78 = vector.broadcast %broadcast_in_dim3A_77 : i32 to vector<16xi32>
      %while3A = arith.constant 0 : i32
      %while3A_79 = arith.subi %reduce_max3A_76, %while3A : i32
      %while3A_80 = arith.addi %while3A, %while3A_79 : i32
      %while3A_81 = arith.constant 1 : i32
      %while3A_82 = arith.divsi %while3A_79, %while3A_81 : i32
      %while3A_83 = arith.muli %while3A_82, %while3A_81 : i32
      %while3A_84 = arith.addi %while3A, %while3A_83 : i32
      %while3A_85 = arith.constant 1 : i32
      %while3A_86 = scf.for %while3A_371 = %while3A to %while3A_84 step %while3A_85 iter_args(%while3A_372 = %broadcast_in_dim3A_78) -> (vector<16xi32>)  : i32 {
        %broadcast_in_dim3A_373 = vector.broadcast %while3A_371 : i32 to vector<16xi32>
        %gather3A = tpu.vector_load_idx %arg9[%broadcast_in_dim3A_373] : memref<528xi32, #tpu.memory_space<vmem>>[vector<16xi32>], vector<16xi32>,
        %add3A_374 = arith.addi %gather3A, %mul3A_5 : vector<16xi32>
        %gather3A_375 = tpu.vector_load_idx %arg6[%add3A_374] : memref<8192xf32, #tpu.memory_space<vmem>>[vector<16xi32>], vector<16xf32>,
        %le3A_376 = arith.cmpf ole, %gather3A_375, %broadcast_in_dim3A_45 : vector<16xf32>
        %convert_element_type3A_377 = arith.extui %le3A_376 : vector<16xi1> to vector<16xi32>
        %broadcast_in_dim3A_378 = arith.constant true
        %broadcast_in_dim3A_379 = vector.broadcast %broadcast_in_dim3A_378 : i1 to vector<16xi1>
        %masked_cumsum3A = tpu.scan <sum>, %convert_element_type3A_377 masked %broadcast_in_dim3A_379 : vector<16xi32>, vector<16xi1> -> vector<16xi32>
        %sub3A_380 = arith.subi %masked_cumsum3A, %convert_element_type3A_377 : vector<16xi32>
        %add3A_381 = arith.addi %while3A_372, %sub3A_380 : vector<16xi32>
        %min3A_382 = arith.constant 2048 : i32
        %min3A_383 = vector.broadcast %min3A_382 : i32 to vector<16xi32>
        %min3A_384 = arith.minsi %add3A_381, %min3A_383 : vector<16xi32>
        tpu.vector_store_idx %arg10[%min3A_384], %gather3A_375 masked %le3A_376 : memref<2064xf32, #tpu.memory_space<vmem>>[vector<16xi32>], vector<16xf32>, vector<16xi1>
        tpu.vector_store_idx %arg11[%min3A_384], %add3A_374 masked %le3A_376 : memref<2064xi32, #tpu.memory_space<vmem>>[vector<16xi32>], vector<16xi32>, vector<16xi1>
        %all_reduce_population_count3A = tpu.all_reduce %le3A_376 {dim = 0 : i64, kind = #tpu.reduction_kind<sum>} : vector<16xi1> -> vector<16xi32>
        %add3A_385 = arith.addi %while3A_372, %all_reduce_population_count3A : vector<16xi32>
        scf.yield %add3A_385 : vector<16xi32>
      }
      %while3A_87 = arith.constant 1 : i32
      %while3A_88 = scf.for %while3A_371 = %while3A_84 to %while3A_80 step %while3A_87 iter_args(%while3A_372 = %while3A_86) -> (vector<16xi32>)  : i32 {
        %broadcast_in_dim3A_373 = vector.broadcast %while3A_371 : i32 to vector<16xi32>
        %gather3A = tpu.vector_load_idx %arg9[%broadcast_in_dim3A_373] : memref<528xi32, #tpu.memory_space<vmem>>[vector<16xi32>], vector<16xi32>,
        %add3A_374 = arith.addi %gather3A, %mul3A_5 : vector<16xi32>
        %gather3A_375 = tpu.vector_load_idx %arg6[%add3A_374] : memref<8192xf32, #tpu.memory_space<vmem>>[vector<16xi32>], vector<16xf32>,
        %le3A_376 = arith.cmpf ole, %gather3A_375, %broadcast_in_dim3A_45 : vector<16xf32>
        %convert_element_type3A_377 = arith.extui %le3A_376 : vector<16xi1> to vector<16xi32>
        %broadcast_in_dim3A_378 = arith.constant true
        %broadcast_in_dim3A_379 = vector.broadcast %broadcast_in_dim3A_378 : i1 to vector<16xi1>
        %masked_cumsum3A = tpu.scan <sum>, %convert_element_type3A_377 masked %broadcast_in_dim3A_379 : vector<16xi32>, vector<16xi1> -> vector<16xi32>
        %sub3A_380 = arith.subi %masked_cumsum3A, %convert_element_type3A_377 : vector<16xi32>
        %add3A_381 = arith.addi %while3A_372, %sub3A_380 : vector<16xi32>
        %min3A_382 = arith.constant 2048 : i32
        %min3A_383 = vector.broadcast %min3A_382 : i32 to vector<16xi32>
        %min3A_384 = arith.minsi %add3A_381, %min3A_383 : vector<16xi32>
        tpu.vector_store_idx %arg10[%min3A_384], %gather3A_375 masked %le3A_376 : memref<2064xf32, #tpu.memory_space<vmem>>[vector<16xi32>], vector<16xf32>, vector<16xi1>
        tpu.vector_store_idx %arg11[%min3A_384], %add3A_374 masked %le3A_376 : memref<2064xi32, #tpu.memory_space<vmem>>[vector<16xi32>], vector<16xi32>, vector<16xi1>
        %all_reduce_population_count3A = tpu.all_reduce %le3A_376 {dim = 0 : i64, kind = #tpu.reduction_kind<sum>} : vector<16xi1> -> vector<16xi32>
        %add3A_385 = arith.addi %while3A_372, %all_reduce_population_count3A : vector<16xi32>
        scf.yield %add3A_385 : vector<16xi32>
      }
      %reduce_max3A_89 = arith.constant true
      %reduce_max3A_90 = vector.broadcast %reduce_max3A_89 : i1 to vector<16xi1>
      %reduce_max3A_91 = arith.constant -2147483648 : i32
      %reduce_max3A_92 = vector.broadcast %reduce_max3A_91 : i32 to vector<16xi32>
      %reduce_max3A_93 = arith.xori %while3A_88, %reduce_max3A_92 : vector<16xi32>
      %reduce_max3A_94 = tpu.scan <max>, %reduce_max3A_93 masked %reduce_max3A_90 : vector<16xi32>, vector<16xi1> -> vector<16xi32>
      %reduce_max3A_95 = arith.xori %reduce_max3A_94, %reduce_max3A_92 : vector<16xi32>
      %reduce_max3A_96 = vector.extract %reduce_max3A_95[15] : i32 from vector<16xi32>
      %min3A = arith.constant 2048 : i32
      %min3A_97 = arith.minsi %reduce_max3A_96, %min3A : i32
      %swap3A_98 = arith.index_cast %min3A_97 : i32 to index
      %swap3A_99 = tpu.vector_load %arg10[%swap3A_98] {strides = array<i32>} : memref<2064xf32, #tpu.memory_space<vmem>>, vector<16xf32>,
      tpu.vector_store %arg10[%swap3A_98], %broadcast_in_dim3A_9 {strides = array<i32>} : memref<2064xf32, #tpu.memory_space<vmem>>, vector<16xf32>,
      %add3A_100 = arith.constant 15 : i32
      %add3A_101 = arith.addi %min3A_97, %add3A_100 : i32
      %jit3A = arith.constant 16 : i32
      %div3A = arith.divsi %add3A_101, %jit3A : i32
      %sign3A = arith.constant 0 : i32
      %sign3A_102 = arith.cmpi sgt, %add3A_101, %sign3A : i32
      %sign3A_103 = arith.extui %sign3A_102 : i1 to i32
      %sign3A_104 = arith.constant 0 : i32
      %sign3A_105 = arith.cmpi slt, %add3A_101, %sign3A_104 : i32
      %sign3A_106 = arith.extui %sign3A_105 : i1 to i32
      %sign3A_107 = arith.subi %sign3A_103, %sign3A_106 : i32
      %sign3A_108 = arith.constant 0 : i32
      %sign3A_109 = arith.cmpi sgt, %jit3A, %sign3A_108 : i32
      %sign3A_110 = arith.extui %sign3A_109 : i1 to i32
      %sign3A_111 = arith.constant 0 : i32
      %sign3A_112 = arith.cmpi slt, %jit3A, %sign3A_111 : i32
      %sign3A_113 = arith.extui %sign3A_112 : i1 to i32
      %sign3A_114 = arith.subi %sign3A_110, %sign3A_113 : i32
      %ne3A = arith.cmpi ne, %sign3A_107, %sign3A_114 : i32
      %rem3A = arith.remsi %add3A_101, %jit3A : i32
      %ne3A_115 = arith.constant 0 : i32
      %ne3A_116 = arith.cmpi ne, %rem3A, %ne3A_115 : i32
      %and3A = arith.andi %ne3A, %ne3A_116 : i1
      %sub3A = arith.constant 1 : i32
      %sub3A_117 = arith.subi %div3A, %sub3A : i32
      %select_n3A = arith.select %and3A, %sub3A_117, %div3A : i32
      %add3A_118 = arith.addi %mul3A_2, %add3A_27 : i32
      %jit3A_119 = arith.constant 2048 : i32
      %div3A_120 = arith.divsi %add3A_118, %jit3A_119 : i32
      %sign3A_121 = arith.constant 0 : i32
      %sign3A_122 = arith.cmpi sgt, %add3A_118, %sign3A_121 : i32
      %sign3A_123 = arith.extui %sign3A_122 : i1 to i32
      %sign3A_124 = arith.constant 0 : i32
      %sign3A_125 = arith.cmpi slt, %add3A_118, %sign3A_124 : i32
      %sign3A_126 = arith.extui %sign3A_125 : i1 to i32
      %sign3A_127 = arith.subi %sign3A_123, %sign3A_126 : i32
      %sign3A_128 = arith.constant 0 : i32
      %sign3A_129 = arith.cmpi sgt, %jit3A_119, %sign3A_128 : i32
      %sign3A_130 = arith.extui %sign3A_129 : i1 to i32
      %sign3A_131 = arith.constant 0 : i32
      %sign3A_132 = arith.cmpi slt, %jit3A_119, %sign3A_131 : i32
      %sign3A_133 = arith.extui %sign3A_132 : i1 to i32
      %sign3A_134 = arith.subi %sign3A_130, %sign3A_133 : i32
      %ne3A_135 = arith.cmpi ne, %sign3A_127, %sign3A_134 : i32
      %rem3A_136 = arith.remsi %add3A_118, %jit3A_119 : i32
      %ne3A_137 = arith.constant 0 : i32
      %ne3A_138 = arith.cmpi ne, %rem3A_136, %ne3A_137 : i32
      %and3A_139 = arith.andi %ne3A_135, %ne3A_138 : i1
      %sub3A_140 = arith.constant 1 : i32
      %sub3A_141 = arith.subi %div3A_120, %sub3A_140 : i32
      %select_n3A_142 = arith.select %and3A_139, %sub3A_141, %div3A_120 : i32
      %mul3A_143 = arith.constant 8192 : i32
      %mul3A_144 = arith.muli %select_n3A_142, %mul3A_143 : i32
      %broadcast_in_dim3A_145 = arith.constant 0.000000e+00 : f32
      %broadcast_in_dim3A_146 = vector.broadcast %broadcast_in_dim3A_145 : f32 to vector<16xf32>
      %broadcast_in_dim3A_147 = arith.constant 0 : i32
      %broadcast_in_dim3A_148 = vector.broadcast %broadcast_in_dim3A_147 : i32 to vector<16xi32>
      %le3A = arith.constant 128 : i32
      %le3A_149 = arith.cmpi sle, %min3A_97, %le3A : i32
      %convert_element_type3A_150 = arith.extui %le3A_149 : i1 to i32
      %cond3A_151 = arith.constant 0 : i32
      %cond3A_152 = arith.constant 0 : i32
      %cond3A_153 = arith.cmpi ne, %convert_element_type3A_150, %cond3A_152 : i32
      %cond3A_154:4 = scf.if %cond3A_153 -> (vector<16xf32>, vector<16xf32>, vector<16xi32>, vector<16xi32>) {
        %get3A = arith.constant 0 : index
        %get3A_371 = tpu.vector_load %arg10[%get3A] {strides = array<i32>} : memref<2064xf32, #tpu.memory_space<vmem>>, vector<16xf32>,
        %get3A_372 = arith.constant 16 : index
        %get3A_373 = tpu.vector_load %arg10[%get3A_372] {strides = array<i32>} : memref<2064xf32, #tpu.memory_space<vmem>>, vector<16xf32>,
        %get3A_374 = arith.constant 32 : index
        %get3A_375 = tpu.vector_load %arg10[%get3A_374] {strides = array<i32>} : memref<2064xf32, #tpu.memory_space<vmem>>, vector<16xf32>,
        %get3A_376 = arith.constant 48 : index
        %get3A_377 = tpu.vector_load %arg10[%get3A_376] {strides = array<i32>} : memref<2064xf32, #tpu.memory_space<vmem>>, vector<16xf32>,
        %get3A_378 = arith.constant 64 : index
        %get3A_379 = tpu.vector_load %arg10[%get3A_378] {strides = array<i32>} : memref<2064xf32, #tpu.memory_space<vmem>>, vector<16xf32>,
        %get3A_380 = arith.constant 80 : index
        %get3A_381 = tpu.vector_load %arg10[%get3A_380] {strides = array<i32>} : memref<2064xf32, #tpu.memory_space<vmem>>, vector<16xf32>,
        %get3A_382 = arith.constant 96 : index
        %get3A_383 = tpu.vector_load %arg10[%get3A_382] {strides = array<i32>} : memref<2064xf32, #tpu.memory_space<vmem>>, vector<16xf32>,
        %get3A_384 = arith.constant 112 : index
        %get3A_385 = tpu.vector_load %arg10[%get3A_384] {strides = array<i32>} : memref<2064xf32, #tpu.memory_space<vmem>>, vector<16xf32>,
        %get3A_386 = arith.constant 0 : index
        %get3A_387 = tpu.vector_load %arg11[%get3A_386] {strides = array<i32>} : memref<2064xi32, #tpu.memory_space<vmem>>, vector<16xi32>,
        %get3A_388 = arith.constant 16 : index
        %get3A_389 = tpu.vector_load %arg11[%get3A_388] {strides = array<i32>} : memref<2064xi32, #tpu.memory_space<vmem>>, vector<16xi32>,
        %get3A_390 = arith.constant 32 : index
        %get3A_391 = tpu.vector_load %arg11[%get3A_390] {strides = array<i32>} : memref<2064xi32, #tpu.memory_space<vmem>>, vector<16xi32>,
        %get3A_392 = arith.constant 48 : index
        %get3A_393 = tpu.vector_load %arg11[%get3A_392] {strides = array<i32>} : memref<2064xi32, #tpu.memory_space<vmem>>, vector<16xi32>,
        %get3A_394 = arith.constant 64 : index
        %get3A_395 = tpu.vector_load %arg11[%get3A_394] {strides = array<i32>} : memref<2064xi32, #tpu.memory_space<vmem>>, vector<16xi32>,
        %get3A_396 = arith.constant 80 : index
        %get3A_397 = tpu.vector_load %arg11[%get3A_396] {strides = array<i32>} : memref<2064xi32, #tpu.memory_space<vmem>>, vector<16xi32>,
        %get3A_398 = arith.constant 96 : index
        %get3A_399 = tpu.vector_load %arg11[%get3A_398] {strides = array<i32>} : memref<2064xi32, #tpu.memory_space<vmem>>, vector<16xi32>,
        %get3A_400 = arith.constant 112 : index
        %get3A_401 = tpu.vector_load %arg11[%get3A_400] {strides = array<i32>} : memref<2064xi32, #tpu.memory_space<vmem>>, vector<16xi32>,
        %scan3A_402 = arith.constant 0 : i32
        %scan3A_403 = arith.constant 32 : i32
        %scan3A_404 = arith.addi %scan3A_402, %scan3A_403 : i32
        %scan3A_405 = arith.constant 1 : i32
        %scan3A_406:12 = scf.for %scan3A_408 = %scan3A_402 to %scan3A_404 step %scan3A_405 iter_args(%scan3A_409 = %broadcast_in_dim3A_146, %scan3A_410 = %broadcast_in_dim3A_146, %scan3A_411 = %broadcast_in_dim3A_148, %scan3A_412 = %broadcast_in_dim3A_148, %scan3A_413 = %get3A_371, %scan3A_414 = %get3A_373, %scan3A_415 = %get3A_375, %scan3A_416 = %get3A_377, %scan3A_417 = %get3A_379, %scan3A_418 = %get3A_381, %scan3A_419 = %get3A_383, %scan3A_420 = %get3A_385) -> (vector<16xf32>, vector<16xf32>, vector<16xi32>, vector<16xi32>, vector<16xf32>, vector<16xf32>, vector<16xf32>, vector<16xf32>, vector<16xf32>, vector<16xf32>, vector<16xf32>, vector<16xf32>)  : i32 {
          %lt3A_421 = arith.cmpf olt, %scan3A_414, %scan3A_413 : vector<16xf32>
          %eq3A = arith.cmpf oeq, %scan3A_414, %scan3A_413 : vector<16xf32>
          %lt3A_422 = arith.cmpi slt, %get3A_389, %get3A_387 : vector<16xi32>
          %and3A_423 = arith.andi %eq3A, %lt3A_422 : vector<16xi1>
          %or3A = arith.ori %lt3A_421, %and3A_423 : vector<16xi1>
          %select_n3A_424 = arith.select %or3A, %scan3A_414, %scan3A_413 : vector<16xi1>, vector<16xf32>
          %select_n3A_425 = arith.select %or3A, %get3A_389, %get3A_387 : vector<16xi1>, vector<16xi32>
          %lt3A_426 = arith.cmpf olt, %scan3A_415, %select_n3A_424 : vector<16xf32>
          %eq3A_427 = arith.cmpf oeq, %scan3A_415, %select_n3A_424 : vector<16xf32>
          %lt3A_428 = arith.cmpi slt, %get3A_391, %select_n3A_425 : vector<16xi32>
          %and3A_429 = arith.andi %eq3A_427, %lt3A_428 : vector<16xi1>
          %or3A_430 = arith.ori %lt3A_426, %and3A_429 : vector<16xi1>
          %select_n3A_431 = arith.select %or3A_430, %scan3A_415, %select_n3A_424 : vector<16xi1>, vector<16xf32>
          %select_n3A_432 = arith.select %or3A_430, %get3A_391, %select_n3A_425 : vector<16xi1>, vector<16xi32>
          %lt3A_433 = arith.cmpf olt, %scan3A_416, %select_n3A_431 : vector<16xf32>
          %eq3A_434 = arith.cmpf oeq, %scan3A_416, %select_n3A_431 : vector<16xf32>
          %lt3A_435 = arith.cmpi slt, %get3A_393, %select_n3A_432 : vector<16xi32>
          %and3A_436 = arith.andi %eq3A_434, %lt3A_435 : vector<16xi1>
          %or3A_437 = arith.ori %lt3A_433, %and3A_436 : vector<16xi1>
          %select_n3A_438 = arith.select %or3A_437, %scan3A_416, %select_n3A_431 : vector<16xi1>, vector<16xf32>
          %select_n3A_439 = arith.select %or3A_437, %get3A_393, %select_n3A_432 : vector<16xi1>, vector<16xi32>
          %lt3A_440 = arith.cmpf olt, %scan3A_417, %select_n3A_438 : vector<16xf32>
          %eq3A_441 = arith.cmpf oeq, %scan3A_417, %select_n3A_438 : vector<16xf32>
          %lt3A_442 = arith.cmpi slt, %get3A_395, %select_n3A_439 : vector<16xi32>
          %and3A_443 = arith.andi %eq3A_441, %lt3A_442 : vector<16xi1>
          %or3A_444 = arith.ori %lt3A_440, %and3A_443 : vector<16xi1>
          %select_n3A_445 = arith.select %or3A_444, %scan3A_417, %select_n3A_438 : vector<16xi1>, vector<16xf32>
          %select_n3A_446 = arith.select %or3A_444, %get3A_395, %select_n3A_439 : vector<16xi1>, vector<16xi32>
          %lt3A_447 = arith.cmpf olt, %scan3A_418, %select_n3A_445 : vector<16xf32>
          %eq3A_448 = arith.cmpf oeq, %scan3A_418, %select_n3A_445 : vector<16xf32>
          %lt3A_449 = arith.cmpi slt, %get3A_397, %select_n3A_446 : vector<16xi32>
          %and3A_450 = arith.andi %eq3A_448, %lt3A_449 : vector<16xi1>
          %or3A_451 = arith.ori %lt3A_447, %and3A_450 : vector<16xi1>
          %select_n3A_452 = arith.select %or3A_451, %scan3A_418, %select_n3A_445 : vector<16xi1>, vector<16xf32>
          %select_n3A_453 = arith.select %or3A_451, %get3A_397, %select_n3A_446 : vector<16xi1>, vector<16xi32>
          %lt3A_454 = arith.cmpf olt, %scan3A_419, %select_n3A_452 : vector<16xf32>
          %eq3A_455 = arith.cmpf oeq, %scan3A_419, %select_n3A_452 : vector<16xf32>
          %lt3A_456 = arith.cmpi slt, %get3A_399, %select_n3A_453 : vector<16xi32>
          %and3A_457 = arith.andi %eq3A_455, %lt3A_456 : vector<16xi1>
          %or3A_458 = arith.ori %lt3A_454, %and3A_457 : vector<16xi1>
          %select_n3A_459 = arith.select %or3A_458, %scan3A_419, %select_n3A_452 : vector<16xi1>, vector<16xf32>
          %select_n3A_460 = arith.select %or3A_458, %get3A_399, %select_n3A_453 : vector<16xi1>, vector<16xi32>
          %lt3A_461 = arith.cmpf olt, %scan3A_420, %select_n3A_459 : vector<16xf32>
          %eq3A_462 = arith.cmpf oeq, %scan3A_420, %select_n3A_459 : vector<16xf32>
          %lt3A_463 = arith.cmpi slt, %get3A_401, %select_n3A_460 : vector<16xi32>
          %and3A_464 = arith.andi %eq3A_462, %lt3A_463 : vector<16xi1>
          %or3A_465 = arith.ori %lt3A_461, %and3A_464 : vector<16xi1>
          %select_n3A_466 = arith.select %or3A_465, %scan3A_420, %select_n3A_459 : vector<16xi1>, vector<16xf32>
          %select_n3A_467 = arith.select %or3A_465, %get3A_401, %select_n3A_460 : vector<16xi1>, vector<16xi32>
          %reduce_min3A = arith.constant true
          %reduce_min3A_468 = vector.broadcast %reduce_min3A : i1 to vector<16xi1>
          %reduce_min3A_469 = tpu.scan <min>, %select_n3A_466 masked %reduce_min3A_468 : vector<16xf32>, vector<16xi1> -> vector<16xf32>
          %reduce_min3A_470 = vector.extract %reduce_min3A_469[15] : f32 from vector<16xf32>
          %broadcast_in_dim3A_471 = vector.broadcast %reduce_min3A_470 : f32 to vector<16xf32>
          %eq3A_472 = arith.cmpf oeq, %select_n3A_466, %broadcast_in_dim3A_471 : vector<16xf32>
          %select_n3A_473 = arith.select %eq3A_472, %select_n3A_467, %broadcast_in_dim3A_11 : vector<16xi1>, vector<16xi32>
          %reduce_min3A_474 = arith.constant true
          %reduce_min3A_475 = vector.broadcast %reduce_min3A_474 : i1 to vector<16xi1>
          %reduce_min3A_476 = arith.constant -2147483648 : i32
          %reduce_min3A_477 = vector.broadcast %reduce_min3A_476 : i32 to vector<16xi32>
          %reduce_min3A_478 = arith.xori %select_n3A_473, %reduce_min3A_477 : vector<16xi32>
          %reduce_min3A_479 = tpu.scan <min>, %reduce_min3A_478 masked %reduce_min3A_475 : vector<16xi32>, vector<16xi1> -> vector<16xi32>
          %reduce_min3A_480 = arith.xori %reduce_min3A_479, %reduce_min3A_477 : vector<16xi32>
          %reduce_min3A_481 = vector.extract %reduce_min3A_480[15] : i32 from vector<16xi32>
          %broadcast_in_dim3A_482 = vector.broadcast %reduce_min3A_481 : i32 to vector<16xi32>
          %eq3A_483 = arith.cmpi eq, %get3A_387, %broadcast_in_dim3A_482 : vector<16xi32>
          %jit3A_484 = arith.constant 0x7F800000 : f32
          %broadcast_in_dim3A_485 = vector.broadcast %jit3A_484 : f32 to vector<16xf32>
          %select_n3A_486 = arith.select %eq3A_483, %broadcast_in_dim3A_485, %scan3A_413 : vector<16xi1>, vector<16xf32>
          %eq3A_487 = arith.cmpi eq, %get3A_389, %broadcast_in_dim3A_482 : vector<16xi32>
          %jit3A_488 = arith.constant 0x7F800000 : f32
          %broadcast_in_dim3A_489 = vector.broadcast %jit3A_488 : f32 to vector<16xf32>
          %select_n3A_490 = arith.select %eq3A_487, %broadcast_in_dim3A_489, %scan3A_414 : vector<16xi1>, vector<16xf32>
          %eq3A_491 = arith.cmpi eq, %get3A_391, %broadcast_in_dim3A_482 : vector<16xi32>
          %jit3A_492 = arith.constant 0x7F800000 : f32
          %broadcast_in_dim3A_493 = vector.broadcast %jit3A_492 : f32 to vector<16xf32>
          %select_n3A_494 = arith.select %eq3A_491, %broadcast_in_dim3A_493, %scan3A_415 : vector<16xi1>, vector<16xf32>
          %eq3A_495 = arith.cmpi eq, %get3A_393, %broadcast_in_dim3A_482 : vector<16xi32>
          %jit3A_496 = arith.constant 0x7F800000 : f32
          %broadcast_in_dim3A_497 = vector.broadcast %jit3A_496 : f32 to vector<16xf32>
          %select_n3A_498 = arith.select %eq3A_495, %broadcast_in_dim3A_497, %scan3A_416 : vector<16xi1>, vector<16xf32>
          %eq3A_499 = arith.cmpi eq, %get3A_395, %broadcast_in_dim3A_482 : vector<16xi32>
          %jit3A_500 = arith.constant 0x7F800000 : f32
          %broadcast_in_dim3A_501 = vector.broadcast %jit3A_500 : f32 to vector<16xf32>
          %select_n3A_502 = arith.select %eq3A_499, %broadcast_in_dim3A_501, %scan3A_417 : vector<16xi1>, vector<16xf32>
          %eq3A_503 = arith.cmpi eq, %get3A_397, %broadcast_in_dim3A_482 : vector<16xi32>
          %jit3A_504 = arith.constant 0x7F800000 : f32
          %broadcast_in_dim3A_505 = vector.broadcast %jit3A_504 : f32 to vector<16xf32>
          %select_n3A_506 = arith.select %eq3A_503, %broadcast_in_dim3A_505, %scan3A_418 : vector<16xi1>, vector<16xf32>
          %eq3A_507 = arith.cmpi eq, %get3A_399, %broadcast_in_dim3A_482 : vector<16xi32>
          %jit3A_508 = arith.constant 0x7F800000 : f32
          %broadcast_in_dim3A_509 = vector.broadcast %jit3A_508 : f32 to vector<16xf32>
          %select_n3A_510 = arith.select %eq3A_507, %broadcast_in_dim3A_509, %scan3A_419 : vector<16xi1>, vector<16xf32>
          %eq3A_511 = arith.cmpi eq, %get3A_401, %broadcast_in_dim3A_482 : vector<16xi32>
          %jit3A_512 = arith.constant 0x7F800000 : f32
          %broadcast_in_dim3A_513 = vector.broadcast %jit3A_512 : f32 to vector<16xf32>
          %select_n3A_514 = arith.select %eq3A_511, %broadcast_in_dim3A_513, %scan3A_420 : vector<16xi1>, vector<16xf32>
          %jit3A_515 = arith.constant 16 : i32
          %eq3A_516 = arith.constant 0 : i32
          %eq3A_517 = arith.cmpi eq, %jit3A_515, %eq3A_516 : i32
          %jit3A_518 = arith.constant 1 : i32
          %select_n3A_519 = arith.select %eq3A_517, %jit3A_518, %jit3A_515 : i32
          %rem3A_520 = arith.remsi %scan3A_408, %select_n3A_519 : i32
          %ne3A_521 = arith.constant 0 : i32
          %ne3A_522 = arith.cmpi ne, %rem3A_520, %ne3A_521 : i32
          %lt3A_523 = arith.constant 0 : i32
          %lt3A_524 = arith.cmpi slt, %rem3A_520, %lt3A_523 : i32
          %lt3A_525 = arith.constant 0 : i32
          %lt3A_526 = arith.cmpi slt, %select_n3A_519, %lt3A_525 : i32
          %ne3A_527 = arith.xori %lt3A_524, %lt3A_526 : i1
          %and3A_528 = arith.andi %ne3A_527, %ne3A_522 : i1
          %add3A_529 = arith.addi %rem3A_520, %select_n3A_519 : i32
          %select_n3A_530 = arith.select %and3A_528, %add3A_529, %rem3A_520 : i32
          %eq3A_531 = vector.broadcast %select_n3A_530 : i32 to vector<16xi32>
          %eq3A_532 = arith.cmpi eq, %iota3A, %eq3A_531 : vector<16xi32>
          %jit3A_533 = arith.constant 16 : i32
          %div3A_534 = arith.divsi %scan3A_408, %jit3A_533 : i32
          %sign3A_535 = arith.constant 0 : i32
          %sign3A_536 = arith.cmpi sgt, %scan3A_408, %sign3A_535 : i32
          %sign3A_537 = arith.extui %sign3A_536 : i1 to i32
          %sign3A_538 = arith.constant 0 : i32
          %sign3A_539 = arith.cmpi slt, %scan3A_408, %sign3A_538 : i32
          %sign3A_540 = arith.extui %sign3A_539 : i1 to i32
          %sign3A_541 = arith.subi %sign3A_537, %sign3A_540 : i32
          %sign3A_542 = arith.constant 0 : i32
          %sign3A_543 = arith.cmpi sgt, %jit3A_533, %sign3A_542 : i32
          %sign3A_544 = arith.extui %sign3A_543 : i1 to i32
          %sign3A_545 = arith.constant 0 : i32
          %sign3A_546 = arith.cmpi slt, %jit3A_533, %sign3A_545 : i32
          %sign3A_547 = arith.extui %sign3A_546 : i1 to i32
          %sign3A_548 = arith.subi %sign3A_544, %sign3A_547 : i32
          %ne3A_549 = arith.cmpi ne, %sign3A_541, %sign3A_548 : i32
          %rem3A_550 = arith.remsi %scan3A_408, %jit3A_533 : i32
          %ne3A_551 = arith.constant 0 : i32
          %ne3A_552 = arith.cmpi ne, %rem3A_550, %ne3A_551 : i32
          %and3A_553 = arith.andi %ne3A_549, %ne3A_552 : i1
          %sub3A_554 = arith.constant 1 : i32
          %sub3A_555 = arith.subi %div3A_534, %sub3A_554 : i32
          %select_n3A_556 = arith.select %and3A_553, %sub3A_555, %div3A_534 : i32
          %eq3A_557 = arith.constant 0 : i32
          %eq3A_558 = arith.cmpi eq, %select_n3A_556, %eq3A_557 : i32
          %and3A_559 = vector.broadcast %eq3A_558 : i1 to vector<16xi1>
          %and3A_560 = arith.andi %eq3A_532, %and3A_559 : vector<16xi1>
          %broadcast_in_dim3A_561 = vector.broadcast %reduce_min3A_470 : f32 to vector<16xf32>
          %select_n3A_562 = arith.select %and3A_560, %broadcast_in_dim3A_561, %scan3A_409 : vector<16xi1>, vector<16xf32>
          %eq3A_563 = arith.constant 1 : i32
          %eq3A_564 = arith.cmpi eq, %select_n3A_556, %eq3A_563 : i32
          %and3A_565 = vector.broadcast %eq3A_564 : i1 to vector<16xi1>
          %and3A_566 = arith.andi %eq3A_532, %and3A_565 : vector<16xi1>
          %broadcast_in_dim3A_567 = vector.broadcast %reduce_min3A_470 : f32 to vector<16xf32>
          %select_n3A_568 = arith.select %and3A_566, %broadcast_in_dim3A_567, %scan3A_410 : vector<16xi1>, vector<16xf32>
          %eq3A_569 = arith.constant 0 : i32
          %eq3A_570 = arith.cmpi eq, %select_n3A_556, %eq3A_569 : i32
          %and3A_571 = vector.broadcast %eq3A_570 : i1 to vector<16xi1>
          %and3A_572 = arith.andi %eq3A_532, %and3A_571 : vector<16xi1>
          %broadcast_in_dim3A_573 = vector.broadcast %reduce_min3A_481 : i32 to vector<16xi32>
          %select_n3A_574 = arith.select %and3A_572, %broadcast_in_dim3A_573, %scan3A_411 : vector<16xi1>, vector<16xi32>
          %eq3A_575 = arith.constant 1 : i32
          %eq3A_576 = arith.cmpi eq, %select_n3A_556, %eq3A_575 : i32
          %and3A_577 = vector.broadcast %eq3A_576 : i1 to vector<16xi1>
          %and3A_578 = arith.andi %eq3A_532, %and3A_577 : vector<16xi1>
          %broadcast_in_dim3A_579 = vector.broadcast %reduce_min3A_481 : i32 to vector<16xi32>
          %select_n3A_580 = arith.select %and3A_578, %broadcast_in_dim3A_579, %scan3A_412 : vector<16xi1>, vector<16xi32>
          scf.yield %select_n3A_562, %select_n3A_568, %select_n3A_574, %select_n3A_580, %select_n3A_486, %select_n3A_490, %select_n3A_494, %select_n3A_498, %select_n3A_502, %select_n3A_506, %select_n3A_510, %select_n3A_514 : vector<16xf32>, vector<16xf32>, vector<16xi32>, vector<16xi32>, vector<16xf32>, vector<16xf32>, vector<16xf32>, vector<16xf32>, vector<16xf32>, vector<16xf32>, vector<16xf32>, vector<16xf32>
        }
        %scan3A_407 = arith.constant 32 : i32
        scf.yield %scan3A_406#0, %scan3A_406#1, %scan3A_406#2, %scan3A_406#3 : vector<16xf32>, vector<16xf32>, vector<16xi32>, vector<16xi32>
      } else {
        %scan3A_371 = arith.constant 0 : i32
        %scan3A_372 = arith.constant 32 : i32
        %scan3A_373 = arith.addi %scan3A_371, %scan3A_372 : i32
        %scan3A_374 = arith.constant 1 : i32
        %scan3A_375:4 = scf.for %scan3A_377 = %scan3A_371 to %scan3A_373 step %scan3A_374 iter_args(%scan3A_378 = %broadcast_in_dim3A_146, %scan3A_379 = %broadcast_in_dim3A_146, %scan3A_380 = %broadcast_in_dim3A_148, %scan3A_381 = %broadcast_in_dim3A_148) -> (vector<16xf32>, vector<16xf32>, vector<16xi32>, vector<16xi32>)  : i32 {
          %while3A_382 = arith.constant 0 : i32
          %while3A_383 = arith.subi %select_n3A, %while3A_382 : i32
          %while3A_384 = arith.addi %while3A_382, %while3A_383 : i32
          %while3A_385 = arith.constant 1 : i32
          %while3A_386 = arith.divsi %while3A_383, %while3A_385 : i32
          %while3A_387 = arith.muli %while3A_386, %while3A_385 : i32
          %while3A_388 = arith.addi %while3A_382, %while3A_387 : i32
          %while3A_389 = arith.constant 1 : i32
          %while3A_390:2 = scf.for %while3A_483 = %while3A_382 to %while3A_388 step %while3A_389 iter_args(%while3A_484 = %broadcast_in_dim3A_9, %while3A_485 = %broadcast_in_dim3A_11) -> (vector<16xf32>, vector<16xi32>)  : i32 {
            %mul3A_486 = arith.constant 16 : i32
            %mul3A_487 = arith.muli %while3A_483, %mul3A_486 : i32
            %get3A = arith.index_cast %mul3A_487 : i32 to index
            %get3A_488 = tpu.vector_load %arg10[%get3A] {strides = array<i32>} : memref<2064xf32, #tpu.memory_space<vmem>>, vector<16xf32>,
            %mul3A_489 = arith.constant 16 : i32
            %mul3A_490 = arith.muli %while3A_483, %mul3A_489 : i32
            %get3A_491 = arith.index_cast %mul3A_490 : i32 to index
            %get3A_492 = tpu.vector_load %arg11[%get3A_491] {strides = array<i32>} : memref<2064xi32, #tpu.memory_space<vmem>>, vector<16xi32>,
            %lt3A_493 = arith.cmpf olt, %get3A_488, %while3A_484 : vector<16xf32>
            %eq3A_494 = arith.cmpf oeq, %get3A_488, %while3A_484 : vector<16xf32>
            %lt3A_495 = arith.cmpi slt, %get3A_492, %while3A_485 : vector<16xi32>
            %and3A_496 = arith.andi %eq3A_494, %lt3A_495 : vector<16xi1>
            %or3A = arith.ori %lt3A_493, %and3A_496 : vector<16xi1>
            %select_n3A_497 = arith.select %or3A, %get3A_488, %while3A_484 : vector<16xi1>, vector<16xf32>
            %select_n3A_498 = arith.select %or3A, %get3A_492, %while3A_485 : vector<16xi1>, vector<16xi32>
            scf.yield %select_n3A_497, %select_n3A_498 : vector<16xf32>, vector<16xi32>
          }
          %while3A_391 = arith.constant 1 : i32
          %while3A_392:2 = scf.for %while3A_483 = %while3A_388 to %while3A_384 step %while3A_391 iter_args(%while3A_484 = %while3A_390#0, %while3A_485 = %while3A_390#1) -> (vector<16xf32>, vector<16xi32>)  : i32 {
            %mul3A_486 = arith.constant 16 : i32
            %mul3A_487 = arith.muli %while3A_483, %mul3A_486 : i32
            %get3A = arith.index_cast %mul3A_487 : i32 to index
            %get3A_488 = tpu.vector_load %arg10[%get3A] {strides = array<i32>} : memref<2064xf32, #tpu.memory_space<vmem>>, vector<16xf32>,
            %mul3A_489 = arith.constant 16 : i32
            %mul3A_490 = arith.muli %while3A_483, %mul3A_489 : i32
            %get3A_491 = arith.index_cast %mul3A_490 : i32 to index
            %get3A_492 = tpu.vector_load %arg11[%get3A_491] {strides = array<i32>} : memref<2064xi32, #tpu.memory_space<vmem>>, vector<16xi32>,
            %lt3A_493 = arith.cmpf olt, %get3A_488, %while3A_484 : vector<16xf32>
            %eq3A_494 = arith.cmpf oeq, %get3A_488, %while3A_484 : vector<16xf32>
            %lt3A_495 = arith.cmpi slt, %get3A_492, %while3A_485 : vector<16xi32>
            %and3A_496 = arith.andi %eq3A_494, %lt3A_495 : vector<16xi1>
            %or3A = arith.ori %lt3A_493, %and3A_496 : vector<16xi1>
            %select_n3A_497 = arith.select %or3A, %get3A_488, %while3A_484 : vector<16xi1>, vector<16xf32>
            %select_n3A_498 = arith.select %or3A, %get3A_492, %while3A_485 : vector<16xi1>, vector<16xi32>
            scf.yield %select_n3A_497, %select_n3A_498 : vector<16xf32>, vector<16xi32>
          }
          %reduce_min3A = arith.constant true
          %reduce_min3A_393 = vector.broadcast %reduce_min3A : i1 to vector<16xi1>
          %reduce_min3A_394 = tpu.scan <min>, %while3A_392#0 masked %reduce_min3A_393 : vector<16xf32>, vector<16xi1> -> vector<16xf32>
          %reduce_min3A_395 = vector.extract %reduce_min3A_394[15] : f32 from vector<16xf32>
          %broadcast_in_dim3A_396 = vector.broadcast %reduce_min3A_395 : f32 to vector<16xf32>
          %eq3A = arith.cmpf oeq, %while3A_392#0, %broadcast_in_dim3A_396 : vector<16xf32>
          %select_n3A_397 = arith.select %eq3A, %while3A_392#1, %broadcast_in_dim3A_11 : vector<16xi1>, vector<16xi32>
          %reduce_min3A_398 = arith.constant true
          %reduce_min3A_399 = vector.broadcast %reduce_min3A_398 : i1 to vector<16xi1>
          %reduce_min3A_400 = arith.constant -2147483648 : i32
          %reduce_min3A_401 = vector.broadcast %reduce_min3A_400 : i32 to vector<16xi32>
          %reduce_min3A_402 = arith.xori %select_n3A_397, %reduce_min3A_401 : vector<16xi32>
          %reduce_min3A_403 = tpu.scan <min>, %reduce_min3A_402 masked %reduce_min3A_399 : vector<16xi32>, vector<16xi1> -> vector<16xi32>
          %reduce_min3A_404 = arith.xori %reduce_min3A_403, %reduce_min3A_401 : vector<16xi32>
          %reduce_min3A_405 = vector.extract %reduce_min3A_404[15] : i32 from vector<16xi32>
          %broadcast_in_dim3A_406 = vector.broadcast %reduce_min3A_405 : i32 to vector<16xi32>
          %while3A_407 = arith.constant 0 : i32
          %while3A_408 = arith.constant 0 : i32
          %while3A_409 = arith.subi %select_n3A, %while3A_408 : i32
          %while3A_410 = arith.addi %while3A_408, %while3A_409 : i32
          %while3A_411 = arith.constant 1 : i32
          %while3A_412 = arith.divsi %while3A_409, %while3A_411 : i32
          %while3A_413 = arith.muli %while3A_412, %while3A_411 : i32
          %while3A_414 = arith.addi %while3A_408, %while3A_413 : i32
          %while3A_415 = arith.constant 1 : i32
          scf.for %while3A_483 = %while3A_408 to %while3A_414 step %while3A_415  : i32 {
            %mul3A_484 = arith.constant 16 : i32
            %mul3A_485 = arith.muli %while3A_483, %mul3A_484 : i32
            %get3A = arith.index_cast %mul3A_485 : i32 to index
            %get3A_486 = tpu.vector_load %arg10[%get3A] {strides = array<i32>} : memref<2064xf32, #tpu.memory_space<vmem>>, vector<16xf32>,
            %mul3A_487 = arith.constant 16 : i32
            %mul3A_488 = arith.muli %while3A_483, %mul3A_487 : i32
            %get3A_489 = arith.index_cast %mul3A_488 : i32 to index
            %get3A_490 = tpu.vector_load %arg11[%get3A_489] {strides = array<i32>} : memref<2064xi32, #tpu.memory_space<vmem>>, vector<16xi32>,
            %eq3A_491 = arith.cmpi eq, %get3A_490, %broadcast_in_dim3A_406 : vector<16xi32>
            %jit3A_492 = arith.constant 0x7F800000 : f32
            %broadcast_in_dim3A_493 = vector.broadcast %jit3A_492 : f32 to vector<16xf32>
            %select_n3A_494 = arith.select %eq3A_491, %broadcast_in_dim3A_493, %get3A_486 : vector<16xi1>, vector<16xf32>
            %mul3A_495 = arith.constant 16 : i32
            %mul3A_496 = arith.muli %while3A_483, %mul3A_495 : i32
            %swap3A_497 = arith.index_cast %mul3A_496 : i32 to index
            %swap3A_498 = tpu.vector_load %arg10[%swap3A_497] {strides = array<i32>} : memref<2064xf32, #tpu.memory_space<vmem>>, vector<16xf32>,
            tpu.vector_store %arg10[%swap3A_497], %select_n3A_494 {strides = array<i32>} : memref<2064xf32, #tpu.memory_space<vmem>>, vector<16xf32>,
          }
          %while3A_416 = arith.constant 1 : i32
          scf.for %while3A_483 = %while3A_414 to %while3A_410 step %while3A_416  : i32 {
            %mul3A_484 = arith.constant 16 : i32
            %mul3A_485 = arith.muli %while3A_483, %mul3A_484 : i32
            %get3A = arith.index_cast %mul3A_485 : i32 to index
            %get3A_486 = tpu.vector_load %arg10[%get3A] {strides = array<i32>} : memref<2064xf32, #tpu.memory_space<vmem>>, vector<16xf32>,
            %mul3A_487 = arith.constant 16 : i32
            %mul3A_488 = arith.muli %while3A_483, %mul3A_487 : i32
            %get3A_489 = arith.index_cast %mul3A_488 : i32 to index
            %get3A_490 = tpu.vector_load %arg11[%get3A_489] {strides = array<i32>} : memref<2064xi32, #tpu.memory_space<vmem>>, vector<16xi32>,
            %eq3A_491 = arith.cmpi eq, %get3A_490, %broadcast_in_dim3A_406 : vector<16xi32>
            %jit3A_492 = arith.constant 0x7F800000 : f32
            %broadcast_in_dim3A_493 = vector.broadcast %jit3A_492 : f32 to vector<16xf32>
            %select_n3A_494 = arith.select %eq3A_491, %broadcast_in_dim3A_493, %get3A_486 : vector<16xi1>, vector<16xf32>
            %mul3A_495 = arith.constant 16 : i32
            %mul3A_496 = arith.muli %while3A_483, %mul3A_495 : i32
            %swap3A_497 = arith.index_cast %mul3A_496 : i32 to index
            %swap3A_498 = tpu.vector_load %arg10[%swap3A_497] {strides = array<i32>} : memref<2064xf32, #tpu.memory_space<vmem>>, vector<16xf32>,
            tpu.vector_store %arg10[%swap3A_497], %select_n3A_494 {strides = array<i32>} : memref<2064xf32, #tpu.memory_space<vmem>>, vector<16xf32>,
          }
          %jit3A_417 = arith.constant 16 : i32
          %eq3A_418 = arith.constant 0 : i32
          %eq3A_419 = arith.cmpi eq, %jit3A_417, %eq3A_418 : i32
          %jit3A_420 = arith.constant 1 : i32
          %select_n3A_421 = arith.select %eq3A_419, %jit3A_420, %jit3A_417 : i32
          %rem3A_422 = arith.remsi %scan3A_377, %select_n3A_421 : i32
          %ne3A_423 = arith.constant 0 : i32
          %ne3A_424 = arith.cmpi ne, %rem3A_422, %ne3A_423 : i32
          %lt3A_425 = arith.constant 0 : i32
          %lt3A_426 = arith.cmpi slt, %rem3A_422, %lt3A_425 : i32
          %lt3A_427 = arith.constant 0 : i32
          %lt3A_428 = arith.cmpi slt, %select_n3A_421, %lt3A_427 : i32
          %ne3A_429 = arith.xori %lt3A_426, %lt3A_428 : i1
          %and3A_430 = arith.andi %ne3A_429, %ne3A_424 : i1
          %add3A_431 = arith.addi %rem3A_422, %select_n3A_421 : i32
          %select_n3A_432 = arith.select %and3A_430, %add3A_431, %rem3A_422 : i32
          %eq3A_433 = vector.broadcast %select_n3A_432 : i32 to vector<16xi32>
          %eq3A_434 = arith.cmpi eq, %iota3A, %eq3A_433 : vector<16xi32>
          %jit3A_435 = arith.constant 16 : i32
          %div3A_436 = arith.divsi %scan3A_377, %jit3A_435 : i32
          %sign3A_437 = arith.constant 0 : i32
          %sign3A_438 = arith.cmpi sgt, %scan3A_377, %sign3A_437 : i32
          %sign3A_439 = arith.extui %sign3A_438 : i1 to i32
          %sign3A_440 = arith.constant 0 : i32
          %sign3A_441 = arith.cmpi slt, %scan3A_377, %sign3A_440 : i32
          %sign3A_442 = arith.extui %sign3A_441 : i1 to i32
          %sign3A_443 = arith.subi %sign3A_439, %sign3A_442 : i32
          %sign3A_444 = arith.constant 0 : i32
          %sign3A_445 = arith.cmpi sgt, %jit3A_435, %sign3A_444 : i32
          %sign3A_446 = arith.extui %sign3A_445 : i1 to i32
          %sign3A_447 = arith.constant 0 : i32
          %sign3A_448 = arith.cmpi slt, %jit3A_435, %sign3A_447 : i32
          %sign3A_449 = arith.extui %sign3A_448 : i1 to i32
          %sign3A_450 = arith.subi %sign3A_446, %sign3A_449 : i32
          %ne3A_451 = arith.cmpi ne, %sign3A_443, %sign3A_450 : i32
          %rem3A_452 = arith.remsi %scan3A_377, %jit3A_435 : i32
          %ne3A_453 = arith.constant 0 : i32
          %ne3A_454 = arith.cmpi ne, %rem3A_452, %ne3A_453 : i32
          %and3A_455 = arith.andi %ne3A_451, %ne3A_454 : i1
          %sub3A_456 = arith.constant 1 : i32
          %sub3A_457 = arith.subi %div3A_436, %sub3A_456 : i32
          %select_n3A_458 = arith.select %and3A_455, %sub3A_457, %div3A_436 : i32
          %eq3A_459 = arith.constant 0 : i32
          %eq3A_460 = arith.cmpi eq, %select_n3A_458, %eq3A_459 : i32
          %and3A_461 = vector.broadcast %eq3A_460 : i1 to vector<16xi1>
          %and3A_462 = arith.andi %eq3A_434, %and3A_461 : vector<16xi1>
          %broadcast_in_dim3A_463 = vector.broadcast %reduce_min3A_395 : f32 to vector<16xf32>
          %select_n3A_464 = arith.select %and3A_462, %broadcast_in_dim3A_463, %scan3A_378 : vector<16xi1>, vector<16xf32>
          %eq3A_465 = arith.constant 1 : i32
          %eq3A_466 = arith.cmpi eq, %select_n3A_458, %eq3A_465 : i32
          %and3A_467 = vector.broadcast %eq3A_466 : i1 to vector<16xi1>
          %and3A_468 = arith.andi %eq3A_434, %and3A_467 : vector<16xi1>
          %broadcast_in_dim3A_469 = vector.broadcast %reduce_min3A_395 : f32 to vector<16xf32>
          %select_n3A_470 = arith.select %and3A_468, %broadcast_in_dim3A_469, %scan3A_379 : vector<16xi1>, vector<16xf32>
          %eq3A_471 = arith.constant 0 : i32
          %eq3A_472 = arith.cmpi eq, %select_n3A_458, %eq3A_471 : i32
          %and3A_473 = vector.broadcast %eq3A_472 : i1 to vector<16xi1>
          %and3A_474 = arith.andi %eq3A_434, %and3A_473 : vector<16xi1>
          %broadcast_in_dim3A_475 = vector.broadcast %reduce_min3A_405 : i32 to vector<16xi32>
          %select_n3A_476 = arith.select %and3A_474, %broadcast_in_dim3A_475, %scan3A_380 : vector<16xi1>, vector<16xi32>
          %eq3A_477 = arith.constant 1 : i32
          %eq3A_478 = arith.cmpi eq, %select_n3A_458, %eq3A_477 : i32
          %and3A_479 = vector.broadcast %eq3A_478 : i1 to vector<16xi1>
          %and3A_480 = arith.andi %eq3A_434, %and3A_479 : vector<16xi1>
          %broadcast_in_dim3A_481 = vector.broadcast %reduce_min3A_405 : i32 to vector<16xi32>
          %select_n3A_482 = arith.select %and3A_480, %broadcast_in_dim3A_481, %scan3A_381 : vector<16xi1>, vector<16xi32>
          scf.yield %select_n3A_464, %select_n3A_470, %select_n3A_476, %select_n3A_482 : vector<16xf32>, vector<16xf32>, vector<16xi32>, vector<16xi32>
        }
        %scan3A_376 = arith.constant 32 : i32
        scf.yield %scan3A_375#0, %scan3A_375#1, %scan3A_375#2, %scan3A_375#3 : vector<16xf32>, vector<16xf32>, vector<16xi32>, vector<16xi32>
      }
      %mul3A_155 = arith.constant 32 : i32
      %mul3A_156 = arith.muli %add3A_27, %mul3A_155 : i32
      %swap3A_157 = arith.index_cast %mul3A_156 : i32 to index
      %swap3A_158 = tpu.vector_load %arg12[%swap3A_157] {strides = array<i32>} : memref<8192xf32, #tpu.memory_space<vmem>>, vector<16xf32>,
      tpu.vector_store %arg12[%swap3A_157], %cond3A_154#0 {strides = array<i32>} : memref<8192xf32, #tpu.memory_space<vmem>>, vector<16xf32>,
      %mul3A_159 = arith.constant 32 : i32
      %mul3A_160 = arith.muli %add3A_27, %mul3A_159 : i32
      %add3A_161 = arith.constant 16 : i32
      %add3A_162 = arith.addi %mul3A_160, %add3A_161 : i32
      %swap3A_163 = arith.index_cast %add3A_162 : i32 to index
      %swap3A_164 = tpu.vector_load %arg12[%swap3A_163] {strides = array<i32>} : memref<8192xf32, #tpu.memory_space<vmem>>, vector<16xf32>,
      tpu.vector_store %arg12[%swap3A_163], %cond3A_154#1 {strides = array<i32>} : memref<8192xf32, #tpu.memory_space<vmem>>, vector<16xf32>,
      %mul3A_165 = arith.constant 32 : i32
      %mul3A_166 = arith.muli %add3A_27, %mul3A_165 : i32
      %swap3A_167 = arith.index_cast %mul3A_166 : i32 to index
      %swap3A_168 = tpu.vector_load %arg13[%swap3A_167] {strides = array<i32>} : memref<8192xi32, #tpu.memory_space<vmem>>, vector<16xi32>,
      tpu.vector_store %arg13[%swap3A_167], %cond3A_154#2 {strides = array<i32>} : memref<8192xi32, #tpu.memory_space<vmem>>, vector<16xi32>,
      %mul3A_169 = arith.constant 32 : i32
      %mul3A_170 = arith.muli %add3A_27, %mul3A_169 : i32
      %add3A_171 = arith.constant 16 : i32
      %add3A_172 = arith.addi %mul3A_170, %add3A_171 : i32
      %swap3A_173 = arith.index_cast %add3A_172 : i32 to index
      %swap3A_174 = tpu.vector_load %arg13[%swap3A_173] {strides = array<i32>} : memref<8192xi32, #tpu.memory_space<vmem>>, vector<16xi32>,
      tpu.vector_store %arg13[%swap3A_173], %cond3A_154#3 {strides = array<i32>} : memref<8192xi32, #tpu.memory_space<vmem>>, vector<16xi32>,
      %add3A_175 = vector.broadcast %mul3A_144 : i32 to vector<16xi32>
      %add3A_176 = arith.addi %cond3A_154#2, %add3A_175 : vector<16xi32>
      %mul3A_177 = arith.constant 32 : i32
      %mul3A_178 = arith.muli %add3A_27, %mul3A_177 : i32
      %swap3A_179 = arith.index_cast %mul3A_178 : i32 to index
      %swap3A_180 = tpu.vector_load %arg14[%swap3A_179] {strides = array<i32>} : memref<8192xi32, #tpu.memory_space<vmem>>, vector<16xi32>,
      tpu.vector_store %arg14[%swap3A_179], %add3A_176 {strides = array<i32>} : memref<8192xi32, #tpu.memory_space<vmem>>, vector<16xi32>,
      %add3A_181 = vector.broadcast %mul3A_144 : i32 to vector<16xi32>
      %add3A_182 = arith.addi %cond3A_154#3, %add3A_181 : vector<16xi32>
      %mul3A_183 = arith.constant 32 : i32
      %mul3A_184 = arith.muli %add3A_27, %mul3A_183 : i32
      %add3A_185 = arith.constant 16 : i32
      %add3A_186 = arith.addi %mul3A_184, %add3A_185 : i32
      %swap3A_187 = arith.index_cast %add3A_186 : i32 to index
      %swap3A_188 = tpu.vector_load %arg14[%swap3A_187] {strides = array<i32>} : memref<8192xi32, #tpu.memory_space<vmem>>, vector<16xi32>,
      tpu.vector_store %arg14[%swap3A_187], %add3A_182 {strides = array<i32>} : memref<8192xi32, #tpu.memory_space<vmem>>, vector<16xi32>,
      %mul3A_189 = arith.constant 2 : i32
      %mul3A_190 = arith.muli %scan3A_23, %mul3A_189 : i32
      %add3A_191 = arith.constant 1 : i32
      %add3A_192 = arith.addi %mul3A_190, %add3A_191 : i32
      %add3A_193 = arith.addi %mul3A_2, %add3A_192 : i32
      %mul3A_194 = arith.constant 8192 : i32
      %mul3A_195 = arith.muli %add3A_193, %mul3A_194 : i32
      %dma_wait3A_196 = tpu.memref_slice %arg2[%mul3A_195] : memref<67108864xf32, #tpu.memory_space<hbm>> -> memref<8192xf32, #tpu.memory_space<hbm>>
      %dma_wait3A_197 = tpu.memref_slice %arg2[%mul3A_195] : memref<67108864xf32, #tpu.memory_space<hbm>> -> memref<8192xf32, #tpu.memory_space<hbm>>
      tpu.wait_dma2 semaphore(%arg16 : memref<!tpu.dma_semaphore, #tpu.memory_space<semaphore_mem>>) src(%dma_wait3A_197 : memref<8192xf32, #tpu.memory_space<hbm>>) dst(%arg7 : memref<8192xf32, #tpu.memory_space<vmem>>)
      %add3A_198 = arith.constant 1 : i32
      %add3A_199 = arith.addi %add3A_192, %add3A_198 : i32
      %lt3A_200 = arith.constant 256 : i32
      %lt3A_201 = arith.cmpi slt, %add3A_199, %lt3A_200 : i32
      %convert_element_type3A_202 = arith.extui %lt3A_201 : i1 to i32
      %cond3A_203 = arith.constant 0 : i32
      %cond3A_204 = arith.cmpi ne, %convert_element_type3A_202, %cond3A_203 : i32
      scf.if %cond3A_204 {
        %add3A_371 = arith.addi %mul3A_2, %add3A_192 : i32
        %add3A_372 = arith.constant 1 : i32
        %add3A_373 = arith.addi %add3A_371, %add3A_372 : i32
        %mul3A_374 = arith.constant 8192 : i32
        %mul3A_375 = arith.muli %add3A_373, %mul3A_374 : i32
        %dma_start3A_376 = tpu.memref_slice %arg2[%mul3A_375] : memref<67108864xf32, #tpu.memory_space<hbm>> -> memref<8192xf32, #tpu.memory_space<hbm>>
        %dma_start3A_377 = tpu.memref_slice %arg2[%mul3A_375] : memref<67108864xf32, #tpu.memory_space<hbm>> -> memref<8192xf32, #tpu.memory_space<hbm>>
        tpu.enqueue_dma source(%dma_start3A_377 : memref<8192xf32, #tpu.memory_space<hbm>>) target(%arg6 : memref<8192xf32, #tpu.memory_space<vmem>>) target_semaphore(%arg15 : memref<!tpu.dma_semaphore, #tpu.memory_space<semaphore_mem>>)
      } else {
      }
      %scan3A_205 = arith.constant 0 : i32
      %scan3A_206 = arith.constant 32 : i32
      %scan3A_207 = arith.addi %scan3A_205, %scan3A_206 : i32
      %scan3A_208 = arith.constant 1 : i32
      %scan3A_209:2 = scf.for %scan3A_371 = %scan3A_205 to %scan3A_207 step %scan3A_208 iter_args(%scan3A_372 = %broadcast_in_dim3A_9, %scan3A_373 = %broadcast_in_dim3A_9) -> (vector<16xf32>, vector<16xf32>)  : i32 {
        %mul3A_374 = arith.constant 256 : i32
        %mul3A_375 = arith.muli %scan3A_371, %mul3A_374 : i32
        %get3A = arith.index_cast %mul3A_375 : i32 to index
        %get3A_376 = tpu.vector_load %arg7[%get3A] {strides = array<i32>} : memref<8192xf32, #tpu.memory_space<vmem>>, vector<16xf32>,
        %mul3A_377 = arith.constant 256 : i32
        %mul3A_378 = arith.muli %scan3A_371, %mul3A_377 : i32
        %add3A_379 = arith.constant 16 : i32
        %add3A_380 = arith.addi %mul3A_378, %add3A_379 : i32
        %get3A_381 = arith.index_cast %add3A_380 : i32 to index
        %get3A_382 = tpu.vector_load %arg7[%get3A_381] {strides = array<i32>} : memref<8192xf32, #tpu.memory_space<vmem>>, vector<16xf32>,
        %min3A_383 = arith.minimumf %get3A_376, %get3A_382 : vector<16xf32>
        %mul3A_384 = arith.constant 256 : i32
        %mul3A_385 = arith.muli %scan3A_371, %mul3A_384 : i32
        %add3A_386 = arith.constant 32 : i32
        %add3A_387 = arith.addi %mul3A_385, %add3A_386 : i32
        %get3A_388 = arith.index_cast %add3A_387 : i32 to index
        %get3A_389 = tpu.vector_load %arg7[%get3A_388] {strides = array<i32>} : memref<8192xf32, #tpu.memory_space<vmem>>, vector<16xf32>,
        %min3A_390 = arith.minimumf %min3A_383, %get3A_389 : vector<16xf32>
        %mul3A_391 = arith.constant 256 : i32
        %mul3A_392 = arith.muli %scan3A_371, %mul3A_391 : i32
        %add3A_393 = arith.constant 48 : i32
        %add3A_394 = arith.addi %mul3A_392, %add3A_393 : i32
        %get3A_395 = arith.index_cast %add3A_394 : i32 to index
        %get3A_396 = tpu.vector_load %arg7[%get3A_395] {strides = array<i32>} : memref<8192xf32, #tpu.memory_space<vmem>>, vector<16xf32>,
        %min3A_397 = arith.minimumf %min3A_390, %get3A_396 : vector<16xf32>
        %mul3A_398 = arith.constant 256 : i32
        %mul3A_399 = arith.muli %scan3A_371, %mul3A_398 : i32
        %add3A_400 = arith.constant 64 : i32
        %add3A_401 = arith.addi %mul3A_399, %add3A_400 : i32
        %get3A_402 = arith.index_cast %add3A_401 : i32 to index
        %get3A_403 = tpu.vector_load %arg7[%get3A_402] {strides = array<i32>} : memref<8192xf32, #tpu.memory_space<vmem>>, vector<16xf32>,
        %min3A_404 = arith.minimumf %min3A_397, %get3A_403 : vector<16xf32>
        %mul3A_405 = arith.constant 256 : i32
        %mul3A_406 = arith.muli %scan3A_371, %mul3A_405 : i32
        %add3A_407 = arith.constant 80 : i32
        %add3A_408 = arith.addi %mul3A_406, %add3A_407 : i32
        %get3A_409 = arith.index_cast %add3A_408 : i32 to index
        %get3A_410 = tpu.vector_load %arg7[%get3A_409] {strides = array<i32>} : memref<8192xf32, #tpu.memory_space<vmem>>, vector<16xf32>,
        %min3A_411 = arith.minimumf %min3A_404, %get3A_410 : vector<16xf32>
        %mul3A_412 = arith.constant 256 : i32
        %mul3A_413 = arith.muli %scan3A_371, %mul3A_412 : i32
        %add3A_414 = arith.constant 96 : i32
        %add3A_415 = arith.addi %mul3A_413, %add3A_414 : i32
        %get3A_416 = arith.index_cast %add3A_415 : i32 to index
        %get3A_417 = tpu.vector_load %arg7[%get3A_416] {strides = array<i32>} : memref<8192xf32, #tpu.memory_space<vmem>>, vector<16xf32>,
        %min3A_418 = arith.minimumf %min3A_411, %get3A_417 : vector<16xf32>
        %mul3A_419 = arith.constant 256 : i32
        %mul3A_420 = arith.muli %scan3A_371, %mul3A_419 : i32
        %add3A_421 = arith.constant 112 : i32
        %add3A_422 = arith.addi %mul3A_420, %add3A_421 : i32
        %get3A_423 = arith.index_cast %add3A_422 : i32 to index
        %get3A_424 = tpu.vector_load %arg7[%get3A_423] {strides = array<i32>} : memref<8192xf32, #tpu.memory_space<vmem>>, vector<16xf32>,
        %min3A_425 = arith.minimumf %min3A_418, %get3A_424 : vector<16xf32>
        %mul3A_426 = arith.constant 256 : i32
        %mul3A_427 = arith.muli %scan3A_371, %mul3A_426 : i32
        %add3A_428 = arith.constant 128 : i32
        %add3A_429 = arith.addi %mul3A_427, %add3A_428 : i32
        %get3A_430 = arith.index_cast %add3A_429 : i32 to index
        %get3A_431 = tpu.vector_load %arg7[%get3A_430] {strides = array<i32>} : memref<8192xf32, #tpu.memory_space<vmem>>, vector<16xf32>,
        %min3A_432 = arith.minimumf %min3A_425, %get3A_431 : vector<16xf32>
        %mul3A_433 = arith.constant 256 : i32
        %mul3A_434 = arith.muli %scan3A_371, %mul3A_433 : i32
        %add3A_435 = arith.constant 144 : i32
        %add3A_436 = arith.addi %mul3A_434, %add3A_435 : i32
        %get3A_437 = arith.index_cast %add3A_436 : i32 to index
        %get3A_438 = tpu.vector_load %arg7[%get3A_437] {strides = array<i32>} : memref<8192xf32, #tpu.memory_space<vmem>>, vector<16xf32>,
        %min3A_439 = arith.minimumf %min3A_432, %get3A_438 : vector<16xf32>
        %mul3A_440 = arith.constant 256 : i32
        %mul3A_441 = arith.muli %scan3A_371, %mul3A_440 : i32
        %add3A_442 = arith.constant 160 : i32
        %add3A_443 = arith.addi %mul3A_441, %add3A_442 : i32
        %get3A_444 = arith.index_cast %add3A_443 : i32 to index
        %get3A_445 = tpu.vector_load %arg7[%get3A_444] {strides = array<i32>} : memref<8192xf32, #tpu.memory_space<vmem>>, vector<16xf32>,
        %min3A_446 = arith.minimumf %min3A_439, %get3A_445 : vector<16xf32>
        %mul3A_447 = arith.constant 256 : i32
        %mul3A_448 = arith.muli %scan3A_371, %mul3A_447 : i32
        %add3A_449 = arith.constant 176 : i32
        %add3A_450 = arith.addi %mul3A_448, %add3A_449 : i32
        %get3A_451 = arith.index_cast %add3A_450 : i32 to index
        %get3A_452 = tpu.vector_load %arg7[%get3A_451] {strides = array<i32>} : memref<8192xf32, #tpu.memory_space<vmem>>, vector<16xf32>,
        %min3A_453 = arith.minimumf %min3A_446, %get3A_452 : vector<16xf32>
        %mul3A_454 = arith.constant 256 : i32
        %mul3A_455 = arith.muli %scan3A_371, %mul3A_454 : i32
        %add3A_456 = arith.constant 192 : i32
        %add3A_457 = arith.addi %mul3A_455, %add3A_456 : i32
        %get3A_458 = arith.index_cast %add3A_457 : i32 to index
        %get3A_459 = tpu.vector_load %arg7[%get3A_458] {strides = array<i32>} : memref<8192xf32, #tpu.memory_space<vmem>>, vector<16xf32>,
        %min3A_460 = arith.minimumf %min3A_453, %get3A_459 : vector<16xf32>
        %mul3A_461 = arith.constant 256 : i32
        %mul3A_462 = arith.muli %scan3A_371, %mul3A_461 : i32
        %add3A_463 = arith.constant 208 : i32
        %add3A_464 = arith.addi %mul3A_462, %add3A_463 : i32
        %get3A_465 = arith.index_cast %add3A_464 : i32 to index
        %get3A_466 = tpu.vector_load %arg7[%get3A_465] {strides = array<i32>} : memref<8192xf32, #tpu.memory_space<vmem>>, vector<16xf32>,
        %min3A_467 = arith.minimumf %min3A_460, %get3A_466 : vector<16xf32>
        %mul3A_468 = arith.constant 256 : i32
        %mul3A_469 = arith.muli %scan3A_371, %mul3A_468 : i32
        %add3A_470 = arith.constant 224 : i32
        %add3A_471 = arith.addi %mul3A_469, %add3A_470 : i32
        %get3A_472 = arith.index_cast %add3A_471 : i32 to index
        %get3A_473 = tpu.vector_load %arg7[%get3A_472] {strides = array<i32>} : memref<8192xf32, #tpu.memory_space<vmem>>, vector<16xf32>,
        %min3A_474 = arith.minimumf %min3A_467, %get3A_473 : vector<16xf32>
        %mul3A_475 = arith.constant 256 : i32
        %mul3A_476 = arith.muli %scan3A_371, %mul3A_475 : i32
        %add3A_477 = arith.constant 240 : i32
        %add3A_478 = arith.addi %mul3A_476, %add3A_477 : i32
        %get3A_479 = arith.index_cast %add3A_478 : i32 to index
        %get3A_480 = tpu.vector_load %arg7[%get3A_479] {strides = array<i32>} : memref<8192xf32, #tpu.memory_space<vmem>>, vector<16xf32>,
        %min3A_481 = arith.minimumf %min3A_474, %get3A_480 : vector<16xf32>
        %mul3A_482 = arith.constant 16 : i32
        %mul3A_483 = arith.muli %scan3A_371, %mul3A_482 : i32
        %swap3A_484 = arith.index_cast %mul3A_483 : i32 to index
        %swap3A_485 = tpu.vector_load %arg8[%swap3A_484] {strides = array<i32>} : memref<512xf32, #tpu.memory_space<vmem>>, vector<16xf32>,
        tpu.vector_store %arg8[%swap3A_484], %min3A_481 {strides = array<i32>} : memref<512xf32, #tpu.memory_space<vmem>>, vector<16xf32>,
        %max3A = arith.maximumf %scan3A_372, %min3A_481 : vector<16xf32>
        %min3A_486 = arith.minimumf %scan3A_373, %max3A : vector<16xf32>
        %min3A_487 = arith.minimumf %scan3A_372, %min3A_481 : vector<16xf32>
        scf.yield %min3A_487, %min3A_486 : vector<16xf32>, vector<16xf32>
      }
      %scan3A_210 = arith.constant 32 : i32
      %reduce_max3A_211 = arith.constant true
      %reduce_max3A_212 = vector.broadcast %reduce_max3A_211 : i1 to vector<16xi1>
      %reduce_max3A_213 = tpu.scan <max>, %scan3A_209#1 masked %reduce_max3A_212 : vector<16xf32>, vector<16xi1> -> vector<16xf32>
      %reduce_max3A_214 = vector.extract %reduce_max3A_213[15] : f32 from vector<16xf32>
      %broadcast_in_dim3A_215 = vector.broadcast %reduce_max3A_214 : f32 to vector<16xf32>
      %swap3A_216 = arith.constant 0 : index
      %swap3A_217 = tpu.vector_load %arg10[%swap3A_216] {strides = array<i32>} : memref<2064xf32, #tpu.memory_space<vmem>>, vector<16xf32>,
      tpu.vector_store %arg10[%swap3A_216], %broadcast_in_dim3A_9 {strides = array<i32>} : memref<2064xf32, #tpu.memory_space<vmem>>, vector<16xf32>,
      %swap3A_218 = arith.constant 16 : index
      %swap3A_219 = tpu.vector_load %arg10[%swap3A_218] {strides = array<i32>} : memref<2064xf32, #tpu.memory_space<vmem>>, vector<16xf32>,
      tpu.vector_store %arg10[%swap3A_218], %broadcast_in_dim3A_9 {strides = array<i32>} : memref<2064xf32, #tpu.memory_space<vmem>>, vector<16xf32>,
      %swap3A_220 = arith.constant 32 : index
      %swap3A_221 = tpu.vector_load %arg10[%swap3A_220] {strides = array<i32>} : memref<2064xf32, #tpu.memory_space<vmem>>, vector<16xf32>,
      tpu.vector_store %arg10[%swap3A_220], %broadcast_in_dim3A_9 {strides = array<i32>} : memref<2064xf32, #tpu.memory_space<vmem>>, vector<16xf32>,
      %swap3A_222 = arith.constant 48 : index
      %swap3A_223 = tpu.vector_load %arg10[%swap3A_222] {strides = array<i32>} : memref<2064xf32, #tpu.memory_space<vmem>>, vector<16xf32>,
      tpu.vector_store %arg10[%swap3A_222], %broadcast_in_dim3A_9 {strides = array<i32>} : memref<2064xf32, #tpu.memory_space<vmem>>, vector<16xf32>,
      %swap3A_224 = arith.constant 64 : index
      %swap3A_225 = tpu.vector_load %arg10[%swap3A_224] {strides = array<i32>} : memref<2064xf32, #tpu.memory_space<vmem>>, vector<16xf32>,
      tpu.vector_store %arg10[%swap3A_224], %broadcast_in_dim3A_9 {strides = array<i32>} : memref<2064xf32, #tpu.memory_space<vmem>>, vector<16xf32>,
      %swap3A_226 = arith.constant 80 : index
      %swap3A_227 = tpu.vector_load %arg10[%swap3A_226] {strides = array<i32>} : memref<2064xf32, #tpu.memory_space<vmem>>, vector<16xf32>,
      tpu.vector_store %arg10[%swap3A_226], %broadcast_in_dim3A_9 {strides = array<i32>} : memref<2064xf32, #tpu.memory_space<vmem>>, vector<16xf32>,
      %swap3A_228 = arith.constant 96 : index
      %swap3A_229 = tpu.vector_load %arg10[%swap3A_228] {strides = array<i32>} : memref<2064xf32, #tpu.memory_space<vmem>>, vector<16xf32>,
      tpu.vector_store %arg10[%swap3A_228], %broadcast_in_dim3A_9 {strides = array<i32>} : memref<2064xf32, #tpu.memory_space<vmem>>, vector<16xf32>,
      %swap3A_230 = arith.constant 112 : index
      %swap3A_231 = tpu.vector_load %arg10[%swap3A_230] {strides = array<i32>} : memref<2064xf32, #tpu.memory_space<vmem>>, vector<16xf32>,
      tpu.vector_store %arg10[%swap3A_230], %broadcast_in_dim3A_9 {strides = array<i32>} : memref<2064xf32, #tpu.memory_space<vmem>>, vector<16xf32>,
      %broadcast_in_dim3A_232 = arith.constant 0 : i32
      %broadcast_in_dim3A_233 = vector.broadcast %broadcast_in_dim3A_232 : i32 to vector<16xi32>
      %scan3A_234 = arith.constant 0 : i32
      %scan3A_235 = arith.constant 32 : i32
      %scan3A_236 = arith.addi %scan3A_234, %scan3A_235 : i32
      %scan3A_237 = arith.constant 1 : i32
      %scan3A_238 = scf.for %scan3A_371 = %scan3A_234 to %scan3A_236 step %scan3A_237 iter_args(%scan3A_372 = %broadcast_in_dim3A_233) -> (vector<16xi32>)  : i32 {
        %mul3A_373 = arith.constant 16 : i32
        %mul3A_374 = arith.muli %scan3A_371, %mul3A_373 : i32
        %get3A = arith.index_cast %mul3A_374 : i32 to index
        %get3A_375 = tpu.vector_load %arg8[%get3A] {strides = array<i32>} : memref<512xf32, #tpu.memory_space<vmem>>, vector<16xf32>,
        %le3A_376 = arith.cmpf ole, %get3A_375, %broadcast_in_dim3A_215 : vector<16xf32>
        %convert_element_type3A_377 = arith.extui %le3A_376 : vector<16xi1> to vector<16xi32>
        %broadcast_in_dim3A_378 = arith.constant true
        %broadcast_in_dim3A_379 = vector.broadcast %broadcast_in_dim3A_378 : i1 to vector<16xi1>
        %masked_cumsum3A = tpu.scan <sum>, %convert_element_type3A_377 masked %broadcast_in_dim3A_379 : vector<16xi32>, vector<16xi1> -> vector<16xi32>
        %sub3A_380 = arith.subi %masked_cumsum3A, %convert_element_type3A_377 : vector<16xi32>
        %add3A_381 = arith.addi %scan3A_372, %sub3A_380 : vector<16xi32>
        %mul3A_382 = arith.constant 256 : i32
        %mul3A_383 = arith.muli %scan3A_371, %mul3A_382 : i32
        %add3A_384 = vector.broadcast %mul3A_383 : i32 to vector<16xi32>
        %add3A_385 = arith.addi %add3A_384, %iota3A : vector<16xi32>
        tpu.vector_store_idx %arg9[%add3A_381], %add3A_385 masked %le3A_376 : memref<528xi32, #tpu.memory_space<vmem>>[vector<16xi32>], vector<16xi32>, vector<16xi1>
        %all_reduce_population_count3A = tpu.all_reduce %le3A_376 {dim = 0 : i64, kind = #tpu.reduction_kind<sum>} : vector<16xi1> -> vector<16xi32>
        %add3A_386 = arith.addi %scan3A_372, %all_reduce_population_count3A : vector<16xi32>
        scf.yield %add3A_386 : vector<16xi32>
      }
      %scan3A_239 = arith.constant 32 : i32
      %reduce_max3A_240 = arith.constant true
      %reduce_max3A_241 = vector.broadcast %reduce_max3A_240 : i1 to vector<16xi1>
      %reduce_max3A_242 = arith.constant -2147483648 : i32
      %reduce_max3A_243 = vector.broadcast %reduce_max3A_242 : i32 to vector<16xi32>
      %reduce_max3A_244 = arith.xori %scan3A_238, %reduce_max3A_243 : vector<16xi32>
      %reduce_max3A_245 = tpu.scan <max>, %reduce_max3A_244 masked %reduce_max3A_241 : vector<16xi32>, vector<16xi1> -> vector<16xi32>
      %reduce_max3A_246 = arith.xori %reduce_max3A_245, %reduce_max3A_243 : vector<16xi32>
      %reduce_max3A_247 = vector.extract %reduce_max3A_246[15] : i32 from vector<16xi32>
      %broadcast_in_dim3A_248 = arith.constant 0 : i32
      %broadcast_in_dim3A_249 = vector.broadcast %broadcast_in_dim3A_248 : i32 to vector<16xi32>
      %while3A_250 = arith.constant 0 : i32
      %while3A_251 = arith.subi %reduce_max3A_247, %while3A_250 : i32
      %while3A_252 = arith.addi %while3A_250, %while3A_251 : i32
      %while3A_253 = arith.constant 1 : i32
      %while3A_254 = arith.divsi %while3A_251, %while3A_253 : i32
      %while3A_255 = arith.muli %while3A_254, %while3A_253 : i32
      %while3A_256 = arith.addi %while3A_250, %while3A_255 : i32
      %while3A_257 = arith.constant 1 : i32
      %while3A_258 = scf.for %while3A_371 = %while3A_250 to %while3A_256 step %while3A_257 iter_args(%while3A_372 = %broadcast_in_dim3A_249) -> (vector<16xi32>)  : i32 {
        %broadcast_in_dim3A_373 = vector.broadcast %while3A_371 : i32 to vector<16xi32>
        %gather3A = tpu.vector_load_idx %arg9[%broadcast_in_dim3A_373] : memref<528xi32, #tpu.memory_space<vmem>>[vector<16xi32>], vector<16xi32>,
        %add3A_374 = arith.addi %gather3A, %mul3A_5 : vector<16xi32>
        %gather3A_375 = tpu.vector_load_idx %arg7[%add3A_374] : memref<8192xf32, #tpu.memory_space<vmem>>[vector<16xi32>], vector<16xf32>,
        %le3A_376 = arith.cmpf ole, %gather3A_375, %broadcast_in_dim3A_215 : vector<16xf32>
        %convert_element_type3A_377 = arith.extui %le3A_376 : vector<16xi1> to vector<16xi32>
        %broadcast_in_dim3A_378 = arith.constant true
        %broadcast_in_dim3A_379 = vector.broadcast %broadcast_in_dim3A_378 : i1 to vector<16xi1>
        %masked_cumsum3A = tpu.scan <sum>, %convert_element_type3A_377 masked %broadcast_in_dim3A_379 : vector<16xi32>, vector<16xi1> -> vector<16xi32>
        %sub3A_380 = arith.subi %masked_cumsum3A, %convert_element_type3A_377 : vector<16xi32>
        %add3A_381 = arith.addi %while3A_372, %sub3A_380 : vector<16xi32>
        %min3A_382 = arith.constant 2048 : i32
        %min3A_383 = vector.broadcast %min3A_382 : i32 to vector<16xi32>
        %min3A_384 = arith.minsi %add3A_381, %min3A_383 : vector<16xi32>
        tpu.vector_store_idx %arg10[%min3A_384], %gather3A_375 masked %le3A_376 : memref<2064xf32, #tpu.memory_space<vmem>>[vector<16xi32>], vector<16xf32>, vector<16xi1>
        tpu.vector_store_idx %arg11[%min3A_384], %add3A_374 masked %le3A_376 : memref<2064xi32, #tpu.memory_space<vmem>>[vector<16xi32>], vector<16xi32>, vector<16xi1>
        %all_reduce_population_count3A = tpu.all_reduce %le3A_376 {dim = 0 : i64, kind = #tpu.reduction_kind<sum>} : vector<16xi1> -> vector<16xi32>
        %add3A_385 = arith.addi %while3A_372, %all_reduce_population_count3A : vector<16xi32>
        scf.yield %add3A_385 : vector<16xi32>
      }
      %while3A_259 = arith.constant 1 : i32
      %while3A_260 = scf.for %while3A_371 = %while3A_256 to %while3A_252 step %while3A_259 iter_args(%while3A_372 = %while3A_258) -> (vector<16xi32>)  : i32 {
        %broadcast_in_dim3A_373 = vector.broadcast %while3A_371 : i32 to vector<16xi32>
        %gather3A = tpu.vector_load_idx %arg9[%broadcast_in_dim3A_373] : memref<528xi32, #tpu.memory_space<vmem>>[vector<16xi32>], vector<16xi32>,
        %add3A_374 = arith.addi %gather3A, %mul3A_5 : vector<16xi32>
        %gather3A_375 = tpu.vector_load_idx %arg7[%add3A_374] : memref<8192xf32, #tpu.memory_space<vmem>>[vector<16xi32>], vector<16xf32>,
        %le3A_376 = arith.cmpf ole, %gather3A_375, %broadcast_in_dim3A_215 : vector<16xf32>
        %convert_element_type3A_377 = arith.extui %le3A_376 : vector<16xi1> to vector<16xi32>
        %broadcast_in_dim3A_378 = arith.constant true
        %broadcast_in_dim3A_379 = vector.broadcast %broadcast_in_dim3A_378 : i1 to vector<16xi1>
        %masked_cumsum3A = tpu.scan <sum>, %convert_element_type3A_377 masked %broadcast_in_dim3A_379 : vector<16xi32>, vector<16xi1> -> vector<16xi32>
        %sub3A_380 = arith.subi %masked_cumsum3A, %convert_element_type3A_377 : vector<16xi32>
        %add3A_381 = arith.addi %while3A_372, %sub3A_380 : vector<16xi32>
        %min3A_382 = arith.constant 2048 : i32
        %min3A_383 = vector.broadcast %min3A_382 : i32 to vector<16xi32>
        %min3A_384 = arith.minsi %add3A_381, %min3A_383 : vector<16xi32>
        tpu.vector_store_idx %arg10[%min3A_384], %gather3A_375 masked %le3A_376 : memref<2064xf32, #tpu.memory_space<vmem>>[vector<16xi32>], vector<16xf32>, vector<16xi1>
        tpu.vector_store_idx %arg11[%min3A_384], %add3A_374 masked %le3A_376 : memref<2064xi32, #tpu.memory_space<vmem>>[vector<16xi32>], vector<16xi32>, vector<16xi1>
        %all_reduce_population_count3A = tpu.all_reduce %le3A_376 {dim = 0 : i64, kind = #tpu.reduction_kind<sum>} : vector<16xi1> -> vector<16xi32>
        %add3A_385 = arith.addi %while3A_372, %all_reduce_population_count3A : vector<16xi32>
        scf.yield %add3A_385 : vector<16xi32>
      }
      %reduce_max3A_261 = arith.constant true
      %reduce_max3A_262 = vector.broadcast %reduce_max3A_261 : i1 to vector<16xi1>
      %reduce_max3A_263 = arith.constant -2147483648 : i32
      %reduce_max3A_264 = vector.broadcast %reduce_max3A_263 : i32 to vector<16xi32>
      %reduce_max3A_265 = arith.xori %while3A_260, %reduce_max3A_264 : vector<16xi32>
      %reduce_max3A_266 = tpu.scan <max>, %reduce_max3A_265 masked %reduce_max3A_262 : vector<16xi32>, vector<16xi1> -> vector<16xi32>
      %reduce_max3A_267 = arith.xori %reduce_max3A_266, %reduce_max3A_264 : vector<16xi32>
      %reduce_max3A_268 = vector.extract %reduce_max3A_267[15] : i32 from vector<16xi32>
      %min3A_269 = arith.constant 2048 : i32
      %min3A_270 = arith.minsi %reduce_max3A_268, %min3A_269 : i32
      %swap3A_271 = arith.index_cast %min3A_270 : i32 to index
      %swap3A_272 = tpu.vector_load %arg10[%swap3A_271] {strides = array<i32>} : memref<2064xf32, #tpu.memory_space<vmem>>, vector<16xf32>,
      tpu.vector_store %arg10[%swap3A_271], %broadcast_in_dim3A_9 {strides = array<i32>} : memref<2064xf32, #tpu.memory_space<vmem>>, vector<16xf32>,
      %add3A_273 = arith.constant 15 : i32
      %add3A_274 = arith.addi %min3A_270, %add3A_273 : i32
      %jit3A_275 = arith.constant 16 : i32
      %div3A_276 = arith.divsi %add3A_274, %jit3A_275 : i32
      %sign3A_277 = arith.constant 0 : i32
      %sign3A_278 = arith.cmpi sgt, %add3A_274, %sign3A_277 : i32
      %sign3A_279 = arith.extui %sign3A_278 : i1 to i32
      %sign3A_280 = arith.constant 0 : i32
      %sign3A_281 = arith.cmpi slt, %add3A_274, %sign3A_280 : i32
      %sign3A_282 = arith.extui %sign3A_281 : i1 to i32
      %sign3A_283 = arith.subi %sign3A_279, %sign3A_282 : i32
      %sign3A_284 = arith.constant 0 : i32
      %sign3A_285 = arith.cmpi sgt, %jit3A_275, %sign3A_284 : i32
      %sign3A_286 = arith.extui %sign3A_285 : i1 to i32
      %sign3A_287 = arith.constant 0 : i32
      %sign3A_288 = arith.cmpi slt, %jit3A_275, %sign3A_287 : i32
      %sign3A_289 = arith.extui %sign3A_288 : i1 to i32
      %sign3A_290 = arith.subi %sign3A_286, %sign3A_289 : i32
      %ne3A_291 = arith.cmpi ne, %sign3A_283, %sign3A_290 : i32
      %rem3A_292 = arith.remsi %add3A_274, %jit3A_275 : i32
      %ne3A_293 = arith.constant 0 : i32
      %ne3A_294 = arith.cmpi ne, %rem3A_292, %ne3A_293 : i32
      %and3A_295 = arith.andi %ne3A_291, %ne3A_294 : i1
      %sub3A_296 = arith.constant 1 : i32
      %sub3A_297 = arith.subi %div3A_276, %sub3A_296 : i32
      %select_n3A_298 = arith.select %and3A_295, %sub3A_297, %div3A_276 : i32
      %add3A_299 = arith.addi %mul3A_2, %add3A_192 : i32
      %jit3A_300 = arith.constant 2048 : i32
      %div3A_301 = arith.divsi %add3A_299, %jit3A_300 : i32
      %sign3A_302 = arith.constant 0 : i32
      %sign3A_303 = arith.cmpi sgt, %add3A_299, %sign3A_302 : i32
      %sign3A_304 = arith.extui %sign3A_303 : i1 to i32
      %sign3A_305 = arith.constant 0 : i32
      %sign3A_306 = arith.cmpi slt, %add3A_299, %sign3A_305 : i32
      %sign3A_307 = arith.extui %sign3A_306 : i1 to i32
      %sign3A_308 = arith.subi %sign3A_304, %sign3A_307 : i32
      %sign3A_309 = arith.constant 0 : i32
      %sign3A_310 = arith.cmpi sgt, %jit3A_300, %sign3A_309 : i32
      %sign3A_311 = arith.extui %sign3A_310 : i1 to i32
      %sign3A_312 = arith.constant 0 : i32
      %sign3A_313 = arith.cmpi slt, %jit3A_300, %sign3A_312 : i32
      %sign3A_314 = arith.extui %sign3A_313 : i1 to i32
      %sign3A_315 = arith.subi %sign3A_311, %sign3A_314 : i32
      %ne3A_316 = arith.cmpi ne, %sign3A_308, %sign3A_315 : i32
      %rem3A_317 = arith.remsi %add3A_299, %jit3A_300 : i32
      %ne3A_318 = arith.constant 0 : i32
      %ne3A_319 = arith.cmpi ne, %rem3A_317, %ne3A_318 : i32
      %and3A_320 = arith.andi %ne3A_316, %ne3A_319 : i1
      %sub3A_321 = arith.constant 1 : i32
      %sub3A_322 = arith.subi %div3A_301, %sub3A_321 : i32
      %select_n3A_323 = arith.select %and3A_320, %sub3A_322, %div3A_301 : i32
      %mul3A_324 = arith.constant 8192 : i32
      %mul3A_325 = arith.muli %select_n3A_323, %mul3A_324 : i32
      %broadcast_in_dim3A_326 = arith.constant 0.000000e+00 : f32
      %broadcast_in_dim3A_327 = vector.broadcast %broadcast_in_dim3A_326 : f32 to vector<16xf32>
      %broadcast_in_dim3A_328 = arith.constant 0 : i32
      %broadcast_in_dim3A_329 = vector.broadcast %broadcast_in_dim3A_328 : i32 to vector<16xi32>
      %le3A_330 = arith.constant 128 : i32
      %le3A_331 = arith.cmpi sle, %min3A_270, %le3A_330 : i32
      %convert_element_type3A_332 = arith.extui %le3A_331 : i1 to i32
      %cond3A_333 = arith.constant 0 : i32
      %cond3A_334 = arith.constant 0 : i32
      %cond3A_335 = arith.cmpi ne, %convert_element_type3A_332, %cond3A_334 : i32
      %cond3A_336:4 = scf.if %cond3A_335 -> (vector<16xf32>, vector<16xf32>, vector<16xi32>, vector<16xi32>) {
        %get3A = arith.constant 0 : index
        %get3A_371 = tpu.vector_load %arg10[%get3A] {strides = array<i32>} : memref<2064xf32, #tpu.memory_space<vmem>>, vector<16xf32>,
        %get3A_372 = arith.constant 16 : index
        %get3A_373 = tpu.vector_load %arg10[%get3A_372] {strides = array<i32>} : memref<2064xf32, #tpu.memory_space<vmem>>, vector<16xf32>,
        %get3A_374 = arith.constant 32 : index
        %get3A_375 = tpu.vector_load %arg10[%get3A_374] {strides = array<i32>} : memref<2064xf32, #tpu.memory_space<vmem>>, vector<16xf32>,
        %get3A_376 = arith.constant 48 : index
        %get3A_377 = tpu.vector_load %arg10[%get3A_376] {strides = array<i32>} : memref<2064xf32, #tpu.memory_space<vmem>>, vector<16xf32>,
        %get3A_378 = arith.constant 64 : index
        %get3A_379 = tpu.vector_load %arg10[%get3A_378] {strides = array<i32>} : memref<2064xf32, #tpu.memory_space<vmem>>, vector<16xf32>,
        %get3A_380 = arith.constant 80 : index
        %get3A_381 = tpu.vector_load %arg10[%get3A_380] {strides = array<i32>} : memref<2064xf32, #tpu.memory_space<vmem>>, vector<16xf32>,
        %get3A_382 = arith.constant 96 : index
        %get3A_383 = tpu.vector_load %arg10[%get3A_382] {strides = array<i32>} : memref<2064xf32, #tpu.memory_space<vmem>>, vector<16xf32>,
        %get3A_384 = arith.constant 112 : index
        %get3A_385 = tpu.vector_load %arg10[%get3A_384] {strides = array<i32>} : memref<2064xf32, #tpu.memory_space<vmem>>, vector<16xf32>,
        %get3A_386 = arith.constant 0 : index
        %get3A_387 = tpu.vector_load %arg11[%get3A_386] {strides = array<i32>} : memref<2064xi32, #tpu.memory_space<vmem>>, vector<16xi32>,
        %get3A_388 = arith.constant 16 : index
        %get3A_389 = tpu.vector_load %arg11[%get3A_388] {strides = array<i32>} : memref<2064xi32, #tpu.memory_space<vmem>>, vector<16xi32>,
        %get3A_390 = arith.constant 32 : index
        %get3A_391 = tpu.vector_load %arg11[%get3A_390] {strides = array<i32>} : memref<2064xi32, #tpu.memory_space<vmem>>, vector<16xi32>,
        %get3A_392 = arith.constant 48 : index
        %get3A_393 = tpu.vector_load %arg11[%get3A_392] {strides = array<i32>} : memref<2064xi32, #tpu.memory_space<vmem>>, vector<16xi32>,
        %get3A_394 = arith.constant 64 : index
        %get3A_395 = tpu.vector_load %arg11[%get3A_394] {strides = array<i32>} : memref<2064xi32, #tpu.memory_space<vmem>>, vector<16xi32>,
        %get3A_396 = arith.constant 80 : index
        %get3A_397 = tpu.vector_load %arg11[%get3A_396] {strides = array<i32>} : memref<2064xi32, #tpu.memory_space<vmem>>, vector<16xi32>,
        %get3A_398 = arith.constant 96 : index
        %get3A_399 = tpu.vector_load %arg11[%get3A_398] {strides = array<i32>} : memref<2064xi32, #tpu.memory_space<vmem>>, vector<16xi32>,
        %get3A_400 = arith.constant 112 : index
        %get3A_401 = tpu.vector_load %arg11[%get3A_400] {strides = array<i32>} : memref<2064xi32, #tpu.memory_space<vmem>>, vector<16xi32>,
        %scan3A_402 = arith.constant 0 : i32
        %scan3A_403 = arith.constant 32 : i32
        %scan3A_404 = arith.addi %scan3A_402, %scan3A_403 : i32
        %scan3A_405 = arith.constant 1 : i32
        %scan3A_406:12 = scf.for %scan3A_408 = %scan3A_402 to %scan3A_404 step %scan3A_405 iter_args(%scan3A_409 = %broadcast_in_dim3A_327, %scan3A_410 = %broadcast_in_dim3A_327, %scan3A_411 = %broadcast_in_dim3A_329, %scan3A_412 = %broadcast_in_dim3A_329, %scan3A_413 = %get3A_371, %scan3A_414 = %get3A_373, %scan3A_415 = %get3A_375, %scan3A_416 = %get3A_377, %scan3A_417 = %get3A_379, %scan3A_418 = %get3A_381, %scan3A_419 = %get3A_383, %scan3A_420 = %get3A_385) -> (vector<16xf32>, vector<16xf32>, vector<16xi32>, vector<16xi32>, vector<16xf32>, vector<16xf32>, vector<16xf32>, vector<16xf32>, vector<16xf32>, vector<16xf32>, vector<16xf32>, vector<16xf32>)  : i32 {
          %lt3A_421 = arith.cmpf olt, %scan3A_414, %scan3A_413 : vector<16xf32>
          %eq3A = arith.cmpf oeq, %scan3A_414, %scan3A_413 : vector<16xf32>
          %lt3A_422 = arith.cmpi slt, %get3A_389, %get3A_387 : vector<16xi32>
          %and3A_423 = arith.andi %eq3A, %lt3A_422 : vector<16xi1>
          %or3A = arith.ori %lt3A_421, %and3A_423 : vector<16xi1>
          %select_n3A_424 = arith.select %or3A, %scan3A_414, %scan3A_413 : vector<16xi1>, vector<16xf32>
          %select_n3A_425 = arith.select %or3A, %get3A_389, %get3A_387 : vector<16xi1>, vector<16xi32>
          %lt3A_426 = arith.cmpf olt, %scan3A_415, %select_n3A_424 : vector<16xf32>
          %eq3A_427 = arith.cmpf oeq, %scan3A_415, %select_n3A_424 : vector<16xf32>
          %lt3A_428 = arith.cmpi slt, %get3A_391, %select_n3A_425 : vector<16xi32>
          %and3A_429 = arith.andi %eq3A_427, %lt3A_428 : vector<16xi1>
          %or3A_430 = arith.ori %lt3A_426, %and3A_429 : vector<16xi1>
          %select_n3A_431 = arith.select %or3A_430, %scan3A_415, %select_n3A_424 : vector<16xi1>, vector<16xf32>
          %select_n3A_432 = arith.select %or3A_430, %get3A_391, %select_n3A_425 : vector<16xi1>, vector<16xi32>
          %lt3A_433 = arith.cmpf olt, %scan3A_416, %select_n3A_431 : vector<16xf32>
          %eq3A_434 = arith.cmpf oeq, %scan3A_416, %select_n3A_431 : vector<16xf32>
          %lt3A_435 = arith.cmpi slt, %get3A_393, %select_n3A_432 : vector<16xi32>
          %and3A_436 = arith.andi %eq3A_434, %lt3A_435 : vector<16xi1>
          %or3A_437 = arith.ori %lt3A_433, %and3A_436 : vector<16xi1>
          %select_n3A_438 = arith.select %or3A_437, %scan3A_416, %select_n3A_431 : vector<16xi1>, vector<16xf32>
          %select_n3A_439 = arith.select %or3A_437, %get3A_393, %select_n3A_432 : vector<16xi1>, vector<16xi32>
          %lt3A_440 = arith.cmpf olt, %scan3A_417, %select_n3A_438 : vector<16xf32>
          %eq3A_441 = arith.cmpf oeq, %scan3A_417, %select_n3A_438 : vector<16xf32>
          %lt3A_442 = arith.cmpi slt, %get3A_395, %select_n3A_439 : vector<16xi32>
          %and3A_443 = arith.andi %eq3A_441, %lt3A_442 : vector<16xi1>
          %or3A_444 = arith.ori %lt3A_440, %and3A_443 : vector<16xi1>
          %select_n3A_445 = arith.select %or3A_444, %scan3A_417, %select_n3A_438 : vector<16xi1>, vector<16xf32>
          %select_n3A_446 = arith.select %or3A_444, %get3A_395, %select_n3A_439 : vector<16xi1>, vector<16xi32>
          %lt3A_447 = arith.cmpf olt, %scan3A_418, %select_n3A_445 : vector<16xf32>
          %eq3A_448 = arith.cmpf oeq, %scan3A_418, %select_n3A_445 : vector<16xf32>
          %lt3A_449 = arith.cmpi slt, %get3A_397, %select_n3A_446 : vector<16xi32>
          %and3A_450 = arith.andi %eq3A_448, %lt3A_449 : vector<16xi1>
          %or3A_451 = arith.ori %lt3A_447, %and3A_450 : vector<16xi1>
          %select_n3A_452 = arith.select %or3A_451, %scan3A_418, %select_n3A_445 : vector<16xi1>, vector<16xf32>
          %select_n3A_453 = arith.select %or3A_451, %get3A_397, %select_n3A_446 : vector<16xi1>, vector<16xi32>
          %lt3A_454 = arith.cmpf olt, %scan3A_419, %select_n3A_452 : vector<16xf32>
          %eq3A_455 = arith.cmpf oeq, %scan3A_419, %select_n3A_452 : vector<16xf32>
          %lt3A_456 = arith.cmpi slt, %get3A_399, %select_n3A_453 : vector<16xi32>
          %and3A_457 = arith.andi %eq3A_455, %lt3A_456 : vector<16xi1>
          %or3A_458 = arith.ori %lt3A_454, %and3A_457 : vector<16xi1>
          %select_n3A_459 = arith.select %or3A_458, %scan3A_419, %select_n3A_452 : vector<16xi1>, vector<16xf32>
          %select_n3A_460 = arith.select %or3A_458, %get3A_399, %select_n3A_453 : vector<16xi1>, vector<16xi32>
          %lt3A_461 = arith.cmpf olt, %scan3A_420, %select_n3A_459 : vector<16xf32>
          %eq3A_462 = arith.cmpf oeq, %scan3A_420, %select_n3A_459 : vector<16xf32>
          %lt3A_463 = arith.cmpi slt, %get3A_401, %select_n3A_460 : vector<16xi32>
          %and3A_464 = arith.andi %eq3A_462, %lt3A_463 : vector<16xi1>
          %or3A_465 = arith.ori %lt3A_461, %and3A_464 : vector<16xi1>
          %select_n3A_466 = arith.select %or3A_465, %scan3A_420, %select_n3A_459 : vector<16xi1>, vector<16xf32>
          %select_n3A_467 = arith.select %or3A_465, %get3A_401, %select_n3A_460 : vector<16xi1>, vector<16xi32>
          %reduce_min3A = arith.constant true
          %reduce_min3A_468 = vector.broadcast %reduce_min3A : i1 to vector<16xi1>
          %reduce_min3A_469 = tpu.scan <min>, %select_n3A_466 masked %reduce_min3A_468 : vector<16xf32>, vector<16xi1> -> vector<16xf32>
          %reduce_min3A_470 = vector.extract %reduce_min3A_469[15] : f32 from vector<16xf32>
          %broadcast_in_dim3A_471 = vector.broadcast %reduce_min3A_470 : f32 to vector<16xf32>
          %eq3A_472 = arith.cmpf oeq, %select_n3A_466, %broadcast_in_dim3A_471 : vector<16xf32>
          %select_n3A_473 = arith.select %eq3A_472, %select_n3A_467, %broadcast_in_dim3A_11 : vector<16xi1>, vector<16xi32>
          %reduce_min3A_474 = arith.constant true
          %reduce_min3A_475 = vector.broadcast %reduce_min3A_474 : i1 to vector<16xi1>
          %reduce_min3A_476 = arith.constant -2147483648 : i32
          %reduce_min3A_477 = vector.broadcast %reduce_min3A_476 : i32 to vector<16xi32>
          %reduce_min3A_478 = arith.xori %select_n3A_473, %reduce_min3A_477 : vector<16xi32>
          %reduce_min3A_479 = tpu.scan <min>, %reduce_min3A_478 masked %reduce_min3A_475 : vector<16xi32>, vector<16xi1> -> vector<16xi32>
          %reduce_min3A_480 = arith.xori %reduce_min3A_479, %reduce_min3A_477 : vector<16xi32>
          %reduce_min3A_481 = vector.extract %reduce_min3A_480[15] : i32 from vector<16xi32>
          %broadcast_in_dim3A_482 = vector.broadcast %reduce_min3A_481 : i32 to vector<16xi32>
          %eq3A_483 = arith.cmpi eq, %get3A_387, %broadcast_in_dim3A_482 : vector<16xi32>
          %jit3A_484 = arith.constant 0x7F800000 : f32
          %broadcast_in_dim3A_485 = vector.broadcast %jit3A_484 : f32 to vector<16xf32>
          %select_n3A_486 = arith.select %eq3A_483, %broadcast_in_dim3A_485, %scan3A_413 : vector<16xi1>, vector<16xf32>
          %eq3A_487 = arith.cmpi eq, %get3A_389, %broadcast_in_dim3A_482 : vector<16xi32>
          %jit3A_488 = arith.constant 0x7F800000 : f32
          %broadcast_in_dim3A_489 = vector.broadcast %jit3A_488 : f32 to vector<16xf32>
          %select_n3A_490 = arith.select %eq3A_487, %broadcast_in_dim3A_489, %scan3A_414 : vector<16xi1>, vector<16xf32>
          %eq3A_491 = arith.cmpi eq, %get3A_391, %broadcast_in_dim3A_482 : vector<16xi32>
          %jit3A_492 = arith.constant 0x7F800000 : f32
          %broadcast_in_dim3A_493 = vector.broadcast %jit3A_492 : f32 to vector<16xf32>
          %select_n3A_494 = arith.select %eq3A_491, %broadcast_in_dim3A_493, %scan3A_415 : vector<16xi1>, vector<16xf32>
          %eq3A_495 = arith.cmpi eq, %get3A_393, %broadcast_in_dim3A_482 : vector<16xi32>
          %jit3A_496 = arith.constant 0x7F800000 : f32
          %broadcast_in_dim3A_497 = vector.broadcast %jit3A_496 : f32 to vector<16xf32>
          %select_n3A_498 = arith.select %eq3A_495, %broadcast_in_dim3A_497, %scan3A_416 : vector<16xi1>, vector<16xf32>
          %eq3A_499 = arith.cmpi eq, %get3A_395, %broadcast_in_dim3A_482 : vector<16xi32>
          %jit3A_500 = arith.constant 0x7F800000 : f32
          %broadcast_in_dim3A_501 = vector.broadcast %jit3A_500 : f32 to vector<16xf32>
          %select_n3A_502 = arith.select %eq3A_499, %broadcast_in_dim3A_501, %scan3A_417 : vector<16xi1>, vector<16xf32>
          %eq3A_503 = arith.cmpi eq, %get3A_397, %broadcast_in_dim3A_482 : vector<16xi32>
          %jit3A_504 = arith.constant 0x7F800000 : f32
          %broadcast_in_dim3A_505 = vector.broadcast %jit3A_504 : f32 to vector<16xf32>
          %select_n3A_506 = arith.select %eq3A_503, %broadcast_in_dim3A_505, %scan3A_418 : vector<16xi1>, vector<16xf32>
          %eq3A_507 = arith.cmpi eq, %get3A_399, %broadcast_in_dim3A_482 : vector<16xi32>
          %jit3A_508 = arith.constant 0x7F800000 : f32
          %broadcast_in_dim3A_509 = vector.broadcast %jit3A_508 : f32 to vector<16xf32>
          %select_n3A_510 = arith.select %eq3A_507, %broadcast_in_dim3A_509, %scan3A_419 : vector<16xi1>, vector<16xf32>
          %eq3A_511 = arith.cmpi eq, %get3A_401, %broadcast_in_dim3A_482 : vector<16xi32>
          %jit3A_512 = arith.constant 0x7F800000 : f32
          %broadcast_in_dim3A_513 = vector.broadcast %jit3A_512 : f32 to vector<16xf32>
          %select_n3A_514 = arith.select %eq3A_511, %broadcast_in_dim3A_513, %scan3A_420 : vector<16xi1>, vector<16xf32>
          %jit3A_515 = arith.constant 16 : i32
          %eq3A_516 = arith.constant 0 : i32
          %eq3A_517 = arith.cmpi eq, %jit3A_515, %eq3A_516 : i32
          %jit3A_518 = arith.constant 1 : i32
          %select_n3A_519 = arith.select %eq3A_517, %jit3A_518, %jit3A_515 : i32
          %rem3A_520 = arith.remsi %scan3A_408, %select_n3A_519 : i32
          %ne3A_521 = arith.constant 0 : i32
          %ne3A_522 = arith.cmpi ne, %rem3A_520, %ne3A_521 : i32
          %lt3A_523 = arith.constant 0 : i32
          %lt3A_524 = arith.cmpi slt, %rem3A_520, %lt3A_523 : i32
          %lt3A_525 = arith.constant 0 : i32
          %lt3A_526 = arith.cmpi slt, %select_n3A_519, %lt3A_525 : i32
          %ne3A_527 = arith.xori %lt3A_524, %lt3A_526 : i1
          %and3A_528 = arith.andi %ne3A_527, %ne3A_522 : i1
          %add3A_529 = arith.addi %rem3A_520, %select_n3A_519 : i32
          %select_n3A_530 = arith.select %and3A_528, %add3A_529, %rem3A_520 : i32
          %eq3A_531 = vector.broadcast %select_n3A_530 : i32 to vector<16xi32>
          %eq3A_532 = arith.cmpi eq, %iota3A, %eq3A_531 : vector<16xi32>
          %jit3A_533 = arith.constant 16 : i32
          %div3A_534 = arith.divsi %scan3A_408, %jit3A_533 : i32
          %sign3A_535 = arith.constant 0 : i32
          %sign3A_536 = arith.cmpi sgt, %scan3A_408, %sign3A_535 : i32
          %sign3A_537 = arith.extui %sign3A_536 : i1 to i32
          %sign3A_538 = arith.constant 0 : i32
          %sign3A_539 = arith.cmpi slt, %scan3A_408, %sign3A_538 : i32
          %sign3A_540 = arith.extui %sign3A_539 : i1 to i32
          %sign3A_541 = arith.subi %sign3A_537, %sign3A_540 : i32
          %sign3A_542 = arith.constant 0 : i32
          %sign3A_543 = arith.cmpi sgt, %jit3A_533, %sign3A_542 : i32
          %sign3A_544 = arith.extui %sign3A_543 : i1 to i32
          %sign3A_545 = arith.constant 0 : i32
          %sign3A_546 = arith.cmpi slt, %jit3A_533, %sign3A_545 : i32
          %sign3A_547 = arith.extui %sign3A_546 : i1 to i32
          %sign3A_548 = arith.subi %sign3A_544, %sign3A_547 : i32
          %ne3A_549 = arith.cmpi ne, %sign3A_541, %sign3A_548 : i32
          %rem3A_550 = arith.remsi %scan3A_408, %jit3A_533 : i32
          %ne3A_551 = arith.constant 0 : i32
          %ne3A_552 = arith.cmpi ne, %rem3A_550, %ne3A_551 : i32
          %and3A_553 = arith.andi %ne3A_549, %ne3A_552 : i1
          %sub3A_554 = arith.constant 1 : i32
          %sub3A_555 = arith.subi %div3A_534, %sub3A_554 : i32
          %select_n3A_556 = arith.select %and3A_553, %sub3A_555, %div3A_534 : i32
          %eq3A_557 = arith.constant 0 : i32
          %eq3A_558 = arith.cmpi eq, %select_n3A_556, %eq3A_557 : i32
          %and3A_559 = vector.broadcast %eq3A_558 : i1 to vector<16xi1>
          %and3A_560 = arith.andi %eq3A_532, %and3A_559 : vector<16xi1>
          %broadcast_in_dim3A_561 = vector.broadcast %reduce_min3A_470 : f32 to vector<16xf32>
          %select_n3A_562 = arith.select %and3A_560, %broadcast_in_dim3A_561, %scan3A_409 : vector<16xi1>, vector<16xf32>
          %eq3A_563 = arith.constant 1 : i32
          %eq3A_564 = arith.cmpi eq, %select_n3A_556, %eq3A_563 : i32
          %and3A_565 = vector.broadcast %eq3A_564 : i1 to vector<16xi1>
          %and3A_566 = arith.andi %eq3A_532, %and3A_565 : vector<16xi1>
          %broadcast_in_dim3A_567 = vector.broadcast %reduce_min3A_470 : f32 to vector<16xf32>
          %select_n3A_568 = arith.select %and3A_566, %broadcast_in_dim3A_567, %scan3A_410 : vector<16xi1>, vector<16xf32>
          %eq3A_569 = arith.constant 0 : i32
          %eq3A_570 = arith.cmpi eq, %select_n3A_556, %eq3A_569 : i32
          %and3A_571 = vector.broadcast %eq3A_570 : i1 to vector<16xi1>
          %and3A_572 = arith.andi %eq3A_532, %and3A_571 : vector<16xi1>
          %broadcast_in_dim3A_573 = vector.broadcast %reduce_min3A_481 : i32 to vector<16xi32>
          %select_n3A_574 = arith.select %and3A_572, %broadcast_in_dim3A_573, %scan3A_411 : vector<16xi1>, vector<16xi32>
          %eq3A_575 = arith.constant 1 : i32
          %eq3A_576 = arith.cmpi eq, %select_n3A_556, %eq3A_575 : i32
          %and3A_577 = vector.broadcast %eq3A_576 : i1 to vector<16xi1>
          %and3A_578 = arith.andi %eq3A_532, %and3A_577 : vector<16xi1>
          %broadcast_in_dim3A_579 = vector.broadcast %reduce_min3A_481 : i32 to vector<16xi32>
          %select_n3A_580 = arith.select %and3A_578, %broadcast_in_dim3A_579, %scan3A_412 : vector<16xi1>, vector<16xi32>
          scf.yield %select_n3A_562, %select_n3A_568, %select_n3A_574, %select_n3A_580, %select_n3A_486, %select_n3A_490, %select_n3A_494, %select_n3A_498, %select_n3A_502, %select_n3A_506, %select_n3A_510, %select_n3A_514 : vector<16xf32>, vector<16xf32>, vector<16xi32>, vector<16xi32>, vector<16xf32>, vector<16xf32>, vector<16xf32>, vector<16xf32>, vector<16xf32>, vector<16xf32>, vector<16xf32>, vector<16xf32>
        }
        %scan3A_407 = arith.constant 32 : i32
        scf.yield %scan3A_406#0, %scan3A_406#1, %scan3A_406#2, %scan3A_406#3 : vector<16xf32>, vector<16xf32>, vector<16xi32>, vector<16xi32>
      } else {
        %scan3A_371 = arith.constant 0 : i32
        %scan3A_372 = arith.constant 32 : i32
        %scan3A_373 = arith.addi %scan3A_371, %scan3A_372 : i32
        %scan3A_374 = arith.constant 1 : i32
        %scan3A_375:4 = scf.for %scan3A_377 = %scan3A_371 to %scan3A_373 step %scan3A_374 iter_args(%scan3A_378 = %broadcast_in_dim3A_327, %scan3A_379 = %broadcast_in_dim3A_327, %scan3A_380 = %broadcast_in_dim3A_329, %scan3A_381 = %broadcast_in_dim3A_329) -> (vector<16xf32>, vector<16xf32>, vector<16xi32>, vector<16xi32>)  : i32 {
          %while3A_382 = arith.constant 0 : i32
          %while3A_383 = arith.subi %select_n3A_298, %while3A_382 : i32
          %while3A_384 = arith.addi %while3A_382, %while3A_383 : i32
          %while3A_385 = arith.constant 1 : i32
          %while3A_386 = arith.divsi %while3A_383, %while3A_385 : i32
          %while3A_387 = arith.muli %while3A_386, %while3A_385 : i32
          %while3A_388 = arith.addi %while3A_382, %while3A_387 : i32
          %while3A_389 = arith.constant 1 : i32
          %while3A_390:2 = scf.for %while3A_483 = %while3A_382 to %while3A_388 step %while3A_389 iter_args(%while3A_484 = %broadcast_in_dim3A_9, %while3A_485 = %broadcast_in_dim3A_11) -> (vector<16xf32>, vector<16xi32>)  : i32 {
            %mul3A_486 = arith.constant 16 : i32
            %mul3A_487 = arith.muli %while3A_483, %mul3A_486 : i32
            %get3A = arith.index_cast %mul3A_487 : i32 to index
            %get3A_488 = tpu.vector_load %arg10[%get3A] {strides = array<i32>} : memref<2064xf32, #tpu.memory_space<vmem>>, vector<16xf32>,
            %mul3A_489 = arith.constant 16 : i32
            %mul3A_490 = arith.muli %while3A_483, %mul3A_489 : i32
            %get3A_491 = arith.index_cast %mul3A_490 : i32 to index
            %get3A_492 = tpu.vector_load %arg11[%get3A_491] {strides = array<i32>} : memref<2064xi32, #tpu.memory_space<vmem>>, vector<16xi32>,
            %lt3A_493 = arith.cmpf olt, %get3A_488, %while3A_484 : vector<16xf32>
            %eq3A_494 = arith.cmpf oeq, %get3A_488, %while3A_484 : vector<16xf32>
            %lt3A_495 = arith.cmpi slt, %get3A_492, %while3A_485 : vector<16xi32>
            %and3A_496 = arith.andi %eq3A_494, %lt3A_495 : vector<16xi1>
            %or3A = arith.ori %lt3A_493, %and3A_496 : vector<16xi1>
            %select_n3A_497 = arith.select %or3A, %get3A_488, %while3A_484 : vector<16xi1>, vector<16xf32>
            %select_n3A_498 = arith.select %or3A, %get3A_492, %while3A_485 : vector<16xi1>, vector<16xi32>
            scf.yield %select_n3A_497, %select_n3A_498 : vector<16xf32>, vector<16xi32>
          }
          %while3A_391 = arith.constant 1 : i32
          %while3A_392:2 = scf.for %while3A_483 = %while3A_388 to %while3A_384 step %while3A_391 iter_args(%while3A_484 = %while3A_390#0, %while3A_485 = %while3A_390#1) -> (vector<16xf32>, vector<16xi32>)  : i32 {
            %mul3A_486 = arith.constant 16 : i32
            %mul3A_487 = arith.muli %while3A_483, %mul3A_486 : i32
            %get3A = arith.index_cast %mul3A_487 : i32 to index
            %get3A_488 = tpu.vector_load %arg10[%get3A] {strides = array<i32>} : memref<2064xf32, #tpu.memory_space<vmem>>, vector<16xf32>,
            %mul3A_489 = arith.constant 16 : i32
            %mul3A_490 = arith.muli %while3A_483, %mul3A_489 : i32
            %get3A_491 = arith.index_cast %mul3A_490 : i32 to index
            %get3A_492 = tpu.vector_load %arg11[%get3A_491] {strides = array<i32>} : memref<2064xi32, #tpu.memory_space<vmem>>, vector<16xi32>,
            %lt3A_493 = arith.cmpf olt, %get3A_488, %while3A_484 : vector<16xf32>
            %eq3A_494 = arith.cmpf oeq, %get3A_488, %while3A_484 : vector<16xf32>
            %lt3A_495 = arith.cmpi slt, %get3A_492, %while3A_485 : vector<16xi32>
            %and3A_496 = arith.andi %eq3A_494, %lt3A_495 : vector<16xi1>
            %or3A = arith.ori %lt3A_493, %and3A_496 : vector<16xi1>
            %select_n3A_497 = arith.select %or3A, %get3A_488, %while3A_484 : vector<16xi1>, vector<16xf32>
            %select_n3A_498 = arith.select %or3A, %get3A_492, %while3A_485 : vector<16xi1>, vector<16xi32>
            scf.yield %select_n3A_497, %select_n3A_498 : vector<16xf32>, vector<16xi32>
          }
          %reduce_min3A = arith.constant true
          %reduce_min3A_393 = vector.broadcast %reduce_min3A : i1 to vector<16xi1>
          %reduce_min3A_394 = tpu.scan <min>, %while3A_392#0 masked %reduce_min3A_393 : vector<16xf32>, vector<16xi1> -> vector<16xf32>
          %reduce_min3A_395 = vector.extract %reduce_min3A_394[15] : f32 from vector<16xf32>
          %broadcast_in_dim3A_396 = vector.broadcast %reduce_min3A_395 : f32 to vector<16xf32>
          %eq3A = arith.cmpf oeq, %while3A_392#0, %broadcast_in_dim3A_396 : vector<16xf32>
          %select_n3A_397 = arith.select %eq3A, %while3A_392#1, %broadcast_in_dim3A_11 : vector<16xi1>, vector<16xi32>
          %reduce_min3A_398 = arith.constant true
          %reduce_min3A_399 = vector.broadcast %reduce_min3A_398 : i1 to vector<16xi1>
          %reduce_min3A_400 = arith.constant -2147483648 : i32
          %reduce_min3A_401 = vector.broadcast %reduce_min3A_400 : i32 to vector<16xi32>
          %reduce_min3A_402 = arith.xori %select_n3A_397, %reduce_min3A_401 : vector<16xi32>
          %reduce_min3A_403 = tpu.scan <min>, %reduce_min3A_402 masked %reduce_min3A_399 : vector<16xi32>, vector<16xi1> -> vector<16xi32>
          %reduce_min3A_404 = arith.xori %reduce_min3A_403, %reduce_min3A_401 : vector<16xi32>
          %reduce_min3A_405 = vector.extract %reduce_min3A_404[15] : i32 from vector<16xi32>
          %broadcast_in_dim3A_406 = vector.broadcast %reduce_min3A_405 : i32 to vector<16xi32>
          %while3A_407 = arith.constant 0 : i32
          %while3A_408 = arith.constant 0 : i32
          %while3A_409 = arith.subi %select_n3A_298, %while3A_408 : i32
          %while3A_410 = arith.addi %while3A_408, %while3A_409 : i32
          %while3A_411 = arith.constant 1 : i32
          %while3A_412 = arith.divsi %while3A_409, %while3A_411 : i32
          %while3A_413 = arith.muli %while3A_412, %while3A_411 : i32
          %while3A_414 = arith.addi %while3A_408, %while3A_413 : i32
          %while3A_415 = arith.constant 1 : i32
          scf.for %while3A_483 = %while3A_408 to %while3A_414 step %while3A_415  : i32 {
            %mul3A_484 = arith.constant 16 : i32
            %mul3A_485 = arith.muli %while3A_483, %mul3A_484 : i32
            %get3A = arith.index_cast %mul3A_485 : i32 to index
            %get3A_486 = tpu.vector_load %arg10[%get3A] {strides = array<i32>} : memref<2064xf32, #tpu.memory_space<vmem>>, vector<16xf32>,
            %mul3A_487 = arith.constant 16 : i32
            %mul3A_488 = arith.muli %while3A_483, %mul3A_487 : i32
            %get3A_489 = arith.index_cast %mul3A_488 : i32 to index
            %get3A_490 = tpu.vector_load %arg11[%get3A_489] {strides = array<i32>} : memref<2064xi32, #tpu.memory_space<vmem>>, vector<16xi32>,
            %eq3A_491 = arith.cmpi eq, %get3A_490, %broadcast_in_dim3A_406 : vector<16xi32>
            %jit3A_492 = arith.constant 0x7F800000 : f32
            %broadcast_in_dim3A_493 = vector.broadcast %jit3A_492 : f32 to vector<16xf32>
            %select_n3A_494 = arith.select %eq3A_491, %broadcast_in_dim3A_493, %get3A_486 : vector<16xi1>, vector<16xf32>
            %mul3A_495 = arith.constant 16 : i32
            %mul3A_496 = arith.muli %while3A_483, %mul3A_495 : i32
            %swap3A_497 = arith.index_cast %mul3A_496 : i32 to index
            %swap3A_498 = tpu.vector_load %arg10[%swap3A_497] {strides = array<i32>} : memref<2064xf32, #tpu.memory_space<vmem>>, vector<16xf32>,
            tpu.vector_store %arg10[%swap3A_497], %select_n3A_494 {strides = array<i32>} : memref<2064xf32, #tpu.memory_space<vmem>>, vector<16xf32>,
          }
          %while3A_416 = arith.constant 1 : i32
          scf.for %while3A_483 = %while3A_414 to %while3A_410 step %while3A_416  : i32 {
            %mul3A_484 = arith.constant 16 : i32
            %mul3A_485 = arith.muli %while3A_483, %mul3A_484 : i32
            %get3A = arith.index_cast %mul3A_485 : i32 to index
            %get3A_486 = tpu.vector_load %arg10[%get3A] {strides = array<i32>} : memref<2064xf32, #tpu.memory_space<vmem>>, vector<16xf32>,
            %mul3A_487 = arith.constant 16 : i32
            %mul3A_488 = arith.muli %while3A_483, %mul3A_487 : i32
            %get3A_489 = arith.index_cast %mul3A_488 : i32 to index
            %get3A_490 = tpu.vector_load %arg11[%get3A_489] {strides = array<i32>} : memref<2064xi32, #tpu.memory_space<vmem>>, vector<16xi32>,
            %eq3A_491 = arith.cmpi eq, %get3A_490, %broadcast_in_dim3A_406 : vector<16xi32>
            %jit3A_492 = arith.constant 0x7F800000 : f32
            %broadcast_in_dim3A_493 = vector.broadcast %jit3A_492 : f32 to vector<16xf32>
            %select_n3A_494 = arith.select %eq3A_491, %broadcast_in_dim3A_493, %get3A_486 : vector<16xi1>, vector<16xf32>
            %mul3A_495 = arith.constant 16 : i32
            %mul3A_496 = arith.muli %while3A_483, %mul3A_495 : i32
            %swap3A_497 = arith.index_cast %mul3A_496 : i32 to index
            %swap3A_498 = tpu.vector_load %arg10[%swap3A_497] {strides = array<i32>} : memref<2064xf32, #tpu.memory_space<vmem>>, vector<16xf32>,
            tpu.vector_store %arg10[%swap3A_497], %select_n3A_494 {strides = array<i32>} : memref<2064xf32, #tpu.memory_space<vmem>>, vector<16xf32>,
          }
          %jit3A_417 = arith.constant 16 : i32
          %eq3A_418 = arith.constant 0 : i32
          %eq3A_419 = arith.cmpi eq, %jit3A_417, %eq3A_418 : i32
          %jit3A_420 = arith.constant 1 : i32
          %select_n3A_421 = arith.select %eq3A_419, %jit3A_420, %jit3A_417 : i32
          %rem3A_422 = arith.remsi %scan3A_377, %select_n3A_421 : i32
          %ne3A_423 = arith.constant 0 : i32
          %ne3A_424 = arith.cmpi ne, %rem3A_422, %ne3A_423 : i32
          %lt3A_425 = arith.constant 0 : i32
          %lt3A_426 = arith.cmpi slt, %rem3A_422, %lt3A_425 : i32
          %lt3A_427 = arith.constant 0 : i32
          %lt3A_428 = arith.cmpi slt, %select_n3A_421, %lt3A_427 : i32
          %ne3A_429 = arith.xori %lt3A_426, %lt3A_428 : i1
          %and3A_430 = arith.andi %ne3A_429, %ne3A_424 : i1
          %add3A_431 = arith.addi %rem3A_422, %select_n3A_421 : i32
          %select_n3A_432 = arith.select %and3A_430, %add3A_431, %rem3A_422 : i32
          %eq3A_433 = vector.broadcast %select_n3A_432 : i32 to vector<16xi32>
          %eq3A_434 = arith.cmpi eq, %iota3A, %eq3A_433 : vector<16xi32>
          %jit3A_435 = arith.constant 16 : i32
          %div3A_436 = arith.divsi %scan3A_377, %jit3A_435 : i32
          %sign3A_437 = arith.constant 0 : i32
          %sign3A_438 = arith.cmpi sgt, %scan3A_377, %sign3A_437 : i32
          %sign3A_439 = arith.extui %sign3A_438 : i1 to i32
          %sign3A_440 = arith.constant 0 : i32
          %sign3A_441 = arith.cmpi slt, %scan3A_377, %sign3A_440 : i32
          %sign3A_442 = arith.extui %sign3A_441 : i1 to i32
          %sign3A_443 = arith.subi %sign3A_439, %sign3A_442 : i32
          %sign3A_444 = arith.constant 0 : i32
          %sign3A_445 = arith.cmpi sgt, %jit3A_435, %sign3A_444 : i32
          %sign3A_446 = arith.extui %sign3A_445 : i1 to i32
          %sign3A_447 = arith.constant 0 : i32
          %sign3A_448 = arith.cmpi slt, %jit3A_435, %sign3A_447 : i32
          %sign3A_449 = arith.extui %sign3A_448 : i1 to i32
          %sign3A_450 = arith.subi %sign3A_446, %sign3A_449 : i32
          %ne3A_451 = arith.cmpi ne, %sign3A_443, %sign3A_450 : i32
          %rem3A_452 = arith.remsi %scan3A_377, %jit3A_435 : i32
          %ne3A_453 = arith.constant 0 : i32
          %ne3A_454 = arith.cmpi ne, %rem3A_452, %ne3A_453 : i32
          %and3A_455 = arith.andi %ne3A_451, %ne3A_454 : i1
          %sub3A_456 = arith.constant 1 : i32
          %sub3A_457 = arith.subi %div3A_436, %sub3A_456 : i32
          %select_n3A_458 = arith.select %and3A_455, %sub3A_457, %div3A_436 : i32
          %eq3A_459 = arith.constant 0 : i32
          %eq3A_460 = arith.cmpi eq, %select_n3A_458, %eq3A_459 : i32
          %and3A_461 = vector.broadcast %eq3A_460 : i1 to vector<16xi1>
          %and3A_462 = arith.andi %eq3A_434, %and3A_461 : vector<16xi1>
          %broadcast_in_dim3A_463 = vector.broadcast %reduce_min3A_395 : f32 to vector<16xf32>
          %select_n3A_464 = arith.select %and3A_462, %broadcast_in_dim3A_463, %scan3A_378 : vector<16xi1>, vector<16xf32>
          %eq3A_465 = arith.constant 1 : i32
          %eq3A_466 = arith.cmpi eq, %select_n3A_458, %eq3A_465 : i32
          %and3A_467 = vector.broadcast %eq3A_466 : i1 to vector<16xi1>
          %and3A_468 = arith.andi %eq3A_434, %and3A_467 : vector<16xi1>
          %broadcast_in_dim3A_469 = vector.broadcast %reduce_min3A_395 : f32 to vector<16xf32>
          %select_n3A_470 = arith.select %and3A_468, %broadcast_in_dim3A_469, %scan3A_379 : vector<16xi1>, vector<16xf32>
          %eq3A_471 = arith.constant 0 : i32
          %eq3A_472 = arith.cmpi eq, %select_n3A_458, %eq3A_471 : i32
          %and3A_473 = vector.broadcast %eq3A_472 : i1 to vector<16xi1>
          %and3A_474 = arith.andi %eq3A_434, %and3A_473 : vector<16xi1>
          %broadcast_in_dim3A_475 = vector.broadcast %reduce_min3A_405 : i32 to vector<16xi32>
          %select_n3A_476 = arith.select %and3A_474, %broadcast_in_dim3A_475, %scan3A_380 : vector<16xi1>, vector<16xi32>
          %eq3A_477 = arith.constant 1 : i32
          %eq3A_478 = arith.cmpi eq, %select_n3A_458, %eq3A_477 : i32
          %and3A_479 = vector.broadcast %eq3A_478 : i1 to vector<16xi1>
          %and3A_480 = arith.andi %eq3A_434, %and3A_479 : vector<16xi1>
          %broadcast_in_dim3A_481 = vector.broadcast %reduce_min3A_405 : i32 to vector<16xi32>
          %select_n3A_482 = arith.select %and3A_480, %broadcast_in_dim3A_481, %scan3A_381 : vector<16xi1>, vector<16xi32>
          scf.yield %select_n3A_464, %select_n3A_470, %select_n3A_476, %select_n3A_482 : vector<16xf32>, vector<16xf32>, vector<16xi32>, vector<16xi32>
        }
        %scan3A_376 = arith.constant 32 : i32
        scf.yield %scan3A_375#0, %scan3A_375#1, %scan3A_375#2, %scan3A_375#3 : vector<16xf32>, vector<16xf32>, vector<16xi32>, vector<16xi32>
      }
      %mul3A_337 = arith.constant 32 : i32
      %mul3A_338 = arith.muli %add3A_192, %mul3A_337 : i32
      %swap3A_339 = arith.index_cast %mul3A_338 : i32 to index
      %swap3A_340 = tpu.vector_load %arg12[%swap3A_339] {strides = array<i32>} : memref<8192xf32, #tpu.memory_space<vmem>>, vector<16xf32>,
      tpu.vector_store %arg12[%swap3A_339], %cond3A_336#0 {strides = array<i32>} : memref<8192xf32, #tpu.memory_space<vmem>>, vector<16xf32>,
      %mul3A_341 = arith.constant 32 : i32
      %mul3A_342 = arith.muli %add3A_192, %mul3A_341 : i32
      %add3A_343 = arith.constant 16 : i32
      %add3A_344 = arith.addi %mul3A_342, %add3A_343 : i32
      %swap3A_345 = arith.index_cast %add3A_344 : i32 to index
      %swap3A_346 = tpu.vector_load %arg12[%swap3A_345] {strides = array<i32>} : memref<8192xf32, #tpu.memory_space<vmem>>, vector<16xf32>,
      tpu.vector_store %arg12[%swap3A_345], %cond3A_336#1 {strides = array<i32>} : memref<8192xf32, #tpu.memory_space<vmem>>, vector<16xf32>,
      %mul3A_347 = arith.constant 32 : i32
      %mul3A_348 = arith.muli %add3A_192, %mul3A_347 : i32
      %swap3A_349 = arith.index_cast %mul3A_348 : i32 to index
      %swap3A_350 = tpu.vector_load %arg13[%swap3A_349] {strides = array<i32>} : memref<8192xi32, #tpu.memory_space<vmem>>, vector<16xi32>,
      tpu.vector_store %arg13[%swap3A_349], %cond3A_336#2 {strides = array<i32>} : memref<8192xi32, #tpu.memory_space<vmem>>, vector<16xi32>,
      %mul3A_351 = arith.constant 32 : i32
      %mul3A_352 = arith.muli %add3A_192, %mul3A_351 : i32
      %add3A_353 = arith.constant 16 : i32
      %add3A_354 = arith.addi %mul3A_352, %add3A_353 : i32
      %swap3A_355 = arith.index_cast %add3A_354 : i32 to index
      %swap3A_356 = tpu.vector_load %arg13[%swap3A_355] {strides = array<i32>} : memref<8192xi32, #tpu.memory_space<vmem>>, vector<16xi32>,
      tpu.vector_store %arg13[%swap3A_355], %cond3A_336#3 {strides = array<i32>} : memref<8192xi32, #tpu.memory_space<vmem>>, vector<16xi32>,
      %add3A_357 = vector.broadcast %mul3A_325 : i32 to vector<16xi32>
      %add3A_358 = arith.addi %cond3A_336#2, %add3A_357 : vector<16xi32>
      %mul3A_359 = arith.constant 32 : i32
      %mul3A_360 = arith.muli %add3A_192, %mul3A_359 : i32
      %swap3A_361 = arith.index_cast %mul3A_360 : i32 to index
      %swap3A_362 = tpu.vector_load %arg14[%swap3A_361] {strides = array<i32>} : memref<8192xi32, #tpu.memory_space<vmem>>, vector<16xi32>,
      tpu.vector_store %arg14[%swap3A_361], %add3A_358 {strides = array<i32>} : memref<8192xi32, #tpu.memory_space<vmem>>, vector<16xi32>,
      %add3A_363 = vector.broadcast %mul3A_325 : i32 to vector<16xi32>
      %add3A_364 = arith.addi %cond3A_336#3, %add3A_363 : vector<16xi32>
      %mul3A_365 = arith.constant 32 : i32
      %mul3A_366 = arith.muli %add3A_192, %mul3A_365 : i32
      %add3A_367 = arith.constant 16 : i32
      %add3A_368 = arith.addi %mul3A_366, %add3A_367 : i32
      %swap3A_369 = arith.index_cast %add3A_368 : i32 to index
      %swap3A_370 = tpu.vector_load %arg14[%swap3A_369] {strides = array<i32>} : memref<8192xi32, #tpu.memory_space<vmem>>, vector<16xi32>,
      tpu.vector_store %arg14[%swap3A_369], %add3A_364 {strides = array<i32>} : memref<8192xi32, #tpu.memory_space<vmem>>, vector<16xi32>,
    }
    %scan3A_16 = arith.constant 128 : i32
    %mul3A_17 = arith.constant 32 : i32
    %mul3A_18 = arith.muli %mul3A_2, %mul3A_17 : i32
    "tpu.region"() ({
      %run_scoped3A = tpu.sem_alloc : memref<!tpu.dma_semaphore, #tpu.memory_space<semaphore_mem>>
      %dma_start3A_23 = tpu.memref_slice %arg3[%mul3A_18] : memref<262144xf32, #tpu.memory_space<hbm>> -> memref<8192xf32, #tpu.memory_space<hbm>>
      %dma_start3A_24 = tpu.memref_slice %arg3[%mul3A_18] : memref<262144xf32, #tpu.memory_space<hbm>> -> memref<8192xf32, #tpu.memory_space<hbm>>
      tpu.enqueue_dma source(%arg12 : memref<8192xf32, #tpu.memory_space<vmem>>) target(%dma_start3A_24 : memref<8192xf32, #tpu.memory_space<hbm>>) target_semaphore(%run_scoped3A : memref<!tpu.dma_semaphore, #tpu.memory_space<semaphore_mem>>)
      %dma_wait3A = tpu.memref_slice %arg3[%mul3A_18] : memref<262144xf32, #tpu.memory_space<hbm>> -> memref<8192xf32, #tpu.memory_space<hbm>>
      %dma_wait3A_25 = tpu.memref_slice %arg3[%mul3A_18] : memref<262144xf32, #tpu.memory_space<hbm>> -> memref<8192xf32, #tpu.memory_space<hbm>>
      tpu.wait_dma2 semaphore(%run_scoped3A : memref<!tpu.dma_semaphore, #tpu.memory_space<semaphore_mem>>) src(%arg12 : memref<8192xf32, #tpu.memory_space<vmem>>) dst(%dma_wait3A_25 : memref<8192xf32, #tpu.memory_space<hbm>>)
      tpu.yield
    }) : () -> ()
    %mul3A_19 = arith.constant 32 : i32
    %mul3A_20 = arith.muli %mul3A_2, %mul3A_19 : i32
    "tpu.region"() ({
      %run_scoped3A = tpu.sem_alloc : memref<!tpu.dma_semaphore, #tpu.memory_space<semaphore_mem>>
      %dma_start3A_23 = tpu.memref_slice %arg4[%mul3A_20] : memref<262144xi32, #tpu.memory_space<hbm>> -> memref<8192xi32, #tpu.memory_space<hbm>>
      %dma_start3A_24 = tpu.memref_slice %arg4[%mul3A_20] : memref<262144xi32, #tpu.memory_space<hbm>> -> memref<8192xi32, #tpu.memory_space<hbm>>
      tpu.enqueue_dma source(%arg13 : memref<8192xi32, #tpu.memory_space<vmem>>) target(%dma_start3A_24 : memref<8192xi32, #tpu.memory_space<hbm>>) target_semaphore(%run_scoped3A : memref<!tpu.dma_semaphore, #tpu.memory_space<semaphore_mem>>)
      %dma_wait3A = tpu.memref_slice %arg4[%mul3A_20] : memref<262144xi32, #tpu.memory_space<hbm>> -> memref<8192xi32, #tpu.memory_space<hbm>>
      %dma_wait3A_25 = tpu.memref_slice %arg4[%mul3A_20] : memref<262144xi32, #tpu.memory_space<hbm>> -> memref<8192xi32, #tpu.memory_space<hbm>>
      tpu.wait_dma2 semaphore(%run_scoped3A : memref<!tpu.dma_semaphore, #tpu.memory_space<semaphore_mem>>) src(%arg13 : memref<8192xi32, #tpu.memory_space<vmem>>) dst(%dma_wait3A_25 : memref<8192xi32, #tpu.memory_space<hbm>>)
      tpu.yield
    }) : () -> ()
    %mul3A_21 = arith.constant 32 : i32
    %mul3A_22 = arith.muli %mul3A_2, %mul3A_21 : i32
    "tpu.region"() ({
      %run_scoped3A = tpu.sem_alloc : memref<!tpu.dma_semaphore, #tpu.memory_space<semaphore_mem>>
      %dma_start3A_23 = tpu.memref_slice %arg5[%mul3A_22] : memref<262144xi32, #tpu.memory_space<hbm>> -> memref<8192xi32, #tpu.memory_space<hbm>>
      %dma_start3A_24 = tpu.memref_slice %arg5[%mul3A_22] : memref<262144xi32, #tpu.memory_space<hbm>> -> memref<8192xi32, #tpu.memory_space<hbm>>
      tpu.enqueue_dma source(%arg14 : memref<8192xi32, #tpu.memory_space<vmem>>) target(%dma_start3A_24 : memref<8192xi32, #tpu.memory_space<hbm>>) target_semaphore(%run_scoped3A : memref<!tpu.dma_semaphore, #tpu.memory_space<semaphore_mem>>)
      %dma_wait3A = tpu.memref_slice %arg5[%mul3A_22] : memref<262144xi32, #tpu.memory_space<hbm>> -> memref<8192xi32, #tpu.memory_space<hbm>>
      %dma_wait3A_25 = tpu.memref_slice %arg5[%mul3A_22] : memref<262144xi32, #tpu.memory_space<hbm>> -> memref<8192xi32, #tpu.memory_space<hbm>>
      tpu.wait_dma2 semaphore(%run_scoped3A : memref<!tpu.dma_semaphore, #tpu.memory_space<semaphore_mem>>) src(%arg14 : memref<8192xi32, #tpu.memory_space<vmem>>) dst(%dma_wait3A_25 : memref<8192xi32, #tpu.memory_space<hbm>>)
      tpu.yield
    }) : () -> ()
    return
  }
}

module attributes {stable_mosaic.version = 14 : i64} {
  func.func @_dist_body(%arg0: i32, %arg1: i32, %arg2: memref<1x256x6xf32, #tpu.memory_space<vmem>>, %arg3: memref<1x8192x6xf32, #tpu.memory_space<vmem>>, %arg4: memref<1x256x8192xf32, #tpu.memory_space<vmem>>) attributes {dimension_semantics = [#tpu.dimension_semantics<arbitrary>, #tpu.dimension_semantics<arbitrary>], iteration_bounds = array<i64: 4, 8>, scalar_prefetch = 0 : i64, scratch_operands = 0 : i64, tpu.core_type = #tpu.core_type<tc>, window_params = [{transform_indices = @transform_0, window_bounds = array<i64: 1, 256, 6>}, {transform_indices = @transform_1, window_bounds = array<i64: 1, 8192, 6>}, {transform_indices = @transform_2, window_bounds = array<i64: 1, 256, 8192>}]} {
    %get3A = arith.constant 0 : index
    %get3A_0 = arith.constant 0 : index
    %get3A_1 = arith.constant 0 : index
    %get3A_2 = vector.load %arg2[%get3A, %get3A_0, %get3A_1] : memref<1x256x6xf32, #tpu.memory_space<vmem>>, vector<1x256x6xf32>
    %get3A_3 = vector.shape_cast %get3A_2 : vector<1x256x6xf32> to vector<256x6xf32>
    %get3A_4 = arith.constant 0 : index
    %get3A_5 = arith.constant 0 : index
    %get3A_6 = arith.constant 0 : index
    %get3A_7 = vector.load %arg3[%get3A_4, %get3A_5, %get3A_6] : memref<1x8192x6xf32, #tpu.memory_space<vmem>>, vector<1x8192x6xf32>
    %get3A_8 = vector.shape_cast %get3A_7 : vector<1x8192x6xf32> to vector<8192x6xf32>
    %slice3A = vector.extract_strided_slice %get3A_3 {offsets = [0, 0], sizes = [256, 1], strides = [1, 1]} : vector<256x6xf32> to vector<256x1xf32>
    %slice3A_9 = vector.extract_strided_slice %get3A_8 {offsets = [0, 0], sizes = [8192, 1], strides = [1, 1]} : vector<8192x6xf32> to vector<8192x1xf32>
    %squeeze3A = vector.shape_cast %slice3A_9 : vector<8192x1xf32> to vector<8192xf32>
    %broadcast_in_dim3A = vector.shape_cast %squeeze3A : vector<8192xf32> to vector<1x8192xf32>
    %sub3A = vector.broadcast %slice3A : vector<256x1xf32> to vector<256x8192xf32>
    %sub3A_10 = vector.broadcast %broadcast_in_dim3A : vector<1x8192xf32> to vector<256x8192xf32>
    %sub3A_11 = arith.subf %sub3A, %sub3A_10 : vector<256x8192xf32>
    %slice3A_12 = vector.extract_strided_slice %get3A_3 {offsets = [0, 1], sizes = [256, 1], strides = [1, 1]} : vector<256x6xf32> to vector<256x1xf32>
    %slice3A_13 = vector.extract_strided_slice %get3A_8 {offsets = [0, 1], sizes = [8192, 1], strides = [1, 1]} : vector<8192x6xf32> to vector<8192x1xf32>
    %squeeze3A_14 = vector.shape_cast %slice3A_13 : vector<8192x1xf32> to vector<8192xf32>
    %broadcast_in_dim3A_15 = vector.shape_cast %squeeze3A_14 : vector<8192xf32> to vector<1x8192xf32>
    %sub3A_16 = vector.broadcast %slice3A_12 : vector<256x1xf32> to vector<256x8192xf32>
    %sub3A_17 = vector.broadcast %broadcast_in_dim3A_15 : vector<1x8192xf32> to vector<256x8192xf32>
    %sub3A_18 = arith.subf %sub3A_16, %sub3A_17 : vector<256x8192xf32>
    %slice3A_19 = vector.extract_strided_slice %get3A_3 {offsets = [0, 2], sizes = [256, 1], strides = [1, 1]} : vector<256x6xf32> to vector<256x1xf32>
    %slice3A_20 = vector.extract_strided_slice %get3A_8 {offsets = [0, 2], sizes = [8192, 1], strides = [1, 1]} : vector<8192x6xf32> to vector<8192x1xf32>
    %squeeze3A_21 = vector.shape_cast %slice3A_20 : vector<8192x1xf32> to vector<8192xf32>
    %broadcast_in_dim3A_22 = vector.shape_cast %squeeze3A_21 : vector<8192xf32> to vector<1x8192xf32>
    %sub3A_23 = vector.broadcast %slice3A_19 : vector<256x1xf32> to vector<256x8192xf32>
    %sub3A_24 = vector.broadcast %broadcast_in_dim3A_22 : vector<1x8192xf32> to vector<256x8192xf32>
    %sub3A_25 = arith.subf %sub3A_23, %sub3A_24 : vector<256x8192xf32>
    %mul3A = arith.mulf %sub3A_11, %sub3A_11 : vector<256x8192xf32>
    %mul3A_26 = arith.mulf %sub3A_18, %sub3A_18 : vector<256x8192xf32>
    %add3A = arith.addf %mul3A, %mul3A_26 : vector<256x8192xf32>
    %mul3A_27 = arith.mulf %sub3A_25, %sub3A_25 : vector<256x8192xf32>
    %add3A_28 = arith.addf %add3A, %mul3A_27 : vector<256x8192xf32>
    %sqrt3A = math.sqrt %add3A_28 : vector<256x8192xf32>
    %swap3A = arith.constant 0 : index
    %swap3A_29 = arith.constant 0 : index
    %swap3A_30 = arith.constant 0 : index
    %swap3A_31 = vector.load %arg4[%swap3A, %swap3A_29, %swap3A_30] : memref<1x256x8192xf32, #tpu.memory_space<vmem>>, vector<1x256x8192xf32>
    %swap3A_32 = vector.shape_cast %swap3A_31 : vector<1x256x8192xf32> to vector<256x8192xf32>
    %swap3A_33 = vector.shape_cast %sqrt3A : vector<256x8192xf32> to vector<1x256x8192xf32>
    tpu.vector_store %arg4[%swap3A, %swap3A_29, %swap3A_30], %swap3A_33 {strides = array<i32>} : memref<1x256x8192xf32, #tpu.memory_space<vmem>>, vector<1x256x8192xf32>,
    return
  }
  func.func @transform_0(%arg0: i32, %arg1: i32) -> (i32, i32, i32) {
    %c0_i32 = arith.constant 0 : i32
    %c0_i32_0 = arith.constant 0 : i32
    return %arg0, %arg1, %c0_i32 : i32, i32, i32
  }
  func.func @transform_1(%arg0: i32, %arg1: i32) -> (i32, i32, i32) {
    %c0_i32 = arith.constant 0 : i32
    %c0_i32_0 = arith.constant 0 : i32
    %c0_i32_1 = arith.constant 0 : i32
    return %arg0, %c0_i32, %c0_i32_0 : i32, i32, i32
  }
  func.func @transform_2(%arg0: i32, %arg1: i32) -> (i32, i32, i32) {
    %c0_i32 = arith.constant 0 : i32
    %c0_i32_0 = arith.constant 0 : i32
    return %arg0, %arg1, %c0_i32 : i32, i32, i32
  }
}

</mosaic_0001>

<sc_bundles>
// kernel: kernel.12.cloned.1.call-start
scs
__scs_entry_jumppad:
0x0: {  	(pc) =	sbr.rel $0x88, $3  }
0x1: {  	(tag) =	ssettag $0x0;
	lr =	simm.s32 $0x1  }
0x2: {  	[smem:$0x3F9E] =	sst lr;
	_ =	strace $0xD0000000  }
0x3: {  	_ = 	snop  }
0x4: {  	_ = 	snop  }
0x5: {  	_ = 	snop  }
0x6: {  	_ = 	snop  }
0x7: {  	_ = 	snop  }
__scs_overlays_trampoline_lowered:
0x8: {  	[smem:$0x3FAD] =	sst s0  }
0x9: {  	[smem:$0x3FAE] =	sst s1  }
0xa: {  	[smem:$0x3FAF] =	sst s2  }
0xb: {  	[smem:$0x3FB0] =	sst s3  }
0xc: {  	[smem:$0x3FB1] =	sst s4  }
0xd: {  	[smem:$0x3FB2] =	sst s5  }
0xe: {  	[smem:$0x3FB3] =	sst s6  }
0xf: {  	[smem:$0x3FB4] =	sst s7  }
0x10: {  	[smem:$0x3FB5] =	sst s8  }
0x11: {  	[smem:$0x3FB6] =	sst s9;
	s0 =	simm.s32 @!p0 $0x0  }
0x12: {  	s1 =	sld [smem:$0x3F9C];
	s0 =	simm.s32 @p0 $0x1  }
0x13: {  	[smem:$0x3FB7] =	sst s0;
	s0 =	simm.s32 @!p1 $0x0  }
0x14: {  	s2 =	sld [smem:$0x3F9B];
	s0 =	simm.s32 @p1 $0x1  }
0x15: {  	[smem:$0x3FB8] =	sst s0;
	s0 =	simm.s32 @!p2 $0x0  }
0x16: {  	s3 =	sld [smem:$0x3FDB];
	s0 =	simm.s32 @p2 $0x1  }
0x17: {  	s4 =	simm.s32 $0x1BF5;
	[smem:$0x3FBA] =	sst s0  }
0x18: {  	s0 =	sld [smem:$0x3F9D];
	_ =	swait.ge [sflag:s4], $0x0  }
0x19: {  	s7 =	sld [smem:$0x3F9E]  }
0x1a: {  	s8 =	sadd.s32 $0xFFFFE003, lr  }
0x1b: {  	s9 =	sadd.s32 $0xFFFFFEF7, lr;
	s5 =	simm.s32 $0xFFFFFFFF;
	p2 =	slt.u32 s8, $0xFFFFF086  }
0x1c: {  	p1 =	slt.u32 s9, $0xF7A;
	s5 =	simm.s32 @!p2 $0x0  }
0x1d: {  	s5 =	simm.s32 @p1 $0x1;
	p0 =	seq.s32 s7, s2  }
0x1e: {  	s7 =	smul.u32 @!p0 $0xF7A, s2;
	p2 =	seq.s32 @!p0 s5, $0x0  }
0x1f: {  	s9 =	smul.u32 $0xF7A, s1;
	s8 =	simm.s32 @!p0 $0x1BF5;
	p2 =	por !p2, p0  }
0x20: {  	[sflag:s8] =	ssyncset.s32 @!p0 $0xFFFFF086;
	s6 =	sadd.s32 @!p0 s3, s7;
	s7 =	simm.s32 @!p0 $0x108  }
0x21: {  	s3 =	sadd.s32 s3, s9;
	s6 =	sadd.s32 @!p0 $0x88, s6;
	s7 =	simm.s32 @p2 $0x1082  }
0x22: {  	[simem:s7], [sflag:s8] =	dma.local @!p0 [hbm:s6], $0xF7A  }
0x23: {  	s9 =	sor.u32 $0xD0000000, s2;
	s6 =	simm.s32 $0x108;
	_ =	swait.ge @!p0 [sflag:s8], $0x0  }
0x24: {  	s3 =	sadd.s32 $0x88, s3;
	s6 =	simm.s32 @!p1 $0x1082;
	[sflag:s4] =	ssyncset.s32 $0xFFFFF086  }
0x25: {  	[simem:s6], [sflag:s4] =	dma.local [hbm:s3], $0xF7A  }
0x26: {  	[smem:$0x3F9E] =	sst s1;
	(tag) =	ssettag s2;
	_ =	strace s9  }
0x27: {  	s1 =	sld [smem:$0x3FAE]  }
0x28: {  	s2 =	sld [smem:$0x3FAF]  }
0x29: {  	s4 =	sld [smem:$0x3FB1]  }
0x2a: {  	p0 =	seq.s32 s5, $0x0;
	s5 =	sld [smem:$0x3FB2]  }
0x2b: {  	s6 =	sld [smem:$0x3FB3]  }
0x2c: {  	s7 =	sld [smem:$0x3FB4]  }
0x2d: {  	s3 =	simm.s32 $0x108;
	s8 =	sld [smem:$0x3FB5]  }
0x2e: {  	s3 =	simm.s32 @!p0 $0x1082;
	s9 =	sld [smem:$0x3FB6]  }
0x2f: {  	lr =	sadd.s32 s0, s3;
	s0 =	sld [smem:$0x3FAD]  }
0x30: {  	s3 =	sld [smem:$0x3FB0]  }
0x31: {  	[smem:$0x3FB9] =	sst s10  }
0x32: {  	s10 =	sld [smem:$0x3FB7];
	_ =	sdelay $0x3  }
0x33: {  	p0 =	seq.s32 s10, $0x1;
	s10 =	sld [smem:$0x3FB9];
	_ =	sdelay $0x3  }
0x34: {  	[smem:$0x3FB9] =	sst s10  }
0x35: {  	s10 =	sld [smem:$0x3FB8];
	_ =	sdelay $0x3  }
0x36: {  	p1 =	seq.s32 s10, $0x1;
	s10 =	sld [smem:$0x3FB9];
	_ =	sdelay $0x3  }
0x37: {  	[smem:$0x3FB9] =	sst s10  }
0x38: {  	s10 =	sld [smem:$0x3FBA]  }
0x39: {  	_ = 	snop;
	(pc) =	sbr.ind lr, $3  }
0x3a: {  	_ = 	snop  }
0x3b: {  	_ = 	snop  }
0x3c: {  	p2 =	seq.s32 s10, $0x1;
	s10 =	sld [smem:$0x3FB9]  }
0x3d: {  	_ =	shalt  }
0x3e: {  	_ =	shalt  }
0x3f: {  	_ =	shalt  }
0x40: {  	_ =	shalt  }
0x41: {  	_ =	shalt  }
0x42: {  	_ =	shalt  }
0x43: {  	_ =	shalt  }
0x44: {  	_ =	shalt  }
0x45: {  	_ =	shalt  }
0x46: {  	_ =	shalt  }
0x47: {  	_ =	shalt  }
0x48: {  	_ =	shalt  }
0x49: {  	_ =	shalt  }
0x4a: {  	_ =	shalt  }
0x4b: {  	_ =	shalt  }
0x4c: {  	_ =	shalt  }
0x4d: {  	_ =	shalt  }
0x4e: {  	_ =	shalt  }
0x4f: {  	_ =	shalt  }
0x50: {  	_ =	shalt  }
0x51: {  	_ =	shalt  }
0x52: {  	_ =	shalt  }
0x53: {  	_ =	shalt  }
0x54: {  	_ =	shalt  }
0x55: {  	_ =	shalt  }
0x56: {  	_ =	shalt  }
0x57: {  	_ =	shalt  }
0x58: {  	_ =	shalt  }
0x59: {  	_ =	shalt  }
0x5a: {  	_ =	shalt  }
0x5b: {  	_ =	shalt  }
0x5c: {  	_ =	shalt  }
0x5d: {  	_ =	shalt  }
0x5e: {  	_ =	shalt  }
0x5f: {  	_ =	shalt  }
0x60: {  	_ =	shalt  }
0x61: {  	_ =	shalt  }
0x62: {  	_ =	shalt  }
0x63: {  	_ =	shalt  }
0x64: {  	_ =	shalt  }
0x65: {  	_ =	shalt  }
0x66: {  	_ =	shalt  }
0x67: {  	_ =	shalt  }
0x68: {  	_ =	shalt  }
0x69: {  	_ =	shalt  }
0x6a: {  	_ =	shalt  }
0x6b: {  	_ =	shalt  }
0x6c: {  	_ =	shalt  }
0x6d: {  	_ =	shalt  }
0x6e: {  	_ =	shalt  }
0x6f: {  	_ =	shalt  }
0x70: {  	_ =	shalt  }
0x71: {  	_ =	shalt  }
0x72: {  	_ =	shalt  }
0x73: {  	_ =	shalt  }
0x74: {  	_ =	shalt  }
0x75: {  	_ =	shalt  }
0x76: {  	_ =	shalt  }
0x77: {  	_ =	shalt  }
0x78: {  	_ =	shalt  }
0x79: {  	_ =	shalt  }
0x7a: {  	_ =	shalt  }
0x7b: {  	_ =	shalt  }
0x7c: {  	_ =	shalt  }
0x7d: {  	_ =	shalt  }
0x7e: {  	_ =	shalt  }
0x7f: {  	_ =	shalt  }
0x80: {  	_ =	shalt  }
0x81: {  	_ =	shalt  }
0x82: {  	_ =	shalt  }
0x83: {  	_ =	shalt  }
0x84: {  	_ =	shalt  }
0x85: {  	_ =	shalt  }
0x86: {  	_ =	shalt  }
0x87: {  	_ =	shalt  }
.Lfunc_end0:
.L_simem_size_0:
called_computation.4_lowered:
.L_overlay_start_0:
0x88: {  	s2 =	sld [smem:$0x3FD9]  }
0x89: {  	s3 =	sld [smem:$0x3FFE];
	_ =	sdelay $0x1  }
0x8a: {  	s1 =	srdreg.scid  }
0x8b: {  	s0 =	sand.u32 $0x1, s1  }
0x8c: {  	s14 =	sshll.u32 s0, $0xA;
	s2 =	sadd.s32 s3, s2  }
0x8d: {  	s2 =	sadd.s32 s2, s14  }
0x8e: {  	[smem:$0x3FC5] =	sst s2  }
0x8f: {  	_ = 	snop  }
0x90: {  	s2 =	sld [smem:$0x3FD0];
	_ =	sdelay $0x2  }
0x91: {  	s15 =	simm.s32 $0xB;
	s4 =	simm.s32 $0x10  }
0x92: {  	[smem:s4], [sflag:s15] =	dma.local [hbm:s2], $0x1  }
0x93: {  	_ =	swait.eq [sflag:s15], $0x1  }
0x94: {  	[sflag:s15] =	ssyncset.done $0x0  }
0x95: {  	s16 =	sld [smem:$0x11];
	[sflag:s15] =	ssyncadd.s32 $0xFFFFFFFF  }
0x96: {  	s17 =	sld [smem:$0x12];
	(tm) =	ssettm $0x1  }
0x97: {  	s18 =	sld [smem:$0x3FFB];
	_ =	sdelay $0x3  }
0x98: {  	_ =	strace s18  }
0x99: {  	s4 =	sld [smem:$0x3FFC];
	_ =	sdelay $0x3  }
0x9a: {  	_ =	strace s4  }
0x9b: {  	s4 =	sld [smem:$0x3FFD];
	_ =	sdelay $0x3  }
0x9c: {  	_ =	strace s4  }
0x9d: {  	_ =	strace $0x8FFFFFFF  }
0x9e: {  	s19 =	sld [smem:$0x3FDB];
	_ =	sdelay $0x1  }
0x9f: {  	s5 =	simm.s32 $_scs_section_size  }
0xa0: {  	s6 =	simm.s32 $_size__tile_overlayer_lowered;
	s7 =	simm.s32 $_tile_overlayer_lowered  }
0xa1: {  	s22 =	simm.s32 $0x1BFF;
	s21 =	sshll.u32 s7, $0x1;
	s4 =	sadd.s32 s5, s19  }
0xa2: {  	s8 =	simm.s32 $0x0;
	s20 =	sshll.u32 s6, $0x1;
	s6 =	sadd.s32 s21, s4  }
0xa3: {  	[timem:s8], [sflag:s22] =	dma.local [hbm:s6], s20  }
0xa4: {  	_ =	swait.ge [sflag:s22], s20  }
0xa5: {  	s5 =	ssub.s32 $0x0, s20;
	[sflag:s22] =	ssyncset.done $0x0  }
0xa6: {  	[sflag:s22] =	ssyncadd.s32 s5;
	_ =	sdelay $0x1  }
0xa7: {  	s23 =	simm.s32 $0x1B8B  }
0xa8: {  	_ =	swait.ge [sflag:s23], $0x1  }
0xa9: {  	[sflag:s23] =	ssyncset.done $0x0  }
0xaa: {  	s25 =	simm.s32 $0x1B8E;
	s24 =	sld [smem:$0x3FFE];
	[sflag:s23] =	ssyncadd.s32 $0xFFFFFFFF  }
0xab: {  	s26 =	simm.s32 $execute0_lowered;
	[smem:$0x3FD2] =	sst s25  }
0xac: {  	s6 =	sshll.u32 s26, $0x1;
	_ =	strace $0x8000004C;
	[dreg:$0x1] =	wrdreg $0xFFFFFFFF  }
0xad: {  	s28 =	simm.s32 $_size_execute0_lowered;
	s4 =	sadd.s32 s4, s6;
	[dreg:$0x0] =	wrdreg $0x0  }
0xae: {  	s6 =	sshll.u32 s28, $0x1;
	[dreg:$0x2] =	wrdreg s4  }
0xaf: {  	[dreg:$0x3] =	wrdreg s6  }
0xb0: {  	[dreg:$0x4] =	wrdreg $0xC0  }
0xb1: {  	_ =	task [dreg:s8], $0x5FFFF  }
0xb2: {  	[dreg:$0x1] =	wrdreg $0xFFFFFFFF  }
0xb3: {  	[dreg:$0x0] =	wrdreg $0x60  }
0xb4: {  	[dreg:$0x2] =	wrdreg s24  }
0xb5: {  	[dreg:$0x3] =	wrdreg s16  }
0xb6: {  	[dreg:$0x4] =	wrdreg s17  }
0xb7: {  	[dreg:$0x5] =	wrdreg $0xA  }
0xb8: {  	_ =	task.clear_ibuf [dreg:s8], $0x6FFFF;
	_ =	strace $0x9000004C  }
0xb9: {  	s29 =	simm.s32 $0xA;
	_ =	strace $0x8000004E  }
0xba: {  	_ =	swait.ge [sflag:s29], $0x1  }
0xbb: {  	[sflag:s29] =	ssyncadd.s32 $0xFFFFFFFF  }
0xbc: {  	_ =	strace $0x9000004E  }
0xbd: {  	_ =	sfence  }
0xbe: {  	s30 =	sld [smem:$0x0];
	_ =	sdelay $0x2  }
0xbf: {  	s31 =	sshll.u32 s1, $0xD;
	s1 =	sshrl.u32 s1, $0x2  }
0xc0: {  	s3 =	sand.u32 $0x4000, s31;
	s1 =	sadd.s32 s1, s30  }
0xc1: {  	s0 =	sor.u32 s3, s0;
	s1 =	sshll.u32 s1, $0x11  }
0xc2: {  	s0 =	sor.u32 s1, s0  }
0xc3: {  	s0 =	sadd.s32 $0x8F2B, s0  }
0xc4: {  	[sflag:s0] =	ssyncadd.remote.s32 $0x1  }
0xc5: {  	_ =	sfence.sel $0xFFFF  }
0xc6: {  	[dreg:$0x0] =	wrdreg $0xFFFFFFFF;
	(pc) =	sbr.abs _section_cstart, $3  }
0xc7: {  	[dreg:$0x1] =	wrdreg $0xFFFFFFFF  }
0xc8: {  	_ =	task.clear_ibuf [dreg:s8], $0x2FFFF;
	_ =	strace $0x9FFFFFFF  }
0xc9: {  	(tm) =	ssettm $0x7FFFFFFF  }
tec
execute0_lowered:
.L_overlay_start_1:
0x0: {  	(tag) =	ssettag $0x1  }
0x1: {  	s5 =	rddreg [dreg:$0x0];
	s1 =	srdreg.scid  }
0x2: {  	s21 =	rddreg [dreg:$0x1];
	s0 =	stileid.u32;
	s23 =	sand.u32 $0x1, s1  }
0x3: {  	s22 =	rddreg [dreg:$0x2];
	s3 =	sshll.u32 s0, $0xE;
	s4 =	sshll.u32 s23, $0xD  }
0x4: {  	s2 =	simm.s32 $0x0;
	s1 =	rddreg [dreg:$0x3];
	s24 =	sor.u32 s4, s3  }
0x5: {  	[smem:$0x7FF] =	sst s2;
	s3 =	sshrl.u32 s24, $0x3  }
0x6: {  	_ =	strace $0x8000004D;
	s4 =	sadd.s32 s21, s3;
	s3 =	simm.s32 $0x2  }
0x7: {  	[tilespmem:s2], [sflag:$0x2] =	stream.linear.gather [hbm4b:s4+s2], $0x400, $0x38;
	[tilespmem:$0x10400] =	vst v63  }
0x8: {  	_ =	swait.ge [sflag:s3], $0x400  }
0x9: {  	s6 =	simm.s32 $0x400;
	[sflag:s3] =	ssyncset.done $0x0  }
0xa: {  	s7 =	simm.s32 $0x1;
	s5 =	sadd.s32 $0x8B200, s5;
	[sflag:s3] =	ssyncadd.s32 $0xFFFFFC00  }
0xb: {  	[tilespmem:s6], [sflag:$0x1] =	stream.indirect.gather [hbm4b:s5+s6], $0x40, s2, s6, $0xb8;
	[tilespmem:$0x10400] =	vst v63  }
0xc: {  	_ =	swait.ge [sflag:s7], $0x10000  }
0xd: {  	s8 =	sshll.u32 s24, $0x3;
	[sflag:s7] =	ssyncset.done $0x0  }
0xe: {  	s8 =	sadd.s32 s22, s8;
	[sflag:s7] =	ssyncadd.s32 $0xFFFF0000  }
0xf: {  	[hbm4b:s8+s2] =	stream.linear.scatter [tilespmem:s6], [sflag:$0x2], $0x10000, $0x38;
	[tilespmem:$0x10400] =	vst v63  }
0x10: {  	s10 =	sor.u32 $0x400, s24;
	_ =	swait.ge [sflag:s3], $0x10000  }
0x11: {  	s9 =	sshrl.u32 s10, $0x3;
	[sflag:s3] =	ssyncset.done $0x0  }
0x12: {  	s9 =	sadd.s32 s21, s9;
	[sflag:s3] =	ssyncadd.s32 $0xFFFF0000  }
0x13: {  	[tilespmem:s2], [sflag:$0x2] =	stream.linear.gather [hbm4b:s9+s2], $0x400, $0x38;
	[tilespmem:$0x10400] =	vst v63  }
0x14: {  	_ =	swait.ge [sflag:s3], $0x400  }
0x15: {  	[sflag:s3] =	ssyncset.done $0x0  }
0x16: {  	[sflag:s3] =	ssyncadd.s32 $0xFFFFFC00  }
0x17: {  	[tilespmem:s6], [sflag:$0x1] =	stream.indirect.gather [hbm4b:s5+s6], $0x40, s2, s6, $0xb8;
	[tilespmem:$0x10400] =	vst v63  }
0x18: {  	_ =	swait.ge [sflag:s7], $0x10000  }
0x19: {  	s10 =	sshll.u32 s10, $0x3;
	[sflag:s7] =	ssyncset.done $0x0  }
0x1a: {  	s10 =	sadd.s32 s22, s10;
	[sflag:s7] =	ssyncadd.s32 $0xFFFF0000  }
0x1b: {  	[hbm4b:s10+s2] =	stream.linear.scatter [tilespmem:s6], [sflag:$0x2], $0x10000, $0x38;
	[tilespmem:$0x10400] =	vst v63  }
0x1c: {  	s12 =	sor.u32 $0x800, s24;
	_ =	swait.ge [sflag:s3], $0x10000  }
0x1d: {  	s11 =	sshrl.u32 s12, $0x3;
	[sflag:s3] =	ssyncset.done $0x0  }
0x1e: {  	s11 =	sadd.s32 s21, s11;
	[sflag:s3] =	ssyncadd.s32 $0xFFFF0000  }
0x1f: {  	[tilespmem:s2], [sflag:$0x2] =	stream.linear.gather [hbm4b:s11+s2], $0x400, $0x38;
	[tilespmem:$0x10400] =	vst v63  }
0x20: {  	_ =	swait.ge [sflag:s3], $0x400  }
0x21: {  	[sflag:s3] =	ssyncset.done $0x0  }
0x22: {  	[sflag:s3] =	ssyncadd.s32 $0xFFFFFC00  }
0x23: {  	[tilespmem:s6], [sflag:$0x1] =	stream.indirect.gather [hbm4b:s5+s6], $0x40, s2, s6, $0xb8;
	[tilespmem:$0x10400] =	vst v63  }
0x24: {  	_ =	swait.ge [sflag:s7], $0x10000  }
0x25: {  	s12 =	sshll.u32 s12, $0x3;
	[sflag:s7] =	ssyncset.done $0x0  }
0x26: {  	s12 =	sadd.s32 s22, s12;
	[sflag:s7] =	ssyncadd.s32 $0xFFFF0000  }
0x27: {  	[hbm4b:s12+s2] =	stream.linear.scatter [tilespmem:s6], [sflag:$0x2], $0x10000, $0x38;
	[tilespmem:$0x10400] =	vst v63  }
0x28: {  	s14 =	sor.u32 $0xC00, s24;
	_ =	swait.ge [sflag:s3], $0x10000  }
0x29: {  	s13 =	sshrl.u32 s14, $0x3;
	[sflag:s3] =	ssyncset.done $0x0  }
0x2a: {  	s13 =	sadd.s32 s21, s13;
	[sflag:s3] =	ssyncadd.s32 $0xFFFF0000  }
0x2b: {  	[tilespmem:s2], [sflag:$0x2] =	stream.linear.gather [hbm4b:s13+s2], $0x400, $0x38;
	[tilespmem:$0x10400] =	vst v63  }
0x2c: {  	_ =	swait.ge [sflag:s3], $0x400  }
0x2d: {  	[sflag:s3] =	ssyncset.done $0x0  }
0x2e: {  	[sflag:s3] =	ssyncadd.s32 $0xFFFFFC00  }
0x2f: {  	[tilespmem:s6], [sflag:$0x1] =	stream.indirect.gather [hbm4b:s5+s6], $0x40, s2, s6, $0xb8;
	[tilespmem:$0x10400] =	vst v63  }
0x30: {  	_ =	swait.ge [sflag:s7], $0x10000  }
0x31: {  	s14 =	sshll.u32 s14, $0x3;
	[sflag:s7] =	ssyncset.done $0x0  }
0x32: {  	s14 =	sadd.s32 s22, s14;
	[sflag:s7] =	ssyncadd.s32 $0xFFFF0000  }
0x33: {  	[hbm4b:s14+s2] =	stream.linear.scatter [tilespmem:s6], [sflag:$0x2], $0x10000, $0x38;
	[tilespmem:$0x10400] =	vst v63  }
0x34: {  	s16 =	sor.u32 $0x1000, s24;
	_ =	swait.ge [sflag:s3], $0x10000  }
0x35: {  	s15 =	sshrl.u32 s16, $0x3;
	[sflag:s3] =	ssyncset.done $0x0  }
0x36: {  	s15 =	sadd.s32 s21, s15;
	[sflag:s3] =	ssyncadd.s32 $0xFFFF0000  }
0x37: {  	[tilespmem:s2], [sflag:$0x2] =	stream.linear.gather [hbm4b:s15+s2], $0x400, $0x38;
	[tilespmem:$0x10400] =	vst v63  }
0x38: {  	_ =	swait.ge [sflag:s3], $0x400  }
0x39: {  	[sflag:s3] =	ssyncset.done $0x0  }
0x3a: {  	[sflag:s3] =	ssyncadd.s32 $0xFFFFFC00  }
0x3b: {  	[tilespmem:s6], [sflag:$0x1] =	stream.indirect.gather [hbm4b:s5+s6], $0x40, s2, s6, $0xb8;
	[tilespmem:$0x10400] =	vst v63  }
0x3c: {  	_ =	swait.ge [sflag:s7], $0x10000  }
0x3d: {  	s16 =	sshll.u32 s16, $0x3;
	[sflag:s7] =	ssyncset.done $0x0  }
0x3e: {  	s16 =	sadd.s32 s22, s16;
	[sflag:s7] =	ssyncadd.s32 $0xFFFF0000  }
0x3f: {  	[hbm4b:s16+s2] =	stream.linear.scatter [tilespmem:s6], [sflag:$0x2], $0x10000, $0x38;
	[tilespmem:$0x10400] =	vst v63  }
0x40: {  	s18 =	sor.u32 $0x1400, s24;
	_ =	swait.ge [sflag:s3], $0x10000  }
0x41: {  	s17 =	sshrl.u32 s18, $0x3;
	[sflag:s3] =	ssyncset.done $0x0  }
0x42: {  	s17 =	sadd.s32 s21, s17;
	[sflag:s3] =	ssyncadd.s32 $0xFFFF0000  }
0x43: {  	[tilespmem:s2], [sflag:$0x2] =	stream.linear.gather [hbm4b:s17+s2], $0x400, $0x38;
	[tilespmem:$0x10400] =	vst v63  }
0x44: {  	_ =	swait.ge [sflag:s3], $0x400  }
0x45: {  	[sflag:s3] =	ssyncset.done $0x0  }
0x46: {  	[sflag:s3] =	ssyncadd.s32 $0xFFFFFC00  }
0x47: {  	[tilespmem:s6], [sflag:$0x1] =	stream.indirect.gather [hbm4b:s5+s6], $0x40, s2, s6, $0xb8;
	[tilespmem:$0x10400] =	vst v63  }
0x48: {  	_ =	swait.ge [sflag:s7], $0x10000  }
0x49: {  	s18 =	sshll.u32 s18, $0x3;
	[sflag:s7] =	ssyncset.done $0x0  }
0x4a: {  	s18 =	sadd.s32 s22, s18;
	[sflag:s7] =	ssyncadd.s32 $0xFFFF0000  }
0x4b: {  	[hbm4b:s18+s2] =	stream.linear.scatter [tilespmem:s6], [sflag:$0x2], $0x10000, $0x38;
	[tilespmem:$0x10400] =	vst v63  }
0x4c: {  	s20 =	sor.u32 $0x1800, s24;
	_ =	swait.ge [sflag:s3], $0x10000  }
0x4d: {  	s19 =	sshrl.u32 s20, $0x3;
	[sflag:s3] =	ssyncset.done $0x0  }
0x4e: {  	s19 =	sadd.s32 s21, s19;
	[sflag:s3] =	ssyncadd.s32 $0xFFFF0000  }
0x4f: {  	[tilespmem:s2], [sflag:$0x2] =	stream.linear.gather [hbm4b:s19+s2], $0x400, $0x38;
	[tilespmem:$0x10400] =	vst v63  }
0x50: {  	_ =	swait.ge [sflag:s3], $0x400  }
0x51: {  	[sflag:s3] =	ssyncset.done $0x0  }
0x52: {  	[sflag:s3] =	ssyncadd.s32 $0xFFFFFC00  }
0x53: {  	[tilespmem:s6], [sflag:$0x1] =	stream.indirect.gather [hbm4b:s5+s6], $0x40, s2, s6, $0xb8;
	[tilespmem:$0x10400] =	vst v63  }
0x54: {  	_ =	swait.ge [sflag:s7], $0x10000  }
0x55: {  	s20 =	sshll.u32 s20, $0x3;
	[sflag:s7] =	ssyncset.done $0x0  }
0x56: {  	s20 =	sadd.s32 s22, s20;
	[sflag:s7] =	ssyncadd.s32 $0xFFFF0000  }
0x57: {  	[hbm4b:s20+s2] =	stream.linear.scatter [tilespmem:s6], [sflag:$0x2], $0x10000, $0x38;
	[tilespmem:$0x10400] =	vst v63  }
0x58: {  	s24 =	sor.u32 $0x1C00, s24;
	_ =	swait.ge [sflag:s3], $0x10000  }
0x59: {  	s25 =	sshrl.u32 s24, $0x3;
	[sflag:s3] =	ssyncset.done $0x0  }
0x5a: {  	s23 =	ssub.s32 $0x2, s23;
	s21 =	sadd.s32 s21, s25;
	[sflag:s3] =	ssyncadd.s32 $0xFFFF0000  }
0x5b: {  	[tilespmem:s2], [sflag:$0x2] =	stream.linear.gather [hbm4b:s21+s2], $0x400, $0x38;
	[tilespmem:$0x10400] =	vst v63  }
0x5c: {  	s31 =	sshrl.u32 s23, $0x1;
	_ =	swait.ge [sflag:s3], $0x400  }
0x5d: {  	s23 =	ssub.s32 s23, s31;
	[sflag:s3] =	ssyncset.done $0x0  }
0x5e: {  	s23 =	smax.u32 s23, $0x1;
	[sflag:s3] =	ssyncadd.s32 $0xFFFFFC00  }
0x5f: {  	[tilespmem:s6], [sflag:$0x1] =	stream.indirect.gather [hbm4b:s5+s6], $0x40, s2, s6, $0xb8;
	[tilespmem:$0x10400] =	vst v63  }
0x60: {  	p0 =	sne.s32 s23, $0x1;
	_ =	swait.ge [sflag:s7], $0x10000  }
.Ltmp0:
0x61: {  	s24 =	sshll.u32 s24, $0x3;
	[sflag:s7] =	ssyncset.done $0x0;
	(pc) =	sbr.rel @!p0 .LBB2_2-.Ltmp0, $4  }
0x62: {  	s22 =	sadd.s32 s22, s24;
	[sflag:s7] =	ssyncadd.s32 $0xFFFF0000  }
0x63: {  	[hbm4b:s22+s2] =	stream.linear.scatter [tilespmem:s6], [sflag:$0x2], $0x10000, $0x38;
	[tilespmem:$0x10400] =	vst v63  }
0x64: {  	_ =	swait.ge [sflag:s3], $0x10000  }
0x65: {  	s23 =	sadd.s32 $0xFFFFFFFF, s23;
	[sflag:s3] =	ssyncset.done $0x0  }
.LBB2_1:
0x66: {  	p0 =	sne.s32 s23, $0x1;
	s23 =	sadd.s32 $0xFFFFFFFF, s23;
	[sflag:s3] =	ssyncadd.s32 $0xFFFF0000  }
0x67: {  	[tilespmem:s2], [sflag:$0x2] =	stream.linear.gather [hbm4b:s4+s2], $0x400, $0x38;
	[tilespmem:$0x10400] =	vst v63  }
0x68: {  	_ =	swait.ge [sflag:s3], $0x400  }
0x69: {  	[sflag:s3] =	ssyncset.done $0x0  }
0x6a: {  	[sflag:s3] =	ssyncadd.s32 $0xFFFFFC00  }
0x6b: {  	[tilespmem:s6], [sflag:$0x1] =	stream.indirect.gather [hbm4b:s5+s6], $0x40, s2, s6, $0xb8;
	[tilespmem:$0x10400] =	vst v63  }
0x6c: {  	_ =	swait.ge [sflag:s7], $0x10000  }
0x6d: {  	[sflag:s7] =	ssyncset.done $0x0  }
0x6e: {  	[sflag:s7] =	ssyncadd.s32 $0xFFFF0000  }
0x6f: {  	[hbm4b:s8+s2] =	stream.linear.scatter [tilespmem:s6], [sflag:$0x2], $0x10000, $0x38;
	[tilespmem:$0x10400] =	vst v63  }
0x70: {  	_ =	swait.ge [sflag:s3], $0x10000  }
0x71: {  	[sflag:s3] =	ssyncset.done $0x0  }
0x72: {  	[sflag:s3] =	ssyncadd.s32 $0xFFFF0000  }
0x73: {  	[tilespmem:s2], [sflag:$0x2] =	stream.linear.gather [hbm4b:s9+s2], $0x400, $0x38;
	[tilespmem:$0x10400] =	vst v63  }
0x74: {  	_ =	swait.ge [sflag:s3], $0x400  }
0x75: {  	[sflag:s3] =	ssyncset.done $0x0  }
0x76: {  	[sflag:s3] =	ssyncadd.s32 $0xFFFFFC00  }
0x77: {  	[tilespmem:s6], [sflag:$0x1] =	stream.indirect.gather [hbm4b:s5+s6], $0x40, s2, s6, $0xb8;
	[tilespmem:$0x10400] =	vst v63  }
0x78: {  	_ =	swait.ge [sflag:s7], $0x10000  }
0x79: {  	[sflag:s7] =	ssyncset.done $0x0  }
0x7a: {  	[sflag:s7] =	ssyncadd.s32 $0xFFFF0000  }
0x7b: {  	[hbm4b:s10+s2] =	stream.linear.scatter [tilespmem:s6], [sflag:$0x2], $0x10000, $0x38;
	[tilespmem:$0x10400] =	vst v63  }
0x7c: {  	_ =	swait.ge [sflag:s3], $0x10000  }
0x7d: {  	[sflag:s3] =	ssyncset.done $0x0  }
0x7e: {  	[sflag:s3] =	ssyncadd.s32 $0xFFFF0000  }
0x7f: {  	[tilespmem:s2], [sflag:$0x2] =	stream.linear.gather [hbm4b:s11+s2], $0x400, $0x38;
	[tilespmem:$0x10400] =	vst v63  }
0x80: {  	_ =	swait.ge [sflag:s3], $0x400  }
0x81: {  	[sflag:s3] =	ssyncset.done $0x0  }
0x82: {  	[sflag:s3] =	ssyncadd.s32 $0xFFFFFC00  }
0x83: {  	[tilespmem:s6], [sflag:$0x1] =	stream.indirect.gather [hbm4b:s5+s6], $0x40, s2, s6, $0xb8;
	[tilespmem:$0x10400] =	vst v63  }
0x84: {  	_ =	swait.ge [sflag:s7], $0x10000  }
0x85: {  	[sflag:s7] =	ssyncset.done $0x0  }
0x86: {  	[sflag:s7] =	ssyncadd.s32 $0xFFFF0000  }
0x87: {  	[hbm4b:s12+s2] =	stream.linear.scatter [tilespmem:s6], [sflag:$0x2], $0x10000, $0x38;
	[tilespmem:$0x10400] =	vst v63  }
0x88: {  	_ =	swait.ge [sflag:s3], $0x10000  }
0x89: {  	[sflag:s3] =	ssyncset.done $0x0  }
0x8a: {  	[sflag:s3] =	ssyncadd.s32 $0xFFFF0000  }
0x8b: {  	[tilespmem:s2], [sflag:$0x2] =	stream.linear.gather [hbm4b:s13+s2], $0x400, $0x38;
	[tilespmem:$0x10400] =	vst v63  }
0x8c: {  	_ =	swait.ge [sflag:s3], $0x400  }
0x8d: {  	[sflag:s3] =	ssyncset.done $0x0  }
0x8e: {  	[sflag:s3] =	ssyncadd.s32 $0xFFFFFC00  }
0x8f: {  	[tilespmem:s6], [sflag:$0x1] =	stream.indirect.gather [hbm4b:s5+s6], $0x40, s2, s6, $0xb8;
	[tilespmem:$0x10400] =	vst v63  }
0x90: {  	_ =	swait.ge [sflag:s7], $0x10000  }
0x91: {  	[sflag:s7] =	ssyncset.done $0x0  }
0x92: {  	[sflag:s7] =	ssyncadd.s32 $0xFFFF0000  }
0x93: {  	[hbm4b:s14+s2] =	stream.linear.scatter [tilespmem:s6], [sflag:$0x2], $0x10000, $0x38;
	[tilespmem:$0x10400] =	vst v63  }
0x94: {  	_ =	swait.ge [sflag:s3], $0x10000  }
0x95: {  	[sflag:s3] =	ssyncset.done $0x0  }
0x96: {  	[sflag:s3] =	ssyncadd.s32 $0xFFFF0000  }
0x97: {  	[tilespmem:s2], [sflag:$0x2] =	stream.linear.gather [hbm4b:s15+s2], $0x400, $0x38;
	[tilespmem:$0x10400] =	vst v63  }
0x98: {  	_ =	swait.ge [sflag:s3], $0x400  }
0x99: {  	[sflag:s3] =	ssyncset.done $0x0  }
0x9a: {  	[sflag:s3] =	ssyncadd.s32 $0xFFFFFC00  }
0x9b: {  	[tilespmem:s6], [sflag:$0x1] =	stream.indirect.gather [hbm4b:s5+s6], $0x40, s2, s6, $0xb8;
	[tilespmem:$0x10400] =	vst v63  }
0x9c: {  	_ =	swait.ge [sflag:s7], $0x10000  }
0x9d: {  	[sflag:s7] =	ssyncset.done $0x0  }
0x9e: {  	[sflag:s7] =	ssyncadd.s32 $0xFFFF0000  }
0x9f: {  	[hbm4b:s16+s2] =	stream.linear.scatter [tilespmem:s6], [sflag:$0x2], $0x10000, $0x38;
	[tilespmem:$0x10400] =	vst v63  }
0xa0: {  	_ =	swait.ge [sflag:s3], $0x10000  }
0xa1: {  	[sflag:s3] =	ssyncset.done $0x0  }
0xa2: {  	[sflag:s3] =	ssyncadd.s32 $0xFFFF0000  }
0xa3: {  	[tilespmem:s2], [sflag:$0x2] =	stream.linear.gather [hbm4b:s17+s2], $0x400, $0x38;
	[tilespmem:$0x10400] =	vst v63  }
0xa4: {  	_ =	swait.ge [sflag:s3], $0x400  }
0xa5: {  	[sflag:s3] =	ssyncset.done $0x0  }
0xa6: {  	[sflag:s3] =	ssyncadd.s32 $0xFFFFFC00  }
0xa7: {  	[tilespmem:s6], [sflag:$0x1] =	stream.indirect.gather [hbm4b:s5+s6], $0x40, s2, s6, $0xb8;
	[tilespmem:$0x10400] =	vst v63  }
0xa8: {  	_ =	swait.ge [sflag:s7], $0x10000  }
0xa9: {  	[sflag:s7] =	ssyncset.done $0x0  }
0xaa: {  	[sflag:s7] =	ssyncadd.s32 $0xFFFF0000  }
0xab: {  	[hbm4b:s18+s2] =	stream.linear.scatter [tilespmem:s6], [sflag:$0x2], $0x10000, $0x38;
	[tilespmem:$0x10400] =	vst v63  }
0xac: {  	_ =	swait.ge [sflag:s3], $0x10000  }
0xad: {  	[sflag:s3] =	ssyncset.done $0x0  }
0xae: {  	[sflag:s3] =	ssyncadd.s32 $0xFFFF0000  }
0xaf: {  	[tilespmem:s2], [sflag:$0x2] =	stream.linear.gather [hbm4b:s19+s2], $0x400, $0x38;
	[tilespmem:$0x10400] =	vst v63  }
0xb0: {  	_ =	swait.ge [sflag:s3], $0x400  }
0xb1: {  	[sflag:s3] =	ssyncset.done $0x0  }
0xb2: {  	[sflag:s3] =	ssyncadd.s32 $0xFFFFFC00  }
0xb3: {  	[tilespmem:s6], [sflag:$0x1] =	stream.indirect.gather [hbm4b:s5+s6], $0x40, s2, s6, $0xb8;
	[tilespmem:$0x10400] =	vst v63  }
0xb4: {  	_ =	swait.ge [sflag:s7], $0x10000  }
0xb5: {  	[sflag:s7] =	ssyncset.done $0x0  }
0xb6: {  	[sflag:s7] =	ssyncadd.s32 $0xFFFF0000  }
0xb7: {  	[hbm4b:s20+s2] =	stream.linear.scatter [tilespmem:s6], [sflag:$0x2], $0x10000, $0x38;
	[tilespmem:$0x10400] =	vst v63  }
0xb8: {  	_ =	swait.ge [sflag:s3], $0x10000  }
0xb9: {  	[sflag:s3] =	ssyncset.done $0x0  }
0xba: {  	[sflag:s3] =	ssyncadd.s32 $0xFFFF0000  }
0xbb: {  	[tilespmem:s2], [sflag:$0x2] =	stream.linear.gather [hbm4b:s21+s2], $0x400, $0x38;
	[tilespmem:$0x10400] =	vst v63  }
0xbc: {  	_ =	swait.ge [sflag:s3], $0x400  }
0xbd: {  	[sflag:s3] =	ssyncset.done $0x0  }
0xbe: {  	[sflag:s3] =	ssyncadd.s32 $0xFFFFFC00  }
0xbf: {  	[tilespmem:s6], [sflag:$0x1] =	stream.indirect.gather [hbm4b:s5+s6], $0x40, s2, s6, $0xb8;
	[tilespmem:$0x10400] =	vst v63  }
0xc0: {  	_ =	swait.ge [sflag:s7], $0x10000  }
.Ltmp1:
0xc1: {  	[sflag:s7] =	ssyncset.done $0x0;
	(pc) =	sbr.rel @p0 .LBB2_1-.Ltmp1, $4  }
0xc2: {  	[sflag:s7] =	ssyncadd.s32 $0xFFFF0000  }
0xc3: {  	[hbm4b:s22+s2] =	stream.linear.scatter [tilespmem:s6], [sflag:$0x2], $0x10000, $0x38;
	[tilespmem:$0x10400] =	vst v63  }
0xc4: {  	_ =	swait.ge [sflag:s3], $0x10000  }
0xc5: {  	[sflag:s3] =	ssyncset.done $0x0  }
.LBB2_2:
0xc6: {  	[sflag:s3] =	ssyncadd.s32 $0xFFFF0000  }
0xc7: {  	_ =	sfence.sel $0x180000  }
0xc8: {  	[bflag:$0x0] =	sbarrier.arrive $0xFFFF  }
0xc9: {  	p0 =	sne.s32 s0, $0x0;
	_ =	strace $0x9000004D  }
0xca: {  	s0 =	sadd.s32 @!p0 $0x100000, s1;
	[bflag:$0x2] =	sbarrier.arrive $0xFFFF  }
0xcb: {  	[sflag:s0] =	ssyncadd.tile.s32 @!p0 $0x1;
	_ =	shalt  }
.Lfunc_end2:
_tile_overlayer_lowered:
.L_overlay_start_2:
0xcc: {  	(tag) =	ssettag $0x2  }
0xcd: {  	s0 =	rddreg [dreg:$0x0];
	s2 =	stileid.u32  }
0xce: {  	s1 =	rddreg [dreg:$0x1];
	p0 =	sne.s32 s2, $0x0  }
0xcf: {  	s3 =	rddreg [dreg:$0x2];
	[bflag:$0x3] =	sbarrier.arrive $0xFFFF;
	s2 =	simm.s32 @!p0 $0x1C02  }
0xd0: {  	[timem:s3], [sflag:s2] =	dma.local @!p0 [hbm:s0], s1  }
0xd1: {  	s0 =	simm.s32 @!p0 $0x2  }
0xd2: {  	_ =	swait.ge @!p0 [sflag:s0], s1  }
0xd3: {  	s1 =	ssub.s32 @!p0 $0x0, s1;
	[sflag:s0] =	ssyncset.done @!p0 $0x0  }
0xd4: {  	[sflag:s0] =	ssyncadd.s32 @!p0 s1  }
0xd5: {  	[bflag:$0x3] =	sbarrier.arrive $0xFFFF  }
0xd6: {  	_ =	shalt  }

// kernel: kernel.6.cloned.1.call-start
scs
__scs_entry_jumppad:
0x0: {  	(pc) =	sbr.rel $0x88, $3  }
0x1: {  	(tag) =	ssettag $0x0;
	lr =	simm.s32 $0x1  }
0x2: {  	[smem:$0x3F9E] =	sst lr;
	_ =	strace $0xD0000000  }
0x3: {  	_ = 	snop  }
0x4: {  	_ = 	snop  }
0x5: {  	_ = 	snop  }
0x6: {  	_ = 	snop  }
0x7: {  	_ = 	snop  }
__scs_overlays_trampoline_lowered:
0x8: {  	[smem:$0x3FAD] =	sst s0  }
0x9: {  	[smem:$0x3FAE] =	sst s1  }
0xa: {  	[smem:$0x3FAF] =	sst s2  }
0xb: {  	[smem:$0x3FB0] =	sst s3  }
0xc: {  	[smem:$0x3FB1] =	sst s4  }
0xd: {  	[smem:$0x3FB2] =	sst s5  }
0xe: {  	[smem:$0x3FB3] =	sst s6  }
0xf: {  	[smem:$0x3FB4] =	sst s7  }
0x10: {  	[smem:$0x3FB5] =	sst s8  }
0x11: {  	[smem:$0x3FB6] =	sst s9;
	s0 =	simm.s32 @!p0 $0x0  }
0x12: {  	s1 =	sld [smem:$0x3F9C];
	s0 =	simm.s32 @p0 $0x1  }
0x13: {  	[smem:$0x3FB7] =	sst s0;
	s0 =	simm.s32 @!p1 $0x0  }
0x14: {  	s2 =	sld [smem:$0x3F9B];
	s0 =	simm.s32 @p1 $0x1  }
0x15: {  	[smem:$0x3FB8] =	sst s0;
	s0 =	simm.s32 @!p2 $0x0  }
0x16: {  	s3 =	sld [smem:$0x3FDB];
	s0 =	simm.s32 @p2 $0x1  }
0x17: {  	s4 =	simm.s32 $0x1BF5;
	[smem:$0x3FBA] =	sst s0  }
0x18: {  	s0 =	sld [smem:$0x3F9D];
	_ =	swait.ge [sflag:s4], $0x0  }
0x19: {  	s7 =	sld [smem:$0x3F9E]  }
0x1a: {  	s8 =	sadd.s32 $0xFFFFE003, lr  }
0x1b: {  	s9 =	sadd.s32 $0xFFFFFEF7, lr;
	s5 =	simm.s32 $0xFFFFFFFF;
	p2 =	slt.u32 s8, $0xFFFFF086  }
0x1c: {  	p1 =	slt.u32 s9, $0xF7A;
	s5 =	simm.s32 @!p2 $0x0  }
0x1d: {  	s5 =	simm.s32 @p1 $0x1;
	p0 =	seq.s32 s7, s2  }
0x1e: {  	s7 =	smul.u32 @!p0 $0xF7A, s2;
	p2 =	seq.s32 @!p0 s5, $0x0  }
0x1f: {  	s9 =	smul.u32 $0xF7A, s1;
	s8 =	simm.s32 @!p0 $0x1BF5;
	p2 =	por !p2, p0  }
0x20: {  	[sflag:s8] =	ssyncset.s32 @!p0 $0xFFFFF086;
	s6 =	sadd.s32 @!p0 s3, s7;
	s7 =	simm.s32 @!p0 $0x108  }
0x21: {  	s3 =	sadd.s32 s3, s9;
	s6 =	sadd.s32 @!p0 $0x88, s6;
	s7 =	simm.s32 @p2 $0x1082  }
0x22: {  	[simem:s7], [sflag:s8] =	dma.local @!p0 [hbm:s6], $0xF7A  }
0x23: {  	s9 =	sor.u32 $0xD0000000, s2;
	s6 =	simm.s32 $0x108;
	_ =	swait.ge @!p0 [sflag:s8], $0x0  }
0x24: {  	s3 =	sadd.s32 $0x88, s3;
	s6 =	simm.s32 @!p1 $0x1082;
	[sflag:s4] =	ssyncset.s32 $0xFFFFF086  }
0x25: {  	[simem:s6], [sflag:s4] =	dma.local [hbm:s3], $0xF7A  }
0x26: {  	[smem:$0x3F9E] =	sst s1;
	(tag) =	ssettag s2;
	_ =	strace s9  }
0x27: {  	s1 =	sld [smem:$0x3FAE]  }
0x28: {  	s2 =	sld [smem:$0x3FAF]  }
0x29: {  	s4 =	sld [smem:$0x3FB1]  }
0x2a: {  	p0 =	seq.s32 s5, $0x0;
	s5 =	sld [smem:$0x3FB2]  }
0x2b: {  	s6 =	sld [smem:$0x3FB3]  }
0x2c: {  	s7 =	sld [smem:$0x3FB4]  }
0x2d: {  	s3 =	simm.s32 $0x108;
	s8 =	sld [smem:$0x3FB5]  }
0x2e: {  	s3 =	simm.s32 @!p0 $0x1082;
	s9 =	sld [smem:$0x3FB6]  }
0x2f: {  	lr =	sadd.s32 s0, s3;
	s0 =	sld [smem:$0x3FAD]  }
0x30: {  	s3 =	sld [smem:$0x3FB0]  }
0x31: {  	[smem:$0x3FB9] =	sst s10  }
0x32: {  	s10 =	sld [smem:$0x3FB7];
	_ =	sdelay $0x3  }
0x33: {  	p0 =	seq.s32 s10, $0x1;
	s10 =	sld [smem:$0x3FB9];
	_ =	sdelay $0x3  }
0x34: {  	[smem:$0x3FB9] =	sst s10  }
0x35: {  	s10 =	sld [smem:$0x3FB8];
	_ =	sdelay $0x3  }
0x36: {  	p1 =	seq.s32 s10, $0x1;
	s10 =	sld [smem:$0x3FB9];
	_ =	sdelay $0x3  }
0x37: {  	[smem:$0x3FB9] =	sst s10  }
0x38: {  	s10 =	sld [smem:$0x3FBA]  }
0x39: {  	_ = 	snop;
	(pc) =	sbr.ind lr, $3  }
0x3a: {  	_ = 	snop  }
0x3b: {  	_ = 	snop  }
0x3c: {  	p2 =	seq.s32 s10, $0x1;
	s10 =	sld [smem:$0x3FB9]  }
0x3d: {  	_ =	shalt  }
0x3e: {  	_ =	shalt  }
0x3f: {  	_ =	shalt  }
0x40: {  	_ =	shalt  }
0x41: {  	_ =	shalt  }
0x42: {  	_ =	shalt  }
0x43: {  	_ =	shalt  }
0x44: {  	_ =	shalt  }
0x45: {  	_ =	shalt  }
0x46: {  	_ =	shalt  }
0x47: {  	_ =	shalt  }
0x48: {  	_ =	shalt  }
0x49: {  	_ =	shalt  }
0x4a: {  	_ =	shalt  }
0x4b: {  	_ =	shalt  }
0x4c: {  	_ =	shalt  }
0x4d: {  	_ =	shalt  }
0x4e: {  	_ =	shalt  }
0x4f: {  	_ =	shalt  }
0x50: {  	_ =	shalt  }
0x51: {  	_ =	shalt  }
0x52: {  	_ =	shalt  }
0x53: {  	_ =	shalt  }
0x54: {  	_ =	shalt  }
0x55: {  	_ =	shalt  }
0x56: {  	_ =	shalt  }
0x57: {  	_ =	shalt  }
0x58: {  	_ =	shalt  }
0x59: {  	_ =	shalt  }
0x5a: {  	_ =	shalt  }
0x5b: {  	_ =	shalt  }
0x5c: {  	_ =	shalt  }
0x5d: {  	_ =	shalt  }
0x5e: {  	_ =	shalt  }
0x5f: {  	_ =	shalt  }
0x60: {  	_ =	shalt  }
0x61: {  	_ =	shalt  }
0x62: {  	_ =	shalt  }
0x63: {  	_ =	shalt  }
0x64: {  	_ =	shalt  }
0x65: {  	_ =	shalt  }
0x66: {  	_ =	shalt  }
0x67: {  	_ =	shalt  }
0x68: {  	_ =	shalt  }
0x69: {  	_ =	shalt  }
0x6a: {  	_ =	shalt  }
0x6b: {  	_ =	shalt  }
0x6c: {  	_ =	shalt  }
0x6d: {  	_ =	shalt  }
0x6e: {  	_ =	shalt  }
0x6f: {  	_ =	shalt  }
0x70: {  	_ =	shalt  }
0x71: {  	_ =	shalt  }
0x72: {  	_ =	shalt  }
0x73: {  	_ =	shalt  }
0x74: {  	_ =	shalt  }
0x75: {  	_ =	shalt  }
0x76: {  	_ =	shalt  }
0x77: {  	_ =	shalt  }
0x78: {  	_ =	shalt  }
0x79: {  	_ =	shalt  }
0x7a: {  	_ =	shalt  }
0x7b: {  	_ =	shalt  }
0x7c: {  	_ =	shalt  }
0x7d: {  	_ =	shalt  }
0x7e: {  	_ =	shalt  }
0x7f: {  	_ =	shalt  }
0x80: {  	_ =	shalt  }
0x81: {  	_ =	shalt  }
0x82: {  	_ =	shalt  }
0x83: {  	_ =	shalt  }
0x84: {  	_ =	shalt  }
0x85: {  	_ =	shalt  }
0x86: {  	_ =	shalt  }
0x87: {  	_ =	shalt  }
.Lfunc_end0:
.L_simem_size_0:
called_computation.2_lowered:
.L_overlay_start_0:
0x88: {  	s2 =	sld [smem:$0x3FD9]  }
0x89: {  	s3 =	sld [smem:$0x3FFE];
	_ =	sdelay $0x1  }
0x8a: {  	s1 =	srdreg.scid  }
0x8b: {  	s0 =	sand.u32 $0x1, s1  }
0x8c: {  	s14 =	sshll.u32 s0, $0xA;
	s2 =	sadd.s32 s3, s2  }
0x8d: {  	s2 =	sadd.s32 s2, s14  }
0x8e: {  	[smem:$0x3FC5] =	sst s2  }
0x8f: {  	_ = 	snop  }
0x90: {  	s2 =	sld [smem:$0x3FD0];
	_ =	sdelay $0x2  }
0x91: {  	s15 =	simm.s32 $0xB;
	s4 =	simm.s32 $0x10  }
0x92: {  	[smem:s4], [sflag:s15] =	dma.local [hbm:s2], $0x1  }
0x93: {  	_ =	swait.eq [sflag:s15], $0x1  }
0x94: {  	[sflag:s15] =	ssyncset.done $0x0  }
0x95: {  	s16 =	sld [smem:$0x11];
	[sflag:s15] =	ssyncadd.s32 $0xFFFFFFFF  }
0x96: {  	s17 =	sld [smem:$0x13];
	(tm) =	ssettm $0x1  }
0x97: {  	s18 =	sld [smem:$0x3FFB];
	_ =	sdelay $0x3  }
0x98: {  	_ =	strace s18  }
0x99: {  	s4 =	sld [smem:$0x3FFC];
	_ =	sdelay $0x3  }
0x9a: {  	_ =	strace s4  }
0x9b: {  	s4 =	sld [smem:$0x3FFD];
	_ =	sdelay $0x3  }
0x9c: {  	_ =	strace s4  }
0x9d: {  	_ =	strace $0x8FFFFFFF  }
0x9e: {  	s19 =	sld [smem:$0x3FDB];
	_ =	sdelay $0x1  }
0x9f: {  	s5 =	simm.s32 $_scs_section_size  }
0xa0: {  	s6 =	simm.s32 $_size__tile_overlayer_lowered;
	s7 =	simm.s32 $_tile_overlayer_lowered  }
0xa1: {  	s22 =	simm.s32 $0x1BFF;
	s21 =	sshll.u32 s7, $0x1;
	s4 =	sadd.s32 s5, s19  }
0xa2: {  	s8 =	simm.s32 $0x0;
	s20 =	sshll.u32 s6, $0x1;
	s6 =	sadd.s32 s21, s4  }
0xa3: {  	[timem:s8], [sflag:s22] =	dma.local [hbm:s6], s20  }
0xa4: {  	_ =	swait.ge [sflag:s22], s20  }
0xa5: {  	s5 =	ssub.s32 $0x0, s20;
	[sflag:s22] =	ssyncset.done $0x0  }
0xa6: {  	[sflag:s22] =	ssyncadd.s32 s5;
	_ =	sdelay $0x1  }
0xa7: {  	s23 =	simm.s32 $0x1B8B  }
0xa8: {  	_ =	swait.ge [sflag:s23], $0x1  }
0xa9: {  	[sflag:s23] =	ssyncset.done $0x0  }
0xaa: {  	s25 =	simm.s32 $0x1B8E;
	s24 =	sld [smem:$0x3FFE];
	[sflag:s23] =	ssyncadd.s32 $0xFFFFFFFF  }
0xab: {  	s26 =	simm.s32 $execute0_lowered;
	[smem:$0x3FD2] =	sst s25  }
0xac: {  	s6 =	sshll.u32 s26, $0x1;
	_ =	strace $0x80000049;
	[dreg:$0x1] =	wrdreg $0xFFFFFFFF  }
0xad: {  	s28 =	simm.s32 $_size_execute0_lowered;
	s4 =	sadd.s32 s4, s6;
	[dreg:$0x0] =	wrdreg $0x0  }
0xae: {  	s6 =	sshll.u32 s28, $0x1;
	[dreg:$0x2] =	wrdreg s4  }
0xaf: {  	[dreg:$0x3] =	wrdreg s6  }
0xb0: {  	[dreg:$0x4] =	wrdreg $0xC0  }
0xb1: {  	_ =	task [dreg:s8], $0x5FFFF  }
0xb2: {  	[dreg:$0x1] =	wrdreg $0xFFFFFFFF  }
0xb3: {  	[dreg:$0x0] =	wrdreg $0x60  }
0xb4: {  	[dreg:$0x2] =	wrdreg s24  }
0xb5: {  	[dreg:$0x3] =	wrdreg s17  }
0xb6: {  	[dreg:$0x4] =	wrdreg s16  }
0xb7: {  	[dreg:$0x5] =	wrdreg $0x9  }
0xb8: {  	_ =	task.clear_ibuf [dreg:s8], $0x6FFFF;
	_ =	strace $0x90000049  }
0xb9: {  	s29 =	simm.s32 $0x9;
	_ =	strace $0x8000004B  }
0xba: {  	_ =	swait.ge [sflag:s29], $0x1  }
0xbb: {  	[sflag:s29] =	ssyncadd.s32 $0xFFFFFFFF  }
0xbc: {  	_ =	strace $0x9000004B  }
0xbd: {  	_ =	sfence  }
0xbe: {  	s30 =	sld [smem:$0x0];
	_ =	sdelay $0x2  }
0xbf: {  	s31 =	sshll.u32 s1, $0xD;
	s1 =	sshrl.u32 s1, $0x2  }
0xc0: {  	s3 =	sand.u32 $0x4000, s31;
	s1 =	sadd.s32 s1, s30  }
0xc1: {  	s0 =	sor.u32 s3, s0;
	s1 =	sshll.u32 s1, $0x11  }
0xc2: {  	s0 =	sor.u32 s1, s0  }
0xc3: {  	s0 =	sadd.s32 $0x8F2B, s0  }
0xc4: {  	[sflag:s0] =	ssyncadd.remote.s32 $0x1  }
0xc5: {  	_ =	sfence.sel $0xFFFF  }
0xc6: {  	[dreg:$0x0] =	wrdreg $0xFFFFFFFF;
	(pc) =	sbr.abs _section_cstart, $3  }
0xc7: {  	[dreg:$0x1] =	wrdreg $0xFFFFFFFF  }
0xc8: {  	_ =	task.clear_ibuf [dreg:s8], $0x2FFFF;
	_ =	strace $0x9FFFFFFF  }
0xc9: {  	(tm) =	ssettm $0x7FFFFFFF  }
tec
execute0_lowered:
.L_overlay_start_1:
0x0: {  	(tag) =	ssettag $0x1  }
0x1: {  	s5 =	rddreg [dreg:$0x0]  }
0x2: {  	s6 =	rddreg [dreg:$0x1]  }
0x3: {  	s8 =	rddreg [dreg:$0x2]  }
0x4: {  	s0 =	rddreg [dreg:$0x3]  }
0x5: {  	s2 =	simm.s32 $0x0;
	s3 =	srdreg.scid;
	s1 =	stileid.u32  }
0x6: {  	s12 =	simm.s32 $0x4200;
	s13 =	simm.s32 $0x4480;
	s14 =	simm.s32 $0x4D00  }
0x7: {  	s16 =	simm.s32 $0x5580;
	s17 =	simm.s32 $0x3;
	s18 =	simm.s32 $0x7580  }
0x8: {  	s19 =	simm.s32 $0x9580;
	s20 =	simm.s32 $0x0;
	[smem:$0x7FF] =	sst s2  }
0x9: {  	s3 =	sand.u32 $0x1, s3;
	s4 =	sshll.u32 s1, $0x1;
	s31 =	sshll.u32 s1, $0xB  }
0xa: {  	_ =	strace $0x8000004A;
	s4 =	sor.u32 s3, s4;
	s3 =	ssub.s32 $0x2, s3  }
0xb: {  	s15 =	sand.u32 $0x6000, s31;
	s7 =	sshll.u32 s4, $0x12;
	s9 =	sshll.u32 s4, $0xA  }
.Ltmp0:
0xc: {  	s11 =	sshrl.u32 s3, $0x1;
	s4 =	sshll.u32 s4, $0x8;
	(pc) =	sbr.rel .LBB2_1-.Ltmp0, $4  }
0xd: {  	v0 =	vmov s15;
	s15 =	simm.s32 $0x2;
	s7 =	sadd.s32 s7, s5;
	s10 =	sadd.s32 s9, s5  }
0xe: {  	s11 =	ssub.s32 s3, s11;
	s5 =	sadd.s32 $0x883600, s5;
	s6 =	sadd.s32 s6, s9  }
0xf: {  	v1 =	vimm.f32 $+Inf;
	v2 =	vlaneseq.u32;
	s8 =	sadd.s32 s8, s9;
	s3 =	sadd.s32 $0x883200, s7;
	s7 =	sadd.s32 $0x83200, s10  }
0x10: {  	v3 =	vimm.s32 $0x0;
	vm0 =	vmxor vm0, vm0;
	v4 =	vmul.u32 $0x10, v2;
	s9 =	smax.u32 s11, $0x1;
	s10 =	simm.s32 $0x1;
	s11 =	simm.s32 $0x2000  }
.LBB2_51:
0x11: {  	[hbm4b:s6+s2] =	stream.linear.scatter [tilespmem:s16], [sflag:$0x3], $0x2000, $0x38;
	[tilespmem:$0xB580] =	vst v63  }
0x12: {  	_ =	swait.ge [sflag:s17], $0x2000  }
0x13: {  	[sflag:s17] =	ssyncset.done $0x0  }
0x14: {  	[sflag:s17] =	ssyncadd.s32 $0xFFFFE000  }
0x15: {  	[hbm4b:s7+s2] =	stream.linear.scatter [tilespmem:s18], [sflag:$0x3], $0x2000, $0x38;
	[tilespmem:$0xB580] =	vst v63  }
0x16: {  	s20 =	sadd.s32 $0x1, s20;
	_ =	swait.ge [sflag:s17], $0x2000  }
0x17: {  	p0 =	sne.s32 s20, s9;
	[sflag:s17] =	ssyncset.done $0x0  }
.Ltmp1:
0x18: {  	[sflag:s17] =	ssyncadd.s32 $0xFFFFE000;
	(pc) =	sbr.rel @!p0 .LBB2_52-.Ltmp1, $4  }
0x19: {  	[hbm4b:s8+s2] =	stream.linear.scatter [tilespmem:s19], [sflag:$0x3], $0x2000, $0x38;
	[tilespmem:$0xB580] =	vst v63  }
0x1a: {  	_ =	swait.ge [sflag:s17], $0x2000  }
0x1b: {  	[sflag:s17] =	ssyncset.done $0x0  }
0x1c: {  	[sflag:s17] =	ssyncadd.s32 $0xFFFFE000  }
.LBB2_1:
.Ltmp2:
0x1d: {  	(pc) =	sbr.rel .LBB2_2-.Ltmp2, $3  }
0x1e: {  	_ =	sdelay $0x1  }
0x1f: {  	[tilespmem:s2], [sflag:$0x1] =	stream.linear.gather [hbm4b:s3+s2], $0x2000, $0x38;
	[tilespmem:$0xB580] =	vst v63  }
0x20: {  	s21 =	simm.s32 $0x0  }
.LBB2_50:
0x21: {  	s22 =	sshll.u32 s22, $0x5;
	s21 =	sadd.s32 $0x1, s21  }
0x22: {  	[tilespmem:s22+$0x5580] =	vst v8;
	p0 =	sne.s32 s21, $0x80  }
.Ltmp3:
0x23: {  	[tilespmem:s22+$0x5590] =	vst v6;
	(pc) =	sbr.rel @!p0 .LBB2_51-.Ltmp3, $4  }
0x24: {  	[tilespmem:s22+$0x7580] =	vst v7  }
0x25: {  	[tilespmem:s22+$0x7590] =	vst v5;
	v6 =	vadd.s32 v0, v7  }
0x26: {  	v5 =	vadd.s32 v0, v5;
	[tilespmem:s22+$0x9580] =	vst v6  }
0x27: {  	[tilespmem:s22+$0x9590] =	vst v5  }
.LBB2_2:
0x28: {  	s22 =	sshll.u32 s21, $0x1  }
0x29: {  	_ =	swait.ge [sflag:s10], $0x2000;
	s23 =	sadd.s32 s4, s22  }
0x2a: {  	[sflag:s10] =	ssyncset.done $0x0;
	s23 =	sshll.u32 s23, $0xA  }
0x2b: {  	[sflag:s10] =	ssyncadd.s32 $0xFFFFE000;
	s24 =	sadd.s32 s23, s5;
	s23 =	simm.s32 $0x0  }
0x2c: {  	[tilespmem:s11], [sflag:$0x2] =	stream.linear.gather [hbm4b:s24+s23], $0x2000, $0x38;
	[tilespmem:$0xB580] =	vst v63  }
0x2d: {  	s24 =	simm.s32 $0x80  }
0x2e: {  	v5 =	vimm.f32 $+Inf;
	s25 =	simm.s32 $0x40;
	v6 =	vimm.f32 $+Inf;
	v7 =	vld [tilespmem:s24+$0xFFFFFF90]  }
.LBB2_3:
0x2f: {  	p0 =	sne.s32 s25, $0x7C0;
	v8 =	vld [tilespmem:s24+$0xFFFFFF80]  }
0x30: {  	v9 =	vld [tilespmem:s24+$0xFFFFFFA0]  }
0x31: {  	v10 =	vld [tilespmem:s24+$0xFFFFFFB0]  }
0x32: {  	v11 =	vld [tilespmem:s24+$0xFFFFFFC0]  }
0x33: {  	v12 =	vld [tilespmem:s24+$0xFFFFFFD0]  }
0x34: {  	v7 =	vmin.f32 v8, v7;
	v8 =	vld [tilespmem:s24+$0xFFFFFFE0]  }
0x35: {  	v7 =	vmin.f32 v7, v9;
	v9 =	vld [tilespmem:s24+$0xFFFFFFF0]  }
0x36: {  	v7 =	vmin.f32 v7, v10;
	v10 =	vld [tilespmem:s24+$0x0]  }
0x37: {  	v7 =	vmin.f32 v7, v11;
	v11 =	vld [tilespmem:s24+$0x10]  }
0x38: {  	v7 =	vmin.f32 v7, v12;
	v12 =	vld [tilespmem:s24+$0x20]  }
0x39: {  	v7 =	vmin.f32 v7, v8;
	v8 =	vld [tilespmem:s24+$0x30]  }
0x3a: {  	v7 =	vmin.f32 v7, v9;
	v9 =	vld [tilespmem:s24+$0x40]  }
0x3b: {  	v7 =	vmin.f32 v7, v10;
	v10 =	vld [tilespmem:s24+$0x50]  }
0x3c: {  	v7 =	vmin.f32 v7, v11;
	v11 =	vld [tilespmem:s24+$0x60]  }
0x3d: {  	v7 =	vmin.f32 v7, v12;
	v12 =	vld [tilespmem:s24+$0x70]  }
0x3e: {  	v7 =	vmin.f32 v7, v8  }
0x3f: {  	v7 =	vmin.f32 v7, v9  }
.Ltmp4:
0x40: {  	v7 =	vmin.f32 v7, v10;
	(pc) =	sbr.rel @p0 .LBB2_3-.Ltmp4, $4  }
0x41: {  	v7 =	vmin.f32 v7, v11  }
0x42: {  	s26 =	sshra.s32 s23, $0x2;
	s23 =	smov.u32 s25;
	v7 =	vmin.f32 v7, v12  }
0x43: {  	s24 =	sadd.s32 $0x100, s24;
	[tilespmem:s26+$0x4000] =	vst v7;
	v8 =	vmax.f32 v5, v7;
	v5 =	vmin.f32 v5, v7  }
0x44: {  	s25 =	sadd.s32 $0x40, s25;
	v7 =	vld [tilespmem:s24+$0xFFFFFF90];
	v6 =	vmin.f32 v6, v8  }
0x45: {  	v8 =	vld [tilespmem:s24+$0xFFFFFF80]  }
0x46: {  	v9 =	vld [tilespmem:s24+$0xFFFFFFA0]  }
0x47: {  	v10 =	vld [tilespmem:s24+$0xFFFFFFB0]  }
0x48: {  	v11 =	vld [tilespmem:s24+$0xFFFFFFC0]  }
0x49: {  	v12 =	vld [tilespmem:s24+$0xFFFFFFD0]  }
0x4a: {  	v7 =	vmin.f32 v8, v7;
	v8 =	vld [tilespmem:s24+$0xFFFFFFE0]  }
0x4b: {  	v7 =	vmin.f32 v7, v9;
	v9 =	vld [tilespmem:s24+$0xFFFFFFF0]  }
0x4c: {  	v7 =	vmin.f32 v7, v10;
	v10 =	vld [tilespmem:s24+$0x0]  }
0x4d: {  	v7 =	vmin.f32 v7, v11;
	v11 =	vld [tilespmem:s24+$0x10]  }
0x4e: {  	v62 =	vld [tilespmem:s24+$0x20];
	v7 =	vmin.f32 v7, v12  }
0x4f: {  	v7 =	vmin.f32 v7, v8;
	v8 =	vld [tilespmem:s24+$0x30]  }
0x50: {  	v7 =	vmin.f32 v7, v9;
	v9 =	vld [tilespmem:s24+$0x40]  }
0x51: {  	v7 =	vmin.f32 v7, v10;
	v10 =	vld [tilespmem:s24+$0x50]  }
0x52: {  	v7 =	vmin.f32 v7, v11;
	v11 =	vld [tilespmem:s24+$0x60]  }
0x53: {  	v63 =	vld [tilespmem:s24+$0x70];
	v7 =	vmin.f32 v7, v62  }
0x54: {  	v7 =	vmin.f32 v7, v8  }
0x55: {  	v7 =	vmin.f32 v7, v9  }
0x56: {  	v7 =	vmin.f32 v7, v10  }
0x57: {  	v7 =	vmin.f32 v7, v11  }
0x58: {  	s23 =	sshra.s32 s23, $0x2;
	v7 =	vmin.f32 v7, v63  }
0x59: {  	[tilespmem:s23+$0x4000] =	vst v7;
	v5 =	vmax.f32 v5, v7  }
0x5a: {  	v5 =	vmin.f32 v6, v5;
	[tilespmem:$0x4480] =	vst v1  }
0x5b: {  	[tilespmem:$0x4490] =	vst v1;
	(xrf0) =	vmax.scan.msk.f32 $0xffff, v5  }
0x5c: {  	[tilespmem:$0x44A0] =	vst v1  }
0x5d: {  	[tilespmem:$0x44B0] =	vst v1  }
0x5e: {  	[tilespmem:$0x44C0] =	vst v1  }
0x5f: {  	[tilespmem:$0x44D0] =	vst v1  }
0x60: {  	[tilespmem:$0x44E0] =	vst v1  }
0x61: {  	s24 =	simm.s32 $0x4000;
	[tilespmem:$0x44F0] =	vst v1;
	v5, _, _ =	vpop (xrf0)  }
0x62: {  	s25 =	simm.s32 $0x100;
	v7 =	vimm.s32 $0x0;
	s23 =	simm.s32 $0x0;
	v6 =	vimm.s32 $0x0;
	v8 =	vld [tilespmem:s24+$0x0];
	v5 =	vbroadcast v5, $0xF  }
.LBB2_5:
0x63: {  	p0 =	sne.s32 s25, $0x1F00;
	_ =	sdelay $0x3  }
0x64: {  	vm1 =	vle.f32 v8, v5  }
0x65: {  	v8 =	vsel vm1, $0x1, v3;
	v9 =	vmpcnt.ones.xlane vm1  }
0x66: {  	(xrf0) =	vadd.scan.msk.s32 $0xffff, v8  }
0x67: {  	v7 =	vadd.s32 v7, v9;
	_ =	sdelay $0x3  }
0x68: {  	v8 =	vsel vm1, $0xFFFFFFFF, v3  }
0x69: {  	v8 =	vadd.s32 v8, v6;
	v6 =	vmov v7;
	v9, _, _ =	vpop (xrf0)  }
0x6a: {  	v8 =	vadd.s32 v9, v8;
	_ =	sdelay $0x1  }
.Ltmp5:
0x6b: {  	(pc) =	sbr.rel @p0 .LBB2_5-.Ltmp5, $4  }
0x6c: {  	_ = 	snop  }
0x6d: {  	v9 =	vor.u32 s23, v2;
	s23 =	smov.u32 s25  }
0x6e: {  	s24 =	sadd.s32 $0x10, s24;
	[tilespmem:v8+s12+$0x0] =	vst.idx.msk vm1, v9  }
0x6f: {  	s25 =	sadd.s32 $0x100, s25;
	v8 =	vld [tilespmem:s24+$0x0]  }
0x70: {  	_ =	sdelay $0x3  }
0x71: {  	vm1 =	vle.f32 v8, v5  }
0x72: {  	v8 =	vmpcnt.ones.xlane vm1;
	_ =	sdelay $0x1  }
0x73: {  	v9 =	vsel vm1, $0x1, v3;
	v7 =	vadd.s32 v7, v8  }
0x74: {  	(xrf0) =	vadd.scan.msk.s32 $0xffff, v9;
	v7 =	vxor.u32 $0x80000000, v7  }
0x75: {  	(xrf0) =	vmax.scan.msk.u32 $0xffff, v7;
	_ =	sdelay $0x4  }
0x76: {  	v7, _, _ =	vpop (xrf0)  }
0x77: {  	v62, _, _ =	vpop (xrf0)  }
0x78: {  	(v2sf) =	vpush v62, $0xF;
	_ =	sdelay $0xe  }
0x79: {  	v63 =	vsel vm1, $0xFFFFFFFF, v3;
	s24 =	spop (v2sf)  }
0x7a: {  	v6 =	vadd.s32 v63, v6;
	s24 =	sxor.u32 $0x80000000, s24  }
0x7b: {  	v6 =	vadd.s32 v7, v6;
	p0 =	slt.s32 s24, $0x1  }
.Ltmp6:
0x7c: {  	_ = 	snop;
	(pc) =	sbr.rel @p0 .LBB2_7-.Ltmp6, $3  }
0x7d: {  	_ =	sdelay $0x1  }
0x7e: {  	v7 =	vor.u32 s23, v2  }
0x7f: {  	[tilespmem:v6+s12+$0x0] =	vst.idx.msk vm1, v7  }
0x80: {  	s23 =	simm.s32 $0x0;
	v6 =	vimm.s32 $0x0  }
.LBB2_9:
0x81: {  	v7 =	vmov s23;
	_ =	sdelay $0x4  }
0x82: {  	v7 =	vld.idx.msk [tilespmem:v7+s12+$0x0], $0xffff;
	_ =	sdelay $0x4  }
0x83: {  	v7 =	vadd.s32 v4, v7;
	_ =	sdelay $0x4  }
0x84: {  	v8 =	vld.idx.msk [tilespmem:v7+s2+$0x0], $0xffff;
	_ =	sdelay $0x4  }
0x85: {  	vm1 =	vle.f32 v8, v5  }
0x86: {  	v9 =	vsel vm1, $0x1, v3  }
0x87: {  	(xrf0) =	vadd.scan.msk.s32 $0xffff, v9;
	_ =	sdelay $0x4  }
0x88: {  	v62 =	vsel vm1, $0xFFFFFFFF, v3  }
0x89: {  	v9 =	vadd.s32 v62, v6;
	v10, _, _ =	vpop (xrf0)  }
0x8a: {  	v9 =	vadd.s32 v10, v9  }
0x8b: {  	vm2 =	vlt.s32 v9, $0x800  }
0x8c: {  	s23 =	sadd.s32 $0x1, s23;
	v9 =	vnsel vm2, $0x800, v9  }
0x8d: {  	p0 =	sne.s32 s24, s23  }
.Ltmp7:
0x8e: {  	_ = 	snop;
	(pc) =	sbr.rel @p0 .LBB2_9-.Ltmp7, $4  }
0x8f: {  	_ = 	snop  }
0x90: {  	v63 =	vmpcnt.ones.xlane vm1  }
0x91: {  	[tilespmem:v9+s13+$0x0] =	vst.idx.msk vm1, v8  }
0x92: {  	v6 =	vadd.s32 v6, v63;
	[tilespmem:v9+s14+$0x0] =	vst.idx.msk vm1, v7  }
.Ltmp8:
0x93: {  	(pc) =	sbr.rel .LBB2_11-.Ltmp8, $2  }
0x94: {  	_ =	sdelay $0x2  }
0x95: {  	v5 =	vxor.u32 $0x80000000, v6  }
.LBB2_7:
0x96: {  	v5 =	vimm.s32 $0x80000000  }
.LBB2_11:
0x97: {  	(xrf0) =	vmax.scan.msk.u32 $0xffff, v5;
	_ =	sdelay $0x5  }
0x98: {  	v5, _, _ =	vpop (xrf0)  }
0x99: {  	(v2sf) =	vpush v5, $0xF;
	_ =	sdelay $0xe  }
0x9a: {  	s23 =	spop (v2sf)  }
0x9b: {  	s23 =	sxor.u32 $0x80000000, s23  }
0x9c: {  	p0 =	slt.s32 s23, $0x800;
	s24 =	smov.u32 s23  }
0x9d: {  	s24 =	simm.s32 @!p0 $0x800;
	p0 =	sgt.s32 s23, $0x80  }
.Ltmp9:
0x9e: {  	_ = 	snop;
	(pc) =	sbr.rel @p0 .LBB2_12-.Ltmp9, $2  }
0x9f: {  	_ =	sdelay $0x2  }
0xa0: {  	[tilespmem:s24+$0x4480] =	vst v1  }
0xa1: {  	v20 =	vld [tilespmem:$0x4480]  }
0xa2: {  	v21 =	vld [tilespmem:$0x4490]  }
0xa3: {  	v11 =	vld [tilespmem:$0x4D00]  }
0xa4: {  	v12 =	vld [tilespmem:$0x4D10];
	_ =	sdelay $0x2  }
0xa5: {  	v22 =	vld [tilespmem:$0x44A0]  }
0xa6: {  	v10 =	vld [tilespmem:$0x4D20]  }
0xa7: {  	vm1 =	vlt.s32 v12, v11;
	vm2 =	veq.f32 v21, v20  }
0xa8: {  	vm3 =	vlt.f32 v21, v20;
	vm2 =	vmand vm1, vm2  }
0xa9: {  	v13 =	vld [tilespmem:$0x44B0];
	vm2 =	vmor vm3, vm2  }
0xaa: {  	v6 =	vld [tilespmem:$0x4D30];
	v5 =	vsel vm2, v21, v20;
	v8 =	vsel vm2, v12, v11  }
0xab: {  	vm2 =	veq.f32 v22, v5;
	vm3 =	vlt.s32 v10, v8  }
0xac: {  	vm4 =	vlt.f32 v22, v5;
	vm2 =	vmand vm2, vm3  }
0xad: {  	v14 =	vld [tilespmem:$0x44C0];
	vm2 =	vmor vm4, vm2  }
0xae: {  	v7 =	vld [tilespmem:$0x4D40];
	v5 =	vsel vm2, v22, v5;
	v9 =	vsel vm2, v10, v8  }
0xaf: {  	vm2 =	veq.f32 v13, v5;
	vm3 =	vlt.s32 v6, v9  }
0xb0: {  	vm4 =	vlt.f32 v13, v5;
	vm2 =	vmand vm2, vm3  }
0xb1: {  	v15 =	vld [tilespmem:$0x44D0];
	vm2 =	vmor vm4, vm2  }
0xb2: {  	v8 =	vld [tilespmem:$0x4D50];
	v5 =	vsel vm2, v13, v5;
	v17 =	vsel vm2, v6, v9  }
0xb3: {  	vm2 =	veq.f32 v14, v5;
	vm3 =	vlt.s32 v7, v17  }
0xb4: {  	vm4 =	vlt.f32 v14, v5;
	vm2 =	vmand vm2, vm3  }
0xb5: {  	v16 =	vld [tilespmem:$0x44E0];
	vm2 =	vmor vm4, vm2  }
0xb6: {  	v9 =	vld [tilespmem:$0x4D60];
	v18 =	vsel vm2, v14, v5;
	v19 =	vsel vm2, v7, v17  }
0xb7: {  	vm2 =	veq.f32 v15, v18;
	vm3 =	vlt.s32 v8, v19  }
0xb8: {  	vm4 =	vlt.f32 v15, v18;
	vm2 =	vmand vm2, vm3  }
0xb9: {  	v17 =	vld [tilespmem:$0x44F0];
	vm2 =	vmor vm4, vm2  }
0xba: {  	v5 =	vld [tilespmem:$0x4D70];
	v18 =	vsel vm2, v15, v18;
	v19 =	vsel vm2, v8, v19  }
0xbb: {  	vm2 =	veq.f32 v16, v18;
	vm3 =	vlt.s32 v9, v19  }
0xbc: {  	vm4 =	vlt.f32 v16, v18;
	vm2 =	vmand vm2, vm3  }
0xbd: {  	vm2 =	vmor vm4, vm2  }
0xbe: {  	v18 =	vsel vm2, v16, v18;
	v19 =	vsel vm2, v9, v19  }
0xbf: {  	vm2 =	veq.f32 v17, v18;
	vm3 =	vlt.s32 v5, v19  }
0xc0: {  	vm4 =	vlt.f32 v17, v18;
	vm2 =	vmand vm2, vm3  }
0xc1: {  	vm2 =	vmor vm4, vm2  }
0xc2: {  	v18 =	vsel vm2, v17, v18  }
0xc3: {  	(xrf0) =	vmin.scan.msk.f32 $0xffff, v18;
	_ =	sdelay $0x5  }
0xc4: {  	v23, _, _ =	vpop (xrf0)  }
0xc5: {  	v25 =	vbroadcast v23, $0xF  }
0xc6: {  	v19 =	vsel vm2, v5, v19  }
0xc7: {  	vm2 =	veq.f32 v18, v25;
	v18 =	vxor.u32 $0x80000000, v19  }
0xc8: {  	v18 =	vnsel vm2, $0x80002000, v18  }
0xc9: {  	(xrf0) =	vmin.scan.msk.u32 $0xffff, v18;
	_ =	sdelay $0x5  }
0xca: {  	v18, _, _ =	vpop (xrf0)  }
0xcb: {  	(v2sf) =	vpush v18, $0xF;
	_ =	sdelay $0xb  }
0xcc: {  	s23 =	simm.s32 $0x0  }
0xcd: {  	v26 =	vimm.f32 $0.0e+00;
	s23 =	sand.u32 $0xF, s23  }
0xce: {  	p0 =	por $0x1, $0x1;
	p1 =	por $0x0, $0x0;
	vm4 =	vmmov vm0;
	vm2 =	vmmov vm0;
	v18 =	vmov s23  }
0xcf: {  	vm4 =	vmneg @p1 vm4;
	vm2 =	vmneg @p0 vm2;
	vm5 =	veq.s32 v18, v2;
	s31 =	spop (v2sf)  }
0xd0: {  	v19 =	vimm.s32 $0x0;
	vm3 =	vmand vm5, vm2;
	vm2 =	vmand vm5, vm4;
	s25 =	sxor.u32 $0x80000000, s31  }
0xd1: {  	v18 =	vsel vm3, v25, v26;
	vm4 =	veq.s32 v11, s25;
	vm5 =	veq.s32 v12, s25  }
0xd2: {  	vm6 =	veq.s32 v10, s25;
	v23 =	vsel vm4, $0x7F800000, v20;
	v24 =	vsel vm5, $0x7F800000, v21  }
0xd3: {  	v20 =	vsel vm2, v25, v26;
	v22 =	vsel vm6, $0x7F800000, v22;
	vm5 =	veq.s32 v6, s25  }
0xd4: {  	s24 =	simm.s32 $0x2;
	s23 =	simm.s32 $0x1;
	v21 =	vimm.s32 $0x0;
	vm4 =	vlt.f32 v24, v23;
	vm6 =	veq.f32 v24, v23  }
.LBB2_16:
0xd5: {  	p0 =	seq.s32 s24, $0x1F;
	vm6 =	vmand vm1, vm6;
	v13 =	vsel vm5, $0x7F800000, v13;
	vm5 =	veq.s32 v7, s25  }
0xd6: {  	vm4 =	vmor vm4, vm6;
	v14 =	vsel vm5, $0x7F800000, v14;
	vm5 =	veq.s32 v8, s25  }
0xd7: {  	v25 =	vsel vm4, v24, v23;
	v26 =	vsel vm4, v12, v11;
	v15 =	vsel vm5, $0x7F800000, v15  }
0xd8: {  	vm6 =	veq.s32 v9, s25;
	vm4 =	veq.f32 v22, v25;
	vm5 =	vlt.s32 v10, v26  }
0xd9: {  	vm7 =	vlt.f32 v22, v25;
	vm4 =	vmand vm4, vm5;
	vm5 =	veq.s32 v5, s25  }
0xda: {  	v16 =	vsel vm6, $0x7F800000, v16;
	vm4 =	vmor vm7, vm4;
	v17 =	vsel vm5, $0x7F800000, v17  }
0xdb: {  	v19 =	vsel vm3, s25, v19;
	v25 =	vsel vm4, v22, v25;
	v26 =	vsel vm4, v10, v26  }
0xdc: {  	v21 =	vsel vm2, s25, v21;
	vm3 =	veq.f32 v13, v25;
	vm4 =	vlt.s32 v6, v26  }
0xdd: {  	vm2 =	vlt.f32 v13, v25;
	vm3 =	vmand vm3, vm4  }
0xde: {  	vm2 =	vmor vm2, vm3  }
0xdf: {  	v25 =	vsel vm2, v13, v25;
	v26 =	vsel vm2, v6, v26  }
0xe0: {  	vm2 =	veq.f32 v14, v25;
	vm3 =	vlt.s32 v7, v26  }
0xe1: {  	vm4 =	vlt.f32 v14, v25;
	vm2 =	vmand vm2, vm3  }
0xe2: {  	vm2 =	vmor vm4, vm2  }
0xe3: {  	v25 =	vsel vm2, v14, v25;
	v26 =	vsel vm2, v7, v26  }
0xe4: {  	vm2 =	veq.f32 v15, v25;
	vm3 =	vlt.s32 v8, v26  }
0xe5: {  	vm4 =	vlt.f32 v15, v25;
	vm2 =	vmand vm2, vm3  }
0xe6: {  	vm2 =	vmor vm4, vm2  }
0xe7: {  	v25 =	vsel vm2, v15, v25;
	v26 =	vsel vm2, v8, v26  }
0xe8: {  	vm2 =	vlt.f32 v16, v25;
	vm3 =	veq.f32 v16, v25;
	vm4 =	vlt.s32 v9, v26  }
0xe9: {  	vm3 =	vmand vm3, vm4  }
0xea: {  	vm2 =	vmor vm2, vm3  }
0xeb: {  	v25 =	vsel vm2, v16, v25;
	v26 =	vsel vm2, v9, v26  }
0xec: {  	vm2 =	vlt.f32 v17, v25;
	vm3 =	veq.f32 v17, v25;
	vm4 =	vlt.s32 v5, v26  }
0xed: {  	vm3 =	vmand vm3, vm4  }
0xee: {  	vm2 =	vmor vm2, vm3  }
0xef: {  	v25 =	vsel vm2, v17, v25;
	v26 =	vsel vm2, v5, v26  }
0xf0: {  	(xrf0) =	vmin.scan.msk.f32 $0xffff, v25;
	_ =	sdelay $0x3  }
0xf1: {  	s25 =	sand.u32 $0xF, s23  }
0xf2: {  	v28 =	vmov s25;
	s25 =	sshrl.u32 s23, $0x4;
	s23 =	smov.u32 s24  }
0xf3: {  	p1 =	seq.s32 s25, $0x0;
	p2 =	seq.s32 s25, $0x1;
	vm4 =	vmmov vm0;
	vm3 =	vmmov vm0;
	vm2 =	veq.s32 v28, v2;
	v27, _, _ =	vpop (xrf0)  }
0xf4: {  	vm4 =	vmneg @p2 vm4;
	vm3 =	vmneg @p1 vm3;
	v27 =	vbroadcast v27, $0xF  }
0xf5: {  	vm3 =	vmand vm2, vm3;
	vm2 =	vmand vm2, vm4  }
0xf6: {  	vm4 =	veq.f32 v25, v27;
	v25 =	vxor.u32 $0x80000000, v26;
	v18 =	vsel vm3, v27, v18  }
0xf7: {  	v20 =	vsel vm2, v27, v20;
	v25 =	vnsel vm4, $0x80002000, v25  }
0xf8: {  	(xrf0) =	vmin.scan.msk.u32 $0xffff, v25;
	_ =	sdelay $0x5  }
0xf9: {  	v25, _, _ =	vpop (xrf0)  }
0xfa: {  	(v2sf) =	vpush v25, $0xF;
	_ =	sdelay $0xe  }
.Ltmp10:
0xfb: {  	s25 =	spop (v2sf);
	(pc) =	sbr.rel @!p0 .LBB2_16-.Ltmp10, $4  }
0xfc: {  	s25 =	sxor.u32 $0x80000000, s25  }
0xfd: {  	vm4 =	veq.s32 v11, s25;
	vm5 =	veq.s32 v12, s25;
	vm6 =	veq.s32 v10, s25  }
0xfe: {  	v23 =	vsel vm4, $0x7F800000, v23;
	v24 =	vsel vm5, $0x7F800000, v24;
	v22 =	vsel vm6, $0x7F800000, v22  }
0xff: {  	s24 =	sadd.s32 $0x1, s24;
	vm5 =	veq.s32 v6, s25;
	vm4 =	vlt.f32 v24, v23;
	vm6 =	veq.f32 v24, v23  }
0x100: {  	vm1 =	vmand vm1, vm6  }
0x101: {  	vm1 =	vmor vm4, vm1  }
0x102: {  	v23 =	vsel vm1, v24, v23;
	v11 =	vsel vm1, v12, v11  }
0x103: {  	vm1 =	veq.f32 v22, v23;
	vm15 =	vlt.s32 v10, v11  }
0x104: {  	vm9 =	vlt.f32 v22, v23;
	vm1 =	vmand vm1, vm15  }
0x105: {  	vm1 =	vmor vm9, vm1  }
0x106: {  	v62 =	vsel vm5, $0x7F800000, v13;
	v63 =	vsel vm1, v22, v23;
	v10 =	vsel vm1, v10, v11  }
0x107: {  	vm1 =	veq.f32 v62, v63;
	vm10 =	vlt.s32 v6, v10  }
0x108: {  	vm5 =	vlt.f32 v62, v63;
	vm1 =	vmand vm1, vm10  }
0x109: {  	vm11 =	veq.s32 v7, s25;
	vm1 =	vmor vm5, vm1  }
0x10a: {  	v11 =	vsel vm11, $0x7F800000, v14;
	v12 =	vsel vm1, v62, v63;
	v6 =	vsel vm1, v6, v10  }
0x10b: {  	vm1 =	veq.f32 v11, v12;
	vm12 =	vlt.s32 v7, v6  }
0x10c: {  	vm13 =	vlt.f32 v11, v12;
	vm1 =	vmand vm1, vm12  }
0x10d: {  	vm14 =	veq.s32 v8, s25;
	vm1 =	vmor vm13, vm1  }
0x10e: {  	v10 =	vsel vm14, $0x7F800000, v15;
	v11 =	vsel vm1, v11, v12;
	v6 =	vsel vm1, v7, v6  }
0x10f: {  	vm1 =	veq.f32 v10, v11;
	vm15 =	vlt.s32 v8, v6  }
0x110: {  	vm8 =	vlt.f32 v10, v11;
	vm1 =	vmand vm1, vm15  }
0x111: {  	vm9 =	veq.s32 v9, s25;
	vm1 =	vmor vm8, vm1  }
0x112: {  	v7 =	vsel vm9, $0x7F800000, v16;
	v10 =	vsel vm1, v10, v11;
	v6 =	vsel vm1, v8, v6  }
0x113: {  	vm1 =	veq.f32 v7, v10;
	vm10 =	vlt.s32 v9, v6  }
0x114: {  	vm11 =	vlt.f32 v7, v10;
	vm1 =	vmand vm1, vm10  }
0x115: {  	vm12 =	veq.s32 v5, s25;
	vm1 =	vmor vm11, vm1  }
0x116: {  	v8 =	vsel vm12, $0x7F800000, v17;
	v7 =	vsel vm1, v7, v10;
	v6 =	vsel vm1, v9, v6  }
0x117: {  	vm1 =	veq.f32 v8, v7;
	vm13 =	vlt.s32 v5, v6  }
0x118: {  	vm14 =	vlt.f32 v8, v7;
	vm1 =	vmand vm1, vm13  }
0x119: {  	vm1 =	vmor vm14, vm1  }
0x11a: {  	v7 =	vsel vm1, v8, v7  }
0x11b: {  	(xrf0) =	vmin.scan.msk.f32 $0xffff, v7;
	_ =	sdelay $0x5  }
0x11c: {  	v8, _, _ =	vpop (xrf0)  }
0x11d: {  	v9 =	vbroadcast v8, $0xF  }
0x11e: {  	v5 =	vsel vm1, v5, v6  }
0x11f: {  	v5 =	vxor.u32 $0x80000000, v5;
	vm1 =	veq.f32 v7, v9  }
0x120: {  	v5 =	vnsel vm1, $0x80002000, v5  }
0x121: {  	(xrf0) =	vmin.scan.msk.u32 $0xffff, v5;
	_ =	sdelay $0x5  }
0x122: {  	v5, _, _ =	vpop (xrf0)  }
0x123: {  	(v2sf) =	vpush v5, $0xF;
	_ =	sdelay $0xb  }
0x124: {  	s24 =	sand.u32 $0xF, s23;
	s30 =	sshrl.u32 s23, $0x4  }
0x125: {  	p0 =	seq.s32 s30, $0x0;
	vm1 =	vmmov vm0;
	v5 =	vmov s24  }
0x126: {  	p1 =	seq.s32 s30, $0x1;
	vm5 =	vmmov vm0;
	vm1 =	vmneg @p0 vm1;
	vm15 =	veq.s32 v5, v2  }
0x127: {  	vm5 =	vmneg @p1 vm5;
	v10 =	vsel vm2, s25, v21;
	vm1 =	vmand vm15, vm1;
	s31 =	spop (v2sf)  }
0x128: {  	v6 =	vsel vm3, s25, v19;
	vm2 =	vmand vm15, vm5;
	v8 =	vsel vm1, v9, v18;
	s23 =	sxor.u32 $0x80000000, s31  }
0x129: {  	v5 =	vsel vm2, v9, v20;
	v7 =	vsel vm1, s23, v6;
	v6 =	vsel vm2, s23, v10  }
.LBB2_26:
0x12a: {  	s23 =	sshll.u32 s21, $0x6  }
0x12b: {  	[tilespmem:s23+$0x5580] =	vst v8  }
0x12c: {  	[tilespmem:s23+$0x5590] =	vst v5  }
0x12d: {  	[tilespmem:s23+$0x7580] =	vst v7  }
0x12e: {  	[tilespmem:s23+$0x7590] =	vst v6;
	v5 =	vadd.s32 v0, v7  }
0x12f: {  	[tilespmem:s23+$0x9580] =	vst v5;
	v5 =	vadd.s32 v0, v6  }
0x130: {  	s22 =	sor.u32 $0x1, s22;
	p0 =	seq.s32 s21, $0x7F;
	[tilespmem:s23+$0x9590] =	vst v5  }
0x131: {  	s23 =	sadd.s32 @!p0 s4, s22;
	_ =	swait.ge [sflag:s15], $0x2000  }
0x132: {  	s23 =	sshll.u32 @!p0 s23, $0xA;
	[sflag:s15] =	ssyncset.done $0x0  }
0x133: {  	s24 =	simm.s32 @!p0 $0x0;
	s23 =	sadd.s32 @!p0 s23, s5;
	[sflag:s15] =	ssyncadd.s32 $0xFFFFE000  }
0x134: {  	[tilespmem:s24], [sflag:$0x1] =	stream.linear.gather @!p0 [hbm4b:s23+s24], $0x2000, $0x38;
	[tilespmem:$0xB580] =	vst v63  }
0x135: {  	s24 =	simm.s32 $0x2080  }
0x136: {  	s25 =	simm.s32 $0x40;
	v6 =	vimm.f32 $+Inf;
	v5 =	vimm.f32 $+Inf;
	s23 =	simm.s32 $0x0;
	v7 =	vld [tilespmem:s24+$0xFFFFFF90]  }
.LBB2_27:
0x137: {  	p0 =	sne.s32 s25, $0x7C0;
	v8 =	vld [tilespmem:s24+$0xFFFFFF80]  }
0x138: {  	v9 =	vld [tilespmem:s24+$0xFFFFFFA0]  }
0x139: {  	v10 =	vld [tilespmem:s24+$0xFFFFFFB0]  }
0x13a: {  	v11 =	vld [tilespmem:s24+$0xFFFFFFC0]  }
0x13b: {  	v12 =	vld [tilespmem:s24+$0xFFFFFFD0]  }
0x13c: {  	v7 =	vmin.f32 v8, v7;
	v8 =	vld [tilespmem:s24+$0xFFFFFFE0]  }
0x13d: {  	v7 =	vmin.f32 v7, v9;
	v9 =	vld [tilespmem:s24+$0xFFFFFFF0]  }
0x13e: {  	v7 =	vmin.f32 v7, v10;
	v10 =	vld [tilespmem:s24+$0x0]  }
0x13f: {  	v7 =	vmin.f32 v7, v11;
	v11 =	vld [tilespmem:s24+$0x10]  }
0x140: {  	v7 =	vmin.f32 v7, v12;
	v12 =	vld [tilespmem:s24+$0x20]  }
0x141: {  	v7 =	vmin.f32 v7, v8;
	v8 =	vld [tilespmem:s24+$0x30]  }
0x142: {  	v7 =	vmin.f32 v7, v9;
	v9 =	vld [tilespmem:s24+$0x40]  }
0x143: {  	v7 =	vmin.f32 v7, v10;
	v10 =	vld [tilespmem:s24+$0x50]  }
0x144: {  	v7 =	vmin.f32 v7, v11;
	v11 =	vld [tilespmem:s24+$0x60]  }
0x145: {  	v7 =	vmin.f32 v7, v12;
	v12 =	vld [tilespmem:s24+$0x70]  }
0x146: {  	v7 =	vmin.f32 v7, v8  }
0x147: {  	v7 =	vmin.f32 v7, v9  }
.Ltmp11:
0x148: {  	v7 =	vmin.f32 v7, v10;
	(pc) =	sbr.rel @p0 .LBB2_27-.Ltmp11, $4  }
0x149: {  	v7 =	vmin.f32 v7, v11  }
0x14a: {  	s26 =	sshra.s32 s23, $0x2;
	s23 =	smov.u32 s25;
	v7 =	vmin.f32 v7, v12  }
0x14b: {  	s24 =	sadd.s32 $0x100, s24;
	[tilespmem:s26+$0x4000] =	vst v7;
	v8 =	vmax.f32 v5, v7;
	v5 =	vmin.f32 v5, v7  }
0x14c: {  	s25 =	sadd.s32 $0x40, s25;
	v7 =	vld [tilespmem:s24+$0xFFFFFF90];
	v6 =	vmin.f32 v6, v8  }
0x14d: {  	v8 =	vld [tilespmem:s24+$0xFFFFFF80]  }
0x14e: {  	v9 =	vld [tilespmem:s24+$0xFFFFFFA0]  }
0x14f: {  	v10 =	vld [tilespmem:s24+$0xFFFFFFB0]  }
0x150: {  	v11 =	vld [tilespmem:s24+$0xFFFFFFC0]  }
0x151: {  	v12 =	vld [tilespmem:s24+$0xFFFFFFD0]  }
0x152: {  	v7 =	vmin.f32 v8, v7;
	v8 =	vld [tilespmem:s24+$0xFFFFFFE0]  }
0x153: {  	v7 =	vmin.f32 v7, v9;
	v9 =	vld [tilespmem:s24+$0xFFFFFFF0]  }
0x154: {  	v7 =	vmin.f32 v7, v10;
	v10 =	vld [tilespmem:s24+$0x0]  }
0x155: {  	v7 =	vmin.f32 v7, v11;
	v11 =	vld [tilespmem:s24+$0x10]  }
0x156: {  	v62 =	vld [tilespmem:s24+$0x20];
	v7 =	vmin.f32 v7, v12  }
0x157: {  	v7 =	vmin.f32 v7, v8;
	v8 =	vld [tilespmem:s24+$0x30]  }
0x158: {  	v7 =	vmin.f32 v7, v9;
	v9 =	vld [tilespmem:s24+$0x40]  }
0x159: {  	v7 =	vmin.f32 v7, v10;
	v10 =	vld [tilespmem:s24+$0x50]  }
0x15a: {  	v7 =	vmin.f32 v7, v11;
	v11 =	vld [tilespmem:s24+$0x60]  }
0x15b: {  	v63 =	vld [tilespmem:s24+$0x70];
	v7 =	vmin.f32 v7, v62  }
0x15c: {  	v7 =	vmin.f32 v7, v8  }
0x15d: {  	v7 =	vmin.f32 v7, v9  }
0x15e: {  	v7 =	vmin.f32 v7, v10  }
0x15f: {  	v7 =	vmin.f32 v7, v11  }
0x160: {  	s23 =	sshra.s32 s23, $0x2;
	v7 =	vmin.f32 v7, v63  }
0x161: {  	[tilespmem:s23+$0x4000] =	vst v7;
	v5 =	vmax.f32 v5, v7  }
0x162: {  	v5 =	vmin.f32 v6, v5;
	[tilespmem:$0x4480] =	vst v1  }
0x163: {  	[tilespmem:$0x4490] =	vst v1;
	(xrf0) =	vmax.scan.msk.f32 $0xffff, v5  }
0x164: {  	[tilespmem:$0x44A0] =	vst v1  }
0x165: {  	[tilespmem:$0x44B0] =	vst v1  }
0x166: {  	[tilespmem:$0x44C0] =	vst v1  }
0x167: {  	[tilespmem:$0x44D0] =	vst v1  }
0x168: {  	[tilespmem:$0x44E0] =	vst v1  }
0x169: {  	s24 =	simm.s32 $0x4000;
	[tilespmem:$0x44F0] =	vst v1;
	v5, _, _ =	vpop (xrf0)  }
0x16a: {  	s25 =	simm.s32 $0x100;
	v7 =	vimm.s32 $0x0;
	s23 =	simm.s32 $0x0;
	v6 =	vimm.s32 $0x0;
	v8 =	vld [tilespmem:s24+$0x0];
	v5 =	vbroadcast v5, $0xF  }
.LBB2_29:
0x16b: {  	p0 =	sne.s32 s25, $0x1F00;
	_ =	sdelay $0x3  }
0x16c: {  	vm1 =	vle.f32 v8, v5  }
0x16d: {  	v8 =	vsel vm1, $0x1, v3;
	v9 =	vmpcnt.ones.xlane vm1  }
0x16e: {  	(xrf0) =	vadd.scan.msk.s32 $0xffff, v8  }
0x16f: {  	v7 =	vadd.s32 v7, v9;
	_ =	sdelay $0x3  }
0x170: {  	v8 =	vsel vm1, $0xFFFFFFFF, v3  }
0x171: {  	v8 =	vadd.s32 v8, v6;
	v6 =	vmov v7;
	v9, _, _ =	vpop (xrf0)  }
0x172: {  	v8 =	vadd.s32 v9, v8;
	_ =	sdelay $0x1  }
.Ltmp12:
0x173: {  	(pc) =	sbr.rel @p0 .LBB2_29-.Ltmp12, $4  }
0x174: {  	_ = 	snop  }
0x175: {  	v9 =	vor.u32 s23, v2;
	s23 =	smov.u32 s25  }
0x176: {  	s24 =	sadd.s32 $0x10, s24;
	[tilespmem:v8+s12+$0x0] =	vst.idx.msk vm1, v9  }
0x177: {  	s25 =	sadd.s32 $0x100, s25;
	v8 =	vld [tilespmem:s24+$0x0]  }
0x178: {  	_ =	sdelay $0x3  }
0x179: {  	vm1 =	vle.f32 v8, v5  }
0x17a: {  	v8 =	vmpcnt.ones.xlane vm1;
	_ =	sdelay $0x1  }
0x17b: {  	v9 =	vsel vm1, $0x1, v3;
	v7 =	vadd.s32 v7, v8  }
0x17c: {  	(xrf0) =	vadd.scan.msk.s32 $0xffff, v9;
	v7 =	vxor.u32 $0x80000000, v7  }
0x17d: {  	(xrf0) =	vmax.scan.msk.u32 $0xffff, v7;
	_ =	sdelay $0x4  }
0x17e: {  	v7, _, _ =	vpop (xrf0)  }
0x17f: {  	v62, _, _ =	vpop (xrf0)  }
0x180: {  	(v2sf) =	vpush v62, $0xF;
	_ =	sdelay $0xe  }
0x181: {  	v63 =	vsel vm1, $0xFFFFFFFF, v3;
	s24 =	spop (v2sf)  }
0x182: {  	v6 =	vadd.s32 v63, v6;
	s24 =	sxor.u32 $0x80000000, s24  }
0x183: {  	v6 =	vadd.s32 v7, v6;
	p0 =	slt.s32 s24, $0x1  }
.Ltmp13:
0x184: {  	_ = 	snop;
	(pc) =	sbr.rel @p0 .LBB2_31-.Ltmp13, $3  }
0x185: {  	_ =	sdelay $0x1  }
0x186: {  	v7 =	vor.u32 s23, v2  }
0x187: {  	[tilespmem:v6+s12+$0x0] =	vst.idx.msk vm1, v7  }
0x188: {  	s23 =	simm.s32 $0x0;
	v6 =	vimm.s32 $0x0  }
.LBB2_33:
0x189: {  	v7 =	vmov s23;
	_ =	sdelay $0x4  }
0x18a: {  	v7 =	vld.idx.msk [tilespmem:v7+s12+$0x0], $0xffff;
	_ =	sdelay $0x4  }
0x18b: {  	v7 =	vadd.s32 v4, v7;
	_ =	sdelay $0x4  }
0x18c: {  	v8 =	vld.idx.msk [tilespmem:v7+s11+$0x0], $0xffff;
	_ =	sdelay $0x4  }
0x18d: {  	vm1 =	vle.f32 v8, v5  }
0x18e: {  	v9 =	vsel vm1, $0x1, v3  }
0x18f: {  	(xrf0) =	vadd.scan.msk.s32 $0xffff, v9;
	_ =	sdelay $0x4  }
0x190: {  	v62 =	vsel vm1, $0xFFFFFFFF, v3  }
0x191: {  	v9 =	vadd.s32 v62, v6;
	v10, _, _ =	vpop (xrf0)  }
0x192: {  	v9 =	vadd.s32 v10, v9  }
0x193: {  	vm2 =	vlt.s32 v9, $0x800  }
0x194: {  	s23 =	sadd.s32 $0x1, s23;
	v9 =	vnsel vm2, $0x800, v9  }
0x195: {  	p0 =	sne.s32 s24, s23  }
.Ltmp14:
0x196: {  	_ = 	snop;
	(pc) =	sbr.rel @p0 .LBB2_33-.Ltmp14, $4  }
0x197: {  	_ = 	snop  }
0x198: {  	v63 =	vmpcnt.ones.xlane vm1  }
0x199: {  	[tilespmem:v9+s13+$0x0] =	vst.idx.msk vm1, v8  }
0x19a: {  	v6 =	vadd.s32 v6, v63;
	[tilespmem:v9+s14+$0x0] =	vst.idx.msk vm1, v7  }
.Ltmp15:
0x19b: {  	(pc) =	sbr.rel .LBB2_35-.Ltmp15, $2  }
0x19c: {  	_ =	sdelay $0x2  }
0x19d: {  	v5 =	vxor.u32 $0x80000000, v6  }
.LBB2_12:
0x19e: {  	s24 =	sadd.s32 $0xF, s24  }
0x19f: {  	p0 =	slt.s32 s23, $0xFFFFFFF2;
	s25 =	sand.u32 $0xF, s24  }
.Ltmp16:
0x1a0: {  	s31 =	sshra.s32 s24, $0x1F;
	p1 =	sne.s32 s25, $0x0;
	(pc) =	sbr.rel .LBB2_13-.Ltmp16, $4  }
0x1a1: {  	s23 =	sshrl.u32 s31, $0x1C;
	p0 =	por !p0, !p1  }
0x1a2: {  	s23 =	sadd.s32 s23, s24;
	s24 =	simm.s32 $0x1;
	p0 =	por !p0, !p0  }
0x1a3: {  	v5 =	vimm.f32 $0.0e+00;
	s23 =	sshra.s32 s23, $0x4;
	s24 =	simm.s32 @!p0 $0x0  }
0x1a4: {  	v6 =	vimm.s32 $0x0;
	v7 =	vimm.s32 $0x0;
	v8 =	vimm.f32 $0.0e+00;
	s23 =	ssub.s32 s23, s24;
	s24 =	simm.s32 $0x0  }
.LBB2_24:
0x1a5: {  	v12 =	vld [tilespmem:s25+$0x0];
	_ =	sdelay $0x3  }
0x1a6: {  	vm1 =	veq.s32 v11, v10  }
0x1a7: {  	v11 =	vsel vm1, $0x7F800000, v12  }
0x1a8: {  	[tilespmem:s25+$0x0] =	vst v11  }
.LBB2_25:
0x1a9: {  	s26 =	sshrl.u32 s24, $0x4  }
0x1aa: {  	vm1 =	vmmov vm0;
	p0 =	seq.s32 s26, $0x0  }
0x1ab: {  	s25 =	sand.u32 $0xF, s24;
	vm3 =	vmmov vm0;
	s24 =	sadd.s32 $0x1, s24;
	vm1 =	vmneg @p0 vm1;
	p0 =	seq.s32 s26, $0x1  }
0x1ac: {  	vm3 =	vmneg @p0 vm3;
	p0 =	sne.s32 s24, $0x20  }
.Ltmp17:
0x1ad: {  	v11 =	vmov s25;
	(pc) =	sbr.rel @!p0 .LBB2_26-.Ltmp17, $4  }
0x1ae: {  	vm2 =	veq.s32 v11, v2  }
0x1af: {  	vm1 =	vmand vm2, vm1  }
0x1b0: {  	v8 =	vsel vm1, v9, v8;
	vm2 =	vmand vm2, vm3  }
0x1b1: {  	v7 =	vsel vm1, v10, v7;
	v5 =	vsel vm2, v9, v5;
	v6 =	vsel vm2, v10, v6  }
.LBB2_13:
0x1b2: {  	p0 =	slt.s32 s23, $0x1  }
.Ltmp18:
0x1b3: {  	_ = 	snop;
	(pc) =	sbr.rel @p0 .LBB2_14-.Ltmp18, $2  }
0x1b4: {  	_ =	sdelay $0x2  }
0x1b5: {  	v10 =	vimm.f32 $+Inf  }
0x1b6: {  	s26 =	simm.s32 $0x4480  }
0x1b7: {  	s25 =	simm.s32 $0x4D00;
	p1 =	sne.s32 s23, $0x1;
	v11 =	vld [tilespmem:s26+$0x0]  }
.Ltmp19:
0x1b8: {  	v12 =	vld [tilespmem:s25+$0x0];
	(pc) =	sbr.rel @!p1 .LBB2_20-.Ltmp19, $2  }
0x1b9: {  	_ =	sdelay $0x2  }
0x1ba: {  	v9 =	vimm.s32 $0x2000;
	s28 =	simm.s32 $0x4490;
	s26 =	sadd.s32 $0xFFFFFFFF, s23  }
.LBB2_19:
0x1bb: {  	v13 =	vld [tilespmem:s28+$0x0];
	vm1 =	veq.f32 v11, v10;
	vm2 =	vlt.s32 v12, v9;
	s25 =	sadd.s32 $0x10, s25;
	v14 =	vmov v12;
	p1 =	sne.s32 s26, $0x1  }
.Ltmp20:
0x1bc: {  	s26 =	sadd.s32 $0xFFFFFFFF, s26;
	vm3 =	vlt.f32 v11, v10;
	v12 =	vld [tilespmem:s25+$0x0];
	vm1 =	vmand vm1, vm2;
	(pc) =	sbr.rel @p1 .LBB2_19-.Ltmp20, $3  }
0x1bd: {  	vm1 =	vmor vm3, vm1  }
0x1be: {  	v10 =	vsel vm1, v11, v10;
	v9 =	vsel vm1, v14, v9;
	_ =	sdelay $0x1  }
0x1bf: {  	s28 =	sadd.s32 $0x10, s28;
	v11 =	vmov v13  }
.LBB2_20:
.Ltmp21:
0x1c0: {  	vm1 =	veq.f32 v11, v10;
	vm2 =	vlt.s32 v12, v9;
	(pc) =	sbr.rel .LBB2_21-.Ltmp21, $4  }
0x1c1: {  	vm3 =	vlt.f32 v11, v10;
	vm1 =	vmand vm1, vm2  }
0x1c2: {  	vm1 =	vmor vm3, vm1  }
0x1c3: {  	v9 =	vsel vm1, v12, v9  }
0x1c4: {  	v10 =	vsel vm1, v11, v10;
	v11 =	vxor.u32 $0x80000000, v9  }
.LBB2_14:
0x1c5: {  	v11 =	vimm.s32 $0x80002000  }
.LBB2_21:
0x1c6: {  	(xrf0) =	vmin.scan.msk.f32 $0xffff, v10;
	_ =	sdelay $0x5  }
0x1c7: {  	v9, _, _ =	vpop (xrf0)  }
0x1c8: {  	v9 =	vbroadcast v9, $0xF;
	_ =	sdelay $0x1  }
0x1c9: {  	vm1 =	veq.f32 v10, v9  }
0x1ca: {  	v10 =	vnsel vm1, $0x80002000, v11  }
0x1cb: {  	(xrf0) =	vmin.scan.msk.u32 $0xffff, v10;
	_ =	sdelay $0x5  }
0x1cc: {  	v10, _, _ =	vpop (xrf0)  }
0x1cd: {  	(v2sf) =	vpush v10, $0xF;
	_ =	sdelay $0xc  }
.Ltmp22:
0x1ce: {  	_ = 	snop;
	(pc) =	sbr.rel @p0 .LBB2_25-.Ltmp22, $4  }
0x1cf: {  	_ = 	snop  }
0x1d0: {  	s25 =	spop (v2sf)  }
0x1d1: {  	s25 =	sxor.u32 $0x80000000, s25  }
0x1d2: {  	v10 =	vmov s25  }
0x1d3: {  	p0 =	sne.s32 s23, $0x1  }
.Ltmp23:
0x1d4: {  	_ = 	snop;
	(pc) =	sbr.rel @!p0 .LBB2_24-.Ltmp23, $3  }
0x1d5: {  	_ =	sdelay $0x1  }
0x1d6: {  	s26 =	simm.s32 $0x4D00  }
0x1d7: {  	s25 =	simm.s32 $0x4480;
	s28 =	sadd.s32 $0xFFFFFFFF, s23;
	v11 =	vld [tilespmem:s26+$0x0]  }
.LBB2_23:
0x1d8: {  	p0 =	sne.s32 s28, $0x1;
	v12 =	vld [tilespmem:s25+$0x0];
	_ =	sdelay $0x2  }
.Ltmp24:
0x1d9: {  	(pc) =	sbr.rel @p0 .LBB2_23-.Ltmp24, $4  }
0x1da: {  	vm1 =	veq.s32 v11, v10  }
0x1db: {  	v11 =	vsel vm1, $0x7F800000, v12  }
0x1dc: {  	s26 =	sadd.s32 $0x10, s26;
	[tilespmem:s25+$0x0] =	vst v11  }
0x1dd: {  	s28 =	sadd.s32 $0xFFFFFFFF, s28;
	s25 =	sadd.s32 $0x10, s25;
	v11 =	vld [tilespmem:s26+$0x0]  }
.Ltmp25:
0x1de: {  	_ = 	snop;
	(pc) =	sbr.rel .LBB2_24-.Ltmp25, $1  }
0x1df: {  	_ =	sdelay $0x3  }
.LBB2_31:
0x1e0: {  	v5 =	vimm.s32 $0x80000000  }
.LBB2_35:
0x1e1: {  	(xrf0) =	vmax.scan.msk.u32 $0xffff, v5;
	_ =	sdelay $0x5  }
0x1e2: {  	v5, _, _ =	vpop (xrf0)  }
0x1e3: {  	(v2sf) =	vpush v5, $0xF;
	_ =	sdelay $0xe  }
0x1e4: {  	s23 =	spop (v2sf)  }
0x1e5: {  	s23 =	sxor.u32 $0x80000000, s23  }
0x1e6: {  	p0 =	slt.s32 s23, $0x800;
	s24 =	smov.u32 s23  }
0x1e7: {  	s24 =	simm.s32 @!p0 $0x800;
	p0 =	sgt.s32 s23, $0x80  }
.Ltmp26:
0x1e8: {  	_ = 	snop;
	(pc) =	sbr.rel @p0 .LBB2_36-.Ltmp26, $2  }
0x1e9: {  	_ =	sdelay $0x2  }
0x1ea: {  	[tilespmem:s24+$0x4480] =	vst v1  }
0x1eb: {  	v20 =	vld [tilespmem:$0x4480]  }
0x1ec: {  	v21 =	vld [tilespmem:$0x4490]  }
0x1ed: {  	v11 =	vld [tilespmem:$0x4D00]  }
0x1ee: {  	v12 =	vld [tilespmem:$0x4D10];
	_ =	sdelay $0x2  }
0x1ef: {  	v22 =	vld [tilespmem:$0x44A0]  }
0x1f0: {  	v10 =	vld [tilespmem:$0x4D20]  }
0x1f1: {  	vm1 =	vlt.s32 v12, v11;
	vm2 =	veq.f32 v21, v20  }
0x1f2: {  	vm3 =	vlt.f32 v21, v20;
	vm2 =	vmand vm1, vm2  }
0x1f3: {  	v13 =	vld [tilespmem:$0x44B0];
	vm2 =	vmor vm3, vm2  }
0x1f4: {  	v6 =	vld [tilespmem:$0x4D30];
	v5 =	vsel vm2, v21, v20;
	v8 =	vsel vm2, v12, v11  }
0x1f5: {  	vm2 =	veq.f32 v22, v5;
	vm3 =	vlt.s32 v10, v8  }
0x1f6: {  	vm4 =	vlt.f32 v22, v5;
	vm2 =	vmand vm2, vm3  }
0x1f7: {  	v14 =	vld [tilespmem:$0x44C0];
	vm2 =	vmor vm4, vm2  }
0x1f8: {  	v7 =	vld [tilespmem:$0x4D40];
	v5 =	vsel vm2, v22, v5;
	v9 =	vsel vm2, v10, v8  }
0x1f9: {  	vm2 =	veq.f32 v13, v5;
	vm3 =	vlt.s32 v6, v9  }
0x1fa: {  	vm4 =	vlt.f32 v13, v5;
	vm2 =	vmand vm2, vm3  }
0x1fb: {  	v15 =	vld [tilespmem:$0x44D0];
	vm2 =	vmor vm4, vm2  }
0x1fc: {  	v8 =	vld [tilespmem:$0x4D50];
	v5 =	vsel vm2, v13, v5;
	v17 =	vsel vm2, v6, v9  }
0x1fd: {  	vm2 =	veq.f32 v14, v5;
	vm3 =	vlt.s32 v7, v17  }
0x1fe: {  	vm4 =	vlt.f32 v14, v5;
	vm2 =	vmand vm2, vm3  }
0x1ff: {  	v16 =	vld [tilespmem:$0x44E0];
	vm2 =	vmor vm4, vm2  }
0x200: {  	v9 =	vld [tilespmem:$0x4D60];
	v18 =	vsel vm2, v14, v5;
	v19 =	vsel vm2, v7, v17  }
0x201: {  	vm2 =	veq.f32 v15, v18;
	vm3 =	vlt.s32 v8, v19  }
0x202: {  	vm4 =	vlt.f32 v15, v18;
	vm2 =	vmand vm2, vm3  }
0x203: {  	v17 =	vld [tilespmem:$0x44F0];
	vm2 =	vmor vm4, vm2  }
0x204: {  	v5 =	vld [tilespmem:$0x4D70];
	v18 =	vsel vm2, v15, v18;
	v19 =	vsel vm2, v8, v19  }
0x205: {  	vm2 =	veq.f32 v16, v18;
	vm3 =	vlt.s32 v9, v19  }
0x206: {  	vm4 =	vlt.f32 v16, v18;
	vm2 =	vmand vm2, vm3  }
0x207: {  	vm2 =	vmor vm4, vm2  }
0x208: {  	v18 =	vsel vm2, v16, v18;
	v19 =	vsel vm2, v9, v19  }
0x209: {  	vm2 =	veq.f32 v17, v18;
	vm3 =	vlt.s32 v5, v19  }
0x20a: {  	vm4 =	vlt.f32 v17, v18;
	vm2 =	vmand vm2, vm3  }
0x20b: {  	vm2 =	vmor vm4, vm2  }
0x20c: {  	v18 =	vsel vm2, v17, v18  }
0x20d: {  	(xrf0) =	vmin.scan.msk.f32 $0xffff, v18;
	_ =	sdelay $0x5  }
0x20e: {  	v23, _, _ =	vpop (xrf0)  }
0x20f: {  	v25 =	vbroadcast v23, $0xF  }
0x210: {  	v19 =	vsel vm2, v5, v19  }
0x211: {  	vm2 =	veq.f32 v18, v25;
	v18 =	vxor.u32 $0x80000000, v19  }
0x212: {  	v18 =	vnsel vm2, $0x80002000, v18  }
0x213: {  	(xrf0) =	vmin.scan.msk.u32 $0xffff, v18;
	_ =	sdelay $0x5  }
0x214: {  	v18, _, _ =	vpop (xrf0)  }
0x215: {  	(v2sf) =	vpush v18, $0xF;
	_ =	sdelay $0xb  }
0x216: {  	s23 =	simm.s32 $0x0  }
0x217: {  	v26 =	vimm.f32 $0.0e+00;
	s23 =	sand.u32 $0xF, s23  }
0x218: {  	p0 =	por $0x1, $0x1;
	p1 =	por $0x0, $0x0;
	vm4 =	vmmov vm0;
	vm2 =	vmmov vm0;
	v18 =	vmov s23  }
0x219: {  	vm4 =	vmneg @p1 vm4;
	vm2 =	vmneg @p0 vm2;
	vm5 =	veq.s32 v18, v2;
	s31 =	spop (v2sf)  }
0x21a: {  	v19 =	vimm.s32 $0x0;
	vm3 =	vmand vm5, vm2;
	vm2 =	vmand vm5, vm4;
	s25 =	sxor.u32 $0x80000000, s31  }
0x21b: {  	v18 =	vsel vm3, v25, v26;
	vm4 =	veq.s32 v11, s25;
	vm5 =	veq.s32 v12, s25  }
0x21c: {  	vm6 =	veq.s32 v10, s25;
	v23 =	vsel vm4, $0x7F800000, v20;
	v24 =	vsel vm5, $0x7F800000, v21  }
0x21d: {  	v20 =	vsel vm2, v25, v26;
	v22 =	vsel vm6, $0x7F800000, v22;
	vm5 =	veq.s32 v6, s25  }
0x21e: {  	s24 =	simm.s32 $0x2;
	s23 =	simm.s32 $0x1;
	v21 =	vimm.s32 $0x0;
	vm4 =	vlt.f32 v24, v23;
	vm6 =	veq.f32 v24, v23  }
.LBB2_40:
0x21f: {  	p0 =	seq.s32 s24, $0x1F;
	vm6 =	vmand vm1, vm6;
	v13 =	vsel vm5, $0x7F800000, v13;
	vm5 =	veq.s32 v7, s25  }
0x220: {  	vm4 =	vmor vm4, vm6;
	v14 =	vsel vm5, $0x7F800000, v14;
	vm5 =	veq.s32 v8, s25  }
0x221: {  	v25 =	vsel vm4, v24, v23;
	v26 =	vsel vm4, v12, v11;
	v15 =	vsel vm5, $0x7F800000, v15  }
0x222: {  	vm6 =	veq.s32 v9, s25;
	vm4 =	veq.f32 v22, v25;
	vm5 =	vlt.s32 v10, v26  }
0x223: {  	vm7 =	vlt.f32 v22, v25;
	vm4 =	vmand vm4, vm5;
	vm5 =	veq.s32 v5, s25  }
0x224: {  	v16 =	vsel vm6, $0x7F800000, v16;
	vm4 =	vmor vm7, vm4;
	v17 =	vsel vm5, $0x7F800000, v17  }
0x225: {  	v19 =	vsel vm3, s25, v19;
	v25 =	vsel vm4, v22, v25;
	v26 =	vsel vm4, v10, v26  }
0x226: {  	v21 =	vsel vm2, s25, v21;
	vm3 =	veq.f32 v13, v25;
	vm4 =	vlt.s32 v6, v26  }
0x227: {  	vm2 =	vlt.f32 v13, v25;
	vm3 =	vmand vm3, vm4  }
0x228: {  	vm2 =	vmor vm2, vm3  }
0x229: {  	v25 =	vsel vm2, v13, v25;
	v26 =	vsel vm2, v6, v26  }
0x22a: {  	vm2 =	veq.f32 v14, v25;
	vm3 =	vlt.s32 v7, v26  }
0x22b: {  	vm4 =	vlt.f32 v14, v25;
	vm2 =	vmand vm2, vm3  }
0x22c: {  	vm2 =	vmor vm4, vm2  }
0x22d: {  	v25 =	vsel vm2, v14, v25;
	v26 =	vsel vm2, v7, v26  }
0x22e: {  	vm2 =	veq.f32 v15, v25;
	vm3 =	vlt.s32 v8, v26  }
0x22f: {  	vm4 =	vlt.f32 v15, v25;
	vm2 =	vmand vm2, vm3  }
0x230: {  	vm2 =	vmor vm4, vm2  }
0x231: {  	v25 =	vsel vm2, v15, v25;
	v26 =	vsel vm2, v8, v26  }
0x232: {  	vm2 =	vlt.f32 v16, v25;
	vm3 =	veq.f32 v16, v25;
	vm4 =	vlt.s32 v9, v26  }
0x233: {  	vm3 =	vmand vm3, vm4  }
0x234: {  	vm2 =	vmor vm2, vm3  }
0x235: {  	v25 =	vsel vm2, v16, v25;
	v26 =	vsel vm2, v9, v26  }
0x236: {  	vm2 =	vlt.f32 v17, v25;
	vm3 =	veq.f32 v17, v25;
	vm4 =	vlt.s32 v5, v26  }
0x237: {  	vm3 =	vmand vm3, vm4  }
0x238: {  	vm2 =	vmor vm2, vm3  }
0x239: {  	v25 =	vsel vm2, v17, v25;
	v26 =	vsel vm2, v5, v26  }
0x23a: {  	(xrf0) =	vmin.scan.msk.f32 $0xffff, v25;
	_ =	sdelay $0x3  }
0x23b: {  	s25 =	sand.u32 $0xF, s23  }
0x23c: {  	v28 =	vmov s25;
	s25 =	sshrl.u32 s23, $0x4;
	s23 =	smov.u32 s24  }
0x23d: {  	p1 =	seq.s32 s25, $0x0;
	p2 =	seq.s32 s25, $0x1;
	vm4 =	vmmov vm0;
	vm3 =	vmmov vm0;
	vm2 =	veq.s32 v28, v2;
	v27, _, _ =	vpop (xrf0)  }
0x23e: {  	vm4 =	vmneg @p2 vm4;
	vm3 =	vmneg @p1 vm3;
	v27 =	vbroadcast v27, $0xF  }
0x23f: {  	vm3 =	vmand vm2, vm3;
	vm2 =	vmand vm2, vm4  }
0x240: {  	vm4 =	veq.f32 v25, v27;
	v25 =	vxor.u32 $0x80000000, v26;
	v18 =	vsel vm3, v27, v18  }
0x241: {  	v20 =	vsel vm2, v27, v20;
	v25 =	vnsel vm4, $0x80002000, v25  }
0x242: {  	(xrf0) =	vmin.scan.msk.u32 $0xffff, v25;
	_ =	sdelay $0x5  }
0x243: {  	v25, _, _ =	vpop (xrf0)  }
0x244: {  	(v2sf) =	vpush v25, $0xF;
	_ =	sdelay $0xe  }
.Ltmp27:
0x245: {  	s25 =	spop (v2sf);
	(pc) =	sbr.rel @!p0 .LBB2_40-.Ltmp27, $4  }
0x246: {  	s25 =	sxor.u32 $0x80000000, s25  }
0x247: {  	vm4 =	veq.s32 v11, s25;
	vm5 =	veq.s32 v12, s25;
	vm6 =	veq.s32 v10, s25  }
0x248: {  	v23 =	vsel vm4, $0x7F800000, v23;
	v24 =	vsel vm5, $0x7F800000, v24;
	v22 =	vsel vm6, $0x7F800000, v22  }
0x249: {  	s24 =	sadd.s32 $0x1, s24;
	vm5 =	veq.s32 v6, s25;
	vm4 =	vlt.f32 v24, v23;
	vm6 =	veq.f32 v24, v23  }
0x24a: {  	vm1 =	vmand vm1, vm6  }
0x24b: {  	vm1 =	vmor vm4, vm1  }
0x24c: {  	v23 =	vsel vm1, v24, v23;
	v11 =	vsel vm1, v12, v11  }
0x24d: {  	vm1 =	veq.f32 v22, v23;
	vm15 =	vlt.s32 v10, v11  }
0x24e: {  	vm9 =	vlt.f32 v22, v23;
	vm1 =	vmand vm1, vm15  }
0x24f: {  	vm1 =	vmor vm9, vm1  }
0x250: {  	v62 =	vsel vm5, $0x7F800000, v13;
	v63 =	vsel vm1, v22, v23;
	v10 =	vsel vm1, v10, v11  }
0x251: {  	vm1 =	veq.f32 v62, v63;
	vm10 =	vlt.s32 v6, v10  }
0x252: {  	vm5 =	vlt.f32 v62, v63;
	vm1 =	vmand vm1, vm10  }
0x253: {  	vm11 =	veq.s32 v7, s25;
	vm1 =	vmor vm5, vm1  }
0x254: {  	v11 =	vsel vm11, $0x7F800000, v14;
	v12 =	vsel vm1, v62, v63;
	v6 =	vsel vm1, v6, v10  }
0x255: {  	vm1 =	veq.f32 v11, v12;
	vm12 =	vlt.s32 v7, v6  }
0x256: {  	vm13 =	vlt.f32 v11, v12;
	vm1 =	vmand vm1, vm12  }
0x257: {  	vm14 =	veq.s32 v8, s25;
	vm1 =	vmor vm13, vm1  }
0x258: {  	v10 =	vsel vm14, $0x7F800000, v15;
	v11 =	vsel vm1, v11, v12;
	v6 =	vsel vm1, v7, v6  }
0x259: {  	vm1 =	veq.f32 v10, v11;
	vm15 =	vlt.s32 v8, v6  }
0x25a: {  	vm8 =	vlt.f32 v10, v11;
	vm1 =	vmand vm1, vm15  }
0x25b: {  	vm9 =	veq.s32 v9, s25;
	vm1 =	vmor vm8, vm1  }
0x25c: {  	v7 =	vsel vm9, $0x7F800000, v16;
	v10 =	vsel vm1, v10, v11;
	v6 =	vsel vm1, v8, v6  }
0x25d: {  	vm1 =	veq.f32 v7, v10;
	vm10 =	vlt.s32 v9, v6  }
0x25e: {  	vm11 =	vlt.f32 v7, v10;
	vm1 =	vmand vm1, vm10  }
0x25f: {  	vm12 =	veq.s32 v5, s25;
	vm1 =	vmor vm11, vm1  }
0x260: {  	v8 =	vsel vm12, $0x7F800000, v17;
	v7 =	vsel vm1, v7, v10;
	v6 =	vsel vm1, v9, v6  }
0x261: {  	vm1 =	veq.f32 v8, v7;
	vm13 =	vlt.s32 v5, v6  }
0x262: {  	vm14 =	vlt.f32 v8, v7;
	vm1 =	vmand vm1, vm13  }
0x263: {  	vm1 =	vmor vm14, vm1  }
0x264: {  	v7 =	vsel vm1, v8, v7  }
0x265: {  	(xrf0) =	vmin.scan.msk.f32 $0xffff, v7;
	_ =	sdelay $0x5  }
0x266: {  	v8, _, _ =	vpop (xrf0)  }
0x267: {  	v9 =	vbroadcast v8, $0xF  }
0x268: {  	v5 =	vsel vm1, v5, v6  }
0x269: {  	v5 =	vxor.u32 $0x80000000, v5;
	vm1 =	veq.f32 v7, v9  }
0x26a: {  	v5 =	vnsel vm1, $0x80002000, v5  }
0x26b: {  	(xrf0) =	vmin.scan.msk.u32 $0xffff, v5;
	_ =	sdelay $0x5  }
0x26c: {  	v5, _, _ =	vpop (xrf0)  }
0x26d: {  	(v2sf) =	vpush v5, $0xF;
	_ =	sdelay $0xb  }
0x26e: {  	s24 =	sand.u32 $0xF, s23;
	s30 =	sshrl.u32 s23, $0x4  }
.Ltmp28:
0x26f: {  	p0 =	seq.s32 s30, $0x0;
	vm1 =	vmmov vm0;
	v5 =	vmov s24;
	(pc) =	sbr.rel .LBB2_50-.Ltmp28, $4  }
0x270: {  	p1 =	seq.s32 s30, $0x1;
	vm5 =	vmmov vm0;
	vm1 =	vmneg @p0 vm1;
	vm15 =	veq.s32 v5, v2  }
0x271: {  	vm5 =	vmneg @p1 vm5;
	v10 =	vsel vm2, s25, v21;
	vm1 =	vmand vm15, vm1;
	s31 =	spop (v2sf)  }
0x272: {  	v5 =	vsel vm3, s25, v19;
	vm2 =	vmand vm15, vm5;
	v8 =	vsel vm1, v9, v18;
	s23 =	sxor.u32 $0x80000000, s31  }
0x273: {  	v6 =	vsel vm2, v9, v20;
	v7 =	vsel vm1, s23, v5;
	v5 =	vsel vm2, s23, v10  }
.LBB2_36:
0x274: {  	s24 =	sadd.s32 $0xF, s24  }
0x275: {  	p0 =	slt.s32 s23, $0xFFFFFFF2;
	s25 =	sand.u32 $0xF, s24  }
.Ltmp29:
0x276: {  	s31 =	sshra.s32 s24, $0x1F;
	p1 =	sne.s32 s25, $0x0;
	(pc) =	sbr.rel .LBB2_37-.Ltmp29, $4  }
0x277: {  	s23 =	sshrl.u32 s31, $0x1C;
	p0 =	por !p0, !p1  }
0x278: {  	s23 =	sadd.s32 s23, s24;
	s24 =	simm.s32 $0x1;
	p0 =	por !p0, !p0  }
0x279: {  	v6 =	vimm.f32 $0.0e+00;
	s23 =	sshra.s32 s23, $0x4;
	s24 =	simm.s32 @!p0 $0x0  }
0x27a: {  	v5 =	vimm.s32 $0x0;
	v7 =	vimm.s32 $0x0;
	v8 =	vimm.f32 $0.0e+00;
	s23 =	ssub.s32 s23, s24;
	s24 =	simm.s32 $0x0  }
.LBB2_48:
0x27b: {  	v12 =	vld [tilespmem:s25+$0x0];
	_ =	sdelay $0x3  }
0x27c: {  	vm1 =	veq.s32 v11, v10  }
0x27d: {  	v11 =	vsel vm1, $0x7F800000, v12  }
0x27e: {  	[tilespmem:s25+$0x0] =	vst v11  }
.LBB2_49:
0x27f: {  	s26 =	sshrl.u32 s24, $0x4  }
0x280: {  	vm1 =	vmmov vm0;
	p0 =	seq.s32 s26, $0x0  }
0x281: {  	s25 =	sand.u32 $0xF, s24;
	vm3 =	vmmov vm0;
	s24 =	sadd.s32 $0x1, s24;
	vm1 =	vmneg @p0 vm1;
	p0 =	seq.s32 s26, $0x1  }
0x282: {  	vm3 =	vmneg @p0 vm3;
	p0 =	sne.s32 s24, $0x20  }
.Ltmp30:
0x283: {  	v11 =	vmov s25;
	(pc) =	sbr.rel @!p0 .LBB2_50-.Ltmp30, $4  }
0x284: {  	vm2 =	veq.s32 v11, v2  }
0x285: {  	vm1 =	vmand vm2, vm1  }
0x286: {  	v8 =	vsel vm1, v9, v8;
	vm2 =	vmand vm2, vm3  }
0x287: {  	v7 =	vsel vm1, v10, v7;
	v6 =	vsel vm2, v9, v6;
	v5 =	vsel vm2, v10, v5  }
.LBB2_37:
0x288: {  	p0 =	slt.s32 s23, $0x1  }
.Ltmp31:
0x289: {  	_ = 	snop;
	(pc) =	sbr.rel @p0 .LBB2_38-.Ltmp31, $2  }
0x28a: {  	_ =	sdelay $0x2  }
0x28b: {  	v10 =	vimm.f32 $+Inf  }
0x28c: {  	s26 =	simm.s32 $0x4480  }
0x28d: {  	s25 =	simm.s32 $0x4D00;
	p1 =	sne.s32 s23, $0x1;
	v11 =	vld [tilespmem:s26+$0x0]  }
.Ltmp32:
0x28e: {  	v12 =	vld [tilespmem:s25+$0x0];
	(pc) =	sbr.rel @!p1 .LBB2_44-.Ltmp32, $2  }
0x28f: {  	_ =	sdelay $0x2  }
0x290: {  	v9 =	vimm.s32 $0x2000;
	s28 =	simm.s32 $0x4490;
	s26 =	sadd.s32 $0xFFFFFFFF, s23  }
.LBB2_43:
0x291: {  	v13 =	vld [tilespmem:s28+$0x0];
	vm1 =	veq.f32 v11, v10;
	vm2 =	vlt.s32 v12, v9;
	s25 =	sadd.s32 $0x10, s25;
	v14 =	vmov v12;
	p1 =	sne.s32 s26, $0x1  }
.Ltmp33:
0x292: {  	s26 =	sadd.s32 $0xFFFFFFFF, s26;
	vm3 =	vlt.f32 v11, v10;
	v12 =	vld [tilespmem:s25+$0x0];
	vm1 =	vmand vm1, vm2;
	(pc) =	sbr.rel @p1 .LBB2_43-.Ltmp33, $3  }
0x293: {  	vm1 =	vmor vm3, vm1  }
0x294: {  	v10 =	vsel vm1, v11, v10;
	v9 =	vsel vm1, v14, v9;
	_ =	sdelay $0x1  }
0x295: {  	s28 =	sadd.s32 $0x10, s28;
	v11 =	vmov v13  }
.LBB2_44:
.Ltmp34:
0x296: {  	vm1 =	veq.f32 v11, v10;
	vm2 =	vlt.s32 v12, v9;
	(pc) =	sbr.rel .LBB2_45-.Ltmp34, $4  }
0x297: {  	vm3 =	vlt.f32 v11, v10;
	vm1 =	vmand vm1, vm2  }
0x298: {  	vm1 =	vmor vm3, vm1  }
0x299: {  	v9 =	vsel vm1, v12, v9  }
0x29a: {  	v10 =	vsel vm1, v11, v10;
	v11 =	vxor.u32 $0x80000000, v9  }
.LBB2_38:
0x29b: {  	v11 =	vimm.s32 $0x80002000  }
.LBB2_45:
0x29c: {  	(xrf0) =	vmin.scan.msk.f32 $0xffff, v10;
	_ =	sdelay $0x5  }
0x29d: {  	v9, _, _ =	vpop (xrf0)  }
0x29e: {  	v9 =	vbroadcast v9, $0xF;
	_ =	sdelay $0x1  }
0x29f: {  	vm1 =	veq.f32 v10, v9  }
0x2a0: {  	v10 =	vnsel vm1, $0x80002000, v11  }
0x2a1: {  	(xrf0) =	vmin.scan.msk.u32 $0xffff, v10;
	_ =	sdelay $0x5  }
0x2a2: {  	v10, _, _ =	vpop (xrf0)  }
0x2a3: {  	(v2sf) =	vpush v10, $0xF;
	_ =	sdelay $0xc  }
.Ltmp35:
0x2a4: {  	_ = 	snop;
	(pc) =	sbr.rel @p0 .LBB2_49-.Ltmp35, $4  }
0x2a5: {  	_ = 	snop  }
0x2a6: {  	s25 =	spop (v2sf)  }
0x2a7: {  	s25 =	sxor.u32 $0x80000000, s25  }
0x2a8: {  	v10 =	vmov s25  }
0x2a9: {  	p0 =	sne.s32 s23, $0x1  }
.Ltmp36:
0x2aa: {  	_ = 	snop;
	(pc) =	sbr.rel @!p0 .LBB2_48-.Ltmp36, $3  }
0x2ab: {  	_ =	sdelay $0x1  }
0x2ac: {  	s26 =	simm.s32 $0x4D00  }
0x2ad: {  	s25 =	simm.s32 $0x4480;
	s28 =	sadd.s32 $0xFFFFFFFF, s23;
	v11 =	vld [tilespmem:s26+$0x0]  }
.LBB2_47:
0x2ae: {  	p0 =	sne.s32 s28, $0x1;
	v12 =	vld [tilespmem:s25+$0x0];
	_ =	sdelay $0x2  }
.Ltmp37:
0x2af: {  	(pc) =	sbr.rel @p0 .LBB2_47-.Ltmp37, $4  }
0x2b0: {  	vm1 =	veq.s32 v11, v10  }
0x2b1: {  	v11 =	vsel vm1, $0x7F800000, v12  }
0x2b2: {  	s26 =	sadd.s32 $0x10, s26;
	[tilespmem:s25+$0x0] =	vst v11  }
0x2b3: {  	s28 =	sadd.s32 $0xFFFFFFFF, s28;
	s25 =	sadd.s32 $0x10, s25;
	v11 =	vld [tilespmem:s26+$0x0]  }
.Ltmp38:
0x2b4: {  	_ = 	snop;
	(pc) =	sbr.rel .LBB2_48-.Ltmp38, $1  }
0x2b5: {  	_ =	sdelay $0x3  }
.LBB2_52:
0x2b6: {  	_ =	sfence.sel $0x180000  }
0x2b7: {  	[bflag:$0x0] =	sbarrier.arrive $0xFFFF  }
0x2b8: {  	p0 =	sne.s32 s1, $0x0;
	_ =	strace $0x9000004A  }
0x2b9: {  	s0 =	sadd.s32 @!p0 $0x100000, s0;
	[bflag:$0x2] =	sbarrier.arrive $0xFFFF  }
0x2ba: {  	[sflag:s0] =	ssyncadd.tile.s32 @!p0 $0x1;
	_ =	shalt  }
.Lfunc_end2:
_tile_overlayer_lowered:
.L_overlay_start_2:
0x2bb: {  	(tag) =	ssettag $0x2  }
0x2bc: {  	s0 =	rddreg [dreg:$0x0];
	s2 =	stileid.u32  }
0x2bd: {  	s1 =	rddreg [dreg:$0x1];
	p0 =	sne.s32 s2, $0x0  }
0x2be: {  	s3 =	rddreg [dreg:$0x2];
	[bflag:$0x3] =	sbarrier.arrive $0xFFFF;
	s2 =	simm.s32 @!p0 $0x1C03  }
0x2bf: {  	[timem:s3], [sflag:s2] =	dma.local @!p0 [hbm:s0], s1  }
0x2c0: {  	s0 =	simm.s32 @!p0 $0x3  }
0x2c1: {  	_ =	swait.ge @!p0 [sflag:s0], s1  }
0x2c2: {  	s1 =	ssub.s32 @!p0 $0x0, s1;
	[sflag:s0] =	ssyncset.done @!p0 $0x0  }
0x2c3: {  	[sflag:s0] =	ssyncadd.s32 @!p0 s1  }
0x2c4: {  	[bflag:$0x3] =	sbarrier.arrive $0xFFFF  }
0x2c5: {  	_ =	shalt  }

// kernel: kernel.9.cloned.1.call-start
scs
__scs_entry_jumppad:
0x0: {  	(pc) =	sbr.rel $0x88, $3  }
0x1: {  	(tag) =	ssettag $0x0;
	lr =	simm.s32 $0x1  }
0x2: {  	[smem:$0x3F9E] =	sst lr;
	_ =	strace $0xD0000000  }
0x3: {  	_ = 	snop  }
0x4: {  	_ = 	snop  }
0x5: {  	_ = 	snop  }
0x6: {  	_ = 	snop  }
0x7: {  	_ = 	snop  }
__scs_overlays_trampoline_lowered:
0x8: {  	[smem:$0x3FAD] =	sst s0  }
0x9: {  	[smem:$0x3FAE] =	sst s1  }
0xa: {  	[smem:$0x3FAF] =	sst s2  }
0xb: {  	[smem:$0x3FB0] =	sst s3  }
0xc: {  	[smem:$0x3FB1] =	sst s4  }
0xd: {  	[smem:$0x3FB2] =	sst s5  }
0xe: {  	[smem:$0x3FB3] =	sst s6  }
0xf: {  	[smem:$0x3FB4] =	sst s7  }
0x10: {  	[smem:$0x3FB5] =	sst s8  }
0x11: {  	[smem:$0x3FB6] =	sst s9;
	s0 =	simm.s32 @!p0 $0x0  }
0x12: {  	s1 =	sld [smem:$0x3F9C];
	s0 =	simm.s32 @p0 $0x1  }
0x13: {  	[smem:$0x3FB7] =	sst s0;
	s0 =	simm.s32 @!p1 $0x0  }
0x14: {  	s2 =	sld [smem:$0x3F9B];
	s0 =	simm.s32 @p1 $0x1  }
0x15: {  	[smem:$0x3FB8] =	sst s0;
	s0 =	simm.s32 @!p2 $0x0  }
0x16: {  	s3 =	sld [smem:$0x3FDB];
	s0 =	simm.s32 @p2 $0x1  }
0x17: {  	s4 =	simm.s32 $0x1BF5;
	[smem:$0x3FBA] =	sst s0  }
0x18: {  	s0 =	sld [smem:$0x3F9D];
	_ =	swait.ge [sflag:s4], $0x0  }
0x19: {  	s7 =	sld [smem:$0x3F9E]  }
0x1a: {  	s8 =	sadd.s32 $0xFFFFE003, lr  }
0x1b: {  	s9 =	sadd.s32 $0xFFFFFEF7, lr;
	s5 =	simm.s32 $0xFFFFFFFF;
	p2 =	slt.u32 s8, $0xFFFFF086  }
0x1c: {  	p1 =	slt.u32 s9, $0xF7A;
	s5 =	simm.s32 @!p2 $0x0  }
0x1d: {  	s5 =	simm.s32 @p1 $0x1;
	p0 =	seq.s32 s7, s2  }
0x1e: {  	s7 =	smul.u32 @!p0 $0xF7A, s2;
	p2 =	seq.s32 @!p0 s5, $0x0  }
0x1f: {  	s9 =	smul.u32 $0xF7A, s1;
	s8 =	simm.s32 @!p0 $0x1BF5;
	p2 =	por !p2, p0  }
0x20: {  	[sflag:s8] =	ssyncset.s32 @!p0 $0xFFFFF086;
	s6 =	sadd.s32 @!p0 s3, s7;
	s7 =	simm.s32 @!p0 $0x108  }
0x21: {  	s3 =	sadd.s32 s3, s9;
	s6 =	sadd.s32 @!p0 $0x88, s6;
	s7 =	simm.s32 @p2 $0x1082  }
0x22: {  	[simem:s7], [sflag:s8] =	dma.local @!p0 [hbm:s6], $0xF7A  }
0x23: {  	s9 =	sor.u32 $0xD0000000, s2;
	s6 =	simm.s32 $0x108;
	_ =	swait.ge @!p0 [sflag:s8], $0x0  }
0x24: {  	s3 =	sadd.s32 $0x88, s3;
	s6 =	simm.s32 @!p1 $0x1082;
	[sflag:s4] =	ssyncset.s32 $0xFFFFF086  }
0x25: {  	[simem:s6], [sflag:s4] =	dma.local [hbm:s3], $0xF7A  }
0x26: {  	[smem:$0x3F9E] =	sst s1;
	(tag) =	ssettag s2;
	_ =	strace s9  }
0x27: {  	s1 =	sld [smem:$0x3FAE]  }
0x28: {  	s2 =	sld [smem:$0x3FAF]  }
0x29: {  	s4 =	sld [smem:$0x3FB1]  }
0x2a: {  	p0 =	seq.s32 s5, $0x0;
	s5 =	sld [smem:$0x3FB2]  }
0x2b: {  	s6 =	sld [smem:$0x3FB3]  }
0x2c: {  	s7 =	sld [smem:$0x3FB4]  }
0x2d: {  	s3 =	simm.s32 $0x108;
	s8 =	sld [smem:$0x3FB5]  }
0x2e: {  	s3 =	simm.s32 @!p0 $0x1082;
	s9 =	sld [smem:$0x3FB6]  }
0x2f: {  	lr =	sadd.s32 s0, s3;
	s0 =	sld [smem:$0x3FAD]  }
0x30: {  	s3 =	sld [smem:$0x3FB0]  }
0x31: {  	[smem:$0x3FB9] =	sst s10  }
0x32: {  	s10 =	sld [smem:$0x3FB7];
	_ =	sdelay $0x3  }
0x33: {  	p0 =	seq.s32 s10, $0x1;
	s10 =	sld [smem:$0x3FB9];
	_ =	sdelay $0x3  }
0x34: {  	[smem:$0x3FB9] =	sst s10  }
0x35: {  	s10 =	sld [smem:$0x3FB8];
	_ =	sdelay $0x3  }
0x36: {  	p1 =	seq.s32 s10, $0x1;
	s10 =	sld [smem:$0x3FB9];
	_ =	sdelay $0x3  }
0x37: {  	[smem:$0x3FB9] =	sst s10  }
0x38: {  	s10 =	sld [smem:$0x3FBA]  }
0x39: {  	_ = 	snop;
	(pc) =	sbr.ind lr, $3  }
0x3a: {  	_ = 	snop  }
0x3b: {  	_ = 	snop  }
0x3c: {  	p2 =	seq.s32 s10, $0x1;
	s10 =	sld [smem:$0x3FB9]  }
0x3d: {  	_ =	shalt  }
0x3e: {  	_ =	shalt  }
0x3f: {  	_ =	shalt  }
0x40: {  	_ =	shalt  }
0x41: {  	_ =	shalt  }
0x42: {  	_ =	shalt  }
0x43: {  	_ =	shalt  }
0x44: {  	_ =	shalt  }
0x45: {  	_ =	shalt  }
0x46: {  	_ =	shalt  }
0x47: {  	_ =	shalt  }
0x48: {  	_ =	shalt  }
0x49: {  	_ =	shalt  }
0x4a: {  	_ =	shalt  }
0x4b: {  	_ =	shalt  }
0x4c: {  	_ =	shalt  }
0x4d: {  	_ =	shalt  }
0x4e: {  	_ =	shalt  }
0x4f: {  	_ =	shalt  }
0x50: {  	_ =	shalt  }
0x51: {  	_ =	shalt  }
0x52: {  	_ =	shalt  }
0x53: {  	_ =	shalt  }
0x54: {  	_ =	shalt  }
0x55: {  	_ =	shalt  }
0x56: {  	_ =	shalt  }
0x57: {  	_ =	shalt  }
0x58: {  	_ =	shalt  }
0x59: {  	_ =	shalt  }
0x5a: {  	_ =	shalt  }
0x5b: {  	_ =	shalt  }
0x5c: {  	_ =	shalt  }
0x5d: {  	_ =	shalt  }
0x5e: {  	_ =	shalt  }
0x5f: {  	_ =	shalt  }
0x60: {  	_ =	shalt  }
0x61: {  	_ =	shalt  }
0x62: {  	_ =	shalt  }
0x63: {  	_ =	shalt  }
0x64: {  	_ =	shalt  }
0x65: {  	_ =	shalt  }
0x66: {  	_ =	shalt  }
0x67: {  	_ =	shalt  }
0x68: {  	_ =	shalt  }
0x69: {  	_ =	shalt  }
0x6a: {  	_ =	shalt  }
0x6b: {  	_ =	shalt  }
0x6c: {  	_ =	shalt  }
0x6d: {  	_ =	shalt  }
0x6e: {  	_ =	shalt  }
0x6f: {  	_ =	shalt  }
0x70: {  	_ =	shalt  }
0x71: {  	_ =	shalt  }
0x72: {  	_ =	shalt  }
0x73: {  	_ =	shalt  }
0x74: {  	_ =	shalt  }
0x75: {  	_ =	shalt  }
0x76: {  	_ =	shalt  }
0x77: {  	_ =	shalt  }
0x78: {  	_ =	shalt  }
0x79: {  	_ =	shalt  }
0x7a: {  	_ =	shalt  }
0x7b: {  	_ =	shalt  }
0x7c: {  	_ =	shalt  }
0x7d: {  	_ =	shalt  }
0x7e: {  	_ =	shalt  }
0x7f: {  	_ =	shalt  }
0x80: {  	_ =	shalt  }
0x81: {  	_ =	shalt  }
0x82: {  	_ =	shalt  }
0x83: {  	_ =	shalt  }
0x84: {  	_ =	shalt  }
0x85: {  	_ =	shalt  }
0x86: {  	_ =	shalt  }
0x87: {  	_ =	shalt  }
.Lfunc_end0:
.L_simem_size_0:
called_computation.3_lowered:
.L_overlay_start_0:
0x88: {  	s2 =	sld [smem:$0x3FD9]  }
0x89: {  	s3 =	sld [smem:$0x3FFE];
	_ =	sdelay $0x1  }
0x8a: {  	s1 =	srdreg.scid  }
0x8b: {  	s0 =	sand.u32 $0x1, s1  }
0x8c: {  	s15 =	sshll.u32 s0, $0xA;
	s2 =	sadd.s32 s3, s2  }
0x8d: {  	s2 =	sadd.s32 s2, s15  }
0x8e: {  	[smem:$0x3FC5] =	sst s2  }
0x8f: {  	_ = 	snop  }
0x90: {  	s2 =	sld [smem:$0x3FD0];
	_ =	sdelay $0x2  }
0x91: {  	s16 =	simm.s32 $0xB;
	s4 =	simm.s32 $0x10  }
0x92: {  	[smem:s4], [sflag:s16] =	dma.local [hbm:s2], $0x1  }
0x93: {  	_ =	swait.eq [sflag:s16], $0x1  }
0x94: {  	[sflag:s16] =	ssyncset.done $0x0  }
0x95: {  	[sflag:s16] =	ssyncadd.s32 $0xFFFFFFFF  }
0x96: {  	s17 =	sld [smem:$0x10];
	(tm) =	ssettm $0x1  }
0x97: {  	s18 =	sld [smem:$0x3FFB];
	_ =	sdelay $0x3  }
0x98: {  	_ =	strace s18  }
0x99: {  	s2 =	sld [smem:$0x3FFC];
	_ =	sdelay $0x3  }
0x9a: {  	_ =	strace s2  }
0x9b: {  	s2 =	sld [smem:$0x3FFD];
	_ =	sdelay $0x3  }
0x9c: {  	_ =	strace s2  }
0x9d: {  	_ =	strace $0x8FFFFFFF  }
0x9e: {  	s19 =	sld [smem:$0x3FDB];
	_ =	sdelay $0x1  }
0x9f: {  	s20 =	simm.s32 $_scs_section_size  }
0xa0: {  	s5 =	simm.s32 $_size__tile_overlayer_lowered;
	s6 =	simm.s32 $_tile_overlayer_lowered  }
0xa1: {  	s7 =	simm.s32 $0x1BFF;
	s21 =	sshll.u32 s6, $0x1;
	s4 =	sadd.s32 s20, s19  }
0xa2: {  	s22 =	simm.s32 $0x0;
	s5 =	sshll.u32 s5, $0x1;
	s6 =	sadd.s32 s21, s4  }
0xa3: {  	[timem:s22], [sflag:s7] =	dma.local [hbm:s6], s5  }
0xa4: {  	_ =	swait.ge [sflag:s7], s5  }
0xa5: {  	s5 =	ssub.s32 $0x0, s5;
	[sflag:s7] =	ssyncset.done $0x0  }
0xa6: {  	[sflag:s7] =	ssyncadd.s32 s5;
	_ =	sdelay $0x1  }
0xa7: {  	s23 =	simm.s32 $0x1B8B  }
0xa8: {  	_ =	swait.ge [sflag:s23], $0x1  }
0xa9: {  	[sflag:s23] =	ssyncset.done $0x0  }
0xaa: {  	[sflag:s23] =	ssyncadd.s32 $0xFFFFFFFF  }
0xab: {  	s5 =	sld [smem:$0x0]  }
0xac: {  	s6 =	sand.u32 $0xFFFFFFFE, s1  }
0xad: {  	p0 =	sne.s32 s1, s6  }
0xae: {  	s6 =	sshll.u32 @p0 s6, $0xE  }
0xaf: {  	s6 =	sadd.s32 @p0 $0x11B8D, s6;
	s7 =	sshll.u32 @p0 s5, $0x11  }
0xb0: {  	s6 =	sor.u32 @p0 s7, s6  }
0xb1: {  	[sflag:s6] =	ssyncadd.remote.s32 @p0 $0x1;
	_ =	sdelay $0x1  }
0xb2: {  	s6 =	simm.s32 @p0 $0x1B8D  }
0xb3: {  	_ =	swait.eq @p0 [sflag:s6], $0x1  }
0xb4: {  	[sflag:s6] =	ssyncadd.s32 @p0 $0xFFFFFFFF  }
0xb5: {  	s7 =	sshll.u32 @!p0 s1, $0xE  }
0xb6: {  	s7 =	sor.u32 @!p0 $0x4000, s7;
	s6 =	simm.s32 @!p0 $0x1B8D  }
0xb7: {  	s5 =	sshll.u32 @!p0 s5, $0x11;
	s7 =	sadd.s32 @!p0 $0x11B8D, s7;
	_ =	swait.eq @!p0 [sflag:s6], $0x1  }
0xb8: {  	s5 =	sor.u32 @!p0 s5, s7;
	[sflag:s6] =	ssyncadd.s32 @!p0 $0xFFFFFFFF  }
0xb9: {  	s25 =	simm.s32 $0x1B8E;
	s24 =	sld [smem:$0x3FFE];
	[sflag:s5] =	ssyncadd.remote.s32 @!p0 $0x1  }
0xba: {  	s26 =	simm.s32 $execute0_lowered;
	[smem:$0x3FD2] =	sst s25  }
0xbb: {  	s6 =	sshll.u32 s26, $0x1;
	_ =	strace $0x8000004F;
	[dreg:$0x1] =	wrdreg $0xFFFFFFFF  }
0xbc: {  	s28 =	simm.s32 $_size_execute0_lowered;
	s4 =	sadd.s32 s4, s6;
	[dreg:$0x0] =	wrdreg $0x0  }
0xbd: {  	s6 =	sshll.u32 s28, $0x1;
	[dreg:$0x2] =	wrdreg s4  }
0xbe: {  	[dreg:$0x3] =	wrdreg s6  }
0xbf: {  	[dreg:$0x4] =	wrdreg $0xC0  }
0xc0: {  	_ =	task [dreg:s22], $0x5FFFF  }
0xc1: {  	[dreg:$0x1] =	wrdreg $0xFFFFFFFF  }
0xc2: {  	[dreg:$0x0] =	wrdreg $0x60  }
0xc3: {  	[dreg:$0x2] =	wrdreg s24  }
0xc4: {  	[dreg:$0x3] =	wrdreg s17  }
0xc5: {  	[dreg:$0x4] =	wrdreg $0x9  }
0xc6: {  	_ =	task.clear_ibuf [dreg:s22], $0x5FFFF;
	_ =	strace $0x9000004F  }
0xc7: {  	s29 =	simm.s32 $0x9;
	_ =	strace $0x80000051  }
0xc8: {  	_ =	swait.ge [sflag:s29], $0x1  }
0xc9: {  	[sflag:s29] =	ssyncadd.s32 $0xFFFFFFFF  }
0xca: {  	_ =	strace $0x90000051  }
0xcb: {  	_ =	sfence  }
0xcc: {  	s30 =	sld [smem:$0x0];
	_ =	sdelay $0x2  }
0xcd: {  	s31 =	sshll.u32 s1, $0xD;
	s1 =	sshrl.u32 s1, $0x2  }
0xce: {  	s4 =	sand.u32 $0x4000, s31;
	s1 =	sadd.s32 s1, s30  }
0xcf: {  	s0 =	sor.u32 s4, s0;
	s1 =	sshll.u32 s1, $0x11  }
0xd0: {  	s0 =	sor.u32 s1, s0  }
0xd1: {  	s0 =	sadd.s32 $0x8F2B, s0  }
0xd2: {  	[sflag:s0] =	ssyncadd.remote.s32 $0x1  }
0xd3: {  	_ =	sfence.sel $0xFFFF  }
0xd4: {  	[dreg:$0x0] =	wrdreg $0xFFFFFFFF;
	(pc) =	sbr.abs _section_cstart, $3  }
0xd5: {  	[dreg:$0x1] =	wrdreg $0xFFFFFFFF  }
0xd6: {  	_ =	task.clear_ibuf [dreg:s22], $0x2FFFF;
	_ =	strace $0x9FFFFFFF  }
0xd7: {  	(tm) =	ssettm $0x7FFFFFFF  }
tec
execute0_lowered:
.L_overlay_start_1:
0x0: {  	(tag) =	ssettag $0x1  }
0x1: {  	s3 =	rddreg [dreg:$0x0]  }
0x2: {  	s5 =	rddreg [dreg:$0x1]  }
0x3: {  	s0 =	rddreg [dreg:$0x2];
	s2 =	simm.s32 $0x0;
	s1 =	stileid.u32  }
0x4: {  	s4 =	srdreg.scid;
	s10 =	simm.s32 $0xE000;
	s11 =	simm.s32 $0x0  }
0x5: {  	[smem:$0x7FF] =	sst s2;
	s4 =	sand.u32 $0x1, s4;
	s7 =	sshll.u32 s1, $0x1  }
0x6: {  	s6 =	sshll.u32 s1, $0x2;
	_ =	strace $0x80000050;
	s7 =	sor.u32 s4, s7  }
0x7: {  	v0 =	vlaneseq.u32;
	s6 =	sand.u32 $0x30, s6;
	s4 =	ssub.s32 $0x2, s4;
	s8 =	sshll.u32 s7, $0xA  }
0x8: {  	v0 =	vmul.u32 $0x6, v0;
	s9 =	sshrl.u32 s4, $0x1;
	s7 =	smul.u32 $0x1800, s7;
	s6 =	sadd.s32 s6, s3  }
0x9: {  	s8 =	sadd.s32 s8, s3;
	s9 =	ssub.s32 s4, s9;
	s3 =	sadd.s32 $0x3200, s6  }
0xa: {  	v1 =	vor.u32 $0x1, v0;
	v2 =	vadd.s32 $0x2, v0;
	s4 =	sadd.s32 $0x83200, s8;
	s5 =	sadd.s32 s5, s7;
	s6 =	smax.u32 s9, $0x1  }
0xb: {  	v3 =	vadd.s32 $0x3, v0;
	v4 =	vadd.s32 $0x4, v0;
	v5 =	vadd.s32 $0x5, v0;
	s7 =	simm.s32 $0x80;
	s8 =	simm.s32 $0x200;
	s9 =	simm.s32 $0x1  }
.LBB2_1:
0xc: {  	[tilespmem:s2], [sflag:$0x1] =	stream.strided.gather [hbm4b:s3+s7], $0xC000, s8, s7, $0x38;
	[tilespmem:$0x1A000] =	vst v63  }
0xd: {  	_ =	swait.ge [sflag:s9], $0xC000  }
0xe: {  	[sflag:s9] =	ssyncset.done $0x0  }
0xf: {  	s12 =	simm.s32 $0xC000;
	[sflag:s9] =	ssyncadd.s32 $0xFFFF4000  }
0x10: {  	[tilespmem:s12], [sflag:$0x1] =	stream.linear.gather [hbm4b:s4+s2], $0x2000, $0x38;
	[tilespmem:$0x1A000] =	vst v63  }
0x11: {  	_ =	swait.ge [sflag:s9], $0x2000  }
0x12: {  	[sflag:s9] =	ssyncset.done $0x0  }
0x13: {  	[sflag:s9] =	ssyncadd.s32 $0xFFFFE000  }
0x14: {  	v6 =	vld [tilespmem:s12+$0x0];
	_ =	sdelay $0x4  }
0x15: {  	v6 =	vmul.u32 $0x6, v6  }
0x16: {  	v7 =	vmov s2  }
0x17: {  	v7 =	vmul.u32 $0x6, v7;
	_ =	sdelay $0x1  }
0x18: {  	v7 =	vbroadcast v7, $0x0;
	_ =	sdelay $0x1  }
0x19: {  	v9 =	vadd.s32 v0, v7;
	v8 =	vld.idx.msk [tilespmem:v6+s2+$0x0], $0xffff  }
0x1a: {  	v10 =	vor.u32 $0x1, v6;
	_ =	sdelay $0x3  }
0x1b: {  	[tilespmem:v9+s10+$0x0] =	vst.idx.msk $0xffff, v8  }
0x1c: {  	v57 =	vadd.s32 v1, v7;
	v8 =	vld.idx.msk [tilespmem:v10+s2+$0x0], $0xffff  }
0x1d: {  	v58 =	vadd.s32 $0x2, v6;
	_ =	sdelay $0x3  }
0x1e: {  	[tilespmem:v57+s10+$0x0] =	vst.idx.msk $0xffff, v8  }
0x1f: {  	v59 =	vadd.s32 v2, v7;
	v8 =	vld.idx.msk [tilespmem:v58+s2+$0x0], $0xffff  }
0x20: {  	v60 =	vadd.s32 $0x3, v6;
	_ =	sdelay $0x3  }
0x21: {  	[tilespmem:v59+s10+$0x0] =	vst.idx.msk $0xffff, v8  }
0x22: {  	v61 =	vadd.s32 v3, v7;
	v8 =	vld.idx.msk [tilespmem:v60+s2+$0x0], $0xffff  }
0x23: {  	v62 =	vadd.s32 $0x4, v6;
	_ =	sdelay $0x3  }
0x24: {  	[tilespmem:v61+s10+$0x0] =	vst.idx.msk $0xffff, v8  }
0x25: {  	v63 =	vadd.s32 v4, v7;
	v8 =	vld.idx.msk [tilespmem:v62+s2+$0x0], $0xffff  }
0x26: {  	v6 =	vadd.s32 $0x5, v6;
	_ =	sdelay $0x3  }
0x27: {  	[tilespmem:v63+s10+$0x0] =	vst.idx.msk $0xffff, v8  }
0x28: {  	s13 =	simm.s32 $0x10;
	v7 =	vadd.s32 v5, v7;
	v6 =	vld.idx.msk [tilespmem:v6+s2+$0x0], $0xffff  }
.LBB2_2:
0x29: {  	_ =	sdelay $0x2  }
0x2a: {  	p0 =	sne.s32 s13, $0x1FF0  }
0x2b: {  	s12 =	sadd.s32 $0x10, s12;
	s14 =	smov.u32 s13;
	s13 =	sadd.s32 $0x10, s13;
	[tilespmem:v7+s10+$0x0] =	vst.idx.msk $0xffff, v6  }
0x2c: {  	v6 =	vld [tilespmem:s12+$0x0];
	_ =	sdelay $0x4  }
0x2d: {  	v6 =	vmul.u32 $0x6, v6;
	_ =	sdelay $0x1  }
0x2e: {  	v7 =	vmov s14  }
0x2f: {  	v7 =	vmul.u32 $0x6, v7;
	_ =	sdelay $0x1  }
0x30: {  	v7 =	vbroadcast v7, $0x0  }
0x31: {  	v8 =	vld.idx.msk [tilespmem:v6+s2+$0x0], $0xffff  }
0x32: {  	v9 =	vadd.s32 v0, v7  }
0x33: {  	v10 =	vor.u32 $0x1, v6;
	_ =	sdelay $0x3  }
0x34: {  	[tilespmem:v9+s10+$0x0] =	vst.idx.msk $0xffff, v8  }
0x35: {  	v8 =	vld.idx.msk [tilespmem:v10+s2+$0x0], $0xffff  }
0x36: {  	v9 =	vadd.s32 v1, v7  }
0x37: {  	v10 =	vadd.s32 $0x2, v6;
	_ =	sdelay $0x3  }
0x38: {  	[tilespmem:v9+s10+$0x0] =	vst.idx.msk $0xffff, v8  }
0x39: {  	v8 =	vld.idx.msk [tilespmem:v10+s2+$0x0], $0xffff  }
0x3a: {  	v9 =	vadd.s32 v2, v7  }
0x3b: {  	v10 =	vadd.s32 $0x3, v6;
	_ =	sdelay $0x3  }
0x3c: {  	[tilespmem:v9+s10+$0x0] =	vst.idx.msk $0xffff, v8  }
0x3d: {  	v8 =	vld.idx.msk [tilespmem:v10+s2+$0x0], $0xffff  }
0x3e: {  	v9 =	vadd.s32 v3, v7  }
0x3f: {  	v10 =	vadd.s32 $0x4, v6;
	_ =	sdelay $0x3  }
0x40: {  	[tilespmem:v9+s10+$0x0] =	vst.idx.msk $0xffff, v8  }
0x41: {  	v8 =	vld.idx.msk [tilespmem:v10+s2+$0x0], $0xffff  }
0x42: {  	v9 =	vadd.s32 v4, v7  }
0x43: {  	v6 =	vadd.s32 $0x5, v6;
	_ =	sdelay $0x1  }
.Ltmp0:
0x44: {  	(pc) =	sbr.rel @p0 .LBB2_2-.Ltmp0, $4  }
0x45: {  	_ = 	snop  }
0x46: {  	[tilespmem:v9+s10+$0x0] =	vst.idx.msk $0xffff, v8  }
0x47: {  	v6 =	vld.idx.msk [tilespmem:v6+s2+$0x0], $0xffff  }
0x48: {  	v7 =	vadd.s32 v5, v7  }
0x49: {  	_ =	sdelay $0x1  }
0x4a: {  	s11 =	sadd.s32 $0x1, s11  }
0x4b: {  	p0 =	sne.s32 s11, s6  }
.Ltmp1:
0x4c: {  	[tilespmem:v7+s10+$0x0] =	vst.idx.msk $0xffff, v6;
	(pc) =	sbr.rel @p0 .LBB2_1-.Ltmp1, $4  }
0x4d: {  	[hbm4b:s5+s2] =	stream.linear.scatter [tilespmem:s10], [sflag:$0x1], $0xC000, $0x38;
	[tilespmem:$0x1A000] =	vst v63  }
0x4e: {  	_ =	swait.ge [sflag:s9], $0xC000  }
0x4f: {  	[sflag:s9] =	ssyncset.done $0x0  }
0x50: {  	[sflag:s9] =	ssyncadd.s32 $0xFFFF4000  }
0x51: {  	_ =	sfence.sel $0x180000  }
0x52: {  	[bflag:$0x0] =	sbarrier.arrive $0xFFFF  }
0x53: {  	p0 =	sne.s32 s1, $0x0;
	_ =	strace $0x90000050  }
0x54: {  	s0 =	sadd.s32 @!p0 $0x100000, s0;
	[bflag:$0x2] =	sbarrier.arrive $0xFFFF  }
0x55: {  	[sflag:s0] =	ssyncadd.tile.s32 @!p0 $0x1;
	_ =	shalt  }
.Lfunc_end2:
_tile_overlayer_lowered:
.L_overlay_start_2:
0x56: {  	(tag) =	ssettag $0x2  }
0x57: {  	s0 =	rddreg [dreg:$0x0];
	s2 =	stileid.u32  }
0x58: {  	s1 =	rddreg [dreg:$0x1];
	p0 =	sne.s32 s2, $0x0  }
0x59: {  	s3 =	rddreg [dreg:$0x2];
	[bflag:$0x3] =	sbarrier.arrive $0xFFFF;
	s2 =	simm.s32 @!p0 $0x1C01  }
0x5a: {  	[timem:s3], [sflag:s2] =	dma.local @!p0 [hbm:s0], s1  }
0x5b: {  	s0 =	simm.s32 @!p0 $0x1  }
0x5c: {  	_ =	swait.ge @!p0 [sflag:s0], s1  }
0x5d: {  	s1 =	ssub.s32 @!p0 $0x0, s1;
	[sflag:s0] =	ssyncset.done @!p0 $0x0  }
0x5e: {  	[sflag:s0] =	ssyncadd.s32 @!p0 s1  }
0x5f: {  	[bflag:$0x3] =	sbarrier.arrive $0xFFFF  }
0x60: {  	_ =	shalt  }

// kernel: sparse-core-data-format-call.1.cloned.1.call-start
scs
called_computation.1_lowered:
.L_overlay_start_0:
0x0: {  	s1 =	sld [smem:$0x3FD9]  }
0x1: {  	s2 =	sld [smem:$0x3FFE];
	_ =	sdelay $0x1  }
0x2: {  	s3 =	srdreg.scid  }
0x3: {  	s0 =	sand.u32 $0x1, s3  }
0x4: {  	s17 =	sshll.u32 s0, $0xA;
	s1 =	sadd.s32 s2, s1  }
0x5: {  	s1 =	sadd.s32 s1, s17  }
0x6: {  	[smem:$0x3FC5] =	sst s1  }
0x7: {  	_ = 	snop  }
0x8: {  	(tm) =	ssettm $0x1  }
0x9: {  	s18 =	sld [smem:$0x3FFB];
	_ =	sdelay $0x3  }
0xa: {  	_ =	strace s18  }
0xb: {  	s1 =	sld [smem:$0x3FFC];
	_ =	sdelay $0x3  }
0xc: {  	_ =	strace s1  }
0xd: {  	s1 =	sld [smem:$0x3FFD];
	_ =	sdelay $0x3  }
0xe: {  	_ =	strace s1  }
0xf: {  	_ =	strace $0x8FFFFFFF  }
0x10: {  	s19 =	sld [smem:$0x3FDB];
	_ =	sdelay $0x1  }
0x11: {  	s20 =	simm.s32 $_scs_section_size  }
0x12: {  	s4 =	simm.s32 $_size__tile_overlayer_lowered;
	s5 =	simm.s32 $_tile_overlayer_lowered  }
0x13: {  	s23 =	simm.s32 $0x1BFF;
	s22 =	sshll.u32 s5, $0x1;
	s1 =	sadd.s32 s20, s19  }
0x14: {  	s6 =	simm.s32 $0x0;
	s21 =	sshll.u32 s4, $0x1;
	s4 =	sadd.s32 s22, s1  }
0x15: {  	[timem:s6], [sflag:s23] =	dma.local [hbm:s4], s21  }
0x16: {  	_ =	swait.ge [sflag:s23], s21  }
0x17: {  	s2 =	ssub.s32 $0x0, s21;
	[sflag:s23] =	ssyncset.done $0x0  }
0x18: {  	[sflag:s23] =	ssyncadd.s32 s2;
	_ =	sdelay $0x1  }
0x19: {  	s24 =	simm.s32 $0x1B8B  }
0x1a: {  	_ =	swait.ge [sflag:s24], $0x1  }
0x1b: {  	[sflag:s24] =	ssyncset.done $0x0  }
0x1c: {  	s26 =	simm.s32 $0x1B8E;
	s25 =	sld [smem:$0x3FFE];
	[sflag:s24] =	ssyncadd.s32 $0xFFFFFFFF  }
0x1d: {  	s27 =	simm.s32 $execute0_lowered;
	[smem:$0x3FD2] =	sst s26  }
0x1e: {  	s4 =	sshll.u32 s27, $0x1;
	_ =	strace $0x80000046;
	[dreg:$0x1] =	wrdreg $0xFFFFFFFF  }
0x1f: {  	s28 =	simm.s32 $_size_execute0_lowered;
	s1 =	sadd.s32 s1, s4;
	[dreg:$0x0] =	wrdreg $0x0  }
0x20: {  	s4 =	sshll.u32 s28, $0x1;
	[dreg:$0x2] =	wrdreg s1  }
0x21: {  	[dreg:$0x3] =	wrdreg s4  }
0x22: {  	[dreg:$0x4] =	wrdreg $0xC0  }
0x23: {  	_ =	task [dreg:s6], $0x5FFFF  }
0x24: {  	[dreg:$0x1] =	wrdreg $0xFFFFFFFF  }
0x25: {  	[dreg:$0x0] =	wrdreg $0x60  }
0x26: {  	[dreg:$0x2] =	wrdreg s25  }
0x27: {  	[dreg:$0x3] =	wrdreg $0x9  }
0x28: {  	_ =	task.clear_ibuf [dreg:s6], $0x4FFFF;
	_ =	strace $0x90000046  }
0x29: {  	s29 =	simm.s32 $0x9;
	_ =	strace $0x80000048  }
0x2a: {  	_ =	swait.ge [sflag:s29], $0x1  }
0x2b: {  	[sflag:s29] =	ssyncadd.s32 $0xFFFFFFFF  }
0x2c: {  	_ =	strace $0x90000048  }
0x2d: {  	_ =	sfence  }
0x2e: {  	s30 =	sld [smem:$0x0];
	_ =	sdelay $0x2  }
0x2f: {  	s31 =	sshll.u32 s3, $0xD;
	s3 =	sshrl.u32 s3, $0x2  }
0x30: {  	s2 =	sand.u32 $0x4000, s31;
	s1 =	sadd.s32 s3, s30  }
0x31: {  	s0 =	sor.u32 s2, s0;
	s1 =	sshll.u32 s1, $0x11  }
0x32: {  	s0 =	sor.u32 s1, s0  }
0x33: {  	s0 =	sadd.s32 $0x8F2B, s0  }
0x34: {  	[sflag:s0] =	ssyncadd.remote.s32 $0x1  }
0x35: {  	_ =	sfence.sel $0xFFFF  }
0x36: {  	[dreg:$0x0] =	wrdreg $0xFFFFFFFF;
	(pc) =	sbr.abs _section_cstart, $3  }
0x37: {  	[dreg:$0x1] =	wrdreg $0xFFFFFFFF  }
0x38: {  	_ =	task.clear_ibuf [dreg:s6], $0x2FFFF;
	_ =	strace $0x9FFFFFFF  }
0x39: {  	(tm) =	ssettm $0x7FFFFFFF  }
tec
execute0_lowered:
.L_overlay_start_1:
0x0: {  	(tag) =	ssettag $0x1  }
0x1: {  	s1 =	rddreg [dreg:$0x0]  }
0x2: {  	s0 =	rddreg [dreg:$0x1]  }
0x3: {  	_ =	strace $0x80000047;
	s4 =	srdreg.scid;
	s6 =	simm.s32 $0x2  }
0x4: {  	s11 =	simm.s32 $0x0;
	p0 =	por $0x0, $0x0;
	s7 =	simm.s32 $0x2000  }
.Ltmp0:
0x5: {  	s12 =	simm.s32 $0x0;
	s9 =	simm.s32 $0x0;
	(pc) =	sbr.rel .LBB1_1-.Ltmp0, $4  }
0x6: {  	s2 =	sadd.s32 $0x83200, s1;
	s3 =	sadd.s32 $0x883200, s1;
	s5 =	sshll.u32 s4, $0x4  }
0x7: {  	s1 =	stileid.u32;
	s4 =	simm.s32 $0x1;
	s5 =	sand.u32 $0x10, s5  }
0x8: {  	s8 =	simm.s32 $0x0;
	[sflag:s4] =	ssyncpa.u1 $0x0;
	s5 =	sor.u32 s1, s5  }
0x9: {  	[sflag:s6] =	ssyncpa.u1 $0x0;
	s6 =	simm.s32 $0x800;
	s10 =	smov.u32 s5  }
.LBB1_7:
0xa: {  	s13 =	sadd.s32 $0x10, s9  }
0xb: {  	s11 =	sadd.s32 $0x20, s10;
	s15 =	smov.u32 s10;
	p2 =	sgt.s32 s13, $0x3F  }
0xc: {  	p1 =	slt.u32 s8, $0x2;
	s15 =	smov.u32 @p2 s11  }
0xd: {  	s8 =	sadd.s32 $0x1, s8;
	s13 =	simm.s32 @p2 $0x0;
	p2 =	sgt.s32 s15, $0x3FF  }
0xe: {  	s15 =	smov.u32 @p2 s5;
	p2 =	sne.s32 s8, $0x82  }
.Ltmp1:
0xf: {  	_ = 	snop;
	(pc) =	sbr.rel @!p2 .LBB1_8-.Ltmp1, $4  }
0x10: {  	s14 =	simm.s32 @!p1 $0x2  }
0x11: {  	s12 =	smov.u32 s10;
	_ =	swait.ge @!p1 [sflag:s14], $0x4000  }
0x12: {  	p0 =	por !p0, !p0;
	s11 =	smov.u32 s9;
	[sflag:s14] =	ssyncset.done @!p1 $0x0  }
0x13: {  	s9 =	smov.u32 s13;
	[sflag:s14] =	ssyncadd.s32 @!p1 $0xFFFFC000;
	s10 =	smov.u32 s15  }
.LBB1_1:
0x14: {  	p1 =	sgt.u32 s8, $0x7F  }
0x15: {  	s13 =	sxor.u32 @!p1 $0xFFFFFFFF, s8;
	s14 =	sshll.u32 @!p1 s10, $0xD  }
0x16: {  	s15 =	sshll.u32 @!p1 s9, $0x7;
	s13 =	sshll.u32 @!p1 s13, $0xE;
	s14 =	sadd.s32 @!p1 s2, s14  }
0x17: {  	s13 =	sand.u32 @!p1 $0x4000, s13;
	s14 =	sadd.s32 @!p1 s15, s14;
	s15 =	simm.s32 @!p1 $0x0  }
0x18: {  	[tilespmem:s13], [sflag:$0x1] =	stream.linear.gather @!p1 [hbm4b:s14+s15], $0x4000, $0x38;
	[tilespmem:$0x10000] =	vst v63  }
0x19: {  	p1 =	seq.s32 s8, $0x0  }
0x1a: {  	p2 =	seq.s32 @!p1 s8, $0x81  }
0x1b: {  	p1 =	por p1, p2  }
.Ltmp2:
0x1c: {  	_ = 	snop;
	(pc) =	sbr.rel @p1 .LBB1_7-.Ltmp2, $1  }
0x1d: {  	_ =	sdelay $0x3  }
0x1e: {  	s13 =	simm.s32 $0x1;
	_ =	swait.ge [sflag:s4], $0x4000;
	s16 =	sshll.u32 s8, $0xE  }
0x1f: {  	s13 =	simm.s32 @!p0 $0x0;
	[sflag:s4] =	ssyncset.done $0x0;
	s31 =	sand.u32 $0x4000, s16  }
0x20: {  	s16 =	simm.s32 $0x0;
	s14 =	sshll.u32 s13, $0xE;
	[sflag:s4] =	ssyncadd.s32 $0xFFFFC000  }
0x21: {  	s13 =	sor.u32 $0x8040, s14;
	s15 =	sor.u32 $0x40, s14;
	s14 =	sor.u32 $0x8000, s31  }
.LBB1_3:
0x22: {  	v0 =	vmov s15;
	_ =	sdelay $0x3  }
0x23: {  	s18 =	simm.s32 $0x0  }
0x24: {  	v6 =	vld.idx.msk [tilespmem:v0+s18+$0x30 ss:$0x1], $0xffff  }
0x25: {  	v7 =	vld.idx.msk [tilespmem:v0+s18+$0xFFFFFFC0 ss:$0x1], $0xffff  }
0x26: {  	v5 =	vld.idx.msk [tilespmem:v0+s18+$0xFFFFFFD0 ss:$0x1], $0xffff  }
0x27: {  	v4 =	vld.idx.msk [tilespmem:v0+s18+$0xFFFFFFE0 ss:$0x1], $0xffff  }
0x28: {  	v3 =	vld.idx.msk [tilespmem:v0+s18+$0xFFFFFFF0 ss:$0x1], $0xffff  }
0x29: {  	v1 =	vld.idx.msk [tilespmem:v0+s18+$0x0 ss:$0x1], $0xffff  }
0x2a: {  	v2 =	vld.idx.msk [tilespmem:v0+s18+$0x10 ss:$0x1], $0xffff;
	[tilespmem:s13+$0x30] =	vst v6  }
0x2b: {  	s17 =	simm.s32 $0x80;
	s19 =	simm.s32 $0x400;
	[tilespmem:s13+$0xFFFFFFC0] =	vst v7;
	v6 =	vld.idx.msk [tilespmem:v0+s18+$0x20 ss:$0x1], $0xffff;
	s18 =	smov.u32 s13  }
.LBB1_4:
0x2c: {  	p1 =	sne.s32 s19, $0xE00;
	v7 =	vld.idx.msk [tilespmem:v0+s17+$0x30 ss:$0x1], $0xffff;
	[tilespmem:s18+$0xFFFFFFD0] =	vst v5  }
0x2d: {  	v8 =	vld.idx.msk [tilespmem:v0+s17+$0xFFFFFFC0 ss:$0x1], $0xffff;
	[tilespmem:s18+$0xFFFFFFE0] =	vst v4  }
0x2e: {  	v5 =	vld.idx.msk [tilespmem:v0+s17+$0xFFFFFFD0 ss:$0x1], $0xffff;
	[tilespmem:s18+$0xFFFFFFF0] =	vst v3  }
.Ltmp3:
0x2f: {  	v4 =	vld.idx.msk [tilespmem:v0+s17+$0xFFFFFFE0 ss:$0x1], $0xffff;
	[tilespmem:s18+$0x0] =	vst v1;
	(pc) =	sbr.rel @p1 .LBB1_4-.Ltmp3, $4  }
0x30: {  	v3 =	vld.idx.msk [tilespmem:v0+s17+$0xFFFFFFF0 ss:$0x1], $0xffff;
	[tilespmem:s18+$0x10] =	vst v2  }
0x31: {  	v1 =	vld.idx.msk [tilespmem:v0+s17+$0x0 ss:$0x1], $0xffff;
	[tilespmem:s18+$0x20] =	vst v6;
	s18 =	sadd.s32 $0x800, s18  }
0x32: {  	v2 =	vld.idx.msk [tilespmem:v0+s17+$0x10 ss:$0x1], $0xffff;
	[tilespmem:s18+$0x30] =	vst v7  }
0x33: {  	[tilespmem:s18+$0xFFFFFFC0] =	vst v8;
	v6 =	vld.idx.msk [tilespmem:v0+s17+$0x20 ss:$0x1], $0xffff;
	s17 =	sshra.s32 s19, $0x2;
	s19 =	sadd.s32 $0x200, s19  }
0x34: {  	_ =	sdelay $0x2  }
0x35: {  	[tilespmem:s18+$0xFFFFFFD0] =	vst v5  }
0x36: {  	v56 =	vld.idx.msk [tilespmem:v0+s17+$0x30 ss:$0x1], $0xffff;
	[tilespmem:s18+$0xFFFFFFE0] =	vst v4  }
0x37: {  	v57 =	vld.idx.msk [tilespmem:v0+s17+$0xFFFFFFC0 ss:$0x1], $0xffff;
	[tilespmem:s18+$0xFFFFFFF0] =	vst v3  }
0x38: {  	v58 =	vld.idx.msk [tilespmem:v0+s17+$0xFFFFFFD0 ss:$0x1], $0xffff;
	[tilespmem:s18+$0x0] =	vst v1  }
0x39: {  	v59 =	vld.idx.msk [tilespmem:v0+s17+$0xFFFFFFE0 ss:$0x1], $0xffff;
	[tilespmem:s18+$0x10] =	vst v2  }
0x3a: {  	v60 =	vld.idx.msk [tilespmem:v0+s17+$0xFFFFFFF0 ss:$0x1], $0xffff;
	s31 =	sadd.s32 $0x800, s18;
	[tilespmem:s18+$0x20] =	vst v6  }
0x3b: {  	v61 =	vld.idx.msk [tilespmem:v0+s17+$0x0 ss:$0x1], $0xffff;
	[tilespmem:s31+$0x30] =	vst v56  }
0x3c: {  	v62 =	vld.idx.msk [tilespmem:v0+s17+$0x10 ss:$0x1], $0xffff;
	s16 =	sadd.s32 $0x1, s16;
	[tilespmem:s31+$0xFFFFFFC0] =	vst v57  }
0x3d: {  	v63 =	vld.idx.msk [tilespmem:v0+s17+$0x20 ss:$0x1], $0xffff;
	p1 =	sne.s32 s16, $0x10;
	[tilespmem:s31+$0xFFFFFFD0] =	vst v58  }
.Ltmp4:
0x3e: {  	[tilespmem:s31+$0xFFFFFFE0] =	vst v59;
	(pc) =	sbr.rel @p1 .LBB1_3-.Ltmp4, $4  }
0x3f: {  	[tilespmem:s31+$0xFFFFFFF0] =	vst v60  }
0x40: {  	[tilespmem:s31+$0x0] =	vst v61  }
0x41: {  	[tilespmem:s31+$0x10] =	vst v62  }
0x42: {  	s13 =	sadd.s32 $0x80, s13;
	s15 =	sadd.s32 $0x400, s15;
	[tilespmem:s31+$0x20] =	vst v63  }
.Ltmp5:
0x43: {  	(pc) =	sbr.rel .LBB1_7-.Ltmp5, $4  }
0x44: {  	s12 =	sshll.u32 s12, $0xD;
	s11 =	sshll.u32 s11, $0x4  }
0x45: {  	s11 =	sand.u32 $0x3F0, s11;
	s12 =	sadd.s32 s3, s12  }
0x46: {  	s11 =	sadd.s32 s11, s12  }
0x47: {  	[hbm4b:s11+s6] =	stream.strided.scatter [tilespmem:s14], [sflag:$0x2], $0x4000, s7, s6, $0x38;
	[tilespmem:$0x10000] =	vst v63  }
.LBB1_8:
0x48: {  	_ =	sfence.sel $0x180000  }
0x49: {  	s2 =	simm.s32 $0x1;
	[bflag:$0x0] =	sbarrier.arrive $0xFFFF  }
0x4a: {  	s31 =	simm.s32 $0x2;
	[sflag:s2] =	ssyncpa.u1 $0x1  }
0x4b: {  	[sflag:s31] =	ssyncpa.u1 $0x1  }
0x4c: {  	p0 =	sne.s32 s1, $0x0;
	_ =	strace $0x90000047  }
0x4d: {  	s0 =	sadd.s32 @!p0 $0x100000, s0;
	[bflag:$0x2] =	sbarrier.arrive $0xFFFF  }
0x4e: {  	[sflag:s0] =	ssyncadd.tile.s32 @!p0 $0x1;
	_ =	shalt  }
.Lfunc_end1:
_tile_overlayer_lowered:
.L_overlay_start_2:
0x4f: {  	(tag) =	ssettag $0x2  }
0x50: {  	s0 =	rddreg [dreg:$0x0];
	s2 =	stileid.u32  }
0x51: {  	s1 =	rddreg [dreg:$0x1];
	p0 =	sne.s32 s2, $0x0  }
0x52: {  	s3 =	rddreg [dreg:$0x2];
	[bflag:$0x3] =	sbarrier.arrive $0xFFFF;
	s2 =	simm.s32 @!p0 $0x1C01  }
0x53: {  	[timem:s3], [sflag:s2] =	dma.local @!p0 [hbm:s0], s1  }
0x54: {  	s0 =	simm.s32 @!p0 $0x1  }
0x55: {  	_ =	swait.ge @!p0 [sflag:s0], s1  }
0x56: {  	s1 =	ssub.s32 @!p0 $0x0, s1;
	[sflag:s0] =	ssyncset.done @!p0 $0x0  }
0x57: {  	[sflag:s0] =	ssyncadd.s32 @!p0 s1  }
0x58: {  	[bflag:$0x3] =	sbarrier.arrive $0xFFFF  }
0x59: {  	_ =	shalt  }

// kernel: sparse-core-data-format-call.cloned.1.call-start
scs
called_computation_lowered:
.L_overlay_start_0:
0x0: {  	s2 =	sld [smem:$0x3FD9]  }
0x1: {  	s3 =	sld [smem:$0x3FFE];
	_ =	sdelay $0x1  }
0x2: {  	s1 =	srdreg.scid  }
0x3: {  	s0 =	sand.u32 $0x1, s1  }
0x4: {  	s16 =	sshll.u32 s0, $0xA;
	s2 =	sadd.s32 s3, s2  }
0x5: {  	s2 =	sadd.s32 s2, s16  }
0x6: {  	[smem:$0x3FC5] =	sst s2  }
0x7: {  	_ = 	snop  }
0x8: {  	s2 =	sld [smem:$0x3FD0];
	_ =	sdelay $0x2  }
0x9: {  	s17 =	simm.s32 $0xB;
	s4 =	simm.s32 $0x10  }
0xa: {  	[smem:s4], [sflag:s17] =	dma.local [hbm:s2], $0x1  }
0xb: {  	_ =	swait.eq [sflag:s17], $0x1  }
0xc: {  	[sflag:s17] =	ssyncset.done $0x0  }
0xd: {  	[sflag:s17] =	ssyncadd.s32 $0xFFFFFFFF  }
0xe: {  	s18 =	sld [smem:$0x12];
	(tm) =	ssettm $0x1  }
0xf: {  	s19 =	sld [smem:$0x3FFB];
	_ =	sdelay $0x3  }
0x10: {  	_ =	strace s19  }
0x11: {  	s2 =	sld [smem:$0x3FFC];
	_ =	sdelay $0x3  }
0x12: {  	_ =	strace s2  }
0x13: {  	s2 =	sld [smem:$0x3FFD];
	_ =	sdelay $0x3  }
0x14: {  	_ =	strace s2  }
0x15: {  	_ =	strace $0x8FFFFFFF  }
0x16: {  	s20 =	sld [smem:$0x3FDB];
	_ =	sdelay $0x1  }
0x17: {  	s21 =	simm.s32 $_scs_section_size  }
0x18: {  	s5 =	simm.s32 $_size__tile_overlayer_lowered;
	s6 =	simm.s32 $_tile_overlayer_lowered  }
0x19: {  	s7 =	simm.s32 $0x1BFF;
	s22 =	sshll.u32 s6, $0x1;
	s4 =	sadd.s32 s21, s20  }
0x1a: {  	s23 =	simm.s32 $0x0;
	s5 =	sshll.u32 s5, $0x1;
	s6 =	sadd.s32 s22, s4  }
0x1b: {  	[timem:s23], [sflag:s7] =	dma.local [hbm:s6], s5  }
0x1c: {  	_ =	swait.ge [sflag:s7], s5  }
0x1d: {  	s5 =	ssub.s32 $0x0, s5;
	[sflag:s7] =	ssyncset.done $0x0  }
0x1e: {  	[sflag:s7] =	ssyncadd.s32 s5;
	_ =	sdelay $0x1  }
0x1f: {  	s24 =	simm.s32 $0x1B8B  }
0x20: {  	_ =	swait.ge [sflag:s24], $0x1  }
0x21: {  	[sflag:s24] =	ssyncset.done $0x0  }
0x22: {  	[sflag:s24] =	ssyncadd.s32 $0xFFFFFFFF  }
0x23: {  	s5 =	sld [smem:$0x0]  }
0x24: {  	s6 =	sand.u32 $0xFFFFFFFE, s1  }
0x25: {  	p0 =	sne.s32 s1, s6  }
0x26: {  	s6 =	sshll.u32 @p0 s6, $0xE  }
0x27: {  	s6 =	sadd.s32 @p0 $0x11B8D, s6;
	s7 =	sshll.u32 @p0 s5, $0x11  }
0x28: {  	s6 =	sor.u32 @p0 s7, s6  }
0x29: {  	[sflag:s6] =	ssyncadd.remote.s32 @p0 $0x1;
	_ =	sdelay $0x1  }
0x2a: {  	s6 =	simm.s32 @p0 $0x1B8D  }
0x2b: {  	_ =	swait.eq @p0 [sflag:s6], $0x1  }
0x2c: {  	[sflag:s6] =	ssyncadd.s32 @p0 $0xFFFFFFFF  }
0x2d: {  	s7 =	sshll.u32 @!p0 s1, $0xE  }
0x2e: {  	s7 =	sor.u32 @!p0 $0x4000, s7;
	s6 =	simm.s32 @!p0 $0x1B8D  }
0x2f: {  	s5 =	sshll.u32 @!p0 s5, $0x11;
	s7 =	sadd.s32 @!p0 $0x11B8D, s7;
	_ =	swait.eq @!p0 [sflag:s6], $0x1  }
0x30: {  	s5 =	sor.u32 @!p0 s5, s7;
	[sflag:s6] =	ssyncadd.s32 @!p0 $0xFFFFFFFF  }
0x31: {  	s26 =	simm.s32 $0x1B8E;
	s25 =	sld [smem:$0x3FFE];
	[sflag:s5] =	ssyncadd.remote.s32 @!p0 $0x1  }
0x32: {  	s27 =	simm.s32 $execute0_lowered;
	[smem:$0x3FD2] =	sst s26  }
0x33: {  	s6 =	sshll.u32 s27, $0x1;
	_ =	strace $0x80000052;
	[dreg:$0x1] =	wrdreg $0xFFFFFFFF  }
0x34: {  	s28 =	simm.s32 $_size_execute0_lowered;
	s4 =	sadd.s32 s4, s6;
	[dreg:$0x0] =	wrdreg $0x0  }
0x35: {  	s6 =	sshll.u32 s28, $0x1;
	[dreg:$0x2] =	wrdreg s4  }
0x36: {  	[dreg:$0x3] =	wrdreg s6  }
0x37: {  	[dreg:$0x4] =	wrdreg $0xC0  }
0x38: {  	_ =	task [dreg:s23], $0x5FFFF  }
0x39: {  	[dreg:$0x1] =	wrdreg $0xFFFFFFFF  }
0x3a: {  	[dreg:$0x0] =	wrdreg $0x60  }
0x3b: {  	[dreg:$0x2] =	wrdreg s25  }
0x3c: {  	[dreg:$0x3] =	wrdreg s18  }
0x3d: {  	[dreg:$0x4] =	wrdreg $0xA  }
0x3e: {  	_ =	task.clear_ibuf [dreg:s23], $0x5FFFF;
	_ =	strace $0x90000052  }
0x3f: {  	s29 =	simm.s32 $0xA;
	_ =	strace $0x80000054  }
0x40: {  	_ =	swait.ge [sflag:s29], $0x1  }
0x41: {  	[sflag:s29] =	ssyncadd.s32 $0xFFFFFFFF  }
0x42: {  	_ =	strace $0x90000054  }
0x43: {  	_ =	sfence  }
0x44: {  	s30 =	sld [smem:$0x0];
	_ =	sdelay $0x2  }
0x45: {  	s31 =	sshll.u32 s1, $0xD;
	s1 =	sshrl.u32 s1, $0x2  }
0x46: {  	s4 =	sand.u32 $0x4000, s31;
	s1 =	sadd.s32 s1, s30  }
0x47: {  	s0 =	sor.u32 s4, s0;
	s1 =	sshll.u32 s1, $0x11  }
0x48: {  	s0 =	sor.u32 s1, s0  }
0x49: {  	s0 =	sadd.s32 $0x8F2B, s0  }
0x4a: {  	[sflag:s0] =	ssyncadd.remote.s32 $0x1  }
0x4b: {  	_ =	sfence.sel $0xFFFF  }
0x4c: {  	[dreg:$0x0] =	wrdreg $0xFFFFFFFF;
	(pc) =	sbr.abs _section_cstart, $3  }
0x4d: {  	[dreg:$0x1] =	wrdreg $0xFFFFFFFF  }
0x4e: {  	_ =	task.clear_ibuf [dreg:s23], $0x2FFFF;
	_ =	strace $0x9FFFFFFF  }
0x4f: {  	(tm) =	ssettm $0x7FFFFFFF  }
tec
execute0_lowered:
.L_overlay_start_1:
0x0: {  	(tag) =	ssettag $0x1  }
0x1: {  	s0 =	stileid.u32;
	s4 =	rddreg [dreg:$0x0]  }
0x2: {  	s1 =	srdreg.scid;
	s3 =	rddreg [dreg:$0x1];
	s7 =	simm.s32 $0x1  }
0x3: {  	s31 =	simm.s32 $0x2;
	s2 =	sshll.u32 s0, $0x5;
	s1 =	sshll.u32 s1, $0x9  }
0x4: {  	s14 =	simm.s32 $0x0;
	s9 =	simm.s32 $0x4000;
	s1 =	sor.u32 s2, s1  }
0x5: {  	s15 =	simm.s32 $0x0;
	s16 =	simm.s32 $0x0;
	s2 =	sand.u32 $0x380, s1  }
0x6: {  	s10 =	simm.s32 $0x0;
	s13 =	simm.s32 $0x0;
	s5 =	ssub.s32 $0x800, s2  }
0x7: {  	s4 =	sadd.s32 $0x8B200, s4;
	s1 =	rddreg [dreg:$0x2];
	s6 =	sand.u32 $0x380, s5  }
.Ltmp0:
0x8: {  	_ =	strace $0x80000053;
	p0 =	sne.s32 s6, $0x0;
	(pc) =	sbr.rel .LBB1_1-.Ltmp0, $4  }
0x9: {  	s11 =	smov.u32 s2;
	s8 =	sshrl.u32 s5, $0xA;
	s7 =	simm.s32 @!p0 $0x0  }
0xa: {  	s5 =	sand.u32 $0x3, s0;
	s6 =	simm.s32 $0x1;
	s7 =	sadd.s32 s7, s8  }
0xb: {  	s12 =	smov.u32 s5;
	[sflag:s6] =	ssyncpa.u1 $0x0;
	s7 =	sshll.u32 s7, $0x5  }
0xc: {  	p0 =	por $0x0, $0x0;
	[sflag:s31] =	ssyncpa.u1 $0x0;
	s8 =	sor.u32 $0x1, s7  }
.LBB1_4:
0xd: {  	s19 =	sshll.u32 s15, $0x3  }
0xe: {  	s20 =	sand.u32 $0x78, s15;
	s16 =	sshll.u32 s16, $0x13;
	s30 =	sand.u32 $0x3F00, s15  }
0xf: {  	s14 =	sshll.u32 s14, $0xE;
	s19 =	sand.u32 $0x400, s19;
	s16 =	sadd.s32 s3, s16  }
0x10: {  	[tilespmem:s18+$0x810 ss:$0x81] =	vst.msk $0xffff, v2;
	s31 =	sand.u32 $0x7, s15;
	s19 =	sor.u32 s20, s19;
	s16 =	sadd.s32 s30, s16  }
0x11: {  	[tilespmem:s18+$0x1020 ss:$0x81] =	vst.msk $0xffff, v0;
	s15 =	sshll.u32 s31, $0x12;
	s19 =	sshrl.u32 s19, $0x3;
	s14 =	sadd.s32 s14, s16  }
0x12: {  	[tilespmem:s18+$0x0 ss:$0x81] =	vst.msk $0xffff, v1;
	s15 =	sor.u32 $0x400, s15;
	s14 =	sadd.s32 s19, s14  }
0x13: {  	[hbm4b:s14+s15] =	stream.strided.scatter [tilespmem:s17], [sflag:$0x2], $0x2000, s9, s15, $0x20;
	[tilespmem:$0x8080] =	vst v63  }
.LBB1_5:
0x14: {  	s17 =	sadd.s32 $0x1, s10  }
0x15: {  	s14 =	sadd.s32 $0x400, s11;
	s18 =	smov.u32 s11;
	p2 =	sgt.s32 s17, $0x1F  }
0x16: {  	s18 =	smov.u32 @p2 s14  }
0x17: {  	s20 =	smov.u32 s12;
	s14 =	sadd.s32 $0x4, s12;
	p3 =	sgt.s32 s18, $0x7FF  }
0x18: {  	s20 =	smov.u32 @p3 s14  }
0x19: {  	s17 =	simm.s32 @p2 $0x0;
	p2 =	sgt.s32 s20, $0x3  }
0x1a: {  	p1 =	slt.u32 s13, $0x2;
	s20 =	smov.u32 @p2 s5;
	p2 =	sne.s32 s13, s8  }
.Ltmp1:
0x1b: {  	s19 =	simm.s32 @!p1 $0x2;
	(pc) =	sbr.rel @!p2 .LBB1_6-.Ltmp1, $4  }
0x1c: {  	s15 =	smov.u32 s11;
	s16 =	smov.u32 s12;
	_ =	swait.ge @!p1 [sflag:s19], $0x2000  }
0x1d: {  	p0 =	por !p0, !p0;
	[sflag:s19] =	ssyncset.done @!p1 $0x0;
	s18 =	smov.u32 @p3 s2  }
0x1e: {  	s14 =	smov.u32 s10;
	[sflag:s19] =	ssyncadd.s32 @!p1 $0xFFFFE000;
	s10 =	smov.u32 s17  }
0x1f: {  	s11 =	smov.u32 s18;
	s13 =	sadd.s32 $0x1, s13;
	s12 =	smov.u32 s20  }
.LBB1_1:
0x20: {  	p1 =	sge.u32 s13, s7;
	s31 =	sadd.s32 $0xFFFFFFFF, s13  }
0x21: {  	s17 =	sxor.u32 @!p1 $0xFFFFFFFF, s13;
	s18 =	sshll.u32 @!p1 s12, $0x14;
	s19 =	sshll.u32 @!p1 s11, $0x9  }
0x22: {  	s20 =	sshll.u32 @!p1 s10, $0x4;
	s17 =	sshll.u32 @!p1 s17, $0xD;
	s18 =	sadd.s32 @!p1 s4, s18  }
0x23: {  	s20 =	sand.u32 @!p1 $0x1F0, s20;
	s17 =	sand.u32 @!p1 $0x2000, s17;
	s18 =	sadd.s32 @!p1 s19, s18  }
0x24: {  	s19 =	simm.s32 @!p1 $0x40;
	s18 =	sadd.s32 @!p1 s20, s18;
	s20 =	simm.s32 @!p1 $0x1000  }
0x25: {  	[tilespmem:s17], [sflag:$0x1] =	stream.strided.gather @!p1 [hbm4b:s18+s19], $0x2000, s20, s19, $0x38;
	[tilespmem:$0x8080] =	vst v63  }
0x26: {  	p1 =	sge.u32 s31, s7  }
.Ltmp2:
0x27: {  	_ = 	snop;
	(pc) =	sbr.rel @p1 .LBB1_5-.Ltmp2, $1  }
0x28: {  	_ =	sdelay $0x3  }
0x29: {  	s17 =	simm.s32 $0x1  }
0x2a: {  	_ =	swait.ge [sflag:s6], $0x2000;
	s17 =	simm.s32 @!p0 $0x0  }
0x2b: {  	[sflag:s6] =	ssyncset.done $0x0;
	s18 =	sshll.u32 s17, $0xD  }
0x2c: {  	[sflag:s6] =	ssyncadd.s32 $0xFFFFE000;
	s21 =	sor.u32 $0x20, s18  }
0x2d: {  	s17 =	smul.u32 $0x8100, s17;
	v3 =	vld [tilespmem:s21+$0x10]  }
0x2e: {  	s30 =	sand.u32 $0x1, s13;
	v2 =	vld [tilespmem:s21+$0xFFFFFFF0]  }
0x2f: {  	s18 =	smul.u32 $0x8100, s30;
	s17 =	sshrl.u32 s17, $0x2;
	v0 =	vld [tilespmem:s21+$0x0]  }
0x30: {  	v1 =	vld [tilespmem:s21+$0xFFFFFFE0];
	s19 =	sor.u32 $0x4000, s17  }
0x31: {  	s31 =	sshrl.u32 s18, $0x2;
	s18 =	sadd.s32 $0x0, s19  }
0x32: {  	s20 =	simm.s32 $0x4;
	s21 =	sadd.s32 $0x40, s21;
	s17 =	sor.u32 $0x4000, s31;
	[tilespmem:s18+$0x1830 ss:$0x81] =	vst.msk $0xffff, v3  }
.LBB1_3:
0x33: {  	v3 =	vld [tilespmem:s21+$0x10];
	p1 =	sne.s32 s20, $0x1FC;
	[tilespmem:s18+$0x810 ss:$0x81] =	vst.msk $0xffff, v2;
	s22 =	smov.u32 s20;
	s20 =	sadd.s32 $0x4, s20  }
.Ltmp3:
0x34: {  	v2 =	vld [tilespmem:s21+$0xFFFFFFF0];
	[tilespmem:s18+$0x1020 ss:$0x81] =	vst.msk $0xffff, v0;
	(pc) =	sbr.rel @p1 .LBB1_3-.Ltmp3, $4  }
0x35: {  	v0 =	vld [tilespmem:s21+$0x0];
	[tilespmem:s18+$0x0 ss:$0x81] =	vst.msk $0xffff, v1  }
0x36: {  	s18 =	sshra.s32 s22, $0x2;
	v1 =	vld [tilespmem:s21+$0xFFFFFFE0]  }
0x37: {  	s18 =	sadd.s32 s18, s19  }
0x38: {  	s21 =	sadd.s32 $0x40, s21;
	[tilespmem:s18+$0x1830 ss:$0x81] =	vst.msk $0xffff, v3  }
.Ltmp4:
0x39: {  	_ = 	snop;
	(pc) =	sbr.rel .LBB1_4-.Ltmp4, $1  }
0x3a: {  	_ =	sdelay $0x3  }
.LBB1_6:
0x3b: {  	_ =	sfence.sel $0x180000  }
0x3c: {  	s2 =	simm.s32 $0x1;
	[bflag:$0x0] =	sbarrier.arrive $0xFFFF  }
0x3d: {  	s31 =	simm.s32 $0x2;
	[sflag:s2] =	ssyncpa.u1 $0x1  }
0x3e: {  	[sflag:s31] =	ssyncpa.u1 $0x1  }
0x3f: {  	p0 =	sne.s32 s0, $0x0;
	_ =	strace $0x90000053  }
0x40: {  	s0 =	sadd.s32 @!p0 $0x100000, s1;
	[bflag:$0x2] =	sbarrier.arrive $0xFFFF  }
0x41: {  	[sflag:s0] =	ssyncadd.tile.s32 @!p0 $0x1;
	_ =	shalt  }
.Lfunc_end1:
_tile_overlayer_lowered:
.L_overlay_start_2:
0x42: {  	(tag) =	ssettag $0x2  }
0x43: {  	s0 =	rddreg [dreg:$0x0];
	s2 =	stileid.u32  }
0x44: {  	s1 =	rddreg [dreg:$0x1];
	p0 =	sne.s32 s2, $0x0  }
0x45: {  	s3 =	rddreg [dreg:$0x2];
	[bflag:$0x3] =	sbarrier.arrive $0xFFFF;
	s2 =	simm.s32 @!p0 $0x1C01  }
0x46: {  	[timem:s3], [sflag:s2] =	dma.local @!p0 [hbm:s0], s1  }
0x47: {  	s0 =	simm.s32 @!p0 $0x1  }
0x48: {  	_ =	swait.ge @!p0 [sflag:s0], s1  }
0x49: {  	s1 =	ssub.s32 @!p0 $0x0, s1;
	[sflag:s0] =	ssyncset.done @!p0 $0x0  }
0x4a: {  	[sflag:s0] =	ssyncadd.s32 @!p0 s1  }
0x4b: {  	[bflag:$0x3] =	sbarrier.arrive $0xFFFF  }
0x4c: {  	_ =	shalt  }

</sc_bundles>
